<compile_context>
chip_gen: v7x
topology: tpu7x:2x2x1
jax: 0.10.2.dev20260603
libtpu: 0.0.44.dev20260713+nightly
codegen_flags: <defaults>
</compile_context>

<pallas_src>
import functools

import numpy as np
import jax
import jax.numpy as jnp
from jax import lax
from jax.experimental import pallas as pl
from jax.experimental.pallas import tpu as pltpu
from jax.experimental.pallas import tpu_sc as plsc

_P_TRAIN = 0.1
_ROWS, _COLS = 128, 8192

_U32 = np.uint32
_ROTATIONS = [[13, 15, 26, 6], [17, 29, 16, 24]]


def _threefry2x32(k1, k2, x1, x2):
    k1 = _U32(k1)
    k2 = _U32(k2)
    ks = [k1, k2, _U32(k1 ^ k2 ^ _U32(0x1BD11BDA))]
    x = [(x1 + k1).astype(_U32), (x2 + k2).astype(_U32)]
    old = np.seterr(over="ignore")
    for i in range(5):
        for r in _ROTATIONS[i % 2]:
            x[0] = (x[0] + x[1]).astype(_U32)
            x[1] = (x[1] << _U32(r)) | (x[1] >> _U32(32 - r))
            x[1] = x[0] ^ x[1]
        x[0] = (x[0] + ks[(i + 1) % 3]).astype(_U32)
        x[1] = (x[1] + ks[(i + 2) % 3] + _U32(i + 1)).astype(_U32)
    np.seterr(**old)
    return x[0], x[1]


def _fixed_mask_key():
    o1, o2 = _threefry2x32(0, 0, np.array([0], _U32), np.array([1], _U32))
    return int(o1[0]), int(o2[0])


def _bernoulli_mask(use_f64):
    k1, k2 = _fixed_mask_key()
    size = _ROWS * _COLS
    counts = np.arange(size, dtype=np.uint64)
    b1, b2 = _threefry2x32(
        k1, k2, (counts >> np.uint64(32)).astype(_U32), counts.astype(_U32)
    )
    if use_f64:
        u64 = (b1.astype(np.uint64) << np.uint64(32)) | b2.astype(np.uint64)
        z = (u64 >> np.uint64(12)) | np.uint64(0x3FF0000000000000)
        f = z.view(np.float64) - np.float64(1.0)
        m = f < np.float64(_P_TRAIN)
    else:
        u32 = b1 ^ b2
        z = (u32 >> _U32(9)) | _U32(0x3F800000)
        f = z.view(np.float32) - np.float32(1.0)
        m = f < np.float32(_P_TRAIN)
    return m.reshape(_ROWS, _COLS)


_CONST_CACHE = {}


def _swap_code(dup, use_f64):
    key = (dup, use_f64)
    if key not in _CONST_CACHE:
        m = _bernoulli_mask(use_f64)
        m[:, -1] = False
        m &= ~np.roll(m, 1, axis=1)
        s = np.roll(m, 1, axis=1)
        code = np.zeros((_ROWS, _COLS), np.int8)
        code[m] = 1
        code[s] = 2
        if dup:
            code = np.repeat(code, 2, axis=1)
        _CONST_CACHE[key] = code
    return _CONST_CACHE[key]


def _make_body(step):
    def _body(x_ref, c_ref, o_ref):
        x = x_ref[...]
        c = c_ref[...]
        nxt = jnp.roll(x, -step, axis=1)
        prv = jnp.roll(x, step, axis=1)
        o_ref[...] = jnp.where(c == 1, nxt, jnp.where(c == 2, prv, x))
    return _body


def _swap_i32(t32, code, step):
    rows, w = t32.shape
    block_rows = 32
    return pl.pallas_call(
        _make_body(step),
        grid=(rows // block_rows,),
        in_specs=[
            pl.BlockSpec((block_rows, w), lambda i: (i, jnp.int32(0))),
            pl.BlockSpec((block_rows, w), lambda i: (i, jnp.int32(0))),
        ],
        out_specs=pl.BlockSpec((block_rows, w), lambda i: (i, jnp.int32(0))),
        out_shape=jax.ShapeDtypeStruct((rows, w), jnp.int32),
    )(t32, code)


def _body64(x_ref, c_ref, o_ref):
    x = x_ref[...]
    c = c_ref[...]
    nxt = jnp.roll(x, -1, axis=1)
    prv = jnp.roll(x, 1, axis=1)
    o_ref[...] = jnp.where(c == 1, nxt, jnp.where(c == 2, prv, x))


def _swap_i64(t64, code):
    rows, w = t64.shape
    block_rows = 32
    return pl.pallas_call(
        _body64,
        grid=(rows // block_rows,),
        in_specs=[
            pl.BlockSpec((block_rows, w), lambda i: (i, jnp.int32(0))),
            pl.BlockSpec((block_rows, w), lambda i: (i, jnp.int32(0))),
        ],
        out_specs=pl.BlockSpec((block_rows, w), lambda i: (i, jnp.int32(0))),
        out_shape=jax.ShapeDtypeStruct((rows, w), jnp.int64),
    )(t64, code)


def _pair_index_tables(use_f64, nw):
    key = ("idx", use_f64, nw)
    if key not in _CONST_CACHE:
        m = _bernoulli_mask(use_f64)
        m[:, -1] = False
        m &= ~np.roll(m, 1, axis=1)
        n = _ROWS * _COLS
        wpt = n // nw
        g = np.flatnonzero(m.reshape(-1)).astype(np.int64)
        dst = np.concatenate([g, g + 1])
        src = np.concatenate([g + 1, g])
        tile = dst // wpt
        counts = np.bincount(tile, minlength=nw)
        k = int(-(-counts.max() // 128))
        pad = k * 128
        swapped = np.zeros(n, bool)
        swapped[dst] = True
        src_tab = np.empty((nw, k, 128), np.int32)
        dst_tab = np.empty((nw, k, 128), np.int32)
        for t in range(nw):
            sel = tile == t
            s = src[sel].astype(np.int32)
            d = dst[sel].astype(np.int32)
            lo, hi = t * wpt, (t + 1) * wpt
            g0 = np.int32(lo + np.flatnonzero(~swapped[lo:hi])[0])
            srow = np.full(pad, g0, np.int32)
            drow = np.full(pad, g0, np.int32)
            srow[: s.size] = s
            drow[: d.size] = d
            src_tab[t] = srow.reshape(k, 128)
            dst_tab[t] = drow.reshape(k, 128)
        _CONST_CACHE[key] = (src_tab, dst_tab)
    return _CONST_CACHE[key]


_SC_INFO = None


def _sc_info():
    global _SC_INFO
    if _SC_INFO is None:
        info = plsc.get_sparse_core_info()
        _SC_INFO = (info.num_cores, info.num_subcores)
    return _SC_INFO


def _swap_i32_sc(t32, src_tab, dst_tab):
    nc, ns = _sc_info()
    nw = nc * ns
    n = t32.size
    wpt = n // nw
    k = src_tab.shape[1]
    mesh = plsc.VectorSubcoreMesh(core_axis_name="c", subcore_axis_name="s")

    @functools.partial(
        pl.kernel,
        mesh=mesh,
        out_type=jax.ShapeDtypeStruct((n,), jnp.int32),
        scratch_types=[
            pltpu.VMEM((wpt,), jnp.int32),
            pltpu.VMEM((k, 128), jnp.int32),
            pltpu.VMEM((k, 128), jnp.int32),
            pltpu.VMEM((k, 128), jnp.int32),
            pltpu.SemaphoreType.DMA,
            pltpu.SemaphoreType.DMA,
        ],
    )
    def kern(t_hbm, src_hbm, dst_hbm, out_hbm, x_v, src_v, dst_v, val_v,
             sem_g, sem_s):
        wid = (lax.axis_index("s") * jnp.int32(nc)
               + lax.axis_index("c")).astype(jnp.int32)
        base = wid * jnp.int32(wpt)
        pltpu.sync_copy(src_hbm.at[wid], src_v)
        pltpu.sync_copy(t_hbm.at[pl.ds(base, wpt)], x_v)
        pltpu.sync_copy(dst_hbm.at[wid], dst_v)
        idx = [jnp.int32(j) for j in range(k)]
        gathers = [
            pltpu.async_copy(t_hbm.at[src_v.at[idx[j]]], val_v.at[idx[j]],
                             sem_g)
            for j in range(k)
        ]
        pltpu.sync_copy(x_v, out_hbm.at[pl.ds(base, wpt)])
        for g in gathers:
            g.wait()
        scatters = [
            pltpu.async_copy(val_v.at[idx[j]], out_hbm.at[dst_v.at[idx[j]]],
                             sem_s)
            for j in range(k)
        ]
        for s in scatters:
            s.wait()

    return kern(t32.reshape(n), src_tab, dst_tab).reshape(t32.shape)


def kernel(tokens):
    use_f64 = tokens.dtype == jnp.int64
    src_tab, dst_tab = _pair_index_tables(use_f64, 32)
    out = _swap_i32_sc(tokens.astype(jnp.int32), src_tab, dst_tab)
    return out.astype(tokens.dtype)

# --- scband reference (transcript-rebuilt; emitter-appended) ---
"""Pipeline reference for scband-random-adjacent-swap-33956011442577 (READ-ONLY COPY).

The authoritative reference and input builder live on the scoring server;
editing this copy changes nothing except your own understanding.
"""

import jax, jax.numpy as jnp
import numpy as np
jax.config.update("jax_enable_x64", True)

P_TRAIN = 0.1


def setup_inputs(seed: int = 0) -> dict:
    key = jax.random.key(seed)
    tokens = jax.random.randint(key, (128, 8192), 0, 50257, dtype=jnp.int64)
    return {"tokens": tokens}


def reference(tokens):
    # Faithful port of RandomAdjacentSwap.forward (training mode, p=p_train).
    # Torch version draws a Bernoulli mask with numpy; here we use a fixed jax key.
    mkey = jax.random.fold_in(jax.random.key(0), 1)
    mask = jax.random.bernoulli(mkey, P_TRAIN, tokens.shape)
    # mask[:, -1] = False (never swap last token forward)
    mask = mask.at[:, -1].set(False)
    swap_mask = jnp.roll(mask, 1, axis=1)
    # mask[mask & swap_mask] = False  ==  mask = mask & ~swap_mask
    mask = mask & (~swap_mask)
    swap_mask = jnp.roll(mask, 1, axis=1)
    # data[mask] = x[swap_mask]: position j (mask) receives x[j+1]
    # data[swap_mask] = x[mask]: position j+1 (swap) receives x[j]
    # Boolean-index assignment in torch pairs True positions in flat order;
    # since swap_mask is mask rolled by +1 with no wraparound, this is exactly
    # an adjacent-element swap, expressible with rolls + where.
    data = jnp.where(mask, jnp.roll(tokens, -1, axis=1), tokens)
    data = jnp.where(swap_mask, jnp.roll(tokens, 1, axis=1), data)
    return data

if __name__ == "__main__":
    import jax
    _d = setup_inputs()
    print(jax.jit(kernel)(*tuple(_d.values())))

</pallas_src>

<mosaic_0001>
#map = affine_map<(d0, d1) -> (0)>
#map1 = affine_map<(d0, d1) -> (0, 0, 0)>
module attributes {stable_mosaic.version = 14 : i64} {
  func.func @kern(%arg0: i32, %arg1: i32, %arg2: memref<1048576xi32, #tpu.memory_space<hbm>>, %arg3: memref<32x48x128xi32, #tpu.memory_space<hbm>>, %arg4: memref<32x48x128xi32, #tpu.memory_space<hbm>>, %arg5: memref<1048576xi32, #tpu.memory_space<hbm>>, %arg6: memref<32768xi32, #tpu.memory_space<vmem>>, %arg7: memref<48x128xi32, #tpu.memory_space<vmem>>, %arg8: memref<48x128xi32, #tpu.memory_space<vmem>>, %arg9: memref<48x128xi32, #tpu.memory_space<vmem>>, %arg10: memref<!tpu.dma_semaphore, #tpu.memory_space<semaphore_mem>>, %arg11: memref<!tpu.dma_semaphore, #tpu.memory_space<semaphore_mem>>) attributes {dimension_semantics = [#tpu.dimension_semantics<core_parallel>, #tpu.dimension_semantics<subcore_parallel>], iteration_bounds = array<i64: 2, 16>, scalar_prefetch = 0 : i64, scratch_operands = 6 : i64, tpu.core_type = #tpu.core_type<sc_vector_subcore>, window_params = [{transform_indices = #map}, {transform_indices = #map1}, {transform_indices = #map1}, {transform_indices = #map}]} {
    %mul3A = arith.constant 2 : i32
    %mul3A_0 = arith.muli %arg1, %mul3A : i32
    %add3A = arith.addi %mul3A_0, %arg0 : i32
    %mul3A_1 = arith.constant 32768 : i32
    %mul3A_2 = arith.muli %add3A, %mul3A_1 : i32
    "tpu.region"() ({
      %run_scoped3A = tpu.sem_alloc : memref<!tpu.dma_semaphore, #tpu.memory_space<semaphore_mem>>
      %dma_start3A_1921 = arith.constant 0 : i32
      %dma_start3A_1922 = arith.constant 0 : i32
      %dma_start3A_1923 = tpu.memref_slice %arg3[%add3A, %dma_start3A_1921, %dma_start3A_1922] : memref<32x48x128xi32, #tpu.memory_space<hbm>> -> memref<1x48x128xi32, #tpu.memory_space<hbm>>
      %dma_start3A_1924 = tpu.memref_squeeze %dma_start3A_1923 : memref<1x48x128xi32, #tpu.memory_space<hbm>> -> memref<48x128xi32, #tpu.memory_space<hbm>>
      %dma_start3A_1925 = arith.constant 0 : i32
      %dma_start3A_1926 = arith.constant 0 : i32
      %dma_start3A_1927 = tpu.memref_slice %arg3[%add3A, %dma_start3A_1925, %dma_start3A_1926] : memref<32x48x128xi32, #tpu.memory_space<hbm>> -> memref<1x48x128xi32, #tpu.memory_space<hbm>>
      %dma_start3A_1928 = tpu.memref_squeeze %dma_start3A_1927 : memref<1x48x128xi32, #tpu.memory_space<hbm>> -> memref<48x128xi32, #tpu.memory_space<hbm>>
      tpu.enqueue_dma source(%dma_start3A_1928 : memref<48x128xi32, #tpu.memory_space<hbm>>) target(%arg7 : memref<48x128xi32, #tpu.memory_space<vmem>>) target_semaphore(%run_scoped3A : memref<!tpu.dma_semaphore, #tpu.memory_space<semaphore_mem>>)
      %dma_wait3A_1929 = arith.constant 0 : i32
      %dma_wait3A_1930 = arith.constant 0 : i32
      %dma_wait3A_1931 = tpu.memref_slice %arg3[%add3A, %dma_wait3A_1929, %dma_wait3A_1930] : memref<32x48x128xi32, #tpu.memory_space<hbm>> -> memref<1x48x128xi32, #tpu.memory_space<hbm>>
      %dma_wait3A_1932 = tpu.memref_squeeze %dma_wait3A_1931 : memref<1x48x128xi32, #tpu.memory_space<hbm>> -> memref<48x128xi32, #tpu.memory_space<hbm>>
      %dma_wait3A_1933 = arith.constant 0 : i32
      %dma_wait3A_1934 = arith.constant 0 : i32
      %dma_wait3A_1935 = tpu.memref_slice %arg3[%add3A, %dma_wait3A_1933, %dma_wait3A_1934] : memref<32x48x128xi32, #tpu.memory_space<hbm>> -> memref<1x48x128xi32, #tpu.memory_space<hbm>>
      %dma_wait3A_1936 = tpu.memref_squeeze %dma_wait3A_1935 : memref<1x48x128xi32, #tpu.memory_space<hbm>> -> memref<48x128xi32, #tpu.memory_space<hbm>>
      tpu.wait_dma2 semaphore(%run_scoped3A : memref<!tpu.dma_semaphore, #tpu.memory_space<semaphore_mem>>) src(%dma_wait3A_1936 : memref<48x128xi32, #tpu.memory_space<hbm>>) dst(%arg7 : memref<48x128xi32, #tpu.memory_space<vmem>>)
      tpu.yield
    }) : () -> ()
    "tpu.region"() ({
      %run_scoped3A = tpu.sem_alloc : memref<!tpu.dma_semaphore, #tpu.memory_space<semaphore_mem>>
      %dma_start3A_1921 = tpu.memref_slice %arg2[%mul3A_2] : memref<1048576xi32, #tpu.memory_space<hbm>> -> memref<32768xi32, #tpu.memory_space<hbm>>
      %dma_start3A_1922 = tpu.memref_slice %arg2[%mul3A_2] : memref<1048576xi32, #tpu.memory_space<hbm>> -> memref<32768xi32, #tpu.memory_space<hbm>>
      tpu.enqueue_dma source(%dma_start3A_1922 : memref<32768xi32, #tpu.memory_space<hbm>>) target(%arg6 : memref<32768xi32, #tpu.memory_space<vmem>>) target_semaphore(%run_scoped3A : memref<!tpu.dma_semaphore, #tpu.memory_space<semaphore_mem>>)
      %dma_wait3A_1923 = tpu.memref_slice %arg2[%mul3A_2] : memref<1048576xi32, #tpu.memory_space<hbm>> -> memref<32768xi32, #tpu.memory_space<hbm>>
      %dma_wait3A_1924 = tpu.memref_slice %arg2[%mul3A_2] : memref<1048576xi32, #tpu.memory_space<hbm>> -> memref<32768xi32, #tpu.memory_space<hbm>>
      tpu.wait_dma2 semaphore(%run_scoped3A : memref<!tpu.dma_semaphore, #tpu.memory_space<semaphore_mem>>) src(%dma_wait3A_1924 : memref<32768xi32, #tpu.memory_space<hbm>>) dst(%arg6 : memref<32768xi32, #tpu.memory_space<vmem>>)
      tpu.yield
    }) : () -> ()
    "tpu.region"() ({
      %run_scoped3A = tpu.sem_alloc : memref<!tpu.dma_semaphore, #tpu.memory_space<semaphore_mem>>
      %dma_start3A_1921 = arith.constant 0 : i32
      %dma_start3A_1922 = arith.constant 0 : i32
      %dma_start3A_1923 = tpu.memref_slice %arg4[%add3A, %dma_start3A_1921, %dma_start3A_1922] : memref<32x48x128xi32, #tpu.memory_space<hbm>> -> memref<1x48x128xi32, #tpu.memory_space<hbm>>
      %dma_start3A_1924 = tpu.memref_squeeze %dma_start3A_1923 : memref<1x48x128xi32, #tpu.memory_space<hbm>> -> memref<48x128xi32, #tpu.memory_space<hbm>>
      %dma_start3A_1925 = arith.constant 0 : i32
      %dma_start3A_1926 = arith.constant 0 : i32
      %dma_start3A_1927 = tpu.memref_slice %arg4[%add3A, %dma_start3A_1925, %dma_start3A_1926] : memref<32x48x128xi32, #tpu.memory_space<hbm>> -> memref<1x48x128xi32, #tpu.memory_space<hbm>>
      %dma_start3A_1928 = tpu.memref_squeeze %dma_start3A_1927 : memref<1x48x128xi32, #tpu.memory_space<hbm>> -> memref<48x128xi32, #tpu.memory_space<hbm>>
      tpu.enqueue_dma source(%dma_start3A_1928 : memref<48x128xi32, #tpu.memory_space<hbm>>) target(%arg8 : memref<48x128xi32, #tpu.memory_space<vmem>>) target_semaphore(%run_scoped3A : memref<!tpu.dma_semaphore, #tpu.memory_space<semaphore_mem>>)
      %dma_wait3A_1929 = arith.constant 0 : i32
      %dma_wait3A_1930 = arith.constant 0 : i32
      %dma_wait3A_1931 = tpu.memref_slice %arg4[%add3A, %dma_wait3A_1929, %dma_wait3A_1930] : memref<32x48x128xi32, #tpu.memory_space<hbm>> -> memref<1x48x128xi32, #tpu.memory_space<hbm>>
      %dma_wait3A_1932 = tpu.memref_squeeze %dma_wait3A_1931 : memref<1x48x128xi32, #tpu.memory_space<hbm>> -> memref<48x128xi32, #tpu.memory_space<hbm>>
      %dma_wait3A_1933 = arith.constant 0 : i32
      %dma_wait3A_1934 = arith.constant 0 : i32
      %dma_wait3A_1935 = tpu.memref_slice %arg4[%add3A, %dma_wait3A_1933, %dma_wait3A_1934] : memref<32x48x128xi32, #tpu.memory_space<hbm>> -> memref<1x48x128xi32, #tpu.memory_space<hbm>>
      %dma_wait3A_1936 = tpu.memref_squeeze %dma_wait3A_1935 : memref<1x48x128xi32, #tpu.memory_space<hbm>> -> memref<48x128xi32, #tpu.memory_space<hbm>>
      tpu.wait_dma2 semaphore(%run_scoped3A : memref<!tpu.dma_semaphore, #tpu.memory_space<semaphore_mem>>) src(%dma_wait3A_1936 : memref<48x128xi32, #tpu.memory_space<hbm>>) dst(%arg8 : memref<48x128xi32, #tpu.memory_space<vmem>>)
      tpu.yield
    }) : () -> ()
    %dma_start3A = arith.constant 0 : i32
    %dma_start3A_3 = arith.constant 0 : i32
    %dma_start3A_4 = arith.constant 0 : i32
    %dma_start3A_5 = tpu.memref_slice %arg9[%dma_start3A_3, %dma_start3A_4] : memref<48x128xi32, #tpu.memory_space<vmem>> -> memref<1x128xi32, #tpu.memory_space<vmem>>
    %dma_start3A_6 = tpu.memref_squeeze %dma_start3A_5 : memref<1x128xi32, #tpu.memory_space<vmem>> -> memref<128xi32, #tpu.memory_space<vmem>>
    %dma_start3A_7 = arith.constant 0 : i32
    %dma_start3A_8 = tpu.memref_slice %arg7[%dma_start3A, %dma_start3A_7] : memref<48x128xi32, #tpu.memory_space<vmem>> -> memref<1x128xi32, #tpu.memory_space<vmem>>
    %dma_start3A_9 = tpu.memref_squeeze %dma_start3A_8 : memref<1x128xi32, #tpu.memory_space<vmem>> -> memref<128xi32, #tpu.memory_space<vmem>>
    %dma_start3A_10 = arith.constant 0 : i32
    %dma_start3A_11 = tpu.memref_slice %arg2[%dma_start3A_10] : memref<1048576xi32, #tpu.memory_space<hbm>> -> memref<1048576xi32, #tpu.memory_space<hbm>>
    tpu.enqueue_indirect_dma source(%dma_start3A_11 : memref<1048576xi32, #tpu.memory_space<hbm>>) target(%dma_start3A_6 : memref<128xi32, #tpu.memory_space<vmem>>) offsets(%dma_start3A_9 : memref<128xi32, #tpu.memory_space<vmem>>) semaphore(%arg10 : memref<!tpu.dma_semaphore, #tpu.memory_space<semaphore_mem>>)
    %dma_start3A_12 = arith.constant 1 : i32
    %dma_start3A_13 = arith.constant 1 : i32
    %dma_start3A_14 = arith.constant 0 : i32
    %dma_start3A_15 = tpu.memref_slice %arg9[%dma_start3A_13, %dma_start3A_14] : memref<48x128xi32, #tpu.memory_space<vmem>> -> memref<1x128xi32, #tpu.memory_space<vmem>>
    %dma_start3A_16 = tpu.memref_squeeze %dma_start3A_15 : memref<1x128xi32, #tpu.memory_space<vmem>> -> memref<128xi32, #tpu.memory_space<vmem>>
    %dma_start3A_17 = arith.constant 0 : i32
    %dma_start3A_18 = tpu.memref_slice %arg7[%dma_start3A_12, %dma_start3A_17] : memref<48x128xi32, #tpu.memory_space<vmem>> -> memref<1x128xi32, #tpu.memory_space<vmem>>
    %dma_start3A_19 = tpu.memref_squeeze %dma_start3A_18 : memref<1x128xi32, #tpu.memory_space<vmem>> -> memref<128xi32, #tpu.memory_space<vmem>>
    %dma_start3A_20 = arith.constant 0 : i32
    %dma_start3A_21 = tpu.memref_slice %arg2[%dma_start3A_20] : memref<1048576xi32, #tpu.memory_space<hbm>> -> memref<1048576xi32, #tpu.memory_space<hbm>>
    tpu.enqueue_indirect_dma source(%dma_start3A_21 : memref<1048576xi32, #tpu.memory_space<hbm>>) target(%dma_start3A_16 : memref<128xi32, #tpu.memory_space<vmem>>) offsets(%dma_start3A_19 : memref<128xi32, #tpu.memory_space<vmem>>) semaphore(%arg10 : memref<!tpu.dma_semaphore, #tpu.memory_space<semaphore_mem>>)
    %dma_start3A_22 = arith.constant 2 : i32
    %dma_start3A_23 = arith.constant 2 : i32
    %dma_start3A_24 = arith.constant 0 : i32
    %dma_start3A_25 = tpu.memref_slice %arg9[%dma_start3A_23, %dma_start3A_24] : memref<48x128xi32, #tpu.memory_space<vmem>> -> memref<1x128xi32, #tpu.memory_space<vmem>>
    %dma_start3A_26 = tpu.memref_squeeze %dma_start3A_25 : memref<1x128xi32, #tpu.memory_space<vmem>> -> memref<128xi32, #tpu.memory_space<vmem>>
    %dma_start3A_27 = arith.constant 0 : i32
    %dma_start3A_28 = tpu.memref_slice %arg7[%dma_start3A_22, %dma_start3A_27] : memref<48x128xi32, #tpu.memory_space<vmem>> -> memref<1x128xi32, #tpu.memory_space<vmem>>
    %dma_start3A_29 = tpu.memref_squeeze %dma_start3A_28 : memref<1x128xi32, #tpu.memory_space<vmem>> -> memref<128xi32, #tpu.memory_space<vmem>>
    %dma_start3A_30 = arith.constant 0 : i32
    %dma_start3A_31 = tpu.memref_slice %arg2[%dma_start3A_30] : memref<1048576xi32, #tpu.memory_space<hbm>> -> memref<1048576xi32, #tpu.memory_space<hbm>>
    tpu.enqueue_indirect_dma source(%dma_start3A_31 : memref<1048576xi32, #tpu.memory_space<hbm>>) target(%dma_start3A_26 : memref<128xi32, #tpu.memory_space<vmem>>) offsets(%dma_start3A_29 : memref<128xi32, #tpu.memory_space<vmem>>) semaphore(%arg10 : memref<!tpu.dma_semaphore, #tpu.memory_space<semaphore_mem>>)
    %dma_start3A_32 = arith.constant 3 : i32
    %dma_start3A_33 = arith.constant 3 : i32
    %dma_start3A_34 = arith.constant 0 : i32
    %dma_start3A_35 = tpu.memref_slice %arg9[%dma_start3A_33, %dma_start3A_34] : memref<48x128xi32, #tpu.memory_space<vmem>> -> memref<1x128xi32, #tpu.memory_space<vmem>>
    %dma_start3A_36 = tpu.memref_squeeze %dma_start3A_35 : memref<1x128xi32, #tpu.memory_space<vmem>> -> memref<128xi32, #tpu.memory_space<vmem>>
    %dma_start3A_37 = arith.constant 0 : i32
    %dma_start3A_38 = tpu.memref_slice %arg7[%dma_start3A_32, %dma_start3A_37] : memref<48x128xi32, #tpu.memory_space<vmem>> -> memref<1x128xi32, #tpu.memory_space<vmem>>
    %dma_start3A_39 = tpu.memref_squeeze %dma_start3A_38 : memref<1x128xi32, #tpu.memory_space<vmem>> -> memref<128xi32, #tpu.memory_space<vmem>>
    %dma_start3A_40 = arith.constant 0 : i32
    %dma_start3A_41 = tpu.memref_slice %arg2[%dma_start3A_40] : memref<1048576xi32, #tpu.memory_space<hbm>> -> memref<1048576xi32, #tpu.memory_space<hbm>>
    tpu.enqueue_indirect_dma source(%dma_start3A_41 : memref<1048576xi32, #tpu.memory_space<hbm>>) target(%dma_start3A_36 : memref<128xi32, #tpu.memory_space<vmem>>) offsets(%dma_start3A_39 : memref<128xi32, #tpu.memory_space<vmem>>) semaphore(%arg10 : memref<!tpu.dma_semaphore, #tpu.memory_space<semaphore_mem>>)
    %dma_start3A_42 = arith.constant 4 : i32
    %dma_start3A_43 = arith.constant 4 : i32
    %dma_start3A_44 = arith.constant 0 : i32
    %dma_start3A_45 = tpu.memref_slice %arg9[%dma_start3A_43, %dma_start3A_44] : memref<48x128xi32, #tpu.memory_space<vmem>> -> memref<1x128xi32, #tpu.memory_space<vmem>>
    %dma_start3A_46 = tpu.memref_squeeze %dma_start3A_45 : memref<1x128xi32, #tpu.memory_space<vmem>> -> memref<128xi32, #tpu.memory_space<vmem>>
    %dma_start3A_47 = arith.constant 0 : i32
    %dma_start3A_48 = tpu.memref_slice %arg7[%dma_start3A_42, %dma_start3A_47] : memref<48x128xi32, #tpu.memory_space<vmem>> -> memref<1x128xi32, #tpu.memory_space<vmem>>
    %dma_start3A_49 = tpu.memref_squeeze %dma_start3A_48 : memref<1x128xi32, #tpu.memory_space<vmem>> -> memref<128xi32, #tpu.memory_space<vmem>>
    %dma_start3A_50 = arith.constant 0 : i32
    %dma_start3A_51 = tpu.memref_slice %arg2[%dma_start3A_50] : memref<1048576xi32, #tpu.memory_space<hbm>> -> memref<1048576xi32, #tpu.memory_space<hbm>>
    tpu.enqueue_indirect_dma source(%dma_start3A_51 : memref<1048576xi32, #tpu.memory_space<hbm>>) target(%dma_start3A_46 : memref<128xi32, #tpu.memory_space<vmem>>) offsets(%dma_start3A_49 : memref<128xi32, #tpu.memory_space<vmem>>) semaphore(%arg10 : memref<!tpu.dma_semaphore, #tpu.memory_space<semaphore_mem>>)
    %dma_start3A_52 = arith.constant 5 : i32
    %dma_start3A_53 = arith.constant 5 : i32
    %dma_start3A_54 = arith.constant 0 : i32
    %dma_start3A_55 = tpu.memref_slice %arg9[%dma_start3A_53, %dma_start3A_54] : memref<48x128xi32, #tpu.memory_space<vmem>> -> memref<1x128xi32, #tpu.memory_space<vmem>>
    %dma_start3A_56 = tpu.memref_squeeze %dma_start3A_55 : memref<1x128xi32, #tpu.memory_space<vmem>> -> memref<128xi32, #tpu.memory_space<vmem>>
    %dma_start3A_57 = arith.constant 0 : i32
    %dma_start3A_58 = tpu.memref_slice %arg7[%dma_start3A_52, %dma_start3A_57] : memref<48x128xi32, #tpu.memory_space<vmem>> -> memref<1x128xi32, #tpu.memory_space<vmem>>
    %dma_start3A_59 = tpu.memref_squeeze %dma_start3A_58 : memref<1x128xi32, #tpu.memory_space<vmem>> -> memref<128xi32, #tpu.memory_space<vmem>>
    %dma_start3A_60 = arith.constant 0 : i32
    %dma_start3A_61 = tpu.memref_slice %arg2[%dma_start3A_60] : memref<1048576xi32, #tpu.memory_space<hbm>> -> memref<1048576xi32, #tpu.memory_space<hbm>>
    tpu.enqueue_indirect_dma source(%dma_start3A_61 : memref<1048576xi32, #tpu.memory_space<hbm>>) target(%dma_start3A_56 : memref<128xi32, #tpu.memory_space<vmem>>) offsets(%dma_start3A_59 : memref<128xi32, #tpu.memory_space<vmem>>) semaphore(%arg10 : memref<!tpu.dma_semaphore, #tpu.memory_space<semaphore_mem>>)
    %dma_start3A_62 = arith.constant 6 : i32
    %dma_start3A_63 = arith.constant 6 : i32
    %dma_start3A_64 = arith.constant 0 : i32
    %dma_start3A_65 = tpu.memref_slice %arg9[%dma_start3A_63, %dma_start3A_64] : memref<48x128xi32, #tpu.memory_space<vmem>> -> memref<1x128xi32, #tpu.memory_space<vmem>>
    %dma_start3A_66 = tpu.memref_squeeze %dma_start3A_65 : memref<1x128xi32, #tpu.memory_space<vmem>> -> memref<128xi32, #tpu.memory_space<vmem>>
    %dma_start3A_67 = arith.constant 0 : i32
    %dma_start3A_68 = tpu.memref_slice %arg7[%dma_start3A_62, %dma_start3A_67] : memref<48x128xi32, #tpu.memory_space<vmem>> -> memref<1x128xi32, #tpu.memory_space<vmem>>
    %dma_start3A_69 = tpu.memref_squeeze %dma_start3A_68 : memref<1x128xi32, #tpu.memory_space<vmem>> -> memref<128xi32, #tpu.memory_space<vmem>>
    %dma_start3A_70 = arith.constant 0 : i32
    %dma_start3A_71 = tpu.memref_slice %arg2[%dma_start3A_70] : memref<1048576xi32, #tpu.memory_space<hbm>> -> memref<1048576xi32, #tpu.memory_space<hbm>>
    tpu.enqueue_indirect_dma source(%dma_start3A_71 : memref<1048576xi32, #tpu.memory_space<hbm>>) target(%dma_start3A_66 : memref<128xi32, #tpu.memory_space<vmem>>) offsets(%dma_start3A_69 : memref<128xi32, #tpu.memory_space<vmem>>) semaphore(%arg10 : memref<!tpu.dma_semaphore, #tpu.memory_space<semaphore_mem>>)
    %dma_start3A_72 = arith.constant 7 : i32
    %dma_start3A_73 = arith.constant 7 : i32
    %dma_start3A_74 = arith.constant 0 : i32
    %dma_start3A_75 = tpu.memref_slice %arg9[%dma_start3A_73, %dma_start3A_74] : memref<48x128xi32, #tpu.memory_space<vmem>> -> memref<1x128xi32, #tpu.memory_space<vmem>>
    %dma_start3A_76 = tpu.memref_squeeze %dma_start3A_75 : memref<1x128xi32, #tpu.memory_space<vmem>> -> memref<128xi32, #tpu.memory_space<vmem>>
    %dma_start3A_77 = arith.constant 0 : i32
    %dma_start3A_78 = tpu.memref_slice %arg7[%dma_start3A_72, %dma_start3A_77] : memref<48x128xi32, #tpu.memory_space<vmem>> -> memref<1x128xi32, #tpu.memory_space<vmem>>
    %dma_start3A_79 = tpu.memref_squeeze %dma_start3A_78 : memref<1x128xi32, #tpu.memory_space<vmem>> -> memref<128xi32, #tpu.memory_space<vmem>>
    %dma_start3A_80 = arith.constant 0 : i32
    %dma_start3A_81 = tpu.memref_slice %arg2[%dma_start3A_80] : memref<1048576xi32, #tpu.memory_space<hbm>> -> memref<1048576xi32, #tpu.memory_space<hbm>>
    tpu.enqueue_indirect_dma source(%dma_start3A_81 : memref<1048576xi32, #tpu.memory_space<hbm>>) target(%dma_start3A_76 : memref<128xi32, #tpu.memory_space<vmem>>) offsets(%dma_start3A_79 : memref<128xi32, #tpu.memory_space<vmem>>) semaphore(%arg10 : memref<!tpu.dma_semaphore, #tpu.memory_space<semaphore_mem>>)
    %dma_start3A_82 = arith.constant 8 : i32
    %dma_start3A_83 = arith.constant 8 : i32
    %dma_start3A_84 = arith.constant 0 : i32
    %dma_start3A_85 = tpu.memref_slice %arg9[%dma_start3A_83, %dma_start3A_84] : memref<48x128xi32, #tpu.memory_space<vmem>> -> memref<1x128xi32, #tpu.memory_space<vmem>>
    %dma_start3A_86 = tpu.memref_squeeze %dma_start3A_85 : memref<1x128xi32, #tpu.memory_space<vmem>> -> memref<128xi32, #tpu.memory_space<vmem>>
    %dma_start3A_87 = arith.constant 0 : i32
    %dma_start3A_88 = tpu.memref_slice %arg7[%dma_start3A_82, %dma_start3A_87] : memref<48x128xi32, #tpu.memory_space<vmem>> -> memref<1x128xi32, #tpu.memory_space<vmem>>
    %dma_start3A_89 = tpu.memref_squeeze %dma_start3A_88 : memref<1x128xi32, #tpu.memory_space<vmem>> -> memref<128xi32, #tpu.memory_space<vmem>>
    %dma_start3A_90 = arith.constant 0 : i32
    %dma_start3A_91 = tpu.memref_slice %arg2[%dma_start3A_90] : memref<1048576xi32, #tpu.memory_space<hbm>> -> memref<1048576xi32, #tpu.memory_space<hbm>>
    tpu.enqueue_indirect_dma source(%dma_start3A_91 : memref<1048576xi32, #tpu.memory_space<hbm>>) target(%dma_start3A_86 : memref<128xi32, #tpu.memory_space<vmem>>) offsets(%dma_start3A_89 : memref<128xi32, #tpu.memory_space<vmem>>) semaphore(%arg10 : memref<!tpu.dma_semaphore, #tpu.memory_space<semaphore_mem>>)
    %dma_start3A_92 = arith.constant 9 : i32
    %dma_start3A_93 = arith.constant 9 : i32
    %dma_start3A_94 = arith.constant 0 : i32
    %dma_start3A_95 = tpu.memref_slice %arg9[%dma_start3A_93, %dma_start3A_94] : memref<48x128xi32, #tpu.memory_space<vmem>> -> memref<1x128xi32, #tpu.memory_space<vmem>>
    %dma_start3A_96 = tpu.memref_squeeze %dma_start3A_95 : memref<1x128xi32, #tpu.memory_space<vmem>> -> memref<128xi32, #tpu.memory_space<vmem>>
    %dma_start3A_97 = arith.constant 0 : i32
    %dma_start3A_98 = tpu.memref_slice %arg7[%dma_start3A_92, %dma_start3A_97] : memref<48x128xi32, #tpu.memory_space<vmem>> -> memref<1x128xi32, #tpu.memory_space<vmem>>
    %dma_start3A_99 = tpu.memref_squeeze %dma_start3A_98 : memref<1x128xi32, #tpu.memory_space<vmem>> -> memref<128xi32, #tpu.memory_space<vmem>>
    %dma_start3A_100 = arith.constant 0 : i32
    %dma_start3A_101 = tpu.memref_slice %arg2[%dma_start3A_100] : memref<1048576xi32, #tpu.memory_space<hbm>> -> memref<1048576xi32, #tpu.memory_space<hbm>>
    tpu.enqueue_indirect_dma source(%dma_start3A_101 : memref<1048576xi32, #tpu.memory_space<hbm>>) target(%dma_start3A_96 : memref<128xi32, #tpu.memory_space<vmem>>) offsets(%dma_start3A_99 : memref<128xi32, #tpu.memory_space<vmem>>) semaphore(%arg10 : memref<!tpu.dma_semaphore, #tpu.memory_space<semaphore_mem>>)
    %dma_start3A_102 = arith.constant 10 : i32
    %dma_start3A_103 = arith.constant 10 : i32
    %dma_start3A_104 = arith.constant 0 : i32
    %dma_start3A_105 = tpu.memref_slice %arg9[%dma_start3A_103, %dma_start3A_104] : memref<48x128xi32, #tpu.memory_space<vmem>> -> memref<1x128xi32, #tpu.memory_space<vmem>>
    %dma_start3A_106 = tpu.memref_squeeze %dma_start3A_105 : memref<1x128xi32, #tpu.memory_space<vmem>> -> memref<128xi32, #tpu.memory_space<vmem>>
    %dma_start3A_107 = arith.constant 0 : i32
    %dma_start3A_108 = tpu.memref_slice %arg7[%dma_start3A_102, %dma_start3A_107] : memref<48x128xi32, #tpu.memory_space<vmem>> -> memref<1x128xi32, #tpu.memory_space<vmem>>
    %dma_start3A_109 = tpu.memref_squeeze %dma_start3A_108 : memref<1x128xi32, #tpu.memory_space<vmem>> -> memref<128xi32, #tpu.memory_space<vmem>>
    %dma_start3A_110 = arith.constant 0 : i32
    %dma_start3A_111 = tpu.memref_slice %arg2[%dma_start3A_110] : memref<1048576xi32, #tpu.memory_space<hbm>> -> memref<1048576xi32, #tpu.memory_space<hbm>>
    tpu.enqueue_indirect_dma source(%dma_start3A_111 : memref<1048576xi32, #tpu.memory_space<hbm>>) target(%dma_start3A_106 : memref<128xi32, #tpu.memory_space<vmem>>) offsets(%dma_start3A_109 : memref<128xi32, #tpu.memory_space<vmem>>) semaphore(%arg10 : memref<!tpu.dma_semaphore, #tpu.memory_space<semaphore_mem>>)
    %dma_start3A_112 = arith.constant 11 : i32
    %dma_start3A_113 = arith.constant 11 : i32
    %dma_start3A_114 = arith.constant 0 : i32
    %dma_start3A_115 = tpu.memref_slice %arg9[%dma_start3A_113, %dma_start3A_114] : memref<48x128xi32, #tpu.memory_space<vmem>> -> memref<1x128xi32, #tpu.memory_space<vmem>>
    %dma_start3A_116 = tpu.memref_squeeze %dma_start3A_115 : memref<1x128xi32, #tpu.memory_space<vmem>> -> memref<128xi32, #tpu.memory_space<vmem>>
    %dma_start3A_117 = arith.constant 0 : i32
    %dma_start3A_118 = tpu.memref_slice %arg7[%dma_start3A_112, %dma_start3A_117] : memref<48x128xi32, #tpu.memory_space<vmem>> -> memref<1x128xi32, #tpu.memory_space<vmem>>
    %dma_start3A_119 = tpu.memref_squeeze %dma_start3A_118 : memref<1x128xi32, #tpu.memory_space<vmem>> -> memref<128xi32, #tpu.memory_space<vmem>>
    %dma_start3A_120 = arith.constant 0 : i32
    %dma_start3A_121 = tpu.memref_slice %arg2[%dma_start3A_120] : memref<1048576xi32, #tpu.memory_space<hbm>> -> memref<1048576xi32, #tpu.memory_space<hbm>>
    tpu.enqueue_indirect_dma source(%dma_start3A_121 : memref<1048576xi32, #tpu.memory_space<hbm>>) target(%dma_start3A_116 : memref<128xi32, #tpu.memory_space<vmem>>) offsets(%dma_start3A_119 : memref<128xi32, #tpu.memory_space<vmem>>) semaphore(%arg10 : memref<!tpu.dma_semaphore, #tpu.memory_space<semaphore_mem>>)
    %dma_start3A_122 = arith.constant 12 : i32
    %dma_start3A_123 = arith.constant 12 : i32
    %dma_start3A_124 = arith.constant 0 : i32
    %dma_start3A_125 = tpu.memref_slice %arg9[%dma_start3A_123, %dma_start3A_124] : memref<48x128xi32, #tpu.memory_space<vmem>> -> memref<1x128xi32, #tpu.memory_space<vmem>>
    %dma_start3A_126 = tpu.memref_squeeze %dma_start3A_125 : memref<1x128xi32, #tpu.memory_space<vmem>> -> memref<128xi32, #tpu.memory_space<vmem>>
    %dma_start3A_127 = arith.constant 0 : i32
    %dma_start3A_128 = tpu.memref_slice %arg7[%dma_start3A_122, %dma_start3A_127] : memref<48x128xi32, #tpu.memory_space<vmem>> -> memref<1x128xi32, #tpu.memory_space<vmem>>
    %dma_start3A_129 = tpu.memref_squeeze %dma_start3A_128 : memref<1x128xi32, #tpu.memory_space<vmem>> -> memref<128xi32, #tpu.memory_space<vmem>>
    %dma_start3A_130 = arith.constant 0 : i32
    %dma_start3A_131 = tpu.memref_slice %arg2[%dma_start3A_130] : memref<1048576xi32, #tpu.memory_space<hbm>> -> memref<1048576xi32, #tpu.memory_space<hbm>>
    tpu.enqueue_indirect_dma source(%dma_start3A_131 : memref<1048576xi32, #tpu.memory_space<hbm>>) target(%dma_start3A_126 : memref<128xi32, #tpu.memory_space<vmem>>) offsets(%dma_start3A_129 : memref<128xi32, #tpu.memory_space<vmem>>) semaphore(%arg10 : memref<!tpu.dma_semaphore, #tpu.memory_space<semaphore_mem>>)
    %dma_start3A_132 = arith.constant 13 : i32
    %dma_start3A_133 = arith.constant 13 : i32
    %dma_start3A_134 = arith.constant 0 : i32
    %dma_start3A_135 = tpu.memref_slice %arg9[%dma_start3A_133, %dma_start3A_134] : memref<48x128xi32, #tpu.memory_space<vmem>> -> memref<1x128xi32, #tpu.memory_space<vmem>>
    %dma_start3A_136 = tpu.memref_squeeze %dma_start3A_135 : memref<1x128xi32, #tpu.memory_space<vmem>> -> memref<128xi32, #tpu.memory_space<vmem>>
    %dma_start3A_137 = arith.constant 0 : i32
    %dma_start3A_138 = tpu.memref_slice %arg7[%dma_start3A_132, %dma_start3A_137] : memref<48x128xi32, #tpu.memory_space<vmem>> -> memref<1x128xi32, #tpu.memory_space<vmem>>
    %dma_start3A_139 = tpu.memref_squeeze %dma_start3A_138 : memref<1x128xi32, #tpu.memory_space<vmem>> -> memref<128xi32, #tpu.memory_space<vmem>>
    %dma_start3A_140 = arith.constant 0 : i32
    %dma_start3A_141 = tpu.memref_slice %arg2[%dma_start3A_140] : memref<1048576xi32, #tpu.memory_space<hbm>> -> memref<1048576xi32, #tpu.memory_space<hbm>>
    tpu.enqueue_indirect_dma source(%dma_start3A_141 : memref<1048576xi32, #tpu.memory_space<hbm>>) target(%dma_start3A_136 : memref<128xi32, #tpu.memory_space<vmem>>) offsets(%dma_start3A_139 : memref<128xi32, #tpu.memory_space<vmem>>) semaphore(%arg10 : memref<!tpu.dma_semaphore, #tpu.memory_space<semaphore_mem>>)
    %dma_start3A_142 = arith.constant 14 : i32
    %dma_start3A_143 = arith.constant 14 : i32
    %dma_start3A_144 = arith.constant 0 : i32
    %dma_start3A_145 = tpu.memref_slice %arg9[%dma_start3A_143, %dma_start3A_144] : memref<48x128xi32, #tpu.memory_space<vmem>> -> memref<1x128xi32, #tpu.memory_space<vmem>>
    %dma_start3A_146 = tpu.memref_squeeze %dma_start3A_145 : memref<1x128xi32, #tpu.memory_space<vmem>> -> memref<128xi32, #tpu.memory_space<vmem>>
    %dma_start3A_147 = arith.constant 0 : i32
    %dma_start3A_148 = tpu.memref_slice %arg7[%dma_start3A_142, %dma_start3A_147] : memref<48x128xi32, #tpu.memory_space<vmem>> -> memref<1x128xi32, #tpu.memory_space<vmem>>
    %dma_start3A_149 = tpu.memref_squeeze %dma_start3A_148 : memref<1x128xi32, #tpu.memory_space<vmem>> -> memref<128xi32, #tpu.memory_space<vmem>>
    %dma_start3A_150 = arith.constant 0 : i32
    %dma_start3A_151 = tpu.memref_slice %arg2[%dma_start3A_150] : memref<1048576xi32, #tpu.memory_space<hbm>> -> memref<1048576xi32, #tpu.memory_space<hbm>>
    tpu.enqueue_indirect_dma source(%dma_start3A_151 : memref<1048576xi32, #tpu.memory_space<hbm>>) target(%dma_start3A_146 : memref<128xi32, #tpu.memory_space<vmem>>) offsets(%dma_start3A_149 : memref<128xi32, #tpu.memory_space<vmem>>) semaphore(%arg10 : memref<!tpu.dma_semaphore, #tpu.memory_space<semaphore_mem>>)
    %dma_start3A_152 = arith.constant 15 : i32
    %dma_start3A_153 = arith.constant 15 : i32
    %dma_start3A_154 = arith.constant 0 : i32
    %dma_start3A_155 = tpu.memref_slice %arg9[%dma_start3A_153, %dma_start3A_154] : memref<48x128xi32, #tpu.memory_space<vmem>> -> memref<1x128xi32, #tpu.memory_space<vmem>>
    %dma_start3A_156 = tpu.memref_squeeze %dma_start3A_155 : memref<1x128xi32, #tpu.memory_space<vmem>> -> memref<128xi32, #tpu.memory_space<vmem>>
    %dma_start3A_157 = arith.constant 0 : i32
    %dma_start3A_158 = tpu.memref_slice %arg7[%dma_start3A_152, %dma_start3A_157] : memref<48x128xi32, #tpu.memory_space<vmem>> -> memref<1x128xi32, #tpu.memory_space<vmem>>
    %dma_start3A_159 = tpu.memref_squeeze %dma_start3A_158 : memref<1x128xi32, #tpu.memory_space<vmem>> -> memref<128xi32, #tpu.memory_space<vmem>>
    %dma_start3A_160 = arith.constant 0 : i32
    %dma_start3A_161 = tpu.memref_slice %arg2[%dma_start3A_160] : memref<1048576xi32, #tpu.memory_space<hbm>> -> memref<1048576xi32, #tpu.memory_space<hbm>>
    tpu.enqueue_indirect_dma source(%dma_start3A_161 : memref<1048576xi32, #tpu.memory_space<hbm>>) target(%dma_start3A_156 : memref<128xi32, #tpu.memory_space<vmem>>) offsets(%dma_start3A_159 : memref<128xi32, #tpu.memory_space<vmem>>) semaphore(%arg10 : memref<!tpu.dma_semaphore, #tpu.memory_space<semaphore_mem>>)
    %dma_start3A_162 = arith.constant 16 : i32
    %dma_start3A_163 = arith.constant 16 : i32
    %dma_start3A_164 = arith.constant 0 : i32
    %dma_start3A_165 = tpu.memref_slice %arg9[%dma_start3A_163, %dma_start3A_164] : memref<48x128xi32, #tpu.memory_space<vmem>> -> memref<1x128xi32, #tpu.memory_space<vmem>>
    %dma_start3A_166 = tpu.memref_squeeze %dma_start3A_165 : memref<1x128xi32, #tpu.memory_space<vmem>> -> memref<128xi32, #tpu.memory_space<vmem>>
    %dma_start3A_167 = arith.constant 0 : i32
    %dma_start3A_168 = tpu.memref_slice %arg7[%dma_start3A_162, %dma_start3A_167] : memref<48x128xi32, #tpu.memory_space<vmem>> -> memref<1x128xi32, #tpu.memory_space<vmem>>
    %dma_start3A_169 = tpu.memref_squeeze %dma_start3A_168 : memref<1x128xi32, #tpu.memory_space<vmem>> -> memref<128xi32, #tpu.memory_space<vmem>>
    %dma_start3A_170 = arith.constant 0 : i32
    %dma_start3A_171 = tpu.memref_slice %arg2[%dma_start3A_170] : memref<1048576xi32, #tpu.memory_space<hbm>> -> memref<1048576xi32, #tpu.memory_space<hbm>>
    tpu.enqueue_indirect_dma source(%dma_start3A_171 : memref<1048576xi32, #tpu.memory_space<hbm>>) target(%dma_start3A_166 : memref<128xi32, #tpu.memory_space<vmem>>) offsets(%dma_start3A_169 : memref<128xi32, #tpu.memory_space<vmem>>) semaphore(%arg10 : memref<!tpu.dma_semaphore, #tpu.memory_space<semaphore_mem>>)
    %dma_start3A_172 = arith.constant 17 : i32
    %dma_start3A_173 = arith.constant 17 : i32
    %dma_start3A_174 = arith.constant 0 : i32
    %dma_start3A_175 = tpu.memref_slice %arg9[%dma_start3A_173, %dma_start3A_174] : memref<48x128xi32, #tpu.memory_space<vmem>> -> memref<1x128xi32, #tpu.memory_space<vmem>>
    %dma_start3A_176 = tpu.memref_squeeze %dma_start3A_175 : memref<1x128xi32, #tpu.memory_space<vmem>> -> memref<128xi32, #tpu.memory_space<vmem>>
    %dma_start3A_177 = arith.constant 0 : i32
    %dma_start3A_178 = tpu.memref_slice %arg7[%dma_start3A_172, %dma_start3A_177] : memref<48x128xi32, #tpu.memory_space<vmem>> -> memref<1x128xi32, #tpu.memory_space<vmem>>
    %dma_start3A_179 = tpu.memref_squeeze %dma_start3A_178 : memref<1x128xi32, #tpu.memory_space<vmem>> -> memref<128xi32, #tpu.memory_space<vmem>>
    %dma_start3A_180 = arith.constant 0 : i32
    %dma_start3A_181 = tpu.memref_slice %arg2[%dma_start3A_180] : memref<1048576xi32, #tpu.memory_space<hbm>> -> memref<1048576xi32, #tpu.memory_space<hbm>>
    tpu.enqueue_indirect_dma source(%dma_start3A_181 : memref<1048576xi32, #tpu.memory_space<hbm>>) target(%dma_start3A_176 : memref<128xi32, #tpu.memory_space<vmem>>) offsets(%dma_start3A_179 : memref<128xi32, #tpu.memory_space<vmem>>) semaphore(%arg10 : memref<!tpu.dma_semaphore, #tpu.memory_space<semaphore_mem>>)
    %dma_start3A_182 = arith.constant 18 : i32
    %dma_start3A_183 = arith.constant 18 : i32
    %dma_start3A_184 = arith.constant 0 : i32
    %dma_start3A_185 = tpu.memref_slice %arg9[%dma_start3A_183, %dma_start3A_184] : memref<48x128xi32, #tpu.memory_space<vmem>> -> memref<1x128xi32, #tpu.memory_space<vmem>>
    %dma_start3A_186 = tpu.memref_squeeze %dma_start3A_185 : memref<1x128xi32, #tpu.memory_space<vmem>> -> memref<128xi32, #tpu.memory_space<vmem>>
    %dma_start3A_187 = arith.constant 0 : i32
    %dma_start3A_188 = tpu.memref_slice %arg7[%dma_start3A_182, %dma_start3A_187] : memref<48x128xi32, #tpu.memory_space<vmem>> -> memref<1x128xi32, #tpu.memory_space<vmem>>
    %dma_start3A_189 = tpu.memref_squeeze %dma_start3A_188 : memref<1x128xi32, #tpu.memory_space<vmem>> -> memref<128xi32, #tpu.memory_space<vmem>>
    %dma_start3A_190 = arith.constant 0 : i32
    %dma_start3A_191 = tpu.memref_slice %arg2[%dma_start3A_190] : memref<1048576xi32, #tpu.memory_space<hbm>> -> memref<1048576xi32, #tpu.memory_space<hbm>>
    tpu.enqueue_indirect_dma source(%dma_start3A_191 : memref<1048576xi32, #tpu.memory_space<hbm>>) target(%dma_start3A_186 : memref<128xi32, #tpu.memory_space<vmem>>) offsets(%dma_start3A_189 : memref<128xi32, #tpu.memory_space<vmem>>) semaphore(%arg10 : memref<!tpu.dma_semaphore, #tpu.memory_space<semaphore_mem>>)
    %dma_start3A_192 = arith.constant 19 : i32
    %dma_start3A_193 = arith.constant 19 : i32
    %dma_start3A_194 = arith.constant 0 : i32
    %dma_start3A_195 = tpu.memref_slice %arg9[%dma_start3A_193, %dma_start3A_194] : memref<48x128xi32, #tpu.memory_space<vmem>> -> memref<1x128xi32, #tpu.memory_space<vmem>>
    %dma_start3A_196 = tpu.memref_squeeze %dma_start3A_195 : memref<1x128xi32, #tpu.memory_space<vmem>> -> memref<128xi32, #tpu.memory_space<vmem>>
    %dma_start3A_197 = arith.constant 0 : i32
    %dma_start3A_198 = tpu.memref_slice %arg7[%dma_start3A_192, %dma_start3A_197] : memref<48x128xi32, #tpu.memory_space<vmem>> -> memref<1x128xi32, #tpu.memory_space<vmem>>
    %dma_start3A_199 = tpu.memref_squeeze %dma_start3A_198 : memref<1x128xi32, #tpu.memory_space<vmem>> -> memref<128xi32, #tpu.memory_space<vmem>>
    %dma_start3A_200 = arith.constant 0 : i32
    %dma_start3A_201 = tpu.memref_slice %arg2[%dma_start3A_200] : memref<1048576xi32, #tpu.memory_space<hbm>> -> memref<1048576xi32, #tpu.memory_space<hbm>>
    tpu.enqueue_indirect_dma source(%dma_start3A_201 : memref<1048576xi32, #tpu.memory_space<hbm>>) target(%dma_start3A_196 : memref<128xi32, #tpu.memory_space<vmem>>) offsets(%dma_start3A_199 : memref<128xi32, #tpu.memory_space<vmem>>) semaphore(%arg10 : memref<!tpu.dma_semaphore, #tpu.memory_space<semaphore_mem>>)
    %dma_start3A_202 = arith.constant 20 : i32
    %dma_start3A_203 = arith.constant 20 : i32
    %dma_start3A_204 = arith.constant 0 : i32
    %dma_start3A_205 = tpu.memref_slice %arg9[%dma_start3A_203, %dma_start3A_204] : memref<48x128xi32, #tpu.memory_space<vmem>> -> memref<1x128xi32, #tpu.memory_space<vmem>>
    %dma_start3A_206 = tpu.memref_squeeze %dma_start3A_205 : memref<1x128xi32, #tpu.memory_space<vmem>> -> memref<128xi32, #tpu.memory_space<vmem>>
    %dma_start3A_207 = arith.constant 0 : i32
    %dma_start3A_208 = tpu.memref_slice %arg7[%dma_start3A_202, %dma_start3A_207] : memref<48x128xi32, #tpu.memory_space<vmem>> -> memref<1x128xi32, #tpu.memory_space<vmem>>
    %dma_start3A_209 = tpu.memref_squeeze %dma_start3A_208 : memref<1x128xi32, #tpu.memory_space<vmem>> -> memref<128xi32, #tpu.memory_space<vmem>>
    %dma_start3A_210 = arith.constant 0 : i32
    %dma_start3A_211 = tpu.memref_slice %arg2[%dma_start3A_210] : memref<1048576xi32, #tpu.memory_space<hbm>> -> memref<1048576xi32, #tpu.memory_space<hbm>>
    tpu.enqueue_indirect_dma source(%dma_start3A_211 : memref<1048576xi32, #tpu.memory_space<hbm>>) target(%dma_start3A_206 : memref<128xi32, #tpu.memory_space<vmem>>) offsets(%dma_start3A_209 : memref<128xi32, #tpu.memory_space<vmem>>) semaphore(%arg10 : memref<!tpu.dma_semaphore, #tpu.memory_space<semaphore_mem>>)
    %dma_start3A_212 = arith.constant 21 : i32
    %dma_start3A_213 = arith.constant 21 : i32
    %dma_start3A_214 = arith.constant 0 : i32
    %dma_start3A_215 = tpu.memref_slice %arg9[%dma_start3A_213, %dma_start3A_214] : memref<48x128xi32, #tpu.memory_space<vmem>> -> memref<1x128xi32, #tpu.memory_space<vmem>>
    %dma_start3A_216 = tpu.memref_squeeze %dma_start3A_215 : memref<1x128xi32, #tpu.memory_space<vmem>> -> memref<128xi32, #tpu.memory_space<vmem>>
    %dma_start3A_217 = arith.constant 0 : i32
    %dma_start3A_218 = tpu.memref_slice %arg7[%dma_start3A_212, %dma_start3A_217] : memref<48x128xi32, #tpu.memory_space<vmem>> -> memref<1x128xi32, #tpu.memory_space<vmem>>
    %dma_start3A_219 = tpu.memref_squeeze %dma_start3A_218 : memref<1x128xi32, #tpu.memory_space<vmem>> -> memref<128xi32, #tpu.memory_space<vmem>>
    %dma_start3A_220 = arith.constant 0 : i32
    %dma_start3A_221 = tpu.memref_slice %arg2[%dma_start3A_220] : memref<1048576xi32, #tpu.memory_space<hbm>> -> memref<1048576xi32, #tpu.memory_space<hbm>>
    tpu.enqueue_indirect_dma source(%dma_start3A_221 : memref<1048576xi32, #tpu.memory_space<hbm>>) target(%dma_start3A_216 : memref<128xi32, #tpu.memory_space<vmem>>) offsets(%dma_start3A_219 : memref<128xi32, #tpu.memory_space<vmem>>) semaphore(%arg10 : memref<!tpu.dma_semaphore, #tpu.memory_space<semaphore_mem>>)
    %dma_start3A_222 = arith.constant 22 : i32
    %dma_start3A_223 = arith.constant 22 : i32
    %dma_start3A_224 = arith.constant 0 : i32
    %dma_start3A_225 = tpu.memref_slice %arg9[%dma_start3A_223, %dma_start3A_224] : memref<48x128xi32, #tpu.memory_space<vmem>> -> memref<1x128xi32, #tpu.memory_space<vmem>>
    %dma_start3A_226 = tpu.memref_squeeze %dma_start3A_225 : memref<1x128xi32, #tpu.memory_space<vmem>> -> memref<128xi32, #tpu.memory_space<vmem>>
    %dma_start3A_227 = arith.constant 0 : i32
    %dma_start3A_228 = tpu.memref_slice %arg7[%dma_start3A_222, %dma_start3A_227] : memref<48x128xi32, #tpu.memory_space<vmem>> -> memref<1x128xi32, #tpu.memory_space<vmem>>
    %dma_start3A_229 = tpu.memref_squeeze %dma_start3A_228 : memref<1x128xi32, #tpu.memory_space<vmem>> -> memref<128xi32, #tpu.memory_space<vmem>>
    %dma_start3A_230 = arith.constant 0 : i32
    %dma_start3A_231 = tpu.memref_slice %arg2[%dma_start3A_230] : memref<1048576xi32, #tpu.memory_space<hbm>> -> memref<1048576xi32, #tpu.memory_space<hbm>>
    tpu.enqueue_indirect_dma source(%dma_start3A_231 : memref<1048576xi32, #tpu.memory_space<hbm>>) target(%dma_start3A_226 : memref<128xi32, #tpu.memory_space<vmem>>) offsets(%dma_start3A_229 : memref<128xi32, #tpu.memory_space<vmem>>) semaphore(%arg10 : memref<!tpu.dma_semaphore, #tpu.memory_space<semaphore_mem>>)
    %dma_start3A_232 = arith.constant 23 : i32
    %dma_start3A_233 = arith.constant 23 : i32
    %dma_start3A_234 = arith.constant 0 : i32
    %dma_start3A_235 = tpu.memref_slice %arg9[%dma_start3A_233, %dma_start3A_234] : memref<48x128xi32, #tpu.memory_space<vmem>> -> memref<1x128xi32, #tpu.memory_space<vmem>>
    %dma_start3A_236 = tpu.memref_squeeze %dma_start3A_235 : memref<1x128xi32, #tpu.memory_space<vmem>> -> memref<128xi32, #tpu.memory_space<vmem>>
    %dma_start3A_237 = arith.constant 0 : i32
    %dma_start3A_238 = tpu.memref_slice %arg7[%dma_start3A_232, %dma_start3A_237] : memref<48x128xi32, #tpu.memory_space<vmem>> -> memref<1x128xi32, #tpu.memory_space<vmem>>
    %dma_start3A_239 = tpu.memref_squeeze %dma_start3A_238 : memref<1x128xi32, #tpu.memory_space<vmem>> -> memref<128xi32, #tpu.memory_space<vmem>>
    %dma_start3A_240 = arith.constant 0 : i32
    %dma_start3A_241 = tpu.memref_slice %arg2[%dma_start3A_240] : memref<1048576xi32, #tpu.memory_space<hbm>> -> memref<1048576xi32, #tpu.memory_space<hbm>>
    tpu.enqueue_indirect_dma source(%dma_start3A_241 : memref<1048576xi32, #tpu.memory_space<hbm>>) target(%dma_start3A_236 : memref<128xi32, #tpu.memory_space<vmem>>) offsets(%dma_start3A_239 : memref<128xi32, #tpu.memory_space<vmem>>) semaphore(%arg10 : memref<!tpu.dma_semaphore, #tpu.memory_space<semaphore_mem>>)
    %dma_start3A_242 = arith.constant 24 : i32
    %dma_start3A_243 = arith.constant 24 : i32
    %dma_start3A_244 = arith.constant 0 : i32
    %dma_start3A_245 = tpu.memref_slice %arg9[%dma_start3A_243, %dma_start3A_244] : memref<48x128xi32, #tpu.memory_space<vmem>> -> memref<1x128xi32, #tpu.memory_space<vmem>>
    %dma_start3A_246 = tpu.memref_squeeze %dma_start3A_245 : memref<1x128xi32, #tpu.memory_space<vmem>> -> memref<128xi32, #tpu.memory_space<vmem>>
    %dma_start3A_247 = arith.constant 0 : i32
    %dma_start3A_248 = tpu.memref_slice %arg7[%dma_start3A_242, %dma_start3A_247] : memref<48x128xi32, #tpu.memory_space<vmem>> -> memref<1x128xi32, #tpu.memory_space<vmem>>
    %dma_start3A_249 = tpu.memref_squeeze %dma_start3A_248 : memref<1x128xi32, #tpu.memory_space<vmem>> -> memref<128xi32, #tpu.memory_space<vmem>>
    %dma_start3A_250 = arith.constant 0 : i32
    %dma_start3A_251 = tpu.memref_slice %arg2[%dma_start3A_250] : memref<1048576xi32, #tpu.memory_space<hbm>> -> memref<1048576xi32, #tpu.memory_space<hbm>>
    tpu.enqueue_indirect_dma source(%dma_start3A_251 : memref<1048576xi32, #tpu.memory_space<hbm>>) target(%dma_start3A_246 : memref<128xi32, #tpu.memory_space<vmem>>) offsets(%dma_start3A_249 : memref<128xi32, #tpu.memory_space<vmem>>) semaphore(%arg10 : memref<!tpu.dma_semaphore, #tpu.memory_space<semaphore_mem>>)
    %dma_start3A_252 = arith.constant 25 : i32
    %dma_start3A_253 = arith.constant 25 : i32
    %dma_start3A_254 = arith.constant 0 : i32
    %dma_start3A_255 = tpu.memref_slice %arg9[%dma_start3A_253, %dma_start3A_254] : memref<48x128xi32, #tpu.memory_space<vmem>> -> memref<1x128xi32, #tpu.memory_space<vmem>>
    %dma_start3A_256 = tpu.memref_squeeze %dma_start3A_255 : memref<1x128xi32, #tpu.memory_space<vmem>> -> memref<128xi32, #tpu.memory_space<vmem>>
    %dma_start3A_257 = arith.constant 0 : i32
    %dma_start3A_258 = tpu.memref_slice %arg7[%dma_start3A_252, %dma_start3A_257] : memref<48x128xi32, #tpu.memory_space<vmem>> -> memref<1x128xi32, #tpu.memory_space<vmem>>
    %dma_start3A_259 = tpu.memref_squeeze %dma_start3A_258 : memref<1x128xi32, #tpu.memory_space<vmem>> -> memref<128xi32, #tpu.memory_space<vmem>>
    %dma_start3A_260 = arith.constant 0 : i32
    %dma_start3A_261 = tpu.memref_slice %arg2[%dma_start3A_260] : memref<1048576xi32, #tpu.memory_space<hbm>> -> memref<1048576xi32, #tpu.memory_space<hbm>>
    tpu.enqueue_indirect_dma source(%dma_start3A_261 : memref<1048576xi32, #tpu.memory_space<hbm>>) target(%dma_start3A_256 : memref<128xi32, #tpu.memory_space<vmem>>) offsets(%dma_start3A_259 : memref<128xi32, #tpu.memory_space<vmem>>) semaphore(%arg10 : memref<!tpu.dma_semaphore, #tpu.memory_space<semaphore_mem>>)
    %dma_start3A_262 = arith.constant 26 : i32
    %dma_start3A_263 = arith.constant 26 : i32
    %dma_start3A_264 = arith.constant 0 : i32
    %dma_start3A_265 = tpu.memref_slice %arg9[%dma_start3A_263, %dma_start3A_264] : memref<48x128xi32, #tpu.memory_space<vmem>> -> memref<1x128xi32, #tpu.memory_space<vmem>>
    %dma_start3A_266 = tpu.memref_squeeze %dma_start3A_265 : memref<1x128xi32, #tpu.memory_space<vmem>> -> memref<128xi32, #tpu.memory_space<vmem>>
    %dma_start3A_267 = arith.constant 0 : i32
    %dma_start3A_268 = tpu.memref_slice %arg7[%dma_start3A_262, %dma_start3A_267] : memref<48x128xi32, #tpu.memory_space<vmem>> -> memref<1x128xi32, #tpu.memory_space<vmem>>
    %dma_start3A_269 = tpu.memref_squeeze %dma_start3A_268 : memref<1x128xi32, #tpu.memory_space<vmem>> -> memref<128xi32, #tpu.memory_space<vmem>>
    %dma_start3A_270 = arith.constant 0 : i32
    %dma_start3A_271 = tpu.memref_slice %arg2[%dma_start3A_270] : memref<1048576xi32, #tpu.memory_space<hbm>> -> memref<1048576xi32, #tpu.memory_space<hbm>>
    tpu.enqueue_indirect_dma source(%dma_start3A_271 : memref<1048576xi32, #tpu.memory_space<hbm>>) target(%dma_start3A_266 : memref<128xi32, #tpu.memory_space<vmem>>) offsets(%dma_start3A_269 : memref<128xi32, #tpu.memory_space<vmem>>) semaphore(%arg10 : memref<!tpu.dma_semaphore, #tpu.memory_space<semaphore_mem>>)
    %dma_start3A_272 = arith.constant 27 : i32
    %dma_start3A_273 = arith.constant 27 : i32
    %dma_start3A_274 = arith.constant 0 : i32
    %dma_start3A_275 = tpu.memref_slice %arg9[%dma_start3A_273, %dma_start3A_274] : memref<48x128xi32, #tpu.memory_space<vmem>> -> memref<1x128xi32, #tpu.memory_space<vmem>>
    %dma_start3A_276 = tpu.memref_squeeze %dma_start3A_275 : memref<1x128xi32, #tpu.memory_space<vmem>> -> memref<128xi32, #tpu.memory_space<vmem>>
    %dma_start3A_277 = arith.constant 0 : i32
    %dma_start3A_278 = tpu.memref_slice %arg7[%dma_start3A_272, %dma_start3A_277] : memref<48x128xi32, #tpu.memory_space<vmem>> -> memref<1x128xi32, #tpu.memory_space<vmem>>
    %dma_start3A_279 = tpu.memref_squeeze %dma_start3A_278 : memref<1x128xi32, #tpu.memory_space<vmem>> -> memref<128xi32, #tpu.memory_space<vmem>>
    %dma_start3A_280 = arith.constant 0 : i32
    %dma_start3A_281 = tpu.memref_slice %arg2[%dma_start3A_280] : memref<1048576xi32, #tpu.memory_space<hbm>> -> memref<1048576xi32, #tpu.memory_space<hbm>>
    tpu.enqueue_indirect_dma source(%dma_start3A_281 : memref<1048576xi32, #tpu.memory_space<hbm>>) target(%dma_start3A_276 : memref<128xi32, #tpu.memory_space<vmem>>) offsets(%dma_start3A_279 : memref<128xi32, #tpu.memory_space<vmem>>) semaphore(%arg10 : memref<!tpu.dma_semaphore, #tpu.memory_space<semaphore_mem>>)
    %dma_start3A_282 = arith.constant 28 : i32
    %dma_start3A_283 = arith.constant 28 : i32
    %dma_start3A_284 = arith.constant 0 : i32
    %dma_start3A_285 = tpu.memref_slice %arg9[%dma_start3A_283, %dma_start3A_284] : memref<48x128xi32, #tpu.memory_space<vmem>> -> memref<1x128xi32, #tpu.memory_space<vmem>>
    %dma_start3A_286 = tpu.memref_squeeze %dma_start3A_285 : memref<1x128xi32, #tpu.memory_space<vmem>> -> memref<128xi32, #tpu.memory_space<vmem>>
    %dma_start3A_287 = arith.constant 0 : i32
    %dma_start3A_288 = tpu.memref_slice %arg7[%dma_start3A_282, %dma_start3A_287] : memref<48x128xi32, #tpu.memory_space<vmem>> -> memref<1x128xi32, #tpu.memory_space<vmem>>
    %dma_start3A_289 = tpu.memref_squeeze %dma_start3A_288 : memref<1x128xi32, #tpu.memory_space<vmem>> -> memref<128xi32, #tpu.memory_space<vmem>>
    %dma_start3A_290 = arith.constant 0 : i32
    %dma_start3A_291 = tpu.memref_slice %arg2[%dma_start3A_290] : memref<1048576xi32, #tpu.memory_space<hbm>> -> memref<1048576xi32, #tpu.memory_space<hbm>>
    tpu.enqueue_indirect_dma source(%dma_start3A_291 : memref<1048576xi32, #tpu.memory_space<hbm>>) target(%dma_start3A_286 : memref<128xi32, #tpu.memory_space<vmem>>) offsets(%dma_start3A_289 : memref<128xi32, #tpu.memory_space<vmem>>) semaphore(%arg10 : memref<!tpu.dma_semaphore, #tpu.memory_space<semaphore_mem>>)
    %dma_start3A_292 = arith.constant 29 : i32
    %dma_start3A_293 = arith.constant 29 : i32
    %dma_start3A_294 = arith.constant 0 : i32
    %dma_start3A_295 = tpu.memref_slice %arg9[%dma_start3A_293, %dma_start3A_294] : memref<48x128xi32, #tpu.memory_space<vmem>> -> memref<1x128xi32, #tpu.memory_space<vmem>>
    %dma_start3A_296 = tpu.memref_squeeze %dma_start3A_295 : memref<1x128xi32, #tpu.memory_space<vmem>> -> memref<128xi32, #tpu.memory_space<vmem>>
    %dma_start3A_297 = arith.constant 0 : i32
    %dma_start3A_298 = tpu.memref_slice %arg7[%dma_start3A_292, %dma_start3A_297] : memref<48x128xi32, #tpu.memory_space<vmem>> -> memref<1x128xi32, #tpu.memory_space<vmem>>
    %dma_start3A_299 = tpu.memref_squeeze %dma_start3A_298 : memref<1x128xi32, #tpu.memory_space<vmem>> -> memref<128xi32, #tpu.memory_space<vmem>>
    %dma_start3A_300 = arith.constant 0 : i32
    %dma_start3A_301 = tpu.memref_slice %arg2[%dma_start3A_300] : memref<1048576xi32, #tpu.memory_space<hbm>> -> memref<1048576xi32, #tpu.memory_space<hbm>>
    tpu.enqueue_indirect_dma source(%dma_start3A_301 : memref<1048576xi32, #tpu.memory_space<hbm>>) target(%dma_start3A_296 : memref<128xi32, #tpu.memory_space<vmem>>) offsets(%dma_start3A_299 : memref<128xi32, #tpu.memory_space<vmem>>) semaphore(%arg10 : memref<!tpu.dma_semaphore, #tpu.memory_space<semaphore_mem>>)
    %dma_start3A_302 = arith.constant 30 : i32
    %dma_start3A_303 = arith.constant 30 : i32
    %dma_start3A_304 = arith.constant 0 : i32
    %dma_start3A_305 = tpu.memref_slice %arg9[%dma_start3A_303, %dma_start3A_304] : memref<48x128xi32, #tpu.memory_space<vmem>> -> memref<1x128xi32, #tpu.memory_space<vmem>>
    %dma_start3A_306 = tpu.memref_squeeze %dma_start3A_305 : memref<1x128xi32, #tpu.memory_space<vmem>> -> memref<128xi32, #tpu.memory_space<vmem>>
    %dma_start3A_307 = arith.constant 0 : i32
    %dma_start3A_308 = tpu.memref_slice %arg7[%dma_start3A_302, %dma_start3A_307] : memref<48x128xi32, #tpu.memory_space<vmem>> -> memref<1x128xi32, #tpu.memory_space<vmem>>
    %dma_start3A_309 = tpu.memref_squeeze %dma_start3A_308 : memref<1x128xi32, #tpu.memory_space<vmem>> -> memref<128xi32, #tpu.memory_space<vmem>>
    %dma_start3A_310 = arith.constant 0 : i32
    %dma_start3A_311 = tpu.memref_slice %arg2[%dma_start3A_310] : memref<1048576xi32, #tpu.memory_space<hbm>> -> memref<1048576xi32, #tpu.memory_space<hbm>>
    tpu.enqueue_indirect_dma source(%dma_start3A_311 : memref<1048576xi32, #tpu.memory_space<hbm>>) target(%dma_start3A_306 : memref<128xi32, #tpu.memory_space<vmem>>) offsets(%dma_start3A_309 : memref<128xi32, #tpu.memory_space<vmem>>) semaphore(%arg10 : memref<!tpu.dma_semaphore, #tpu.memory_space<semaphore_mem>>)
    %dma_start3A_312 = arith.constant 31 : i32
    %dma_start3A_313 = arith.constant 31 : i32
    %dma_start3A_314 = arith.constant 0 : i32
    %dma_start3A_315 = tpu.memref_slice %arg9[%dma_start3A_313, %dma_start3A_314] : memref<48x128xi32, #tpu.memory_space<vmem>> -> memref<1x128xi32, #tpu.memory_space<vmem>>
    %dma_start3A_316 = tpu.memref_squeeze %dma_start3A_315 : memref<1x128xi32, #tpu.memory_space<vmem>> -> memref<128xi32, #tpu.memory_space<vmem>>
    %dma_start3A_317 = arith.constant 0 : i32
    %dma_start3A_318 = tpu.memref_slice %arg7[%dma_start3A_312, %dma_start3A_317] : memref<48x128xi32, #tpu.memory_space<vmem>> -> memref<1x128xi32, #tpu.memory_space<vmem>>
    %dma_start3A_319 = tpu.memref_squeeze %dma_start3A_318 : memref<1x128xi32, #tpu.memory_space<vmem>> -> memref<128xi32, #tpu.memory_space<vmem>>
    %dma_start3A_320 = arith.constant 0 : i32
    %dma_start3A_321 = tpu.memref_slice %arg2[%dma_start3A_320] : memref<1048576xi32, #tpu.memory_space<hbm>> -> memref<1048576xi32, #tpu.memory_space<hbm>>
    tpu.enqueue_indirect_dma source(%dma_start3A_321 : memref<1048576xi32, #tpu.memory_space<hbm>>) target(%dma_start3A_316 : memref<128xi32, #tpu.memory_space<vmem>>) offsets(%dma_start3A_319 : memref<128xi32, #tpu.memory_space<vmem>>) semaphore(%arg10 : memref<!tpu.dma_semaphore, #tpu.memory_space<semaphore_mem>>)
    %dma_start3A_322 = arith.constant 32 : i32
    %dma_start3A_323 = arith.constant 32 : i32
    %dma_start3A_324 = arith.constant 0 : i32
    %dma_start3A_325 = tpu.memref_slice %arg9[%dma_start3A_323, %dma_start3A_324] : memref<48x128xi32, #tpu.memory_space<vmem>> -> memref<1x128xi32, #tpu.memory_space<vmem>>
    %dma_start3A_326 = tpu.memref_squeeze %dma_start3A_325 : memref<1x128xi32, #tpu.memory_space<vmem>> -> memref<128xi32, #tpu.memory_space<vmem>>
    %dma_start3A_327 = arith.constant 0 : i32
    %dma_start3A_328 = tpu.memref_slice %arg7[%dma_start3A_322, %dma_start3A_327] : memref<48x128xi32, #tpu.memory_space<vmem>> -> memref<1x128xi32, #tpu.memory_space<vmem>>
    %dma_start3A_329 = tpu.memref_squeeze %dma_start3A_328 : memref<1x128xi32, #tpu.memory_space<vmem>> -> memref<128xi32, #tpu.memory_space<vmem>>
    %dma_start3A_330 = arith.constant 0 : i32
    %dma_start3A_331 = tpu.memref_slice %arg2[%dma_start3A_330] : memref<1048576xi32, #tpu.memory_space<hbm>> -> memref<1048576xi32, #tpu.memory_space<hbm>>
    tpu.enqueue_indirect_dma source(%dma_start3A_331 : memref<1048576xi32, #tpu.memory_space<hbm>>) target(%dma_start3A_326 : memref<128xi32, #tpu.memory_space<vmem>>) offsets(%dma_start3A_329 : memref<128xi32, #tpu.memory_space<vmem>>) semaphore(%arg10 : memref<!tpu.dma_semaphore, #tpu.memory_space<semaphore_mem>>)
    %dma_start3A_332 = arith.constant 33 : i32
    %dma_start3A_333 = arith.constant 33 : i32
    %dma_start3A_334 = arith.constant 0 : i32
    %dma_start3A_335 = tpu.memref_slice %arg9[%dma_start3A_333, %dma_start3A_334] : memref<48x128xi32, #tpu.memory_space<vmem>> -> memref<1x128xi32, #tpu.memory_space<vmem>>
    %dma_start3A_336 = tpu.memref_squeeze %dma_start3A_335 : memref<1x128xi32, #tpu.memory_space<vmem>> -> memref<128xi32, #tpu.memory_space<vmem>>
    %dma_start3A_337 = arith.constant 0 : i32
    %dma_start3A_338 = tpu.memref_slice %arg7[%dma_start3A_332, %dma_start3A_337] : memref<48x128xi32, #tpu.memory_space<vmem>> -> memref<1x128xi32, #tpu.memory_space<vmem>>
    %dma_start3A_339 = tpu.memref_squeeze %dma_start3A_338 : memref<1x128xi32, #tpu.memory_space<vmem>> -> memref<128xi32, #tpu.memory_space<vmem>>
    %dma_start3A_340 = arith.constant 0 : i32
    %dma_start3A_341 = tpu.memref_slice %arg2[%dma_start3A_340] : memref<1048576xi32, #tpu.memory_space<hbm>> -> memref<1048576xi32, #tpu.memory_space<hbm>>
    tpu.enqueue_indirect_dma source(%dma_start3A_341 : memref<1048576xi32, #tpu.memory_space<hbm>>) target(%dma_start3A_336 : memref<128xi32, #tpu.memory_space<vmem>>) offsets(%dma_start3A_339 : memref<128xi32, #tpu.memory_space<vmem>>) semaphore(%arg10 : memref<!tpu.dma_semaphore, #tpu.memory_space<semaphore_mem>>)
    %dma_start3A_342 = arith.constant 34 : i32
    %dma_start3A_343 = arith.constant 34 : i32
    %dma_start3A_344 = arith.constant 0 : i32
    %dma_start3A_345 = tpu.memref_slice %arg9[%dma_start3A_343, %dma_start3A_344] : memref<48x128xi32, #tpu.memory_space<vmem>> -> memref<1x128xi32, #tpu.memory_space<vmem>>
    %dma_start3A_346 = tpu.memref_squeeze %dma_start3A_345 : memref<1x128xi32, #tpu.memory_space<vmem>> -> memref<128xi32, #tpu.memory_space<vmem>>
    %dma_start3A_347 = arith.constant 0 : i32
    %dma_start3A_348 = tpu.memref_slice %arg7[%dma_start3A_342, %dma_start3A_347] : memref<48x128xi32, #tpu.memory_space<vmem>> -> memref<1x128xi32, #tpu.memory_space<vmem>>
    %dma_start3A_349 = tpu.memref_squeeze %dma_start3A_348 : memref<1x128xi32, #tpu.memory_space<vmem>> -> memref<128xi32, #tpu.memory_space<vmem>>
    %dma_start3A_350 = arith.constant 0 : i32
    %dma_start3A_351 = tpu.memref_slice %arg2[%dma_start3A_350] : memref<1048576xi32, #tpu.memory_space<hbm>> -> memref<1048576xi32, #tpu.memory_space<hbm>>
    tpu.enqueue_indirect_dma source(%dma_start3A_351 : memref<1048576xi32, #tpu.memory_space<hbm>>) target(%dma_start3A_346 : memref<128xi32, #tpu.memory_space<vmem>>) offsets(%dma_start3A_349 : memref<128xi32, #tpu.memory_space<vmem>>) semaphore(%arg10 : memref<!tpu.dma_semaphore, #tpu.memory_space<semaphore_mem>>)
    %dma_start3A_352 = arith.constant 35 : i32
    %dma_start3A_353 = arith.constant 35 : i32
    %dma_start3A_354 = arith.constant 0 : i32
    %dma_start3A_355 = tpu.memref_slice %arg9[%dma_start3A_353, %dma_start3A_354] : memref<48x128xi32, #tpu.memory_space<vmem>> -> memref<1x128xi32, #tpu.memory_space<vmem>>
    %dma_start3A_356 = tpu.memref_squeeze %dma_start3A_355 : memref<1x128xi32, #tpu.memory_space<vmem>> -> memref<128xi32, #tpu.memory_space<vmem>>
    %dma_start3A_357 = arith.constant 0 : i32
    %dma_start3A_358 = tpu.memref_slice %arg7[%dma_start3A_352, %dma_start3A_357] : memref<48x128xi32, #tpu.memory_space<vmem>> -> memref<1x128xi32, #tpu.memory_space<vmem>>
    %dma_start3A_359 = tpu.memref_squeeze %dma_start3A_358 : memref<1x128xi32, #tpu.memory_space<vmem>> -> memref<128xi32, #tpu.memory_space<vmem>>
    %dma_start3A_360 = arith.constant 0 : i32
    %dma_start3A_361 = tpu.memref_slice %arg2[%dma_start3A_360] : memref<1048576xi32, #tpu.memory_space<hbm>> -> memref<1048576xi32, #tpu.memory_space<hbm>>
    tpu.enqueue_indirect_dma source(%dma_start3A_361 : memref<1048576xi32, #tpu.memory_space<hbm>>) target(%dma_start3A_356 : memref<128xi32, #tpu.memory_space<vmem>>) offsets(%dma_start3A_359 : memref<128xi32, #tpu.memory_space<vmem>>) semaphore(%arg10 : memref<!tpu.dma_semaphore, #tpu.memory_space<semaphore_mem>>)
    %dma_start3A_362 = arith.constant 36 : i32
    %dma_start3A_363 = arith.constant 36 : i32
    %dma_start3A_364 = arith.constant 0 : i32
    %dma_start3A_365 = tpu.memref_slice %arg9[%dma_start3A_363, %dma_start3A_364] : memref<48x128xi32, #tpu.memory_space<vmem>> -> memref<1x128xi32, #tpu.memory_space<vmem>>
    %dma_start3A_366 = tpu.memref_squeeze %dma_start3A_365 : memref<1x128xi32, #tpu.memory_space<vmem>> -> memref<128xi32, #tpu.memory_space<vmem>>
    %dma_start3A_367 = arith.constant 0 : i32
    %dma_start3A_368 = tpu.memref_slice %arg7[%dma_start3A_362, %dma_start3A_367] : memref<48x128xi32, #tpu.memory_space<vmem>> -> memref<1x128xi32, #tpu.memory_space<vmem>>
    %dma_start3A_369 = tpu.memref_squeeze %dma_start3A_368 : memref<1x128xi32, #tpu.memory_space<vmem>> -> memref<128xi32, #tpu.memory_space<vmem>>
    %dma_start3A_370 = arith.constant 0 : i32
    %dma_start3A_371 = tpu.memref_slice %arg2[%dma_start3A_370] : memref<1048576xi32, #tpu.memory_space<hbm>> -> memref<1048576xi32, #tpu.memory_space<hbm>>
    tpu.enqueue_indirect_dma source(%dma_start3A_371 : memref<1048576xi32, #tpu.memory_space<hbm>>) target(%dma_start3A_366 : memref<128xi32, #tpu.memory_space<vmem>>) offsets(%dma_start3A_369 : memref<128xi32, #tpu.memory_space<vmem>>) semaphore(%arg10 : memref<!tpu.dma_semaphore, #tpu.memory_space<semaphore_mem>>)
    %dma_start3A_372 = arith.constant 37 : i32
    %dma_start3A_373 = arith.constant 37 : i32
    %dma_start3A_374 = arith.constant 0 : i32
    %dma_start3A_375 = tpu.memref_slice %arg9[%dma_start3A_373, %dma_start3A_374] : memref<48x128xi32, #tpu.memory_space<vmem>> -> memref<1x128xi32, #tpu.memory_space<vmem>>
    %dma_start3A_376 = tpu.memref_squeeze %dma_start3A_375 : memref<1x128xi32, #tpu.memory_space<vmem>> -> memref<128xi32, #tpu.memory_space<vmem>>
    %dma_start3A_377 = arith.constant 0 : i32
    %dma_start3A_378 = tpu.memref_slice %arg7[%dma_start3A_372, %dma_start3A_377] : memref<48x128xi32, #tpu.memory_space<vmem>> -> memref<1x128xi32, #tpu.memory_space<vmem>>
    %dma_start3A_379 = tpu.memref_squeeze %dma_start3A_378 : memref<1x128xi32, #tpu.memory_space<vmem>> -> memref<128xi32, #tpu.memory_space<vmem>>
    %dma_start3A_380 = arith.constant 0 : i32
    %dma_start3A_381 = tpu.memref_slice %arg2[%dma_start3A_380] : memref<1048576xi32, #tpu.memory_space<hbm>> -> memref<1048576xi32, #tpu.memory_space<hbm>>
    tpu.enqueue_indirect_dma source(%dma_start3A_381 : memref<1048576xi32, #tpu.memory_space<hbm>>) target(%dma_start3A_376 : memref<128xi32, #tpu.memory_space<vmem>>) offsets(%dma_start3A_379 : memref<128xi32, #tpu.memory_space<vmem>>) semaphore(%arg10 : memref<!tpu.dma_semaphore, #tpu.memory_space<semaphore_mem>>)
    %dma_start3A_382 = arith.constant 38 : i32
    %dma_start3A_383 = arith.constant 38 : i32
    %dma_start3A_384 = arith.constant 0 : i32
    %dma_start3A_385 = tpu.memref_slice %arg9[%dma_start3A_383, %dma_start3A_384] : memref<48x128xi32, #tpu.memory_space<vmem>> -> memref<1x128xi32, #tpu.memory_space<vmem>>
    %dma_start3A_386 = tpu.memref_squeeze %dma_start3A_385 : memref<1x128xi32, #tpu.memory_space<vmem>> -> memref<128xi32, #tpu.memory_space<vmem>>
    %dma_start3A_387 = arith.constant 0 : i32
    %dma_start3A_388 = tpu.memref_slice %arg7[%dma_start3A_382, %dma_start3A_387] : memref<48x128xi32, #tpu.memory_space<vmem>> -> memref<1x128xi32, #tpu.memory_space<vmem>>
    %dma_start3A_389 = tpu.memref_squeeze %dma_start3A_388 : memref<1x128xi32, #tpu.memory_space<vmem>> -> memref<128xi32, #tpu.memory_space<vmem>>
    %dma_start3A_390 = arith.constant 0 : i32
    %dma_start3A_391 = tpu.memref_slice %arg2[%dma_start3A_390] : memref<1048576xi32, #tpu.memory_space<hbm>> -> memref<1048576xi32, #tpu.memory_space<hbm>>
    tpu.enqueue_indirect_dma source(%dma_start3A_391 : memref<1048576xi32, #tpu.memory_space<hbm>>) target(%dma_start3A_386 : memref<128xi32, #tpu.memory_space<vmem>>) offsets(%dma_start3A_389 : memref<128xi32, #tpu.memory_space<vmem>>) semaphore(%arg10 : memref<!tpu.dma_semaphore, #tpu.memory_space<semaphore_mem>>)
    %dma_start3A_392 = arith.constant 39 : i32
    %dma_start3A_393 = arith.constant 39 : i32
    %dma_start3A_394 = arith.constant 0 : i32
    %dma_start3A_395 = tpu.memref_slice %arg9[%dma_start3A_393, %dma_start3A_394] : memref<48x128xi32, #tpu.memory_space<vmem>> -> memref<1x128xi32, #tpu.memory_space<vmem>>
    %dma_start3A_396 = tpu.memref_squeeze %dma_start3A_395 : memref<1x128xi32, #tpu.memory_space<vmem>> -> memref<128xi32, #tpu.memory_space<vmem>>
    %dma_start3A_397 = arith.constant 0 : i32
    %dma_start3A_398 = tpu.memref_slice %arg7[%dma_start3A_392, %dma_start3A_397] : memref<48x128xi32, #tpu.memory_space<vmem>> -> memref<1x128xi32, #tpu.memory_space<vmem>>
    %dma_start3A_399 = tpu.memref_squeeze %dma_start3A_398 : memref<1x128xi32, #tpu.memory_space<vmem>> -> memref<128xi32, #tpu.memory_space<vmem>>
    %dma_start3A_400 = arith.constant 0 : i32
    %dma_start3A_401 = tpu.memref_slice %arg2[%dma_start3A_400] : memref<1048576xi32, #tpu.memory_space<hbm>> -> memref<1048576xi32, #tpu.memory_space<hbm>>
    tpu.enqueue_indirect_dma source(%dma_start3A_401 : memref<1048576xi32, #tpu.memory_space<hbm>>) target(%dma_start3A_396 : memref<128xi32, #tpu.memory_space<vmem>>) offsets(%dma_start3A_399 : memref<128xi32, #tpu.memory_space<vmem>>) semaphore(%arg10 : memref<!tpu.dma_semaphore, #tpu.memory_space<semaphore_mem>>)
    %dma_start3A_402 = arith.constant 40 : i32
    %dma_start3A_403 = arith.constant 40 : i32
    %dma_start3A_404 = arith.constant 0 : i32
    %dma_start3A_405 = tpu.memref_slice %arg9[%dma_start3A_403, %dma_start3A_404] : memref<48x128xi32, #tpu.memory_space<vmem>> -> memref<1x128xi32, #tpu.memory_space<vmem>>
    %dma_start3A_406 = tpu.memref_squeeze %dma_start3A_405 : memref<1x128xi32, #tpu.memory_space<vmem>> -> memref<128xi32, #tpu.memory_space<vmem>>
    %dma_start3A_407 = arith.constant 0 : i32
    %dma_start3A_408 = tpu.memref_slice %arg7[%dma_start3A_402, %dma_start3A_407] : memref<48x128xi32, #tpu.memory_space<vmem>> -> memref<1x128xi32, #tpu.memory_space<vmem>>
    %dma_start3A_409 = tpu.memref_squeeze %dma_start3A_408 : memref<1x128xi32, #tpu.memory_space<vmem>> -> memref<128xi32, #tpu.memory_space<vmem>>
    %dma_start3A_410 = arith.constant 0 : i32
    %dma_start3A_411 = tpu.memref_slice %arg2[%dma_start3A_410] : memref<1048576xi32, #tpu.memory_space<hbm>> -> memref<1048576xi32, #tpu.memory_space<hbm>>
    tpu.enqueue_indirect_dma source(%dma_start3A_411 : memref<1048576xi32, #tpu.memory_space<hbm>>) target(%dma_start3A_406 : memref<128xi32, #tpu.memory_space<vmem>>) offsets(%dma_start3A_409 : memref<128xi32, #tpu.memory_space<vmem>>) semaphore(%arg10 : memref<!tpu.dma_semaphore, #tpu.memory_space<semaphore_mem>>)
    %dma_start3A_412 = arith.constant 41 : i32
    %dma_start3A_413 = arith.constant 41 : i32
    %dma_start3A_414 = arith.constant 0 : i32
    %dma_start3A_415 = tpu.memref_slice %arg9[%dma_start3A_413, %dma_start3A_414] : memref<48x128xi32, #tpu.memory_space<vmem>> -> memref<1x128xi32, #tpu.memory_space<vmem>>
    %dma_start3A_416 = tpu.memref_squeeze %dma_start3A_415 : memref<1x128xi32, #tpu.memory_space<vmem>> -> memref<128xi32, #tpu.memory_space<vmem>>
    %dma_start3A_417 = arith.constant 0 : i32
    %dma_start3A_418 = tpu.memref_slice %arg7[%dma_start3A_412, %dma_start3A_417] : memref<48x128xi32, #tpu.memory_space<vmem>> -> memref<1x128xi32, #tpu.memory_space<vmem>>
    %dma_start3A_419 = tpu.memref_squeeze %dma_start3A_418 : memref<1x128xi32, #tpu.memory_space<vmem>> -> memref<128xi32, #tpu.memory_space<vmem>>
    %dma_start3A_420 = arith.constant 0 : i32
    %dma_start3A_421 = tpu.memref_slice %arg2[%dma_start3A_420] : memref<1048576xi32, #tpu.memory_space<hbm>> -> memref<1048576xi32, #tpu.memory_space<hbm>>
    tpu.enqueue_indirect_dma source(%dma_start3A_421 : memref<1048576xi32, #tpu.memory_space<hbm>>) target(%dma_start3A_416 : memref<128xi32, #tpu.memory_space<vmem>>) offsets(%dma_start3A_419 : memref<128xi32, #tpu.memory_space<vmem>>) semaphore(%arg10 : memref<!tpu.dma_semaphore, #tpu.memory_space<semaphore_mem>>)
    %dma_start3A_422 = arith.constant 42 : i32
    %dma_start3A_423 = arith.constant 42 : i32
    %dma_start3A_424 = arith.constant 0 : i32
    %dma_start3A_425 = tpu.memref_slice %arg9[%dma_start3A_423, %dma_start3A_424] : memref<48x128xi32, #tpu.memory_space<vmem>> -> memref<1x128xi32, #tpu.memory_space<vmem>>
    %dma_start3A_426 = tpu.memref_squeeze %dma_start3A_425 : memref<1x128xi32, #tpu.memory_space<vmem>> -> memref<128xi32, #tpu.memory_space<vmem>>
    %dma_start3A_427 = arith.constant 0 : i32
    %dma_start3A_428 = tpu.memref_slice %arg7[%dma_start3A_422, %dma_start3A_427] : memref<48x128xi32, #tpu.memory_space<vmem>> -> memref<1x128xi32, #tpu.memory_space<vmem>>
    %dma_start3A_429 = tpu.memref_squeeze %dma_start3A_428 : memref<1x128xi32, #tpu.memory_space<vmem>> -> memref<128xi32, #tpu.memory_space<vmem>>
    %dma_start3A_430 = arith.constant 0 : i32
    %dma_start3A_431 = tpu.memref_slice %arg2[%dma_start3A_430] : memref<1048576xi32, #tpu.memory_space<hbm>> -> memref<1048576xi32, #tpu.memory_space<hbm>>
    tpu.enqueue_indirect_dma source(%dma_start3A_431 : memref<1048576xi32, #tpu.memory_space<hbm>>) target(%dma_start3A_426 : memref<128xi32, #tpu.memory_space<vmem>>) offsets(%dma_start3A_429 : memref<128xi32, #tpu.memory_space<vmem>>) semaphore(%arg10 : memref<!tpu.dma_semaphore, #tpu.memory_space<semaphore_mem>>)
    %dma_start3A_432 = arith.constant 43 : i32
    %dma_start3A_433 = arith.constant 43 : i32
    %dma_start3A_434 = arith.constant 0 : i32
    %dma_start3A_435 = tpu.memref_slice %arg9[%dma_start3A_433, %dma_start3A_434] : memref<48x128xi32, #tpu.memory_space<vmem>> -> memref<1x128xi32, #tpu.memory_space<vmem>>
    %dma_start3A_436 = tpu.memref_squeeze %dma_start3A_435 : memref<1x128xi32, #tpu.memory_space<vmem>> -> memref<128xi32, #tpu.memory_space<vmem>>
    %dma_start3A_437 = arith.constant 0 : i32
    %dma_start3A_438 = tpu.memref_slice %arg7[%dma_start3A_432, %dma_start3A_437] : memref<48x128xi32, #tpu.memory_space<vmem>> -> memref<1x128xi32, #tpu.memory_space<vmem>>
    %dma_start3A_439 = tpu.memref_squeeze %dma_start3A_438 : memref<1x128xi32, #tpu.memory_space<vmem>> -> memref<128xi32, #tpu.memory_space<vmem>>
    %dma_start3A_440 = arith.constant 0 : i32
    %dma_start3A_441 = tpu.memref_slice %arg2[%dma_start3A_440] : memref<1048576xi32, #tpu.memory_space<hbm>> -> memref<1048576xi32, #tpu.memory_space<hbm>>
    tpu.enqueue_indirect_dma source(%dma_start3A_441 : memref<1048576xi32, #tpu.memory_space<hbm>>) target(%dma_start3A_436 : memref<128xi32, #tpu.memory_space<vmem>>) offsets(%dma_start3A_439 : memref<128xi32, #tpu.memory_space<vmem>>) semaphore(%arg10 : memref<!tpu.dma_semaphore, #tpu.memory_space<semaphore_mem>>)
    %dma_start3A_442 = arith.constant 44 : i32
    %dma_start3A_443 = arith.constant 44 : i32
    %dma_start3A_444 = arith.constant 0 : i32
    %dma_start3A_445 = tpu.memref_slice %arg9[%dma_start3A_443, %dma_start3A_444] : memref<48x128xi32, #tpu.memory_space<vmem>> -> memref<1x128xi32, #tpu.memory_space<vmem>>
    %dma_start3A_446 = tpu.memref_squeeze %dma_start3A_445 : memref<1x128xi32, #tpu.memory_space<vmem>> -> memref<128xi32, #tpu.memory_space<vmem>>
    %dma_start3A_447 = arith.constant 0 : i32
    %dma_start3A_448 = tpu.memref_slice %arg7[%dma_start3A_442, %dma_start3A_447] : memref<48x128xi32, #tpu.memory_space<vmem>> -> memref<1x128xi32, #tpu.memory_space<vmem>>
    %dma_start3A_449 = tpu.memref_squeeze %dma_start3A_448 : memref<1x128xi32, #tpu.memory_space<vmem>> -> memref<128xi32, #tpu.memory_space<vmem>>
    %dma_start3A_450 = arith.constant 0 : i32
    %dma_start3A_451 = tpu.memref_slice %arg2[%dma_start3A_450] : memref<1048576xi32, #tpu.memory_space<hbm>> -> memref<1048576xi32, #tpu.memory_space<hbm>>
    tpu.enqueue_indirect_dma source(%dma_start3A_451 : memref<1048576xi32, #tpu.memory_space<hbm>>) target(%dma_start3A_446 : memref<128xi32, #tpu.memory_space<vmem>>) offsets(%dma_start3A_449 : memref<128xi32, #tpu.memory_space<vmem>>) semaphore(%arg10 : memref<!tpu.dma_semaphore, #tpu.memory_space<semaphore_mem>>)
    %dma_start3A_452 = arith.constant 45 : i32
    %dma_start3A_453 = arith.constant 45 : i32
    %dma_start3A_454 = arith.constant 0 : i32
    %dma_start3A_455 = tpu.memref_slice %arg9[%dma_start3A_453, %dma_start3A_454] : memref<48x128xi32, #tpu.memory_space<vmem>> -> memref<1x128xi32, #tpu.memory_space<vmem>>
    %dma_start3A_456 = tpu.memref_squeeze %dma_start3A_455 : memref<1x128xi32, #tpu.memory_space<vmem>> -> memref<128xi32, #tpu.memory_space<vmem>>
    %dma_start3A_457 = arith.constant 0 : i32
    %dma_start3A_458 = tpu.memref_slice %arg7[%dma_start3A_452, %dma_start3A_457] : memref<48x128xi32, #tpu.memory_space<vmem>> -> memref<1x128xi32, #tpu.memory_space<vmem>>
    %dma_start3A_459 = tpu.memref_squeeze %dma_start3A_458 : memref<1x128xi32, #tpu.memory_space<vmem>> -> memref<128xi32, #tpu.memory_space<vmem>>
    %dma_start3A_460 = arith.constant 0 : i32
    %dma_start3A_461 = tpu.memref_slice %arg2[%dma_start3A_460] : memref<1048576xi32, #tpu.memory_space<hbm>> -> memref<1048576xi32, #tpu.memory_space<hbm>>
    tpu.enqueue_indirect_dma source(%dma_start3A_461 : memref<1048576xi32, #tpu.memory_space<hbm>>) target(%dma_start3A_456 : memref<128xi32, #tpu.memory_space<vmem>>) offsets(%dma_start3A_459 : memref<128xi32, #tpu.memory_space<vmem>>) semaphore(%arg10 : memref<!tpu.dma_semaphore, #tpu.memory_space<semaphore_mem>>)
    %dma_start3A_462 = arith.constant 46 : i32
    %dma_start3A_463 = arith.constant 46 : i32
    %dma_start3A_464 = arith.constant 0 : i32
    %dma_start3A_465 = tpu.memref_slice %arg9[%dma_start3A_463, %dma_start3A_464] : memref<48x128xi32, #tpu.memory_space<vmem>> -> memref<1x128xi32, #tpu.memory_space<vmem>>
    %dma_start3A_466 = tpu.memref_squeeze %dma_start3A_465 : memref<1x128xi32, #tpu.memory_space<vmem>> -> memref<128xi32, #tpu.memory_space<vmem>>
    %dma_start3A_467 = arith.constant 0 : i32
    %dma_start3A_468 = tpu.memref_slice %arg7[%dma_start3A_462, %dma_start3A_467] : memref<48x128xi32, #tpu.memory_space<vmem>> -> memref<1x128xi32, #tpu.memory_space<vmem>>
    %dma_start3A_469 = tpu.memref_squeeze %dma_start3A_468 : memref<1x128xi32, #tpu.memory_space<vmem>> -> memref<128xi32, #tpu.memory_space<vmem>>
    %dma_start3A_470 = arith.constant 0 : i32
    %dma_start3A_471 = tpu.memref_slice %arg2[%dma_start3A_470] : memref<1048576xi32, #tpu.memory_space<hbm>> -> memref<1048576xi32, #tpu.memory_space<hbm>>
    tpu.enqueue_indirect_dma source(%dma_start3A_471 : memref<1048576xi32, #tpu.memory_space<hbm>>) target(%dma_start3A_466 : memref<128xi32, #tpu.memory_space<vmem>>) offsets(%dma_start3A_469 : memref<128xi32, #tpu.memory_space<vmem>>) semaphore(%arg10 : memref<!tpu.dma_semaphore, #tpu.memory_space<semaphore_mem>>)
    %dma_start3A_472 = arith.constant 47 : i32
    %dma_start3A_473 = arith.constant 47 : i32
    %dma_start3A_474 = arith.constant 0 : i32
    %dma_start3A_475 = tpu.memref_slice %arg9[%dma_start3A_473, %dma_start3A_474] : memref<48x128xi32, #tpu.memory_space<vmem>> -> memref<1x128xi32, #tpu.memory_space<vmem>>
    %dma_start3A_476 = tpu.memref_squeeze %dma_start3A_475 : memref<1x128xi32, #tpu.memory_space<vmem>> -> memref<128xi32, #tpu.memory_space<vmem>>
    %dma_start3A_477 = arith.constant 0 : i32
    %dma_start3A_478 = tpu.memref_slice %arg7[%dma_start3A_472, %dma_start3A_477] : memref<48x128xi32, #tpu.memory_space<vmem>> -> memref<1x128xi32, #tpu.memory_space<vmem>>
    %dma_start3A_479 = tpu.memref_squeeze %dma_start3A_478 : memref<1x128xi32, #tpu.memory_space<vmem>> -> memref<128xi32, #tpu.memory_space<vmem>>
    %dma_start3A_480 = arith.constant 0 : i32
    %dma_start3A_481 = tpu.memref_slice %arg2[%dma_start3A_480] : memref<1048576xi32, #tpu.memory_space<hbm>> -> memref<1048576xi32, #tpu.memory_space<hbm>>
    tpu.enqueue_indirect_dma source(%dma_start3A_481 : memref<1048576xi32, #tpu.memory_space<hbm>>) target(%dma_start3A_476 : memref<128xi32, #tpu.memory_space<vmem>>) offsets(%dma_start3A_479 : memref<128xi32, #tpu.memory_space<vmem>>) semaphore(%arg10 : memref<!tpu.dma_semaphore, #tpu.memory_space<semaphore_mem>>)
    "tpu.region"() ({
      %run_scoped3A = tpu.sem_alloc : memref<!tpu.dma_semaphore, #tpu.memory_space<semaphore_mem>>
      %dma_start3A_1921 = tpu.memref_slice %arg5[%mul3A_2] : memref<1048576xi32, #tpu.memory_space<hbm>> -> memref<32768xi32, #tpu.memory_space<hbm>>
      %dma_start3A_1922 = tpu.memref_slice %arg5[%mul3A_2] : memref<1048576xi32, #tpu.memory_space<hbm>> -> memref<32768xi32, #tpu.memory_space<hbm>>
      tpu.enqueue_dma source(%arg6 : memref<32768xi32, #tpu.memory_space<vmem>>) target(%dma_start3A_1922 : memref<32768xi32, #tpu.memory_space<hbm>>) target_semaphore(%run_scoped3A : memref<!tpu.dma_semaphore, #tpu.memory_space<semaphore_mem>>)
      %dma_wait3A_1923 = tpu.memref_slice %arg5[%mul3A_2] : memref<1048576xi32, #tpu.memory_space<hbm>> -> memref<32768xi32, #tpu.memory_space<hbm>>
      %dma_wait3A_1924 = tpu.memref_slice %arg5[%mul3A_2] : memref<1048576xi32, #tpu.memory_space<hbm>> -> memref<32768xi32, #tpu.memory_space<hbm>>
      tpu.wait_dma2 semaphore(%run_scoped3A : memref<!tpu.dma_semaphore, #tpu.memory_space<semaphore_mem>>) src(%arg6 : memref<32768xi32, #tpu.memory_space<vmem>>) dst(%dma_wait3A_1924 : memref<32768xi32, #tpu.memory_space<hbm>>)
      tpu.yield
    }) : () -> ()
    %dma_wait3A = arith.constant 0 : i32
    %dma_wait3A_482 = arith.constant 0 : i32
    %dma_wait3A_483 = arith.constant 0 : i32
    %dma_wait3A_484 = tpu.memref_slice %arg9[%dma_wait3A_482, %dma_wait3A_483] : memref<48x128xi32, #tpu.memory_space<vmem>> -> memref<1x128xi32, #tpu.memory_space<vmem>>
    %dma_wait3A_485 = tpu.memref_squeeze %dma_wait3A_484 : memref<1x128xi32, #tpu.memory_space<vmem>> -> memref<128xi32, #tpu.memory_space<vmem>>
    %dma_wait3A_486 = arith.constant 0 : i32
    %dma_wait3A_487 = tpu.memref_slice %arg7[%dma_wait3A, %dma_wait3A_486] : memref<48x128xi32, #tpu.memory_space<vmem>> -> memref<1x128xi32, #tpu.memory_space<vmem>>
    %dma_wait3A_488 = tpu.memref_squeeze %dma_wait3A_487 : memref<1x128xi32, #tpu.memory_space<vmem>> -> memref<128xi32, #tpu.memory_space<vmem>>
    %dma_wait3A_489 = arith.constant 0 : i32
    %dma_wait3A_490 = tpu.memref_slice %arg2[%dma_wait3A_489] : memref<1048576xi32, #tpu.memory_space<hbm>> -> memref<1048576xi32, #tpu.memory_space<hbm>>
    tpu.wait_indirect_dma semaphore(%arg10 : memref<!tpu.dma_semaphore, #tpu.memory_space<semaphore_mem>>) src(%dma_wait3A_490 : memref<1048576xi32, #tpu.memory_space<hbm>>) dst(%dma_wait3A_485 : memref<128xi32, #tpu.memory_space<vmem>>)
    %dma_wait3A_491 = arith.constant 1 : i32
    %dma_wait3A_492 = arith.constant 1 : i32
    %dma_wait3A_493 = arith.constant 0 : i32
    %dma_wait3A_494 = tpu.memref_slice %arg9[%dma_wait3A_492, %dma_wait3A_493] : memref<48x128xi32, #tpu.memory_space<vmem>> -> memref<1x128xi32, #tpu.memory_space<vmem>>
    %dma_wait3A_495 = tpu.memref_squeeze %dma_wait3A_494 : memref<1x128xi32, #tpu.memory_space<vmem>> -> memref<128xi32, #tpu.memory_space<vmem>>
    %dma_wait3A_496 = arith.constant 0 : i32
    %dma_wait3A_497 = tpu.memref_slice %arg7[%dma_wait3A_491, %dma_wait3A_496] : memref<48x128xi32, #tpu.memory_space<vmem>> -> memref<1x128xi32, #tpu.memory_space<vmem>>
    %dma_wait3A_498 = tpu.memref_squeeze %dma_wait3A_497 : memref<1x128xi32, #tpu.memory_space<vmem>> -> memref<128xi32, #tpu.memory_space<vmem>>
    %dma_wait3A_499 = arith.constant 0 : i32
    %dma_wait3A_500 = tpu.memref_slice %arg2[%dma_wait3A_499] : memref<1048576xi32, #tpu.memory_space<hbm>> -> memref<1048576xi32, #tpu.memory_space<hbm>>
    tpu.wait_indirect_dma semaphore(%arg10 : memref<!tpu.dma_semaphore, #tpu.memory_space<semaphore_mem>>) src(%dma_wait3A_500 : memref<1048576xi32, #tpu.memory_space<hbm>>) dst(%dma_wait3A_495 : memref<128xi32, #tpu.memory_space<vmem>>)
    %dma_wait3A_501 = arith.constant 2 : i32
    %dma_wait3A_502 = arith.constant 2 : i32
    %dma_wait3A_503 = arith.constant 0 : i32
    %dma_wait3A_504 = tpu.memref_slice %arg9[%dma_wait3A_502, %dma_wait3A_503] : memref<48x128xi32, #tpu.memory_space<vmem>> -> memref<1x128xi32, #tpu.memory_space<vmem>>
    %dma_wait3A_505 = tpu.memref_squeeze %dma_wait3A_504 : memref<1x128xi32, #tpu.memory_space<vmem>> -> memref<128xi32, #tpu.memory_space<vmem>>
    %dma_wait3A_506 = arith.constant 0 : i32
    %dma_wait3A_507 = tpu.memref_slice %arg7[%dma_wait3A_501, %dma_wait3A_506] : memref<48x128xi32, #tpu.memory_space<vmem>> -> memref<1x128xi32, #tpu.memory_space<vmem>>
    %dma_wait3A_508 = tpu.memref_squeeze %dma_wait3A_507 : memref<1x128xi32, #tpu.memory_space<vmem>> -> memref<128xi32, #tpu.memory_space<vmem>>
    %dma_wait3A_509 = arith.constant 0 : i32
    %dma_wait3A_510 = tpu.memref_slice %arg2[%dma_wait3A_509] : memref<1048576xi32, #tpu.memory_space<hbm>> -> memref<1048576xi32, #tpu.memory_space<hbm>>
    tpu.wait_indirect_dma semaphore(%arg10 : memref<!tpu.dma_semaphore, #tpu.memory_space<semaphore_mem>>) src(%dma_wait3A_510 : memref<1048576xi32, #tpu.memory_space<hbm>>) dst(%dma_wait3A_505 : memref<128xi32, #tpu.memory_space<vmem>>)
    %dma_wait3A_511 = arith.constant 3 : i32
    %dma_wait3A_512 = arith.constant 3 : i32
    %dma_wait3A_513 = arith.constant 0 : i32
    %dma_wait3A_514 = tpu.memref_slice %arg9[%dma_wait3A_512, %dma_wait3A_513] : memref<48x128xi32, #tpu.memory_space<vmem>> -> memref<1x128xi32, #tpu.memory_space<vmem>>
    %dma_wait3A_515 = tpu.memref_squeeze %dma_wait3A_514 : memref<1x128xi32, #tpu.memory_space<vmem>> -> memref<128xi32, #tpu.memory_space<vmem>>
    %dma_wait3A_516 = arith.constant 0 : i32
    %dma_wait3A_517 = tpu.memref_slice %arg7[%dma_wait3A_511, %dma_wait3A_516] : memref<48x128xi32, #tpu.memory_space<vmem>> -> memref<1x128xi32, #tpu.memory_space<vmem>>
    %dma_wait3A_518 = tpu.memref_squeeze %dma_wait3A_517 : memref<1x128xi32, #tpu.memory_space<vmem>> -> memref<128xi32, #tpu.memory_space<vmem>>
    %dma_wait3A_519 = arith.constant 0 : i32
    %dma_wait3A_520 = tpu.memref_slice %arg2[%dma_wait3A_519] : memref<1048576xi32, #tpu.memory_space<hbm>> -> memref<1048576xi32, #tpu.memory_space<hbm>>
    tpu.wait_indirect_dma semaphore(%arg10 : memref<!tpu.dma_semaphore, #tpu.memory_space<semaphore_mem>>) src(%dma_wait3A_520 : memref<1048576xi32, #tpu.memory_space<hbm>>) dst(%dma_wait3A_515 : memref<128xi32, #tpu.memory_space<vmem>>)
    %dma_wait3A_521 = arith.constant 4 : i32
    %dma_wait3A_522 = arith.constant 4 : i32
    %dma_wait3A_523 = arith.constant 0 : i32
    %dma_wait3A_524 = tpu.memref_slice %arg9[%dma_wait3A_522, %dma_wait3A_523] : memref<48x128xi32, #tpu.memory_space<vmem>> -> memref<1x128xi32, #tpu.memory_space<vmem>>
    %dma_wait3A_525 = tpu.memref_squeeze %dma_wait3A_524 : memref<1x128xi32, #tpu.memory_space<vmem>> -> memref<128xi32, #tpu.memory_space<vmem>>
    %dma_wait3A_526 = arith.constant 0 : i32
    %dma_wait3A_527 = tpu.memref_slice %arg7[%dma_wait3A_521, %dma_wait3A_526] : memref<48x128xi32, #tpu.memory_space<vmem>> -> memref<1x128xi32, #tpu.memory_space<vmem>>
    %dma_wait3A_528 = tpu.memref_squeeze %dma_wait3A_527 : memref<1x128xi32, #tpu.memory_space<vmem>> -> memref<128xi32, #tpu.memory_space<vmem>>
    %dma_wait3A_529 = arith.constant 0 : i32
    %dma_wait3A_530 = tpu.memref_slice %arg2[%dma_wait3A_529] : memref<1048576xi32, #tpu.memory_space<hbm>> -> memref<1048576xi32, #tpu.memory_space<hbm>>
    tpu.wait_indirect_dma semaphore(%arg10 : memref<!tpu.dma_semaphore, #tpu.memory_space<semaphore_mem>>) src(%dma_wait3A_530 : memref<1048576xi32, #tpu.memory_space<hbm>>) dst(%dma_wait3A_525 : memref<128xi32, #tpu.memory_space<vmem>>)
    %dma_wait3A_531 = arith.constant 5 : i32
    %dma_wait3A_532 = arith.constant 5 : i32
    %dma_wait3A_533 = arith.constant 0 : i32
    %dma_wait3A_534 = tpu.memref_slice %arg9[%dma_wait3A_532, %dma_wait3A_533] : memref<48x128xi32, #tpu.memory_space<vmem>> -> memref<1x128xi32, #tpu.memory_space<vmem>>
    %dma_wait3A_535 = tpu.memref_squeeze %dma_wait3A_534 : memref<1x128xi32, #tpu.memory_space<vmem>> -> memref<128xi32, #tpu.memory_space<vmem>>
    %dma_wait3A_536 = arith.constant 0 : i32
    %dma_wait3A_537 = tpu.memref_slice %arg7[%dma_wait3A_531, %dma_wait3A_536] : memref<48x128xi32, #tpu.memory_space<vmem>> -> memref<1x128xi32, #tpu.memory_space<vmem>>
    %dma_wait3A_538 = tpu.memref_squeeze %dma_wait3A_537 : memref<1x128xi32, #tpu.memory_space<vmem>> -> memref<128xi32, #tpu.memory_space<vmem>>
    %dma_wait3A_539 = arith.constant 0 : i32
    %dma_wait3A_540 = tpu.memref_slice %arg2[%dma_wait3A_539] : memref<1048576xi32, #tpu.memory_space<hbm>> -> memref<1048576xi32, #tpu.memory_space<hbm>>
    tpu.wait_indirect_dma semaphore(%arg10 : memref<!tpu.dma_semaphore, #tpu.memory_space<semaphore_mem>>) src(%dma_wait3A_540 : memref<1048576xi32, #tpu.memory_space<hbm>>) dst(%dma_wait3A_535 : memref<128xi32, #tpu.memory_space<vmem>>)
    %dma_wait3A_541 = arith.constant 6 : i32
    %dma_wait3A_542 = arith.constant 6 : i32
    %dma_wait3A_543 = arith.constant 0 : i32
    %dma_wait3A_544 = tpu.memref_slice %arg9[%dma_wait3A_542, %dma_wait3A_543] : memref<48x128xi32, #tpu.memory_space<vmem>> -> memref<1x128xi32, #tpu.memory_space<vmem>>
    %dma_wait3A_545 = tpu.memref_squeeze %dma_wait3A_544 : memref<1x128xi32, #tpu.memory_space<vmem>> -> memref<128xi32, #tpu.memory_space<vmem>>
    %dma_wait3A_546 = arith.constant 0 : i32
    %dma_wait3A_547 = tpu.memref_slice %arg7[%dma_wait3A_541, %dma_wait3A_546] : memref<48x128xi32, #tpu.memory_space<vmem>> -> memref<1x128xi32, #tpu.memory_space<vmem>>
    %dma_wait3A_548 = tpu.memref_squeeze %dma_wait3A_547 : memref<1x128xi32, #tpu.memory_space<vmem>> -> memref<128xi32, #tpu.memory_space<vmem>>
    %dma_wait3A_549 = arith.constant 0 : i32
    %dma_wait3A_550 = tpu.memref_slice %arg2[%dma_wait3A_549] : memref<1048576xi32, #tpu.memory_space<hbm>> -> memref<1048576xi32, #tpu.memory_space<hbm>>
    tpu.wait_indirect_dma semaphore(%arg10 : memref<!tpu.dma_semaphore, #tpu.memory_space<semaphore_mem>>) src(%dma_wait3A_550 : memref<1048576xi32, #tpu.memory_space<hbm>>) dst(%dma_wait3A_545 : memref<128xi32, #tpu.memory_space<vmem>>)
    %dma_wait3A_551 = arith.constant 7 : i32
    %dma_wait3A_552 = arith.constant 7 : i32
    %dma_wait3A_553 = arith.constant 0 : i32
    %dma_wait3A_554 = tpu.memref_slice %arg9[%dma_wait3A_552, %dma_wait3A_553] : memref<48x128xi32, #tpu.memory_space<vmem>> -> memref<1x128xi32, #tpu.memory_space<vmem>>
    %dma_wait3A_555 = tpu.memref_squeeze %dma_wait3A_554 : memref<1x128xi32, #tpu.memory_space<vmem>> -> memref<128xi32, #tpu.memory_space<vmem>>
    %dma_wait3A_556 = arith.constant 0 : i32
    %dma_wait3A_557 = tpu.memref_slice %arg7[%dma_wait3A_551, %dma_wait3A_556] : memref<48x128xi32, #tpu.memory_space<vmem>> -> memref<1x128xi32, #tpu.memory_space<vmem>>
    %dma_wait3A_558 = tpu.memref_squeeze %dma_wait3A_557 : memref<1x128xi32, #tpu.memory_space<vmem>> -> memref<128xi32, #tpu.memory_space<vmem>>
    %dma_wait3A_559 = arith.constant 0 : i32
    %dma_wait3A_560 = tpu.memref_slice %arg2[%dma_wait3A_559] : memref<1048576xi32, #tpu.memory_space<hbm>> -> memref<1048576xi32, #tpu.memory_space<hbm>>
    tpu.wait_indirect_dma semaphore(%arg10 : memref<!tpu.dma_semaphore, #tpu.memory_space<semaphore_mem>>) src(%dma_wait3A_560 : memref<1048576xi32, #tpu.memory_space<hbm>>) dst(%dma_wait3A_555 : memref<128xi32, #tpu.memory_space<vmem>>)
    %dma_wait3A_561 = arith.constant 8 : i32
    %dma_wait3A_562 = arith.constant 8 : i32
    %dma_wait3A_563 = arith.constant 0 : i32
    %dma_wait3A_564 = tpu.memref_slice %arg9[%dma_wait3A_562, %dma_wait3A_563] : memref<48x128xi32, #tpu.memory_space<vmem>> -> memref<1x128xi32, #tpu.memory_space<vmem>>
    %dma_wait3A_565 = tpu.memref_squeeze %dma_wait3A_564 : memref<1x128xi32, #tpu.memory_space<vmem>> -> memref<128xi32, #tpu.memory_space<vmem>>
    %dma_wait3A_566 = arith.constant 0 : i32
    %dma_wait3A_567 = tpu.memref_slice %arg7[%dma_wait3A_561, %dma_wait3A_566] : memref<48x128xi32, #tpu.memory_space<vmem>> -> memref<1x128xi32, #tpu.memory_space<vmem>>
    %dma_wait3A_568 = tpu.memref_squeeze %dma_wait3A_567 : memref<1x128xi32, #tpu.memory_space<vmem>> -> memref<128xi32, #tpu.memory_space<vmem>>
    %dma_wait3A_569 = arith.constant 0 : i32
    %dma_wait3A_570 = tpu.memref_slice %arg2[%dma_wait3A_569] : memref<1048576xi32, #tpu.memory_space<hbm>> -> memref<1048576xi32, #tpu.memory_space<hbm>>
    tpu.wait_indirect_dma semaphore(%arg10 : memref<!tpu.dma_semaphore, #tpu.memory_space<semaphore_mem>>) src(%dma_wait3A_570 : memref<1048576xi32, #tpu.memory_space<hbm>>) dst(%dma_wait3A_565 : memref<128xi32, #tpu.memory_space<vmem>>)
    %dma_wait3A_571 = arith.constant 9 : i32
    %dma_wait3A_572 = arith.constant 9 : i32
    %dma_wait3A_573 = arith.constant 0 : i32
    %dma_wait3A_574 = tpu.memref_slice %arg9[%dma_wait3A_572, %dma_wait3A_573] : memref<48x128xi32, #tpu.memory_space<vmem>> -> memref<1x128xi32, #tpu.memory_space<vmem>>
    %dma_wait3A_575 = tpu.memref_squeeze %dma_wait3A_574 : memref<1x128xi32, #tpu.memory_space<vmem>> -> memref<128xi32, #tpu.memory_space<vmem>>
    %dma_wait3A_576 = arith.constant 0 : i32
    %dma_wait3A_577 = tpu.memref_slice %arg7[%dma_wait3A_571, %dma_wait3A_576] : memref<48x128xi32, #tpu.memory_space<vmem>> -> memref<1x128xi32, #tpu.memory_space<vmem>>
    %dma_wait3A_578 = tpu.memref_squeeze %dma_wait3A_577 : memref<1x128xi32, #tpu.memory_space<vmem>> -> memref<128xi32, #tpu.memory_space<vmem>>
    %dma_wait3A_579 = arith.constant 0 : i32
    %dma_wait3A_580 = tpu.memref_slice %arg2[%dma_wait3A_579] : memref<1048576xi32, #tpu.memory_space<hbm>> -> memref<1048576xi32, #tpu.memory_space<hbm>>
    tpu.wait_indirect_dma semaphore(%arg10 : memref<!tpu.dma_semaphore, #tpu.memory_space<semaphore_mem>>) src(%dma_wait3A_580 : memref<1048576xi32, #tpu.memory_space<hbm>>) dst(%dma_wait3A_575 : memref<128xi32, #tpu.memory_space<vmem>>)
    %dma_wait3A_581 = arith.constant 10 : i32
    %dma_wait3A_582 = arith.constant 10 : i32
    %dma_wait3A_583 = arith.constant 0 : i32
    %dma_wait3A_584 = tpu.memref_slice %arg9[%dma_wait3A_582, %dma_wait3A_583] : memref<48x128xi32, #tpu.memory_space<vmem>> -> memref<1x128xi32, #tpu.memory_space<vmem>>
    %dma_wait3A_585 = tpu.memref_squeeze %dma_wait3A_584 : memref<1x128xi32, #tpu.memory_space<vmem>> -> memref<128xi32, #tpu.memory_space<vmem>>
    %dma_wait3A_586 = arith.constant 0 : i32
    %dma_wait3A_587 = tpu.memref_slice %arg7[%dma_wait3A_581, %dma_wait3A_586] : memref<48x128xi32, #tpu.memory_space<vmem>> -> memref<1x128xi32, #tpu.memory_space<vmem>>
    %dma_wait3A_588 = tpu.memref_squeeze %dma_wait3A_587 : memref<1x128xi32, #tpu.memory_space<vmem>> -> memref<128xi32, #tpu.memory_space<vmem>>
    %dma_wait3A_589 = arith.constant 0 : i32
    %dma_wait3A_590 = tpu.memref_slice %arg2[%dma_wait3A_589] : memref<1048576xi32, #tpu.memory_space<hbm>> -> memref<1048576xi32, #tpu.memory_space<hbm>>
    tpu.wait_indirect_dma semaphore(%arg10 : memref<!tpu.dma_semaphore, #tpu.memory_space<semaphore_mem>>) src(%dma_wait3A_590 : memref<1048576xi32, #tpu.memory_space<hbm>>) dst(%dma_wait3A_585 : memref<128xi32, #tpu.memory_space<vmem>>)
    %dma_wait3A_591 = arith.constant 11 : i32
    %dma_wait3A_592 = arith.constant 11 : i32
    %dma_wait3A_593 = arith.constant 0 : i32
    %dma_wait3A_594 = tpu.memref_slice %arg9[%dma_wait3A_592, %dma_wait3A_593] : memref<48x128xi32, #tpu.memory_space<vmem>> -> memref<1x128xi32, #tpu.memory_space<vmem>>
    %dma_wait3A_595 = tpu.memref_squeeze %dma_wait3A_594 : memref<1x128xi32, #tpu.memory_space<vmem>> -> memref<128xi32, #tpu.memory_space<vmem>>
    %dma_wait3A_596 = arith.constant 0 : i32
    %dma_wait3A_597 = tpu.memref_slice %arg7[%dma_wait3A_591, %dma_wait3A_596] : memref<48x128xi32, #tpu.memory_space<vmem>> -> memref<1x128xi32, #tpu.memory_space<vmem>>
    %dma_wait3A_598 = tpu.memref_squeeze %dma_wait3A_597 : memref<1x128xi32, #tpu.memory_space<vmem>> -> memref<128xi32, #tpu.memory_space<vmem>>
    %dma_wait3A_599 = arith.constant 0 : i32
    %dma_wait3A_600 = tpu.memref_slice %arg2[%dma_wait3A_599] : memref<1048576xi32, #tpu.memory_space<hbm>> -> memref<1048576xi32, #tpu.memory_space<hbm>>
    tpu.wait_indirect_dma semaphore(%arg10 : memref<!tpu.dma_semaphore, #tpu.memory_space<semaphore_mem>>) src(%dma_wait3A_600 : memref<1048576xi32, #tpu.memory_space<hbm>>) dst(%dma_wait3A_595 : memref<128xi32, #tpu.memory_space<vmem>>)
    %dma_wait3A_601 = arith.constant 12 : i32
    %dma_wait3A_602 = arith.constant 12 : i32
    %dma_wait3A_603 = arith.constant 0 : i32
    %dma_wait3A_604 = tpu.memref_slice %arg9[%dma_wait3A_602, %dma_wait3A_603] : memref<48x128xi32, #tpu.memory_space<vmem>> -> memref<1x128xi32, #tpu.memory_space<vmem>>
    %dma_wait3A_605 = tpu.memref_squeeze %dma_wait3A_604 : memref<1x128xi32, #tpu.memory_space<vmem>> -> memref<128xi32, #tpu.memory_space<vmem>>
    %dma_wait3A_606 = arith.constant 0 : i32
    %dma_wait3A_607 = tpu.memref_slice %arg7[%dma_wait3A_601, %dma_wait3A_606] : memref<48x128xi32, #tpu.memory_space<vmem>> -> memref<1x128xi32, #tpu.memory_space<vmem>>
    %dma_wait3A_608 = tpu.memref_squeeze %dma_wait3A_607 : memref<1x128xi32, #tpu.memory_space<vmem>> -> memref<128xi32, #tpu.memory_space<vmem>>
    %dma_wait3A_609 = arith.constant 0 : i32
    %dma_wait3A_610 = tpu.memref_slice %arg2[%dma_wait3A_609] : memref<1048576xi32, #tpu.memory_space<hbm>> -> memref<1048576xi32, #tpu.memory_space<hbm>>
    tpu.wait_indirect_dma semaphore(%arg10 : memref<!tpu.dma_semaphore, #tpu.memory_space<semaphore_mem>>) src(%dma_wait3A_610 : memref<1048576xi32, #tpu.memory_space<hbm>>) dst(%dma_wait3A_605 : memref<128xi32, #tpu.memory_space<vmem>>)
    %dma_wait3A_611 = arith.constant 13 : i32
    %dma_wait3A_612 = arith.constant 13 : i32
    %dma_wait3A_613 = arith.constant 0 : i32
    %dma_wait3A_614 = tpu.memref_slice %arg9[%dma_wait3A_612, %dma_wait3A_613] : memref<48x128xi32, #tpu.memory_space<vmem>> -> memref<1x128xi32, #tpu.memory_space<vmem>>
    %dma_wait3A_615 = tpu.memref_squeeze %dma_wait3A_614 : memref<1x128xi32, #tpu.memory_space<vmem>> -> memref<128xi32, #tpu.memory_space<vmem>>
    %dma_wait3A_616 = arith.constant 0 : i32
    %dma_wait3A_617 = tpu.memref_slice %arg7[%dma_wait3A_611, %dma_wait3A_616] : memref<48x128xi32, #tpu.memory_space<vmem>> -> memref<1x128xi32, #tpu.memory_space<vmem>>
    %dma_wait3A_618 = tpu.memref_squeeze %dma_wait3A_617 : memref<1x128xi32, #tpu.memory_space<vmem>> -> memref<128xi32, #tpu.memory_space<vmem>>
    %dma_wait3A_619 = arith.constant 0 : i32
    %dma_wait3A_620 = tpu.memref_slice %arg2[%dma_wait3A_619] : memref<1048576xi32, #tpu.memory_space<hbm>> -> memref<1048576xi32, #tpu.memory_space<hbm>>
    tpu.wait_indirect_dma semaphore(%arg10 : memref<!tpu.dma_semaphore, #tpu.memory_space<semaphore_mem>>) src(%dma_wait3A_620 : memref<1048576xi32, #tpu.memory_space<hbm>>) dst(%dma_wait3A_615 : memref<128xi32, #tpu.memory_space<vmem>>)
    %dma_wait3A_621 = arith.constant 14 : i32
    %dma_wait3A_622 = arith.constant 14 : i32
    %dma_wait3A_623 = arith.constant 0 : i32
    %dma_wait3A_624 = tpu.memref_slice %arg9[%dma_wait3A_622, %dma_wait3A_623] : memref<48x128xi32, #tpu.memory_space<vmem>> -> memref<1x128xi32, #tpu.memory_space<vmem>>
    %dma_wait3A_625 = tpu.memref_squeeze %dma_wait3A_624 : memref<1x128xi32, #tpu.memory_space<vmem>> -> memref<128xi32, #tpu.memory_space<vmem>>
    %dma_wait3A_626 = arith.constant 0 : i32
    %dma_wait3A_627 = tpu.memref_slice %arg7[%dma_wait3A_621, %dma_wait3A_626] : memref<48x128xi32, #tpu.memory_space<vmem>> -> memref<1x128xi32, #tpu.memory_space<vmem>>
    %dma_wait3A_628 = tpu.memref_squeeze %dma_wait3A_627 : memref<1x128xi32, #tpu.memory_space<vmem>> -> memref<128xi32, #tpu.memory_space<vmem>>
    %dma_wait3A_629 = arith.constant 0 : i32
    %dma_wait3A_630 = tpu.memref_slice %arg2[%dma_wait3A_629] : memref<1048576xi32, #tpu.memory_space<hbm>> -> memref<1048576xi32, #tpu.memory_space<hbm>>
    tpu.wait_indirect_dma semaphore(%arg10 : memref<!tpu.dma_semaphore, #tpu.memory_space<semaphore_mem>>) src(%dma_wait3A_630 : memref<1048576xi32, #tpu.memory_space<hbm>>) dst(%dma_wait3A_625 : memref<128xi32, #tpu.memory_space<vmem>>)
    %dma_wait3A_631 = arith.constant 15 : i32
    %dma_wait3A_632 = arith.constant 15 : i32
    %dma_wait3A_633 = arith.constant 0 : i32
    %dma_wait3A_634 = tpu.memref_slice %arg9[%dma_wait3A_632, %dma_wait3A_633] : memref<48x128xi32, #tpu.memory_space<vmem>> -> memref<1x128xi32, #tpu.memory_space<vmem>>
    %dma_wait3A_635 = tpu.memref_squeeze %dma_wait3A_634 : memref<1x128xi32, #tpu.memory_space<vmem>> -> memref<128xi32, #tpu.memory_space<vmem>>
    %dma_wait3A_636 = arith.constant 0 : i32
    %dma_wait3A_637 = tpu.memref_slice %arg7[%dma_wait3A_631, %dma_wait3A_636] : memref<48x128xi32, #tpu.memory_space<vmem>> -> memref<1x128xi32, #tpu.memory_space<vmem>>
    %dma_wait3A_638 = tpu.memref_squeeze %dma_wait3A_637 : memref<1x128xi32, #tpu.memory_space<vmem>> -> memref<128xi32, #tpu.memory_space<vmem>>
    %dma_wait3A_639 = arith.constant 0 : i32
    %dma_wait3A_640 = tpu.memref_slice %arg2[%dma_wait3A_639] : memref<1048576xi32, #tpu.memory_space<hbm>> -> memref<1048576xi32, #tpu.memory_space<hbm>>
    tpu.wait_indirect_dma semaphore(%arg10 : memref<!tpu.dma_semaphore, #tpu.memory_space<semaphore_mem>>) src(%dma_wait3A_640 : memref<1048576xi32, #tpu.memory_space<hbm>>) dst(%dma_wait3A_635 : memref<128xi32, #tpu.memory_space<vmem>>)
    %dma_wait3A_641 = arith.constant 16 : i32
    %dma_wait3A_642 = arith.constant 16 : i32
    %dma_wait3A_643 = arith.constant 0 : i32
    %dma_wait3A_644 = tpu.memref_slice %arg9[%dma_wait3A_642, %dma_wait3A_643] : memref<48x128xi32, #tpu.memory_space<vmem>> -> memref<1x128xi32, #tpu.memory_space<vmem>>
    %dma_wait3A_645 = tpu.memref_squeeze %dma_wait3A_644 : memref<1x128xi32, #tpu.memory_space<vmem>> -> memref<128xi32, #tpu.memory_space<vmem>>
    %dma_wait3A_646 = arith.constant 0 : i32
    %dma_wait3A_647 = tpu.memref_slice %arg7[%dma_wait3A_641, %dma_wait3A_646] : memref<48x128xi32, #tpu.memory_space<vmem>> -> memref<1x128xi32, #tpu.memory_space<vmem>>
    %dma_wait3A_648 = tpu.memref_squeeze %dma_wait3A_647 : memref<1x128xi32, #tpu.memory_space<vmem>> -> memref<128xi32, #tpu.memory_space<vmem>>
    %dma_wait3A_649 = arith.constant 0 : i32
    %dma_wait3A_650 = tpu.memref_slice %arg2[%dma_wait3A_649] : memref<1048576xi32, #tpu.memory_space<hbm>> -> memref<1048576xi32, #tpu.memory_space<hbm>>
    tpu.wait_indirect_dma semaphore(%arg10 : memref<!tpu.dma_semaphore, #tpu.memory_space<semaphore_mem>>) src(%dma_wait3A_650 : memref<1048576xi32, #tpu.memory_space<hbm>>) dst(%dma_wait3A_645 : memref<128xi32, #tpu.memory_space<vmem>>)
    %dma_wait3A_651 = arith.constant 17 : i32
    %dma_wait3A_652 = arith.constant 17 : i32
    %dma_wait3A_653 = arith.constant 0 : i32
    %dma_wait3A_654 = tpu.memref_slice %arg9[%dma_wait3A_652, %dma_wait3A_653] : memref<48x128xi32, #tpu.memory_space<vmem>> -> memref<1x128xi32, #tpu.memory_space<vmem>>
    %dma_wait3A_655 = tpu.memref_squeeze %dma_wait3A_654 : memref<1x128xi32, #tpu.memory_space<vmem>> -> memref<128xi32, #tpu.memory_space<vmem>>
    %dma_wait3A_656 = arith.constant 0 : i32
    %dma_wait3A_657 = tpu.memref_slice %arg7[%dma_wait3A_651, %dma_wait3A_656] : memref<48x128xi32, #tpu.memory_space<vmem>> -> memref<1x128xi32, #tpu.memory_space<vmem>>
    %dma_wait3A_658 = tpu.memref_squeeze %dma_wait3A_657 : memref<1x128xi32, #tpu.memory_space<vmem>> -> memref<128xi32, #tpu.memory_space<vmem>>
    %dma_wait3A_659 = arith.constant 0 : i32
    %dma_wait3A_660 = tpu.memref_slice %arg2[%dma_wait3A_659] : memref<1048576xi32, #tpu.memory_space<hbm>> -> memref<1048576xi32, #tpu.memory_space<hbm>>
    tpu.wait_indirect_dma semaphore(%arg10 : memref<!tpu.dma_semaphore, #tpu.memory_space<semaphore_mem>>) src(%dma_wait3A_660 : memref<1048576xi32, #tpu.memory_space<hbm>>) dst(%dma_wait3A_655 : memref<128xi32, #tpu.memory_space<vmem>>)
    %dma_wait3A_661 = arith.constant 18 : i32
    %dma_wait3A_662 = arith.constant 18 : i32
    %dma_wait3A_663 = arith.constant 0 : i32
    %dma_wait3A_664 = tpu.memref_slice %arg9[%dma_wait3A_662, %dma_wait3A_663] : memref<48x128xi32, #tpu.memory_space<vmem>> -> memref<1x128xi32, #tpu.memory_space<vmem>>
    %dma_wait3A_665 = tpu.memref_squeeze %dma_wait3A_664 : memref<1x128xi32, #tpu.memory_space<vmem>> -> memref<128xi32, #tpu.memory_space<vmem>>
    %dma_wait3A_666 = arith.constant 0 : i32
    %dma_wait3A_667 = tpu.memref_slice %arg7[%dma_wait3A_661, %dma_wait3A_666] : memref<48x128xi32, #tpu.memory_space<vmem>> -> memref<1x128xi32, #tpu.memory_space<vmem>>
    %dma_wait3A_668 = tpu.memref_squeeze %dma_wait3A_667 : memref<1x128xi32, #tpu.memory_space<vmem>> -> memref<128xi32, #tpu.memory_space<vmem>>
    %dma_wait3A_669 = arith.constant 0 : i32
    %dma_wait3A_670 = tpu.memref_slice %arg2[%dma_wait3A_669] : memref<1048576xi32, #tpu.memory_space<hbm>> -> memref<1048576xi32, #tpu.memory_space<hbm>>
    tpu.wait_indirect_dma semaphore(%arg10 : memref<!tpu.dma_semaphore, #tpu.memory_space<semaphore_mem>>) src(%dma_wait3A_670 : memref<1048576xi32, #tpu.memory_space<hbm>>) dst(%dma_wait3A_665 : memref<128xi32, #tpu.memory_space<vmem>>)
    %dma_wait3A_671 = arith.constant 19 : i32
    %dma_wait3A_672 = arith.constant 19 : i32
    %dma_wait3A_673 = arith.constant 0 : i32
    %dma_wait3A_674 = tpu.memref_slice %arg9[%dma_wait3A_672, %dma_wait3A_673] : memref<48x128xi32, #tpu.memory_space<vmem>> -> memref<1x128xi32, #tpu.memory_space<vmem>>
    %dma_wait3A_675 = tpu.memref_squeeze %dma_wait3A_674 : memref<1x128xi32, #tpu.memory_space<vmem>> -> memref<128xi32, #tpu.memory_space<vmem>>
    %dma_wait3A_676 = arith.constant 0 : i32
    %dma_wait3A_677 = tpu.memref_slice %arg7[%dma_wait3A_671, %dma_wait3A_676] : memref<48x128xi32, #tpu.memory_space<vmem>> -> memref<1x128xi32, #tpu.memory_space<vmem>>
    %dma_wait3A_678 = tpu.memref_squeeze %dma_wait3A_677 : memref<1x128xi32, #tpu.memory_space<vmem>> -> memref<128xi32, #tpu.memory_space<vmem>>
    %dma_wait3A_679 = arith.constant 0 : i32
    %dma_wait3A_680 = tpu.memref_slice %arg2[%dma_wait3A_679] : memref<1048576xi32, #tpu.memory_space<hbm>> -> memref<1048576xi32, #tpu.memory_space<hbm>>
    tpu.wait_indirect_dma semaphore(%arg10 : memref<!tpu.dma_semaphore, #tpu.memory_space<semaphore_mem>>) src(%dma_wait3A_680 : memref<1048576xi32, #tpu.memory_space<hbm>>) dst(%dma_wait3A_675 : memref<128xi32, #tpu.memory_space<vmem>>)
    %dma_wait3A_681 = arith.constant 20 : i32
    %dma_wait3A_682 = arith.constant 20 : i32
    %dma_wait3A_683 = arith.constant 0 : i32
    %dma_wait3A_684 = tpu.memref_slice %arg9[%dma_wait3A_682, %dma_wait3A_683] : memref<48x128xi32, #tpu.memory_space<vmem>> -> memref<1x128xi32, #tpu.memory_space<vmem>>
    %dma_wait3A_685 = tpu.memref_squeeze %dma_wait3A_684 : memref<1x128xi32, #tpu.memory_space<vmem>> -> memref<128xi32, #tpu.memory_space<vmem>>
    %dma_wait3A_686 = arith.constant 0 : i32
    %dma_wait3A_687 = tpu.memref_slice %arg7[%dma_wait3A_681, %dma_wait3A_686] : memref<48x128xi32, #tpu.memory_space<vmem>> -> memref<1x128xi32, #tpu.memory_space<vmem>>
    %dma_wait3A_688 = tpu.memref_squeeze %dma_wait3A_687 : memref<1x128xi32, #tpu.memory_space<vmem>> -> memref<128xi32, #tpu.memory_space<vmem>>
    %dma_wait3A_689 = arith.constant 0 : i32
    %dma_wait3A_690 = tpu.memref_slice %arg2[%dma_wait3A_689] : memref<1048576xi32, #tpu.memory_space<hbm>> -> memref<1048576xi32, #tpu.memory_space<hbm>>
    tpu.wait_indirect_dma semaphore(%arg10 : memref<!tpu.dma_semaphore, #tpu.memory_space<semaphore_mem>>) src(%dma_wait3A_690 : memref<1048576xi32, #tpu.memory_space<hbm>>) dst(%dma_wait3A_685 : memref<128xi32, #tpu.memory_space<vmem>>)
    %dma_wait3A_691 = arith.constant 21 : i32
    %dma_wait3A_692 = arith.constant 21 : i32
    %dma_wait3A_693 = arith.constant 0 : i32
    %dma_wait3A_694 = tpu.memref_slice %arg9[%dma_wait3A_692, %dma_wait3A_693] : memref<48x128xi32, #tpu.memory_space<vmem>> -> memref<1x128xi32, #tpu.memory_space<vmem>>
    %dma_wait3A_695 = tpu.memref_squeeze %dma_wait3A_694 : memref<1x128xi32, #tpu.memory_space<vmem>> -> memref<128xi32, #tpu.memory_space<vmem>>
    %dma_wait3A_696 = arith.constant 0 : i32
    %dma_wait3A_697 = tpu.memref_slice %arg7[%dma_wait3A_691, %dma_wait3A_696] : memref<48x128xi32, #tpu.memory_space<vmem>> -> memref<1x128xi32, #tpu.memory_space<vmem>>
    %dma_wait3A_698 = tpu.memref_squeeze %dma_wait3A_697 : memref<1x128xi32, #tpu.memory_space<vmem>> -> memref<128xi32, #tpu.memory_space<vmem>>
    %dma_wait3A_699 = arith.constant 0 : i32
    %dma_wait3A_700 = tpu.memref_slice %arg2[%dma_wait3A_699] : memref<1048576xi32, #tpu.memory_space<hbm>> -> memref<1048576xi32, #tpu.memory_space<hbm>>
    tpu.wait_indirect_dma semaphore(%arg10 : memref<!tpu.dma_semaphore, #tpu.memory_space<semaphore_mem>>) src(%dma_wait3A_700 : memref<1048576xi32, #tpu.memory_space<hbm>>) dst(%dma_wait3A_695 : memref<128xi32, #tpu.memory_space<vmem>>)
    %dma_wait3A_701 = arith.constant 22 : i32
    %dma_wait3A_702 = arith.constant 22 : i32
    %dma_wait3A_703 = arith.constant 0 : i32
    %dma_wait3A_704 = tpu.memref_slice %arg9[%dma_wait3A_702, %dma_wait3A_703] : memref<48x128xi32, #tpu.memory_space<vmem>> -> memref<1x128xi32, #tpu.memory_space<vmem>>
    %dma_wait3A_705 = tpu.memref_squeeze %dma_wait3A_704 : memref<1x128xi32, #tpu.memory_space<vmem>> -> memref<128xi32, #tpu.memory_space<vmem>>
    %dma_wait3A_706 = arith.constant 0 : i32
    %dma_wait3A_707 = tpu.memref_slice %arg7[%dma_wait3A_701, %dma_wait3A_706] : memref<48x128xi32, #tpu.memory_space<vmem>> -> memref<1x128xi32, #tpu.memory_space<vmem>>
    %dma_wait3A_708 = tpu.memref_squeeze %dma_wait3A_707 : memref<1x128xi32, #tpu.memory_space<vmem>> -> memref<128xi32, #tpu.memory_space<vmem>>
    %dma_wait3A_709 = arith.constant 0 : i32
    %dma_wait3A_710 = tpu.memref_slice %arg2[%dma_wait3A_709] : memref<1048576xi32, #tpu.memory_space<hbm>> -> memref<1048576xi32, #tpu.memory_space<hbm>>
    tpu.wait_indirect_dma semaphore(%arg10 : memref<!tpu.dma_semaphore, #tpu.memory_space<semaphore_mem>>) src(%dma_wait3A_710 : memref<1048576xi32, #tpu.memory_space<hbm>>) dst(%dma_wait3A_705 : memref<128xi32, #tpu.memory_space<vmem>>)
    %dma_wait3A_711 = arith.constant 23 : i32
    %dma_wait3A_712 = arith.constant 23 : i32
    %dma_wait3A_713 = arith.constant 0 : i32
    %dma_wait3A_714 = tpu.memref_slice %arg9[%dma_wait3A_712, %dma_wait3A_713] : memref<48x128xi32, #tpu.memory_space<vmem>> -> memref<1x128xi32, #tpu.memory_space<vmem>>
    %dma_wait3A_715 = tpu.memref_squeeze %dma_wait3A_714 : memref<1x128xi32, #tpu.memory_space<vmem>> -> memref<128xi32, #tpu.memory_space<vmem>>
    %dma_wait3A_716 = arith.constant 0 : i32
    %dma_wait3A_717 = tpu.memref_slice %arg7[%dma_wait3A_711, %dma_wait3A_716] : memref<48x128xi32, #tpu.memory_space<vmem>> -> memref<1x128xi32, #tpu.memory_space<vmem>>
    %dma_wait3A_718 = tpu.memref_squeeze %dma_wait3A_717 : memref<1x128xi32, #tpu.memory_space<vmem>> -> memref<128xi32, #tpu.memory_space<vmem>>
    %dma_wait3A_719 = arith.constant 0 : i32
    %dma_wait3A_720 = tpu.memref_slice %arg2[%dma_wait3A_719] : memref<1048576xi32, #tpu.memory_space<hbm>> -> memref<1048576xi32, #tpu.memory_space<hbm>>
    tpu.wait_indirect_dma semaphore(%arg10 : memref<!tpu.dma_semaphore, #tpu.memory_space<semaphore_mem>>) src(%dma_wait3A_720 : memref<1048576xi32, #tpu.memory_space<hbm>>) dst(%dma_wait3A_715 : memref<128xi32, #tpu.memory_space<vmem>>)
    %dma_wait3A_721 = arith.constant 24 : i32
    %dma_wait3A_722 = arith.constant 24 : i32
    %dma_wait3A_723 = arith.constant 0 : i32
    %dma_wait3A_724 = tpu.memref_slice %arg9[%dma_wait3A_722, %dma_wait3A_723] : memref<48x128xi32, #tpu.memory_space<vmem>> -> memref<1x128xi32, #tpu.memory_space<vmem>>
    %dma_wait3A_725 = tpu.memref_squeeze %dma_wait3A_724 : memref<1x128xi32, #tpu.memory_space<vmem>> -> memref<128xi32, #tpu.memory_space<vmem>>
    %dma_wait3A_726 = arith.constant 0 : i32
    %dma_wait3A_727 = tpu.memref_slice %arg7[%dma_wait3A_721, %dma_wait3A_726] : memref<48x128xi32, #tpu.memory_space<vmem>> -> memref<1x128xi32, #tpu.memory_space<vmem>>
    %dma_wait3A_728 = tpu.memref_squeeze %dma_wait3A_727 : memref<1x128xi32, #tpu.memory_space<vmem>> -> memref<128xi32, #tpu.memory_space<vmem>>
    %dma_wait3A_729 = arith.constant 0 : i32
    %dma_wait3A_730 = tpu.memref_slice %arg2[%dma_wait3A_729] : memref<1048576xi32, #tpu.memory_space<hbm>> -> memref<1048576xi32, #tpu.memory_space<hbm>>
    tpu.wait_indirect_dma semaphore(%arg10 : memref<!tpu.dma_semaphore, #tpu.memory_space<semaphore_mem>>) src(%dma_wait3A_730 : memref<1048576xi32, #tpu.memory_space<hbm>>) dst(%dma_wait3A_725 : memref<128xi32, #tpu.memory_space<vmem>>)
    %dma_wait3A_731 = arith.constant 25 : i32
    %dma_wait3A_732 = arith.constant 25 : i32
    %dma_wait3A_733 = arith.constant 0 : i32
    %dma_wait3A_734 = tpu.memref_slice %arg9[%dma_wait3A_732, %dma_wait3A_733] : memref<48x128xi32, #tpu.memory_space<vmem>> -> memref<1x128xi32, #tpu.memory_space<vmem>>
    %dma_wait3A_735 = tpu.memref_squeeze %dma_wait3A_734 : memref<1x128xi32, #tpu.memory_space<vmem>> -> memref<128xi32, #tpu.memory_space<vmem>>
    %dma_wait3A_736 = arith.constant 0 : i32
    %dma_wait3A_737 = tpu.memref_slice %arg7[%dma_wait3A_731, %dma_wait3A_736] : memref<48x128xi32, #tpu.memory_space<vmem>> -> memref<1x128xi32, #tpu.memory_space<vmem>>
    %dma_wait3A_738 = tpu.memref_squeeze %dma_wait3A_737 : memref<1x128xi32, #tpu.memory_space<vmem>> -> memref<128xi32, #tpu.memory_space<vmem>>
    %dma_wait3A_739 = arith.constant 0 : i32
    %dma_wait3A_740 = tpu.memref_slice %arg2[%dma_wait3A_739] : memref<1048576xi32, #tpu.memory_space<hbm>> -> memref<1048576xi32, #tpu.memory_space<hbm>>
    tpu.wait_indirect_dma semaphore(%arg10 : memref<!tpu.dma_semaphore, #tpu.memory_space<semaphore_mem>>) src(%dma_wait3A_740 : memref<1048576xi32, #tpu.memory_space<hbm>>) dst(%dma_wait3A_735 : memref<128xi32, #tpu.memory_space<vmem>>)
    %dma_wait3A_741 = arith.constant 26 : i32
    %dma_wait3A_742 = arith.constant 26 : i32
    %dma_wait3A_743 = arith.constant 0 : i32
    %dma_wait3A_744 = tpu.memref_slice %arg9[%dma_wait3A_742, %dma_wait3A_743] : memref<48x128xi32, #tpu.memory_space<vmem>> -> memref<1x128xi32, #tpu.memory_space<vmem>>
    %dma_wait3A_745 = tpu.memref_squeeze %dma_wait3A_744 : memref<1x128xi32, #tpu.memory_space<vmem>> -> memref<128xi32, #tpu.memory_space<vmem>>
    %dma_wait3A_746 = arith.constant 0 : i32
    %dma_wait3A_747 = tpu.memref_slice %arg7[%dma_wait3A_741, %dma_wait3A_746] : memref<48x128xi32, #tpu.memory_space<vmem>> -> memref<1x128xi32, #tpu.memory_space<vmem>>
    %dma_wait3A_748 = tpu.memref_squeeze %dma_wait3A_747 : memref<1x128xi32, #tpu.memory_space<vmem>> -> memref<128xi32, #tpu.memory_space<vmem>>
    %dma_wait3A_749 = arith.constant 0 : i32
    %dma_wait3A_750 = tpu.memref_slice %arg2[%dma_wait3A_749] : memref<1048576xi32, #tpu.memory_space<hbm>> -> memref<1048576xi32, #tpu.memory_space<hbm>>
    tpu.wait_indirect_dma semaphore(%arg10 : memref<!tpu.dma_semaphore, #tpu.memory_space<semaphore_mem>>) src(%dma_wait3A_750 : memref<1048576xi32, #tpu.memory_space<hbm>>) dst(%dma_wait3A_745 : memref<128xi32, #tpu.memory_space<vmem>>)
    %dma_wait3A_751 = arith.constant 27 : i32
    %dma_wait3A_752 = arith.constant 27 : i32
    %dma_wait3A_753 = arith.constant 0 : i32
    %dma_wait3A_754 = tpu.memref_slice %arg9[%dma_wait3A_752, %dma_wait3A_753] : memref<48x128xi32, #tpu.memory_space<vmem>> -> memref<1x128xi32, #tpu.memory_space<vmem>>
    %dma_wait3A_755 = tpu.memref_squeeze %dma_wait3A_754 : memref<1x128xi32, #tpu.memory_space<vmem>> -> memref<128xi32, #tpu.memory_space<vmem>>
    %dma_wait3A_756 = arith.constant 0 : i32
    %dma_wait3A_757 = tpu.memref_slice %arg7[%dma_wait3A_751, %dma_wait3A_756] : memref<48x128xi32, #tpu.memory_space<vmem>> -> memref<1x128xi32, #tpu.memory_space<vmem>>
    %dma_wait3A_758 = tpu.memref_squeeze %dma_wait3A_757 : memref<1x128xi32, #tpu.memory_space<vmem>> -> memref<128xi32, #tpu.memory_space<vmem>>
    %dma_wait3A_759 = arith.constant 0 : i32
    %dma_wait3A_760 = tpu.memref_slice %arg2[%dma_wait3A_759] : memref<1048576xi32, #tpu.memory_space<hbm>> -> memref<1048576xi32, #tpu.memory_space<hbm>>
    tpu.wait_indirect_dma semaphore(%arg10 : memref<!tpu.dma_semaphore, #tpu.memory_space<semaphore_mem>>) src(%dma_wait3A_760 : memref<1048576xi32, #tpu.memory_space<hbm>>) dst(%dma_wait3A_755 : memref<128xi32, #tpu.memory_space<vmem>>)
    %dma_wait3A_761 = arith.constant 28 : i32
    %dma_wait3A_762 = arith.constant 28 : i32
    %dma_wait3A_763 = arith.constant 0 : i32
    %dma_wait3A_764 = tpu.memref_slice %arg9[%dma_wait3A_762, %dma_wait3A_763] : memref<48x128xi32, #tpu.memory_space<vmem>> -> memref<1x128xi32, #tpu.memory_space<vmem>>
    %dma_wait3A_765 = tpu.memref_squeeze %dma_wait3A_764 : memref<1x128xi32, #tpu.memory_space<vmem>> -> memref<128xi32, #tpu.memory_space<vmem>>
    %dma_wait3A_766 = arith.constant 0 : i32
    %dma_wait3A_767 = tpu.memref_slice %arg7[%dma_wait3A_761, %dma_wait3A_766] : memref<48x128xi32, #tpu.memory_space<vmem>> -> memref<1x128xi32, #tpu.memory_space<vmem>>
    %dma_wait3A_768 = tpu.memref_squeeze %dma_wait3A_767 : memref<1x128xi32, #tpu.memory_space<vmem>> -> memref<128xi32, #tpu.memory_space<vmem>>
    %dma_wait3A_769 = arith.constant 0 : i32
    %dma_wait3A_770 = tpu.memref_slice %arg2[%dma_wait3A_769] : memref<1048576xi32, #tpu.memory_space<hbm>> -> memref<1048576xi32, #tpu.memory_space<hbm>>
    tpu.wait_indirect_dma semaphore(%arg10 : memref<!tpu.dma_semaphore, #tpu.memory_space<semaphore_mem>>) src(%dma_wait3A_770 : memref<1048576xi32, #tpu.memory_space<hbm>>) dst(%dma_wait3A_765 : memref<128xi32, #tpu.memory_space<vmem>>)
    %dma_wait3A_771 = arith.constant 29 : i32
    %dma_wait3A_772 = arith.constant 29 : i32
    %dma_wait3A_773 = arith.constant 0 : i32
    %dma_wait3A_774 = tpu.memref_slice %arg9[%dma_wait3A_772, %dma_wait3A_773] : memref<48x128xi32, #tpu.memory_space<vmem>> -> memref<1x128xi32, #tpu.memory_space<vmem>>
    %dma_wait3A_775 = tpu.memref_squeeze %dma_wait3A_774 : memref<1x128xi32, #tpu.memory_space<vmem>> -> memref<128xi32, #tpu.memory_space<vmem>>
    %dma_wait3A_776 = arith.constant 0 : i32
    %dma_wait3A_777 = tpu.memref_slice %arg7[%dma_wait3A_771, %dma_wait3A_776] : memref<48x128xi32, #tpu.memory_space<vmem>> -> memref<1x128xi32, #tpu.memory_space<vmem>>
    %dma_wait3A_778 = tpu.memref_squeeze %dma_wait3A_777 : memref<1x128xi32, #tpu.memory_space<vmem>> -> memref<128xi32, #tpu.memory_space<vmem>>
    %dma_wait3A_779 = arith.constant 0 : i32
    %dma_wait3A_780 = tpu.memref_slice %arg2[%dma_wait3A_779] : memref<1048576xi32, #tpu.memory_space<hbm>> -> memref<1048576xi32, #tpu.memory_space<hbm>>
    tpu.wait_indirect_dma semaphore(%arg10 : memref<!tpu.dma_semaphore, #tpu.memory_space<semaphore_mem>>) src(%dma_wait3A_780 : memref<1048576xi32, #tpu.memory_space<hbm>>) dst(%dma_wait3A_775 : memref<128xi32, #tpu.memory_space<vmem>>)
    %dma_wait3A_781 = arith.constant 30 : i32
    %dma_wait3A_782 = arith.constant 30 : i32
    %dma_wait3A_783 = arith.constant 0 : i32
    %dma_wait3A_784 = tpu.memref_slice %arg9[%dma_wait3A_782, %dma_wait3A_783] : memref<48x128xi32, #tpu.memory_space<vmem>> -> memref<1x128xi32, #tpu.memory_space<vmem>>
    %dma_wait3A_785 = tpu.memref_squeeze %dma_wait3A_784 : memref<1x128xi32, #tpu.memory_space<vmem>> -> memref<128xi32, #tpu.memory_space<vmem>>
    %dma_wait3A_786 = arith.constant 0 : i32
    %dma_wait3A_787 = tpu.memref_slice %arg7[%dma_wait3A_781, %dma_wait3A_786] : memref<48x128xi32, #tpu.memory_space<vmem>> -> memref<1x128xi32, #tpu.memory_space<vmem>>
    %dma_wait3A_788 = tpu.memref_squeeze %dma_wait3A_787 : memref<1x128xi32, #tpu.memory_space<vmem>> -> memref<128xi32, #tpu.memory_space<vmem>>
    %dma_wait3A_789 = arith.constant 0 : i32
    %dma_wait3A_790 = tpu.memref_slice %arg2[%dma_wait3A_789] : memref<1048576xi32, #tpu.memory_space<hbm>> -> memref<1048576xi32, #tpu.memory_space<hbm>>
    tpu.wait_indirect_dma semaphore(%arg10 : memref<!tpu.dma_semaphore, #tpu.memory_space<semaphore_mem>>) src(%dma_wait3A_790 : memref<1048576xi32, #tpu.memory_space<hbm>>) dst(%dma_wait3A_785 : memref<128xi32, #tpu.memory_space<vmem>>)
    %dma_wait3A_791 = arith.constant 31 : i32
    %dma_wait3A_792 = arith.constant 31 : i32
    %dma_wait3A_793 = arith.constant 0 : i32
    %dma_wait3A_794 = tpu.memref_slice %arg9[%dma_wait3A_792, %dma_wait3A_793] : memref<48x128xi32, #tpu.memory_space<vmem>> -> memref<1x128xi32, #tpu.memory_space<vmem>>
    %dma_wait3A_795 = tpu.memref_squeeze %dma_wait3A_794 : memref<1x128xi32, #tpu.memory_space<vmem>> -> memref<128xi32, #tpu.memory_space<vmem>>
    %dma_wait3A_796 = arith.constant 0 : i32
    %dma_wait3A_797 = tpu.memref_slice %arg7[%dma_wait3A_791, %dma_wait3A_796] : memref<48x128xi32, #tpu.memory_space<vmem>> -> memref<1x128xi32, #tpu.memory_space<vmem>>
    %dma_wait3A_798 = tpu.memref_squeeze %dma_wait3A_797 : memref<1x128xi32, #tpu.memory_space<vmem>> -> memref<128xi32, #tpu.memory_space<vmem>>
    %dma_wait3A_799 = arith.constant 0 : i32
    %dma_wait3A_800 = tpu.memref_slice %arg2[%dma_wait3A_799] : memref<1048576xi32, #tpu.memory_space<hbm>> -> memref<1048576xi32, #tpu.memory_space<hbm>>
    tpu.wait_indirect_dma semaphore(%arg10 : memref<!tpu.dma_semaphore, #tpu.memory_space<semaphore_mem>>) src(%dma_wait3A_800 : memref<1048576xi32, #tpu.memory_space<hbm>>) dst(%dma_wait3A_795 : memref<128xi32, #tpu.memory_space<vmem>>)
    %dma_wait3A_801 = arith.constant 32 : i32
    %dma_wait3A_802 = arith.constant 32 : i32
    %dma_wait3A_803 = arith.constant 0 : i32
    %dma_wait3A_804 = tpu.memref_slice %arg9[%dma_wait3A_802, %dma_wait3A_803] : memref<48x128xi32, #tpu.memory_space<vmem>> -> memref<1x128xi32, #tpu.memory_space<vmem>>
    %dma_wait3A_805 = tpu.memref_squeeze %dma_wait3A_804 : memref<1x128xi32, #tpu.memory_space<vmem>> -> memref<128xi32, #tpu.memory_space<vmem>>
    %dma_wait3A_806 = arith.constant 0 : i32
    %dma_wait3A_807 = tpu.memref_slice %arg7[%dma_wait3A_801, %dma_wait3A_806] : memref<48x128xi32, #tpu.memory_space<vmem>> -> memref<1x128xi32, #tpu.memory_space<vmem>>
    %dma_wait3A_808 = tpu.memref_squeeze %dma_wait3A_807 : memref<1x128xi32, #tpu.memory_space<vmem>> -> memref<128xi32, #tpu.memory_space<vmem>>
    %dma_wait3A_809 = arith.constant 0 : i32
    %dma_wait3A_810 = tpu.memref_slice %arg2[%dma_wait3A_809] : memref<1048576xi32, #tpu.memory_space<hbm>> -> memref<1048576xi32, #tpu.memory_space<hbm>>
    tpu.wait_indirect_dma semaphore(%arg10 : memref<!tpu.dma_semaphore, #tpu.memory_space<semaphore_mem>>) src(%dma_wait3A_810 : memref<1048576xi32, #tpu.memory_space<hbm>>) dst(%dma_wait3A_805 : memref<128xi32, #tpu.memory_space<vmem>>)
    %dma_wait3A_811 = arith.constant 33 : i32
    %dma_wait3A_812 = arith.constant 33 : i32
    %dma_wait3A_813 = arith.constant 0 : i32
    %dma_wait3A_814 = tpu.memref_slice %arg9[%dma_wait3A_812, %dma_wait3A_813] : memref<48x128xi32, #tpu.memory_space<vmem>> -> memref<1x128xi32, #tpu.memory_space<vmem>>
    %dma_wait3A_815 = tpu.memref_squeeze %dma_wait3A_814 : memref<1x128xi32, #tpu.memory_space<vmem>> -> memref<128xi32, #tpu.memory_space<vmem>>
    %dma_wait3A_816 = arith.constant 0 : i32
    %dma_wait3A_817 = tpu.memref_slice %arg7[%dma_wait3A_811, %dma_wait3A_816] : memref<48x128xi32, #tpu.memory_space<vmem>> -> memref<1x128xi32, #tpu.memory_space<vmem>>
    %dma_wait3A_818 = tpu.memref_squeeze %dma_wait3A_817 : memref<1x128xi32, #tpu.memory_space<vmem>> -> memref<128xi32, #tpu.memory_space<vmem>>
    %dma_wait3A_819 = arith.constant 0 : i32
    %dma_wait3A_820 = tpu.memref_slice %arg2[%dma_wait3A_819] : memref<1048576xi32, #tpu.memory_space<hbm>> -> memref<1048576xi32, #tpu.memory_space<hbm>>
    tpu.wait_indirect_dma semaphore(%arg10 : memref<!tpu.dma_semaphore, #tpu.memory_space<semaphore_mem>>) src(%dma_wait3A_820 : memref<1048576xi32, #tpu.memory_space<hbm>>) dst(%dma_wait3A_815 : memref<128xi32, #tpu.memory_space<vmem>>)
    %dma_wait3A_821 = arith.constant 34 : i32
    %dma_wait3A_822 = arith.constant 34 : i32
    %dma_wait3A_823 = arith.constant 0 : i32
    %dma_wait3A_824 = tpu.memref_slice %arg9[%dma_wait3A_822, %dma_wait3A_823] : memref<48x128xi32, #tpu.memory_space<vmem>> -> memref<1x128xi32, #tpu.memory_space<vmem>>
    %dma_wait3A_825 = tpu.memref_squeeze %dma_wait3A_824 : memref<1x128xi32, #tpu.memory_space<vmem>> -> memref<128xi32, #tpu.memory_space<vmem>>
    %dma_wait3A_826 = arith.constant 0 : i32
    %dma_wait3A_827 = tpu.memref_slice %arg7[%dma_wait3A_821, %dma_wait3A_826] : memref<48x128xi32, #tpu.memory_space<vmem>> -> memref<1x128xi32, #tpu.memory_space<vmem>>
    %dma_wait3A_828 = tpu.memref_squeeze %dma_wait3A_827 : memref<1x128xi32, #tpu.memory_space<vmem>> -> memref<128xi32, #tpu.memory_space<vmem>>
    %dma_wait3A_829 = arith.constant 0 : i32
    %dma_wait3A_830 = tpu.memref_slice %arg2[%dma_wait3A_829] : memref<1048576xi32, #tpu.memory_space<hbm>> -> memref<1048576xi32, #tpu.memory_space<hbm>>
    tpu.wait_indirect_dma semaphore(%arg10 : memref<!tpu.dma_semaphore, #tpu.memory_space<semaphore_mem>>) src(%dma_wait3A_830 : memref<1048576xi32, #tpu.memory_space<hbm>>) dst(%dma_wait3A_825 : memref<128xi32, #tpu.memory_space<vmem>>)
    %dma_wait3A_831 = arith.constant 35 : i32
    %dma_wait3A_832 = arith.constant 35 : i32
    %dma_wait3A_833 = arith.constant 0 : i32
    %dma_wait3A_834 = tpu.memref_slice %arg9[%dma_wait3A_832, %dma_wait3A_833] : memref<48x128xi32, #tpu.memory_space<vmem>> -> memref<1x128xi32, #tpu.memory_space<vmem>>
    %dma_wait3A_835 = tpu.memref_squeeze %dma_wait3A_834 : memref<1x128xi32, #tpu.memory_space<vmem>> -> memref<128xi32, #tpu.memory_space<vmem>>
    %dma_wait3A_836 = arith.constant 0 : i32
    %dma_wait3A_837 = tpu.memref_slice %arg7[%dma_wait3A_831, %dma_wait3A_836] : memref<48x128xi32, #tpu.memory_space<vmem>> -> memref<1x128xi32, #tpu.memory_space<vmem>>
    %dma_wait3A_838 = tpu.memref_squeeze %dma_wait3A_837 : memref<1x128xi32, #tpu.memory_space<vmem>> -> memref<128xi32, #tpu.memory_space<vmem>>
    %dma_wait3A_839 = arith.constant 0 : i32
    %dma_wait3A_840 = tpu.memref_slice %arg2[%dma_wait3A_839] : memref<1048576xi32, #tpu.memory_space<hbm>> -> memref<1048576xi32, #tpu.memory_space<hbm>>
    tpu.wait_indirect_dma semaphore(%arg10 : memref<!tpu.dma_semaphore, #tpu.memory_space<semaphore_mem>>) src(%dma_wait3A_840 : memref<1048576xi32, #tpu.memory_space<hbm>>) dst(%dma_wait3A_835 : memref<128xi32, #tpu.memory_space<vmem>>)
    %dma_wait3A_841 = arith.constant 36 : i32
    %dma_wait3A_842 = arith.constant 36 : i32
    %dma_wait3A_843 = arith.constant 0 : i32
    %dma_wait3A_844 = tpu.memref_slice %arg9[%dma_wait3A_842, %dma_wait3A_843] : memref<48x128xi32, #tpu.memory_space<vmem>> -> memref<1x128xi32, #tpu.memory_space<vmem>>
    %dma_wait3A_845 = tpu.memref_squeeze %dma_wait3A_844 : memref<1x128xi32, #tpu.memory_space<vmem>> -> memref<128xi32, #tpu.memory_space<vmem>>
    %dma_wait3A_846 = arith.constant 0 : i32
    %dma_wait3A_847 = tpu.memref_slice %arg7[%dma_wait3A_841, %dma_wait3A_846] : memref<48x128xi32, #tpu.memory_space<vmem>> -> memref<1x128xi32, #tpu.memory_space<vmem>>
    %dma_wait3A_848 = tpu.memref_squeeze %dma_wait3A_847 : memref<1x128xi32, #tpu.memory_space<vmem>> -> memref<128xi32, #tpu.memory_space<vmem>>
    %dma_wait3A_849 = arith.constant 0 : i32
    %dma_wait3A_850 = tpu.memref_slice %arg2[%dma_wait3A_849] : memref<1048576xi32, #tpu.memory_space<hbm>> -> memref<1048576xi32, #tpu.memory_space<hbm>>
    tpu.wait_indirect_dma semaphore(%arg10 : memref<!tpu.dma_semaphore, #tpu.memory_space<semaphore_mem>>) src(%dma_wait3A_850 : memref<1048576xi32, #tpu.memory_space<hbm>>) dst(%dma_wait3A_845 : memref<128xi32, #tpu.memory_space<vmem>>)
    %dma_wait3A_851 = arith.constant 37 : i32
    %dma_wait3A_852 = arith.constant 37 : i32
    %dma_wait3A_853 = arith.constant 0 : i32
    %dma_wait3A_854 = tpu.memref_slice %arg9[%dma_wait3A_852, %dma_wait3A_853] : memref<48x128xi32, #tpu.memory_space<vmem>> -> memref<1x128xi32, #tpu.memory_space<vmem>>
    %dma_wait3A_855 = tpu.memref_squeeze %dma_wait3A_854 : memref<1x128xi32, #tpu.memory_space<vmem>> -> memref<128xi32, #tpu.memory_space<vmem>>
    %dma_wait3A_856 = arith.constant 0 : i32
    %dma_wait3A_857 = tpu.memref_slice %arg7[%dma_wait3A_851, %dma_wait3A_856] : memref<48x128xi32, #tpu.memory_space<vmem>> -> memref<1x128xi32, #tpu.memory_space<vmem>>
    %dma_wait3A_858 = tpu.memref_squeeze %dma_wait3A_857 : memref<1x128xi32, #tpu.memory_space<vmem>> -> memref<128xi32, #tpu.memory_space<vmem>>
    %dma_wait3A_859 = arith.constant 0 : i32
    %dma_wait3A_860 = tpu.memref_slice %arg2[%dma_wait3A_859] : memref<1048576xi32, #tpu.memory_space<hbm>> -> memref<1048576xi32, #tpu.memory_space<hbm>>
    tpu.wait_indirect_dma semaphore(%arg10 : memref<!tpu.dma_semaphore, #tpu.memory_space<semaphore_mem>>) src(%dma_wait3A_860 : memref<1048576xi32, #tpu.memory_space<hbm>>) dst(%dma_wait3A_855 : memref<128xi32, #tpu.memory_space<vmem>>)
    %dma_wait3A_861 = arith.constant 38 : i32
    %dma_wait3A_862 = arith.constant 38 : i32
    %dma_wait3A_863 = arith.constant 0 : i32
    %dma_wait3A_864 = tpu.memref_slice %arg9[%dma_wait3A_862, %dma_wait3A_863] : memref<48x128xi32, #tpu.memory_space<vmem>> -> memref<1x128xi32, #tpu.memory_space<vmem>>
    %dma_wait3A_865 = tpu.memref_squeeze %dma_wait3A_864 : memref<1x128xi32, #tpu.memory_space<vmem>> -> memref<128xi32, #tpu.memory_space<vmem>>
    %dma_wait3A_866 = arith.constant 0 : i32
    %dma_wait3A_867 = tpu.memref_slice %arg7[%dma_wait3A_861, %dma_wait3A_866] : memref<48x128xi32, #tpu.memory_space<vmem>> -> memref<1x128xi32, #tpu.memory_space<vmem>>
    %dma_wait3A_868 = tpu.memref_squeeze %dma_wait3A_867 : memref<1x128xi32, #tpu.memory_space<vmem>> -> memref<128xi32, #tpu.memory_space<vmem>>
    %dma_wait3A_869 = arith.constant 0 : i32
    %dma_wait3A_870 = tpu.memref_slice %arg2[%dma_wait3A_869] : memref<1048576xi32, #tpu.memory_space<hbm>> -> memref<1048576xi32, #tpu.memory_space<hbm>>
    tpu.wait_indirect_dma semaphore(%arg10 : memref<!tpu.dma_semaphore, #tpu.memory_space<semaphore_mem>>) src(%dma_wait3A_870 : memref<1048576xi32, #tpu.memory_space<hbm>>) dst(%dma_wait3A_865 : memref<128xi32, #tpu.memory_space<vmem>>)
    %dma_wait3A_871 = arith.constant 39 : i32
    %dma_wait3A_872 = arith.constant 39 : i32
    %dma_wait3A_873 = arith.constant 0 : i32
    %dma_wait3A_874 = tpu.memref_slice %arg9[%dma_wait3A_872, %dma_wait3A_873] : memref<48x128xi32, #tpu.memory_space<vmem>> -> memref<1x128xi32, #tpu.memory_space<vmem>>
    %dma_wait3A_875 = tpu.memref_squeeze %dma_wait3A_874 : memref<1x128xi32, #tpu.memory_space<vmem>> -> memref<128xi32, #tpu.memory_space<vmem>>
    %dma_wait3A_876 = arith.constant 0 : i32
    %dma_wait3A_877 = tpu.memref_slice %arg7[%dma_wait3A_871, %dma_wait3A_876] : memref<48x128xi32, #tpu.memory_space<vmem>> -> memref<1x128xi32, #tpu.memory_space<vmem>>
    %dma_wait3A_878 = tpu.memref_squeeze %dma_wait3A_877 : memref<1x128xi32, #tpu.memory_space<vmem>> -> memref<128xi32, #tpu.memory_space<vmem>>
    %dma_wait3A_879 = arith.constant 0 : i32
    %dma_wait3A_880 = tpu.memref_slice %arg2[%dma_wait3A_879] : memref<1048576xi32, #tpu.memory_space<hbm>> -> memref<1048576xi32, #tpu.memory_space<hbm>>
    tpu.wait_indirect_dma semaphore(%arg10 : memref<!tpu.dma_semaphore, #tpu.memory_space<semaphore_mem>>) src(%dma_wait3A_880 : memref<1048576xi32, #tpu.memory_space<hbm>>) dst(%dma_wait3A_875 : memref<128xi32, #tpu.memory_space<vmem>>)
    %dma_wait3A_881 = arith.constant 40 : i32
    %dma_wait3A_882 = arith.constant 40 : i32
    %dma_wait3A_883 = arith.constant 0 : i32
    %dma_wait3A_884 = tpu.memref_slice %arg9[%dma_wait3A_882, %dma_wait3A_883] : memref<48x128xi32, #tpu.memory_space<vmem>> -> memref<1x128xi32, #tpu.memory_space<vmem>>
    %dma_wait3A_885 = tpu.memref_squeeze %dma_wait3A_884 : memref<1x128xi32, #tpu.memory_space<vmem>> -> memref<128xi32, #tpu.memory_space<vmem>>
    %dma_wait3A_886 = arith.constant 0 : i32
    %dma_wait3A_887 = tpu.memref_slice %arg7[%dma_wait3A_881, %dma_wait3A_886] : memref<48x128xi32, #tpu.memory_space<vmem>> -> memref<1x128xi32, #tpu.memory_space<vmem>>
    %dma_wait3A_888 = tpu.memref_squeeze %dma_wait3A_887 : memref<1x128xi32, #tpu.memory_space<vmem>> -> memref<128xi32, #tpu.memory_space<vmem>>
    %dma_wait3A_889 = arith.constant 0 : i32
    %dma_wait3A_890 = tpu.memref_slice %arg2[%dma_wait3A_889] : memref<1048576xi32, #tpu.memory_space<hbm>> -> memref<1048576xi32, #tpu.memory_space<hbm>>
    tpu.wait_indirect_dma semaphore(%arg10 : memref<!tpu.dma_semaphore, #tpu.memory_space<semaphore_mem>>) src(%dma_wait3A_890 : memref<1048576xi32, #tpu.memory_space<hbm>>) dst(%dma_wait3A_885 : memref<128xi32, #tpu.memory_space<vmem>>)
    %dma_wait3A_891 = arith.constant 41 : i32
    %dma_wait3A_892 = arith.constant 41 : i32
    %dma_wait3A_893 = arith.constant 0 : i32
    %dma_wait3A_894 = tpu.memref_slice %arg9[%dma_wait3A_892, %dma_wait3A_893] : memref<48x128xi32, #tpu.memory_space<vmem>> -> memref<1x128xi32, #tpu.memory_space<vmem>>
    %dma_wait3A_895 = tpu.memref_squeeze %dma_wait3A_894 : memref<1x128xi32, #tpu.memory_space<vmem>> -> memref<128xi32, #tpu.memory_space<vmem>>
    %dma_wait3A_896 = arith.constant 0 : i32
    %dma_wait3A_897 = tpu.memref_slice %arg7[%dma_wait3A_891, %dma_wait3A_896] : memref<48x128xi32, #tpu.memory_space<vmem>> -> memref<1x128xi32, #tpu.memory_space<vmem>>
    %dma_wait3A_898 = tpu.memref_squeeze %dma_wait3A_897 : memref<1x128xi32, #tpu.memory_space<vmem>> -> memref<128xi32, #tpu.memory_space<vmem>>
    %dma_wait3A_899 = arith.constant 0 : i32
    %dma_wait3A_900 = tpu.memref_slice %arg2[%dma_wait3A_899] : memref<1048576xi32, #tpu.memory_space<hbm>> -> memref<1048576xi32, #tpu.memory_space<hbm>>
    tpu.wait_indirect_dma semaphore(%arg10 : memref<!tpu.dma_semaphore, #tpu.memory_space<semaphore_mem>>) src(%dma_wait3A_900 : memref<1048576xi32, #tpu.memory_space<hbm>>) dst(%dma_wait3A_895 : memref<128xi32, #tpu.memory_space<vmem>>)
    %dma_wait3A_901 = arith.constant 42 : i32
    %dma_wait3A_902 = arith.constant 42 : i32
    %dma_wait3A_903 = arith.constant 0 : i32
    %dma_wait3A_904 = tpu.memref_slice %arg9[%dma_wait3A_902, %dma_wait3A_903] : memref<48x128xi32, #tpu.memory_space<vmem>> -> memref<1x128xi32, #tpu.memory_space<vmem>>
    %dma_wait3A_905 = tpu.memref_squeeze %dma_wait3A_904 : memref<1x128xi32, #tpu.memory_space<vmem>> -> memref<128xi32, #tpu.memory_space<vmem>>
    %dma_wait3A_906 = arith.constant 0 : i32
    %dma_wait3A_907 = tpu.memref_slice %arg7[%dma_wait3A_901, %dma_wait3A_906] : memref<48x128xi32, #tpu.memory_space<vmem>> -> memref<1x128xi32, #tpu.memory_space<vmem>>
    %dma_wait3A_908 = tpu.memref_squeeze %dma_wait3A_907 : memref<1x128xi32, #tpu.memory_space<vmem>> -> memref<128xi32, #tpu.memory_space<vmem>>
    %dma_wait3A_909 = arith.constant 0 : i32
    %dma_wait3A_910 = tpu.memref_slice %arg2[%dma_wait3A_909] : memref<1048576xi32, #tpu.memory_space<hbm>> -> memref<1048576xi32, #tpu.memory_space<hbm>>
    tpu.wait_indirect_dma semaphore(%arg10 : memref<!tpu.dma_semaphore, #tpu.memory_space<semaphore_mem>>) src(%dma_wait3A_910 : memref<1048576xi32, #tpu.memory_space<hbm>>) dst(%dma_wait3A_905 : memref<128xi32, #tpu.memory_space<vmem>>)
    %dma_wait3A_911 = arith.constant 43 : i32
    %dma_wait3A_912 = arith.constant 43 : i32
    %dma_wait3A_913 = arith.constant 0 : i32
    %dma_wait3A_914 = tpu.memref_slice %arg9[%dma_wait3A_912, %dma_wait3A_913] : memref<48x128xi32, #tpu.memory_space<vmem>> -> memref<1x128xi32, #tpu.memory_space<vmem>>
    %dma_wait3A_915 = tpu.memref_squeeze %dma_wait3A_914 : memref<1x128xi32, #tpu.memory_space<vmem>> -> memref<128xi32, #tpu.memory_space<vmem>>
    %dma_wait3A_916 = arith.constant 0 : i32
    %dma_wait3A_917 = tpu.memref_slice %arg7[%dma_wait3A_911, %dma_wait3A_916] : memref<48x128xi32, #tpu.memory_space<vmem>> -> memref<1x128xi32, #tpu.memory_space<vmem>>
    %dma_wait3A_918 = tpu.memref_squeeze %dma_wait3A_917 : memref<1x128xi32, #tpu.memory_space<vmem>> -> memref<128xi32, #tpu.memory_space<vmem>>
    %dma_wait3A_919 = arith.constant 0 : i32
    %dma_wait3A_920 = tpu.memref_slice %arg2[%dma_wait3A_919] : memref<1048576xi32, #tpu.memory_space<hbm>> -> memref<1048576xi32, #tpu.memory_space<hbm>>
    tpu.wait_indirect_dma semaphore(%arg10 : memref<!tpu.dma_semaphore, #tpu.memory_space<semaphore_mem>>) src(%dma_wait3A_920 : memref<1048576xi32, #tpu.memory_space<hbm>>) dst(%dma_wait3A_915 : memref<128xi32, #tpu.memory_space<vmem>>)
    %dma_wait3A_921 = arith.constant 44 : i32
    %dma_wait3A_922 = arith.constant 44 : i32
    %dma_wait3A_923 = arith.constant 0 : i32
    %dma_wait3A_924 = tpu.memref_slice %arg9[%dma_wait3A_922, %dma_wait3A_923] : memref<48x128xi32, #tpu.memory_space<vmem>> -> memref<1x128xi32, #tpu.memory_space<vmem>>
    %dma_wait3A_925 = tpu.memref_squeeze %dma_wait3A_924 : memref<1x128xi32, #tpu.memory_space<vmem>> -> memref<128xi32, #tpu.memory_space<vmem>>
    %dma_wait3A_926 = arith.constant 0 : i32
    %dma_wait3A_927 = tpu.memref_slice %arg7[%dma_wait3A_921, %dma_wait3A_926] : memref<48x128xi32, #tpu.memory_space<vmem>> -> memref<1x128xi32, #tpu.memory_space<vmem>>
    %dma_wait3A_928 = tpu.memref_squeeze %dma_wait3A_927 : memref<1x128xi32, #tpu.memory_space<vmem>> -> memref<128xi32, #tpu.memory_space<vmem>>
    %dma_wait3A_929 = arith.constant 0 : i32
    %dma_wait3A_930 = tpu.memref_slice %arg2[%dma_wait3A_929] : memref<1048576xi32, #tpu.memory_space<hbm>> -> memref<1048576xi32, #tpu.memory_space<hbm>>
    tpu.wait_indirect_dma semaphore(%arg10 : memref<!tpu.dma_semaphore, #tpu.memory_space<semaphore_mem>>) src(%dma_wait3A_930 : memref<1048576xi32, #tpu.memory_space<hbm>>) dst(%dma_wait3A_925 : memref<128xi32, #tpu.memory_space<vmem>>)
    %dma_wait3A_931 = arith.constant 45 : i32
    %dma_wait3A_932 = arith.constant 45 : i32
    %dma_wait3A_933 = arith.constant 0 : i32
    %dma_wait3A_934 = tpu.memref_slice %arg9[%dma_wait3A_932, %dma_wait3A_933] : memref<48x128xi32, #tpu.memory_space<vmem>> -> memref<1x128xi32, #tpu.memory_space<vmem>>
    %dma_wait3A_935 = tpu.memref_squeeze %dma_wait3A_934 : memref<1x128xi32, #tpu.memory_space<vmem>> -> memref<128xi32, #tpu.memory_space<vmem>>
    %dma_wait3A_936 = arith.constant 0 : i32
    %dma_wait3A_937 = tpu.memref_slice %arg7[%dma_wait3A_931, %dma_wait3A_936] : memref<48x128xi32, #tpu.memory_space<vmem>> -> memref<1x128xi32, #tpu.memory_space<vmem>>
    %dma_wait3A_938 = tpu.memref_squeeze %dma_wait3A_937 : memref<1x128xi32, #tpu.memory_space<vmem>> -> memref<128xi32, #tpu.memory_space<vmem>>
    %dma_wait3A_939 = arith.constant 0 : i32
    %dma_wait3A_940 = tpu.memref_slice %arg2[%dma_wait3A_939] : memref<1048576xi32, #tpu.memory_space<hbm>> -> memref<1048576xi32, #tpu.memory_space<hbm>>
    tpu.wait_indirect_dma semaphore(%arg10 : memref<!tpu.dma_semaphore, #tpu.memory_space<semaphore_mem>>) src(%dma_wait3A_940 : memref<1048576xi32, #tpu.memory_space<hbm>>) dst(%dma_wait3A_935 : memref<128xi32, #tpu.memory_space<vmem>>)
    %dma_wait3A_941 = arith.constant 46 : i32
    %dma_wait3A_942 = arith.constant 46 : i32
    %dma_wait3A_943 = arith.constant 0 : i32
    %dma_wait3A_944 = tpu.memref_slice %arg9[%dma_wait3A_942, %dma_wait3A_943] : memref<48x128xi32, #tpu.memory_space<vmem>> -> memref<1x128xi32, #tpu.memory_space<vmem>>
    %dma_wait3A_945 = tpu.memref_squeeze %dma_wait3A_944 : memref<1x128xi32, #tpu.memory_space<vmem>> -> memref<128xi32, #tpu.memory_space<vmem>>
    %dma_wait3A_946 = arith.constant 0 : i32
    %dma_wait3A_947 = tpu.memref_slice %arg7[%dma_wait3A_941, %dma_wait3A_946] : memref<48x128xi32, #tpu.memory_space<vmem>> -> memref<1x128xi32, #tpu.memory_space<vmem>>
    %dma_wait3A_948 = tpu.memref_squeeze %dma_wait3A_947 : memref<1x128xi32, #tpu.memory_space<vmem>> -> memref<128xi32, #tpu.memory_space<vmem>>
    %dma_wait3A_949 = arith.constant 0 : i32
    %dma_wait3A_950 = tpu.memref_slice %arg2[%dma_wait3A_949] : memref<1048576xi32, #tpu.memory_space<hbm>> -> memref<1048576xi32, #tpu.memory_space<hbm>>
    tpu.wait_indirect_dma semaphore(%arg10 : memref<!tpu.dma_semaphore, #tpu.memory_space<semaphore_mem>>) src(%dma_wait3A_950 : memref<1048576xi32, #tpu.memory_space<hbm>>) dst(%dma_wait3A_945 : memref<128xi32, #tpu.memory_space<vmem>>)
    %dma_wait3A_951 = arith.constant 47 : i32
    %dma_wait3A_952 = arith.constant 47 : i32
    %dma_wait3A_953 = arith.constant 0 : i32
    %dma_wait3A_954 = tpu.memref_slice %arg9[%dma_wait3A_952, %dma_wait3A_953] : memref<48x128xi32, #tpu.memory_space<vmem>> -> memref<1x128xi32, #tpu.memory_space<vmem>>
    %dma_wait3A_955 = tpu.memref_squeeze %dma_wait3A_954 : memref<1x128xi32, #tpu.memory_space<vmem>> -> memref<128xi32, #tpu.memory_space<vmem>>
    %dma_wait3A_956 = arith.constant 0 : i32
    %dma_wait3A_957 = tpu.memref_slice %arg7[%dma_wait3A_951, %dma_wait3A_956] : memref<48x128xi32, #tpu.memory_space<vmem>> -> memref<1x128xi32, #tpu.memory_space<vmem>>
    %dma_wait3A_958 = tpu.memref_squeeze %dma_wait3A_957 : memref<1x128xi32, #tpu.memory_space<vmem>> -> memref<128xi32, #tpu.memory_space<vmem>>
    %dma_wait3A_959 = arith.constant 0 : i32
    %dma_wait3A_960 = tpu.memref_slice %arg2[%dma_wait3A_959] : memref<1048576xi32, #tpu.memory_space<hbm>> -> memref<1048576xi32, #tpu.memory_space<hbm>>
    tpu.wait_indirect_dma semaphore(%arg10 : memref<!tpu.dma_semaphore, #tpu.memory_space<semaphore_mem>>) src(%dma_wait3A_960 : memref<1048576xi32, #tpu.memory_space<hbm>>) dst(%dma_wait3A_955 : memref<128xi32, #tpu.memory_space<vmem>>)
    %dma_start3A_961 = arith.constant 0 : i32
    %dma_start3A_962 = arith.constant 0 : i32
    %dma_start3A_963 = arith.constant 0 : i32
    %dma_start3A_964 = tpu.memref_slice %arg9[%dma_start3A_961, %dma_start3A_963] : memref<48x128xi32, #tpu.memory_space<vmem>> -> memref<1x128xi32, #tpu.memory_space<vmem>>
    %dma_start3A_965 = tpu.memref_squeeze %dma_start3A_964 : memref<1x128xi32, #tpu.memory_space<vmem>> -> memref<128xi32, #tpu.memory_space<vmem>>
    %dma_start3A_966 = arith.constant 0 : i32
    %dma_start3A_967 = tpu.memref_slice %arg8[%dma_start3A_962, %dma_start3A_966] : memref<48x128xi32, #tpu.memory_space<vmem>> -> memref<1x128xi32, #tpu.memory_space<vmem>>
    %dma_start3A_968 = tpu.memref_squeeze %dma_start3A_967 : memref<1x128xi32, #tpu.memory_space<vmem>> -> memref<128xi32, #tpu.memory_space<vmem>>
    %dma_start3A_969 = arith.constant 0 : i32
    %dma_start3A_970 = tpu.memref_slice %arg5[%dma_start3A_969] : memref<1048576xi32, #tpu.memory_space<hbm>> -> memref<1048576xi32, #tpu.memory_space<hbm>>
    tpu.enqueue_indirect_dma source(%dma_start3A_965 : memref<128xi32, #tpu.memory_space<vmem>>) target(%dma_start3A_970 : memref<1048576xi32, #tpu.memory_space<hbm>>) offsets(%dma_start3A_968 : memref<128xi32, #tpu.memory_space<vmem>>) semaphore(%arg11 : memref<!tpu.dma_semaphore, #tpu.memory_space<semaphore_mem>>)
    %dma_start3A_971 = arith.constant 1 : i32
    %dma_start3A_972 = arith.constant 1 : i32
    %dma_start3A_973 = arith.constant 0 : i32
    %dma_start3A_974 = tpu.memref_slice %arg9[%dma_start3A_971, %dma_start3A_973] : memref<48x128xi32, #tpu.memory_space<vmem>> -> memref<1x128xi32, #tpu.memory_space<vmem>>
    %dma_start3A_975 = tpu.memref_squeeze %dma_start3A_974 : memref<1x128xi32, #tpu.memory_space<vmem>> -> memref<128xi32, #tpu.memory_space<vmem>>
    %dma_start3A_976 = arith.constant 0 : i32
    %dma_start3A_977 = tpu.memref_slice %arg8[%dma_start3A_972, %dma_start3A_976] : memref<48x128xi32, #tpu.memory_space<vmem>> -> memref<1x128xi32, #tpu.memory_space<vmem>>
    %dma_start3A_978 = tpu.memref_squeeze %dma_start3A_977 : memref<1x128xi32, #tpu.memory_space<vmem>> -> memref<128xi32, #tpu.memory_space<vmem>>
    %dma_start3A_979 = arith.constant 0 : i32
    %dma_start3A_980 = tpu.memref_slice %arg5[%dma_start3A_979] : memref<1048576xi32, #tpu.memory_space<hbm>> -> memref<1048576xi32, #tpu.memory_space<hbm>>
    tpu.enqueue_indirect_dma source(%dma_start3A_975 : memref<128xi32, #tpu.memory_space<vmem>>) target(%dma_start3A_980 : memref<1048576xi32, #tpu.memory_space<hbm>>) offsets(%dma_start3A_978 : memref<128xi32, #tpu.memory_space<vmem>>) semaphore(%arg11 : memref<!tpu.dma_semaphore, #tpu.memory_space<semaphore_mem>>)
    %dma_start3A_981 = arith.constant 2 : i32
    %dma_start3A_982 = arith.constant 2 : i32
    %dma_start3A_983 = arith.constant 0 : i32
    %dma_start3A_984 = tpu.memref_slice %arg9[%dma_start3A_981, %dma_start3A_983] : memref<48x128xi32, #tpu.memory_space<vmem>> -> memref<1x128xi32, #tpu.memory_space<vmem>>
    %dma_start3A_985 = tpu.memref_squeeze %dma_start3A_984 : memref<1x128xi32, #tpu.memory_space<vmem>> -> memref<128xi32, #tpu.memory_space<vmem>>
    %dma_start3A_986 = arith.constant 0 : i32
    %dma_start3A_987 = tpu.memref_slice %arg8[%dma_start3A_982, %dma_start3A_986] : memref<48x128xi32, #tpu.memory_space<vmem>> -> memref<1x128xi32, #tpu.memory_space<vmem>>
    %dma_start3A_988 = tpu.memref_squeeze %dma_start3A_987 : memref<1x128xi32, #tpu.memory_space<vmem>> -> memref<128xi32, #tpu.memory_space<vmem>>
    %dma_start3A_989 = arith.constant 0 : i32
    %dma_start3A_990 = tpu.memref_slice %arg5[%dma_start3A_989] : memref<1048576xi32, #tpu.memory_space<hbm>> -> memref<1048576xi32, #tpu.memory_space<hbm>>
    tpu.enqueue_indirect_dma source(%dma_start3A_985 : memref<128xi32, #tpu.memory_space<vmem>>) target(%dma_start3A_990 : memref<1048576xi32, #tpu.memory_space<hbm>>) offsets(%dma_start3A_988 : memref<128xi32, #tpu.memory_space<vmem>>) semaphore(%arg11 : memref<!tpu.dma_semaphore, #tpu.memory_space<semaphore_mem>>)
    %dma_start3A_991 = arith.constant 3 : i32
    %dma_start3A_992 = arith.constant 3 : i32
    %dma_start3A_993 = arith.constant 0 : i32
    %dma_start3A_994 = tpu.memref_slice %arg9[%dma_start3A_991, %dma_start3A_993] : memref<48x128xi32, #tpu.memory_space<vmem>> -> memref<1x128xi32, #tpu.memory_space<vmem>>
    %dma_start3A_995 = tpu.memref_squeeze %dma_start3A_994 : memref<1x128xi32, #tpu.memory_space<vmem>> -> memref<128xi32, #tpu.memory_space<vmem>>
    %dma_start3A_996 = arith.constant 0 : i32
    %dma_start3A_997 = tpu.memref_slice %arg8[%dma_start3A_992, %dma_start3A_996] : memref<48x128xi32, #tpu.memory_space<vmem>> -> memref<1x128xi32, #tpu.memory_space<vmem>>
    %dma_start3A_998 = tpu.memref_squeeze %dma_start3A_997 : memref<1x128xi32, #tpu.memory_space<vmem>> -> memref<128xi32, #tpu.memory_space<vmem>>
    %dma_start3A_999 = arith.constant 0 : i32
    %dma_start3A_1000 = tpu.memref_slice %arg5[%dma_start3A_999] : memref<1048576xi32, #tpu.memory_space<hbm>> -> memref<1048576xi32, #tpu.memory_space<hbm>>
    tpu.enqueue_indirect_dma source(%dma_start3A_995 : memref<128xi32, #tpu.memory_space<vmem>>) target(%dma_start3A_1000 : memref<1048576xi32, #tpu.memory_space<hbm>>) offsets(%dma_start3A_998 : memref<128xi32, #tpu.memory_space<vmem>>) semaphore(%arg11 : memref<!tpu.dma_semaphore, #tpu.memory_space<semaphore_mem>>)
    %dma_start3A_1001 = arith.constant 4 : i32
    %dma_start3A_1002 = arith.constant 4 : i32
    %dma_start3A_1003 = arith.constant 0 : i32
    %dma_start3A_1004 = tpu.memref_slice %arg9[%dma_start3A_1001, %dma_start3A_1003] : memref<48x128xi32, #tpu.memory_space<vmem>> -> memref<1x128xi32, #tpu.memory_space<vmem>>
    %dma_start3A_1005 = tpu.memref_squeeze %dma_start3A_1004 : memref<1x128xi32, #tpu.memory_space<vmem>> -> memref<128xi32, #tpu.memory_space<vmem>>
    %dma_start3A_1006 = arith.constant 0 : i32
    %dma_start3A_1007 = tpu.memref_slice %arg8[%dma_start3A_1002, %dma_start3A_1006] : memref<48x128xi32, #tpu.memory_space<vmem>> -> memref<1x128xi32, #tpu.memory_space<vmem>>
    %dma_start3A_1008 = tpu.memref_squeeze %dma_start3A_1007 : memref<1x128xi32, #tpu.memory_space<vmem>> -> memref<128xi32, #tpu.memory_space<vmem>>
    %dma_start3A_1009 = arith.constant 0 : i32
    %dma_start3A_1010 = tpu.memref_slice %arg5[%dma_start3A_1009] : memref<1048576xi32, #tpu.memory_space<hbm>> -> memref<1048576xi32, #tpu.memory_space<hbm>>
    tpu.enqueue_indirect_dma source(%dma_start3A_1005 : memref<128xi32, #tpu.memory_space<vmem>>) target(%dma_start3A_1010 : memref<1048576xi32, #tpu.memory_space<hbm>>) offsets(%dma_start3A_1008 : memref<128xi32, #tpu.memory_space<vmem>>) semaphore(%arg11 : memref<!tpu.dma_semaphore, #tpu.memory_space<semaphore_mem>>)
    %dma_start3A_1011 = arith.constant 5 : i32
    %dma_start3A_1012 = arith.constant 5 : i32
    %dma_start3A_1013 = arith.constant 0 : i32
    %dma_start3A_1014 = tpu.memref_slice %arg9[%dma_start3A_1011, %dma_start3A_1013] : memref<48x128xi32, #tpu.memory_space<vmem>> -> memref<1x128xi32, #tpu.memory_space<vmem>>
    %dma_start3A_1015 = tpu.memref_squeeze %dma_start3A_1014 : memref<1x128xi32, #tpu.memory_space<vmem>> -> memref<128xi32, #tpu.memory_space<vmem>>
    %dma_start3A_1016 = arith.constant 0 : i32
    %dma_start3A_1017 = tpu.memref_slice %arg8[%dma_start3A_1012, %dma_start3A_1016] : memref<48x128xi32, #tpu.memory_space<vmem>> -> memref<1x128xi32, #tpu.memory_space<vmem>>
    %dma_start3A_1018 = tpu.memref_squeeze %dma_start3A_1017 : memref<1x128xi32, #tpu.memory_space<vmem>> -> memref<128xi32, #tpu.memory_space<vmem>>
    %dma_start3A_1019 = arith.constant 0 : i32
    %dma_start3A_1020 = tpu.memref_slice %arg5[%dma_start3A_1019] : memref<1048576xi32, #tpu.memory_space<hbm>> -> memref<1048576xi32, #tpu.memory_space<hbm>>
    tpu.enqueue_indirect_dma source(%dma_start3A_1015 : memref<128xi32, #tpu.memory_space<vmem>>) target(%dma_start3A_1020 : memref<1048576xi32, #tpu.memory_space<hbm>>) offsets(%dma_start3A_1018 : memref<128xi32, #tpu.memory_space<vmem>>) semaphore(%arg11 : memref<!tpu.dma_semaphore, #tpu.memory_space<semaphore_mem>>)
    %dma_start3A_1021 = arith.constant 6 : i32
    %dma_start3A_1022 = arith.constant 6 : i32
    %dma_start3A_1023 = arith.constant 0 : i32
    %dma_start3A_1024 = tpu.memref_slice %arg9[%dma_start3A_1021, %dma_start3A_1023] : memref<48x128xi32, #tpu.memory_space<vmem>> -> memref<1x128xi32, #tpu.memory_space<vmem>>
    %dma_start3A_1025 = tpu.memref_squeeze %dma_start3A_1024 : memref<1x128xi32, #tpu.memory_space<vmem>> -> memref<128xi32, #tpu.memory_space<vmem>>
    %dma_start3A_1026 = arith.constant 0 : i32
    %dma_start3A_1027 = tpu.memref_slice %arg8[%dma_start3A_1022, %dma_start3A_1026] : memref<48x128xi32, #tpu.memory_space<vmem>> -> memref<1x128xi32, #tpu.memory_space<vmem>>
    %dma_start3A_1028 = tpu.memref_squeeze %dma_start3A_1027 : memref<1x128xi32, #tpu.memory_space<vmem>> -> memref<128xi32, #tpu.memory_space<vmem>>
    %dma_start3A_1029 = arith.constant 0 : i32
    %dma_start3A_1030 = tpu.memref_slice %arg5[%dma_start3A_1029] : memref<1048576xi32, #tpu.memory_space<hbm>> -> memref<1048576xi32, #tpu.memory_space<hbm>>
    tpu.enqueue_indirect_dma source(%dma_start3A_1025 : memref<128xi32, #tpu.memory_space<vmem>>) target(%dma_start3A_1030 : memref<1048576xi32, #tpu.memory_space<hbm>>) offsets(%dma_start3A_1028 : memref<128xi32, #tpu.memory_space<vmem>>) semaphore(%arg11 : memref<!tpu.dma_semaphore, #tpu.memory_space<semaphore_mem>>)
    %dma_start3A_1031 = arith.constant 7 : i32
    %dma_start3A_1032 = arith.constant 7 : i32
    %dma_start3A_1033 = arith.constant 0 : i32
    %dma_start3A_1034 = tpu.memref_slice %arg9[%dma_start3A_1031, %dma_start3A_1033] : memref<48x128xi32, #tpu.memory_space<vmem>> -> memref<1x128xi32, #tpu.memory_space<vmem>>
    %dma_start3A_1035 = tpu.memref_squeeze %dma_start3A_1034 : memref<1x128xi32, #tpu.memory_space<vmem>> -> memref<128xi32, #tpu.memory_space<vmem>>
    %dma_start3A_1036 = arith.constant 0 : i32
    %dma_start3A_1037 = tpu.memref_slice %arg8[%dma_start3A_1032, %dma_start3A_1036] : memref<48x128xi32, #tpu.memory_space<vmem>> -> memref<1x128xi32, #tpu.memory_space<vmem>>
    %dma_start3A_1038 = tpu.memref_squeeze %dma_start3A_1037 : memref<1x128xi32, #tpu.memory_space<vmem>> -> memref<128xi32, #tpu.memory_space<vmem>>
    %dma_start3A_1039 = arith.constant 0 : i32
    %dma_start3A_1040 = tpu.memref_slice %arg5[%dma_start3A_1039] : memref<1048576xi32, #tpu.memory_space<hbm>> -> memref<1048576xi32, #tpu.memory_space<hbm>>
    tpu.enqueue_indirect_dma source(%dma_start3A_1035 : memref<128xi32, #tpu.memory_space<vmem>>) target(%dma_start3A_1040 : memref<1048576xi32, #tpu.memory_space<hbm>>) offsets(%dma_start3A_1038 : memref<128xi32, #tpu.memory_space<vmem>>) semaphore(%arg11 : memref<!tpu.dma_semaphore, #tpu.memory_space<semaphore_mem>>)
    %dma_start3A_1041 = arith.constant 8 : i32
    %dma_start3A_1042 = arith.constant 8 : i32
    %dma_start3A_1043 = arith.constant 0 : i32
    %dma_start3A_1044 = tpu.memref_slice %arg9[%dma_start3A_1041, %dma_start3A_1043] : memref<48x128xi32, #tpu.memory_space<vmem>> -> memref<1x128xi32, #tpu.memory_space<vmem>>
    %dma_start3A_1045 = tpu.memref_squeeze %dma_start3A_1044 : memref<1x128xi32, #tpu.memory_space<vmem>> -> memref<128xi32, #tpu.memory_space<vmem>>
    %dma_start3A_1046 = arith.constant 0 : i32
    %dma_start3A_1047 = tpu.memref_slice %arg8[%dma_start3A_1042, %dma_start3A_1046] : memref<48x128xi32, #tpu.memory_space<vmem>> -> memref<1x128xi32, #tpu.memory_space<vmem>>
    %dma_start3A_1048 = tpu.memref_squeeze %dma_start3A_1047 : memref<1x128xi32, #tpu.memory_space<vmem>> -> memref<128xi32, #tpu.memory_space<vmem>>
    %dma_start3A_1049 = arith.constant 0 : i32
    %dma_start3A_1050 = tpu.memref_slice %arg5[%dma_start3A_1049] : memref<1048576xi32, #tpu.memory_space<hbm>> -> memref<1048576xi32, #tpu.memory_space<hbm>>
    tpu.enqueue_indirect_dma source(%dma_start3A_1045 : memref<128xi32, #tpu.memory_space<vmem>>) target(%dma_start3A_1050 : memref<1048576xi32, #tpu.memory_space<hbm>>) offsets(%dma_start3A_1048 : memref<128xi32, #tpu.memory_space<vmem>>) semaphore(%arg11 : memref<!tpu.dma_semaphore, #tpu.memory_space<semaphore_mem>>)
    %dma_start3A_1051 = arith.constant 9 : i32
    %dma_start3A_1052 = arith.constant 9 : i32
    %dma_start3A_1053 = arith.constant 0 : i32
    %dma_start3A_1054 = tpu.memref_slice %arg9[%dma_start3A_1051, %dma_start3A_1053] : memref<48x128xi32, #tpu.memory_space<vmem>> -> memref<1x128xi32, #tpu.memory_space<vmem>>
    %dma_start3A_1055 = tpu.memref_squeeze %dma_start3A_1054 : memref<1x128xi32, #tpu.memory_space<vmem>> -> memref<128xi32, #tpu.memory_space<vmem>>
    %dma_start3A_1056 = arith.constant 0 : i32
    %dma_start3A_1057 = tpu.memref_slice %arg8[%dma_start3A_1052, %dma_start3A_1056] : memref<48x128xi32, #tpu.memory_space<vmem>> -> memref<1x128xi32, #tpu.memory_space<vmem>>
    %dma_start3A_1058 = tpu.memref_squeeze %dma_start3A_1057 : memref<1x128xi32, #tpu.memory_space<vmem>> -> memref<128xi32, #tpu.memory_space<vmem>>
    %dma_start3A_1059 = arith.constant 0 : i32
    %dma_start3A_1060 = tpu.memref_slice %arg5[%dma_start3A_1059] : memref<1048576xi32, #tpu.memory_space<hbm>> -> memref<1048576xi32, #tpu.memory_space<hbm>>
    tpu.enqueue_indirect_dma source(%dma_start3A_1055 : memref<128xi32, #tpu.memory_space<vmem>>) target(%dma_start3A_1060 : memref<1048576xi32, #tpu.memory_space<hbm>>) offsets(%dma_start3A_1058 : memref<128xi32, #tpu.memory_space<vmem>>) semaphore(%arg11 : memref<!tpu.dma_semaphore, #tpu.memory_space<semaphore_mem>>)
    %dma_start3A_1061 = arith.constant 10 : i32
    %dma_start3A_1062 = arith.constant 10 : i32
    %dma_start3A_1063 = arith.constant 0 : i32
    %dma_start3A_1064 = tpu.memref_slice %arg9[%dma_start3A_1061, %dma_start3A_1063] : memref<48x128xi32, #tpu.memory_space<vmem>> -> memref<1x128xi32, #tpu.memory_space<vmem>>
    %dma_start3A_1065 = tpu.memref_squeeze %dma_start3A_1064 : memref<1x128xi32, #tpu.memory_space<vmem>> -> memref<128xi32, #tpu.memory_space<vmem>>
    %dma_start3A_1066 = arith.constant 0 : i32
    %dma_start3A_1067 = tpu.memref_slice %arg8[%dma_start3A_1062, %dma_start3A_1066] : memref<48x128xi32, #tpu.memory_space<vmem>> -> memref<1x128xi32, #tpu.memory_space<vmem>>
    %dma_start3A_1068 = tpu.memref_squeeze %dma_start3A_1067 : memref<1x128xi32, #tpu.memory_space<vmem>> -> memref<128xi32, #tpu.memory_space<vmem>>
    %dma_start3A_1069 = arith.constant 0 : i32
    %dma_start3A_1070 = tpu.memref_slice %arg5[%dma_start3A_1069] : memref<1048576xi32, #tpu.memory_space<hbm>> -> memref<1048576xi32, #tpu.memory_space<hbm>>
    tpu.enqueue_indirect_dma source(%dma_start3A_1065 : memref<128xi32, #tpu.memory_space<vmem>>) target(%dma_start3A_1070 : memref<1048576xi32, #tpu.memory_space<hbm>>) offsets(%dma_start3A_1068 : memref<128xi32, #tpu.memory_space<vmem>>) semaphore(%arg11 : memref<!tpu.dma_semaphore, #tpu.memory_space<semaphore_mem>>)
    %dma_start3A_1071 = arith.constant 11 : i32
    %dma_start3A_1072 = arith.constant 11 : i32
    %dma_start3A_1073 = arith.constant 0 : i32
    %dma_start3A_1074 = tpu.memref_slice %arg9[%dma_start3A_1071, %dma_start3A_1073] : memref<48x128xi32, #tpu.memory_space<vmem>> -> memref<1x128xi32, #tpu.memory_space<vmem>>
    %dma_start3A_1075 = tpu.memref_squeeze %dma_start3A_1074 : memref<1x128xi32, #tpu.memory_space<vmem>> -> memref<128xi32, #tpu.memory_space<vmem>>
    %dma_start3A_1076 = arith.constant 0 : i32
    %dma_start3A_1077 = tpu.memref_slice %arg8[%dma_start3A_1072, %dma_start3A_1076] : memref<48x128xi32, #tpu.memory_space<vmem>> -> memref<1x128xi32, #tpu.memory_space<vmem>>
    %dma_start3A_1078 = tpu.memref_squeeze %dma_start3A_1077 : memref<1x128xi32, #tpu.memory_space<vmem>> -> memref<128xi32, #tpu.memory_space<vmem>>
    %dma_start3A_1079 = arith.constant 0 : i32
    %dma_start3A_1080 = tpu.memref_slice %arg5[%dma_start3A_1079] : memref<1048576xi32, #tpu.memory_space<hbm>> -> memref<1048576xi32, #tpu.memory_space<hbm>>
    tpu.enqueue_indirect_dma source(%dma_start3A_1075 : memref<128xi32, #tpu.memory_space<vmem>>) target(%dma_start3A_1080 : memref<1048576xi32, #tpu.memory_space<hbm>>) offsets(%dma_start3A_1078 : memref<128xi32, #tpu.memory_space<vmem>>) semaphore(%arg11 : memref<!tpu.dma_semaphore, #tpu.memory_space<semaphore_mem>>)
    %dma_start3A_1081 = arith.constant 12 : i32
    %dma_start3A_1082 = arith.constant 12 : i32
    %dma_start3A_1083 = arith.constant 0 : i32
    %dma_start3A_1084 = tpu.memref_slice %arg9[%dma_start3A_1081, %dma_start3A_1083] : memref<48x128xi32, #tpu.memory_space<vmem>> -> memref<1x128xi32, #tpu.memory_space<vmem>>
    %dma_start3A_1085 = tpu.memref_squeeze %dma_start3A_1084 : memref<1x128xi32, #tpu.memory_space<vmem>> -> memref<128xi32, #tpu.memory_space<vmem>>
    %dma_start3A_1086 = arith.constant 0 : i32
    %dma_start3A_1087 = tpu.memref_slice %arg8[%dma_start3A_1082, %dma_start3A_1086] : memref<48x128xi32, #tpu.memory_space<vmem>> -> memref<1x128xi32, #tpu.memory_space<vmem>>
    %dma_start3A_1088 = tpu.memref_squeeze %dma_start3A_1087 : memref<1x128xi32, #tpu.memory_space<vmem>> -> memref<128xi32, #tpu.memory_space<vmem>>
    %dma_start3A_1089 = arith.constant 0 : i32
    %dma_start3A_1090 = tpu.memref_slice %arg5[%dma_start3A_1089] : memref<1048576xi32, #tpu.memory_space<hbm>> -> memref<1048576xi32, #tpu.memory_space<hbm>>
    tpu.enqueue_indirect_dma source(%dma_start3A_1085 : memref<128xi32, #tpu.memory_space<vmem>>) target(%dma_start3A_1090 : memref<1048576xi32, #tpu.memory_space<hbm>>) offsets(%dma_start3A_1088 : memref<128xi32, #tpu.memory_space<vmem>>) semaphore(%arg11 : memref<!tpu.dma_semaphore, #tpu.memory_space<semaphore_mem>>)
    %dma_start3A_1091 = arith.constant 13 : i32
    %dma_start3A_1092 = arith.constant 13 : i32
    %dma_start3A_1093 = arith.constant 0 : i32
    %dma_start3A_1094 = tpu.memref_slice %arg9[%dma_start3A_1091, %dma_start3A_1093] : memref<48x128xi32, #tpu.memory_space<vmem>> -> memref<1x128xi32, #tpu.memory_space<vmem>>
    %dma_start3A_1095 = tpu.memref_squeeze %dma_start3A_1094 : memref<1x128xi32, #tpu.memory_space<vmem>> -> memref<128xi32, #tpu.memory_space<vmem>>
    %dma_start3A_1096 = arith.constant 0 : i32
    %dma_start3A_1097 = tpu.memref_slice %arg8[%dma_start3A_1092, %dma_start3A_1096] : memref<48x128xi32, #tpu.memory_space<vmem>> -> memref<1x128xi32, #tpu.memory_space<vmem>>
    %dma_start3A_1098 = tpu.memref_squeeze %dma_start3A_1097 : memref<1x128xi32, #tpu.memory_space<vmem>> -> memref<128xi32, #tpu.memory_space<vmem>>
    %dma_start3A_1099 = arith.constant 0 : i32
    %dma_start3A_1100 = tpu.memref_slice %arg5[%dma_start3A_1099] : memref<1048576xi32, #tpu.memory_space<hbm>> -> memref<1048576xi32, #tpu.memory_space<hbm>>
    tpu.enqueue_indirect_dma source(%dma_start3A_1095 : memref<128xi32, #tpu.memory_space<vmem>>) target(%dma_start3A_1100 : memref<1048576xi32, #tpu.memory_space<hbm>>) offsets(%dma_start3A_1098 : memref<128xi32, #tpu.memory_space<vmem>>) semaphore(%arg11 : memref<!tpu.dma_semaphore, #tpu.memory_space<semaphore_mem>>)
    %dma_start3A_1101 = arith.constant 14 : i32
    %dma_start3A_1102 = arith.constant 14 : i32
    %dma_start3A_1103 = arith.constant 0 : i32
    %dma_start3A_1104 = tpu.memref_slice %arg9[%dma_start3A_1101, %dma_start3A_1103] : memref<48x128xi32, #tpu.memory_space<vmem>> -> memref<1x128xi32, #tpu.memory_space<vmem>>
    %dma_start3A_1105 = tpu.memref_squeeze %dma_start3A_1104 : memref<1x128xi32, #tpu.memory_space<vmem>> -> memref<128xi32, #tpu.memory_space<vmem>>
    %dma_start3A_1106 = arith.constant 0 : i32
    %dma_start3A_1107 = tpu.memref_slice %arg8[%dma_start3A_1102, %dma_start3A_1106] : memref<48x128xi32, #tpu.memory_space<vmem>> -> memref<1x128xi32, #tpu.memory_space<vmem>>
    %dma_start3A_1108 = tpu.memref_squeeze %dma_start3A_1107 : memref<1x128xi32, #tpu.memory_space<vmem>> -> memref<128xi32, #tpu.memory_space<vmem>>
    %dma_start3A_1109 = arith.constant 0 : i32
    %dma_start3A_1110 = tpu.memref_slice %arg5[%dma_start3A_1109] : memref<1048576xi32, #tpu.memory_space<hbm>> -> memref<1048576xi32, #tpu.memory_space<hbm>>
    tpu.enqueue_indirect_dma source(%dma_start3A_1105 : memref<128xi32, #tpu.memory_space<vmem>>) target(%dma_start3A_1110 : memref<1048576xi32, #tpu.memory_space<hbm>>) offsets(%dma_start3A_1108 : memref<128xi32, #tpu.memory_space<vmem>>) semaphore(%arg11 : memref<!tpu.dma_semaphore, #tpu.memory_space<semaphore_mem>>)
    %dma_start3A_1111 = arith.constant 15 : i32
    %dma_start3A_1112 = arith.constant 15 : i32
    %dma_start3A_1113 = arith.constant 0 : i32
    %dma_start3A_1114 = tpu.memref_slice %arg9[%dma_start3A_1111, %dma_start3A_1113] : memref<48x128xi32, #tpu.memory_space<vmem>> -> memref<1x128xi32, #tpu.memory_space<vmem>>
    %dma_start3A_1115 = tpu.memref_squeeze %dma_start3A_1114 : memref<1x128xi32, #tpu.memory_space<vmem>> -> memref<128xi32, #tpu.memory_space<vmem>>
    %dma_start3A_1116 = arith.constant 0 : i32
    %dma_start3A_1117 = tpu.memref_slice %arg8[%dma_start3A_1112, %dma_start3A_1116] : memref<48x128xi32, #tpu.memory_space<vmem>> -> memref<1x128xi32, #tpu.memory_space<vmem>>
    %dma_start3A_1118 = tpu.memref_squeeze %dma_start3A_1117 : memref<1x128xi32, #tpu.memory_space<vmem>> -> memref<128xi32, #tpu.memory_space<vmem>>
    %dma_start3A_1119 = arith.constant 0 : i32
    %dma_start3A_1120 = tpu.memref_slice %arg5[%dma_start3A_1119] : memref<1048576xi32, #tpu.memory_space<hbm>> -> memref<1048576xi32, #tpu.memory_space<hbm>>
    tpu.enqueue_indirect_dma source(%dma_start3A_1115 : memref<128xi32, #tpu.memory_space<vmem>>) target(%dma_start3A_1120 : memref<1048576xi32, #tpu.memory_space<hbm>>) offsets(%dma_start3A_1118 : memref<128xi32, #tpu.memory_space<vmem>>) semaphore(%arg11 : memref<!tpu.dma_semaphore, #tpu.memory_space<semaphore_mem>>)
    %dma_start3A_1121 = arith.constant 16 : i32
    %dma_start3A_1122 = arith.constant 16 : i32
    %dma_start3A_1123 = arith.constant 0 : i32
    %dma_start3A_1124 = tpu.memref_slice %arg9[%dma_start3A_1121, %dma_start3A_1123] : memref<48x128xi32, #tpu.memory_space<vmem>> -> memref<1x128xi32, #tpu.memory_space<vmem>>
    %dma_start3A_1125 = tpu.memref_squeeze %dma_start3A_1124 : memref<1x128xi32, #tpu.memory_space<vmem>> -> memref<128xi32, #tpu.memory_space<vmem>>
    %dma_start3A_1126 = arith.constant 0 : i32
    %dma_start3A_1127 = tpu.memref_slice %arg8[%dma_start3A_1122, %dma_start3A_1126] : memref<48x128xi32, #tpu.memory_space<vmem>> -> memref<1x128xi32, #tpu.memory_space<vmem>>
    %dma_start3A_1128 = tpu.memref_squeeze %dma_start3A_1127 : memref<1x128xi32, #tpu.memory_space<vmem>> -> memref<128xi32, #tpu.memory_space<vmem>>
    %dma_start3A_1129 = arith.constant 0 : i32
    %dma_start3A_1130 = tpu.memref_slice %arg5[%dma_start3A_1129] : memref<1048576xi32, #tpu.memory_space<hbm>> -> memref<1048576xi32, #tpu.memory_space<hbm>>
    tpu.enqueue_indirect_dma source(%dma_start3A_1125 : memref<128xi32, #tpu.memory_space<vmem>>) target(%dma_start3A_1130 : memref<1048576xi32, #tpu.memory_space<hbm>>) offsets(%dma_start3A_1128 : memref<128xi32, #tpu.memory_space<vmem>>) semaphore(%arg11 : memref<!tpu.dma_semaphore, #tpu.memory_space<semaphore_mem>>)
    %dma_start3A_1131 = arith.constant 17 : i32
    %dma_start3A_1132 = arith.constant 17 : i32
    %dma_start3A_1133 = arith.constant 0 : i32
    %dma_start3A_1134 = tpu.memref_slice %arg9[%dma_start3A_1131, %dma_start3A_1133] : memref<48x128xi32, #tpu.memory_space<vmem>> -> memref<1x128xi32, #tpu.memory_space<vmem>>
    %dma_start3A_1135 = tpu.memref_squeeze %dma_start3A_1134 : memref<1x128xi32, #tpu.memory_space<vmem>> -> memref<128xi32, #tpu.memory_space<vmem>>
    %dma_start3A_1136 = arith.constant 0 : i32
    %dma_start3A_1137 = tpu.memref_slice %arg8[%dma_start3A_1132, %dma_start3A_1136] : memref<48x128xi32, #tpu.memory_space<vmem>> -> memref<1x128xi32, #tpu.memory_space<vmem>>
    %dma_start3A_1138 = tpu.memref_squeeze %dma_start3A_1137 : memref<1x128xi32, #tpu.memory_space<vmem>> -> memref<128xi32, #tpu.memory_space<vmem>>
    %dma_start3A_1139 = arith.constant 0 : i32
    %dma_start3A_1140 = tpu.memref_slice %arg5[%dma_start3A_1139] : memref<1048576xi32, #tpu.memory_space<hbm>> -> memref<1048576xi32, #tpu.memory_space<hbm>>
    tpu.enqueue_indirect_dma source(%dma_start3A_1135 : memref<128xi32, #tpu.memory_space<vmem>>) target(%dma_start3A_1140 : memref<1048576xi32, #tpu.memory_space<hbm>>) offsets(%dma_start3A_1138 : memref<128xi32, #tpu.memory_space<vmem>>) semaphore(%arg11 : memref<!tpu.dma_semaphore, #tpu.memory_space<semaphore_mem>>)
    %dma_start3A_1141 = arith.constant 18 : i32
    %dma_start3A_1142 = arith.constant 18 : i32
    %dma_start3A_1143 = arith.constant 0 : i32
    %dma_start3A_1144 = tpu.memref_slice %arg9[%dma_start3A_1141, %dma_start3A_1143] : memref<48x128xi32, #tpu.memory_space<vmem>> -> memref<1x128xi32, #tpu.memory_space<vmem>>
    %dma_start3A_1145 = tpu.memref_squeeze %dma_start3A_1144 : memref<1x128xi32, #tpu.memory_space<vmem>> -> memref<128xi32, #tpu.memory_space<vmem>>
    %dma_start3A_1146 = arith.constant 0 : i32
    %dma_start3A_1147 = tpu.memref_slice %arg8[%dma_start3A_1142, %dma_start3A_1146] : memref<48x128xi32, #tpu.memory_space<vmem>> -> memref<1x128xi32, #tpu.memory_space<vmem>>
    %dma_start3A_1148 = tpu.memref_squeeze %dma_start3A_1147 : memref<1x128xi32, #tpu.memory_space<vmem>> -> memref<128xi32, #tpu.memory_space<vmem>>
    %dma_start3A_1149 = arith.constant 0 : i32
    %dma_start3A_1150 = tpu.memref_slice %arg5[%dma_start3A_1149] : memref<1048576xi32, #tpu.memory_space<hbm>> -> memref<1048576xi32, #tpu.memory_space<hbm>>
    tpu.enqueue_indirect_dma source(%dma_start3A_1145 : memref<128xi32, #tpu.memory_space<vmem>>) target(%dma_start3A_1150 : memref<1048576xi32, #tpu.memory_space<hbm>>) offsets(%dma_start3A_1148 : memref<128xi32, #tpu.memory_space<vmem>>) semaphore(%arg11 : memref<!tpu.dma_semaphore, #tpu.memory_space<semaphore_mem>>)
    %dma_start3A_1151 = arith.constant 19 : i32
    %dma_start3A_1152 = arith.constant 19 : i32
    %dma_start3A_1153 = arith.constant 0 : i32
    %dma_start3A_1154 = tpu.memref_slice %arg9[%dma_start3A_1151, %dma_start3A_1153] : memref<48x128xi32, #tpu.memory_space<vmem>> -> memref<1x128xi32, #tpu.memory_space<vmem>>
    %dma_start3A_1155 = tpu.memref_squeeze %dma_start3A_1154 : memref<1x128xi32, #tpu.memory_space<vmem>> -> memref<128xi32, #tpu.memory_space<vmem>>
    %dma_start3A_1156 = arith.constant 0 : i32
    %dma_start3A_1157 = tpu.memref_slice %arg8[%dma_start3A_1152, %dma_start3A_1156] : memref<48x128xi32, #tpu.memory_space<vmem>> -> memref<1x128xi32, #tpu.memory_space<vmem>>
    %dma_start3A_1158 = tpu.memref_squeeze %dma_start3A_1157 : memref<1x128xi32, #tpu.memory_space<vmem>> -> memref<128xi32, #tpu.memory_space<vmem>>
    %dma_start3A_1159 = arith.constant 0 : i32
    %dma_start3A_1160 = tpu.memref_slice %arg5[%dma_start3A_1159] : memref<1048576xi32, #tpu.memory_space<hbm>> -> memref<1048576xi32, #tpu.memory_space<hbm>>
    tpu.enqueue_indirect_dma source(%dma_start3A_1155 : memref<128xi32, #tpu.memory_space<vmem>>) target(%dma_start3A_1160 : memref<1048576xi32, #tpu.memory_space<hbm>>) offsets(%dma_start3A_1158 : memref<128xi32, #tpu.memory_space<vmem>>) semaphore(%arg11 : memref<!tpu.dma_semaphore, #tpu.memory_space<semaphore_mem>>)
    %dma_start3A_1161 = arith.constant 20 : i32
    %dma_start3A_1162 = arith.constant 20 : i32
    %dma_start3A_1163 = arith.constant 0 : i32
    %dma_start3A_1164 = tpu.memref_slice %arg9[%dma_start3A_1161, %dma_start3A_1163] : memref<48x128xi32, #tpu.memory_space<vmem>> -> memref<1x128xi32, #tpu.memory_space<vmem>>
    %dma_start3A_1165 = tpu.memref_squeeze %dma_start3A_1164 : memref<1x128xi32, #tpu.memory_space<vmem>> -> memref<128xi32, #tpu.memory_space<vmem>>
    %dma_start3A_1166 = arith.constant 0 : i32
    %dma_start3A_1167 = tpu.memref_slice %arg8[%dma_start3A_1162, %dma_start3A_1166] : memref<48x128xi32, #tpu.memory_space<vmem>> -> memref<1x128xi32, #tpu.memory_space<vmem>>
    %dma_start3A_1168 = tpu.memref_squeeze %dma_start3A_1167 : memref<1x128xi32, #tpu.memory_space<vmem>> -> memref<128xi32, #tpu.memory_space<vmem>>
    %dma_start3A_1169 = arith.constant 0 : i32
    %dma_start3A_1170 = tpu.memref_slice %arg5[%dma_start3A_1169] : memref<1048576xi32, #tpu.memory_space<hbm>> -> memref<1048576xi32, #tpu.memory_space<hbm>>
    tpu.enqueue_indirect_dma source(%dma_start3A_1165 : memref<128xi32, #tpu.memory_space<vmem>>) target(%dma_start3A_1170 : memref<1048576xi32, #tpu.memory_space<hbm>>) offsets(%dma_start3A_1168 : memref<128xi32, #tpu.memory_space<vmem>>) semaphore(%arg11 : memref<!tpu.dma_semaphore, #tpu.memory_space<semaphore_mem>>)
    %dma_start3A_1171 = arith.constant 21 : i32
    %dma_start3A_1172 = arith.constant 21 : i32
    %dma_start3A_1173 = arith.constant 0 : i32
    %dma_start3A_1174 = tpu.memref_slice %arg9[%dma_start3A_1171, %dma_start3A_1173] : memref<48x128xi32, #tpu.memory_space<vmem>> -> memref<1x128xi32, #tpu.memory_space<vmem>>
    %dma_start3A_1175 = tpu.memref_squeeze %dma_start3A_1174 : memref<1x128xi32, #tpu.memory_space<vmem>> -> memref<128xi32, #tpu.memory_space<vmem>>
    %dma_start3A_1176 = arith.constant 0 : i32
    %dma_start3A_1177 = tpu.memref_slice %arg8[%dma_start3A_1172, %dma_start3A_1176] : memref<48x128xi32, #tpu.memory_space<vmem>> -> memref<1x128xi32, #tpu.memory_space<vmem>>
    %dma_start3A_1178 = tpu.memref_squeeze %dma_start3A_1177 : memref<1x128xi32, #tpu.memory_space<vmem>> -> memref<128xi32, #tpu.memory_space<vmem>>
    %dma_start3A_1179 = arith.constant 0 : i32
    %dma_start3A_1180 = tpu.memref_slice %arg5[%dma_start3A_1179] : memref<1048576xi32, #tpu.memory_space<hbm>> -> memref<1048576xi32, #tpu.memory_space<hbm>>
    tpu.enqueue_indirect_dma source(%dma_start3A_1175 : memref<128xi32, #tpu.memory_space<vmem>>) target(%dma_start3A_1180 : memref<1048576xi32, #tpu.memory_space<hbm>>) offsets(%dma_start3A_1178 : memref<128xi32, #tpu.memory_space<vmem>>) semaphore(%arg11 : memref<!tpu.dma_semaphore, #tpu.memory_space<semaphore_mem>>)
    %dma_start3A_1181 = arith.constant 22 : i32
    %dma_start3A_1182 = arith.constant 22 : i32
    %dma_start3A_1183 = arith.constant 0 : i32
    %dma_start3A_1184 = tpu.memref_slice %arg9[%dma_start3A_1181, %dma_start3A_1183] : memref<48x128xi32, #tpu.memory_space<vmem>> -> memref<1x128xi32, #tpu.memory_space<vmem>>
    %dma_start3A_1185 = tpu.memref_squeeze %dma_start3A_1184 : memref<1x128xi32, #tpu.memory_space<vmem>> -> memref<128xi32, #tpu.memory_space<vmem>>
    %dma_start3A_1186 = arith.constant 0 : i32
    %dma_start3A_1187 = tpu.memref_slice %arg8[%dma_start3A_1182, %dma_start3A_1186] : memref<48x128xi32, #tpu.memory_space<vmem>> -> memref<1x128xi32, #tpu.memory_space<vmem>>
    %dma_start3A_1188 = tpu.memref_squeeze %dma_start3A_1187 : memref<1x128xi32, #tpu.memory_space<vmem>> -> memref<128xi32, #tpu.memory_space<vmem>>
    %dma_start3A_1189 = arith.constant 0 : i32
    %dma_start3A_1190 = tpu.memref_slice %arg5[%dma_start3A_1189] : memref<1048576xi32, #tpu.memory_space<hbm>> -> memref<1048576xi32, #tpu.memory_space<hbm>>
    tpu.enqueue_indirect_dma source(%dma_start3A_1185 : memref<128xi32, #tpu.memory_space<vmem>>) target(%dma_start3A_1190 : memref<1048576xi32, #tpu.memory_space<hbm>>) offsets(%dma_start3A_1188 : memref<128xi32, #tpu.memory_space<vmem>>) semaphore(%arg11 : memref<!tpu.dma_semaphore, #tpu.memory_space<semaphore_mem>>)
    %dma_start3A_1191 = arith.constant 23 : i32
    %dma_start3A_1192 = arith.constant 23 : i32
    %dma_start3A_1193 = arith.constant 0 : i32
    %dma_start3A_1194 = tpu.memref_slice %arg9[%dma_start3A_1191, %dma_start3A_1193] : memref<48x128xi32, #tpu.memory_space<vmem>> -> memref<1x128xi32, #tpu.memory_space<vmem>>
    %dma_start3A_1195 = tpu.memref_squeeze %dma_start3A_1194 : memref<1x128xi32, #tpu.memory_space<vmem>> -> memref<128xi32, #tpu.memory_space<vmem>>
    %dma_start3A_1196 = arith.constant 0 : i32
    %dma_start3A_1197 = tpu.memref_slice %arg8[%dma_start3A_1192, %dma_start3A_1196] : memref<48x128xi32, #tpu.memory_space<vmem>> -> memref<1x128xi32, #tpu.memory_space<vmem>>
    %dma_start3A_1198 = tpu.memref_squeeze %dma_start3A_1197 : memref<1x128xi32, #tpu.memory_space<vmem>> -> memref<128xi32, #tpu.memory_space<vmem>>
    %dma_start3A_1199 = arith.constant 0 : i32
    %dma_start3A_1200 = tpu.memref_slice %arg5[%dma_start3A_1199] : memref<1048576xi32, #tpu.memory_space<hbm>> -> memref<1048576xi32, #tpu.memory_space<hbm>>
    tpu.enqueue_indirect_dma source(%dma_start3A_1195 : memref<128xi32, #tpu.memory_space<vmem>>) target(%dma_start3A_1200 : memref<1048576xi32, #tpu.memory_space<hbm>>) offsets(%dma_start3A_1198 : memref<128xi32, #tpu.memory_space<vmem>>) semaphore(%arg11 : memref<!tpu.dma_semaphore, #tpu.memory_space<semaphore_mem>>)
    %dma_start3A_1201 = arith.constant 24 : i32
    %dma_start3A_1202 = arith.constant 24 : i32
    %dma_start3A_1203 = arith.constant 0 : i32
    %dma_start3A_1204 = tpu.memref_slice %arg9[%dma_start3A_1201, %dma_start3A_1203] : memref<48x128xi32, #tpu.memory_space<vmem>> -> memref<1x128xi32, #tpu.memory_space<vmem>>
    %dma_start3A_1205 = tpu.memref_squeeze %dma_start3A_1204 : memref<1x128xi32, #tpu.memory_space<vmem>> -> memref<128xi32, #tpu.memory_space<vmem>>
    %dma_start3A_1206 = arith.constant 0 : i32
    %dma_start3A_1207 = tpu.memref_slice %arg8[%dma_start3A_1202, %dma_start3A_1206] : memref<48x128xi32, #tpu.memory_space<vmem>> -> memref<1x128xi32, #tpu.memory_space<vmem>>
    %dma_start3A_1208 = tpu.memref_squeeze %dma_start3A_1207 : memref<1x128xi32, #tpu.memory_space<vmem>> -> memref<128xi32, #tpu.memory_space<vmem>>
    %dma_start3A_1209 = arith.constant 0 : i32
    %dma_start3A_1210 = tpu.memref_slice %arg5[%dma_start3A_1209] : memref<1048576xi32, #tpu.memory_space<hbm>> -> memref<1048576xi32, #tpu.memory_space<hbm>>
    tpu.enqueue_indirect_dma source(%dma_start3A_1205 : memref<128xi32, #tpu.memory_space<vmem>>) target(%dma_start3A_1210 : memref<1048576xi32, #tpu.memory_space<hbm>>) offsets(%dma_start3A_1208 : memref<128xi32, #tpu.memory_space<vmem>>) semaphore(%arg11 : memref<!tpu.dma_semaphore, #tpu.memory_space<semaphore_mem>>)
    %dma_start3A_1211 = arith.constant 25 : i32
    %dma_start3A_1212 = arith.constant 25 : i32
    %dma_start3A_1213 = arith.constant 0 : i32
    %dma_start3A_1214 = tpu.memref_slice %arg9[%dma_start3A_1211, %dma_start3A_1213] : memref<48x128xi32, #tpu.memory_space<vmem>> -> memref<1x128xi32, #tpu.memory_space<vmem>>
    %dma_start3A_1215 = tpu.memref_squeeze %dma_start3A_1214 : memref<1x128xi32, #tpu.memory_space<vmem>> -> memref<128xi32, #tpu.memory_space<vmem>>
    %dma_start3A_1216 = arith.constant 0 : i32
    %dma_start3A_1217 = tpu.memref_slice %arg8[%dma_start3A_1212, %dma_start3A_1216] : memref<48x128xi32, #tpu.memory_space<vmem>> -> memref<1x128xi32, #tpu.memory_space<vmem>>
    %dma_start3A_1218 = tpu.memref_squeeze %dma_start3A_1217 : memref<1x128xi32, #tpu.memory_space<vmem>> -> memref<128xi32, #tpu.memory_space<vmem>>
    %dma_start3A_1219 = arith.constant 0 : i32
    %dma_start3A_1220 = tpu.memref_slice %arg5[%dma_start3A_1219] : memref<1048576xi32, #tpu.memory_space<hbm>> -> memref<1048576xi32, #tpu.memory_space<hbm>>
    tpu.enqueue_indirect_dma source(%dma_start3A_1215 : memref<128xi32, #tpu.memory_space<vmem>>) target(%dma_start3A_1220 : memref<1048576xi32, #tpu.memory_space<hbm>>) offsets(%dma_start3A_1218 : memref<128xi32, #tpu.memory_space<vmem>>) semaphore(%arg11 : memref<!tpu.dma_semaphore, #tpu.memory_space<semaphore_mem>>)
    %dma_start3A_1221 = arith.constant 26 : i32
    %dma_start3A_1222 = arith.constant 26 : i32
    %dma_start3A_1223 = arith.constant 0 : i32
    %dma_start3A_1224 = tpu.memref_slice %arg9[%dma_start3A_1221, %dma_start3A_1223] : memref<48x128xi32, #tpu.memory_space<vmem>> -> memref<1x128xi32, #tpu.memory_space<vmem>>
    %dma_start3A_1225 = tpu.memref_squeeze %dma_start3A_1224 : memref<1x128xi32, #tpu.memory_space<vmem>> -> memref<128xi32, #tpu.memory_space<vmem>>
    %dma_start3A_1226 = arith.constant 0 : i32
    %dma_start3A_1227 = tpu.memref_slice %arg8[%dma_start3A_1222, %dma_start3A_1226] : memref<48x128xi32, #tpu.memory_space<vmem>> -> memref<1x128xi32, #tpu.memory_space<vmem>>
    %dma_start3A_1228 = tpu.memref_squeeze %dma_start3A_1227 : memref<1x128xi32, #tpu.memory_space<vmem>> -> memref<128xi32, #tpu.memory_space<vmem>>
    %dma_start3A_1229 = arith.constant 0 : i32
    %dma_start3A_1230 = tpu.memref_slice %arg5[%dma_start3A_1229] : memref<1048576xi32, #tpu.memory_space<hbm>> -> memref<1048576xi32, #tpu.memory_space<hbm>>
    tpu.enqueue_indirect_dma source(%dma_start3A_1225 : memref<128xi32, #tpu.memory_space<vmem>>) target(%dma_start3A_1230 : memref<1048576xi32, #tpu.memory_space<hbm>>) offsets(%dma_start3A_1228 : memref<128xi32, #tpu.memory_space<vmem>>) semaphore(%arg11 : memref<!tpu.dma_semaphore, #tpu.memory_space<semaphore_mem>>)
    %dma_start3A_1231 = arith.constant 27 : i32
    %dma_start3A_1232 = arith.constant 27 : i32
    %dma_start3A_1233 = arith.constant 0 : i32
    %dma_start3A_1234 = tpu.memref_slice %arg9[%dma_start3A_1231, %dma_start3A_1233] : memref<48x128xi32, #tpu.memory_space<vmem>> -> memref<1x128xi32, #tpu.memory_space<vmem>>
    %dma_start3A_1235 = tpu.memref_squeeze %dma_start3A_1234 : memref<1x128xi32, #tpu.memory_space<vmem>> -> memref<128xi32, #tpu.memory_space<vmem>>
    %dma_start3A_1236 = arith.constant 0 : i32
    %dma_start3A_1237 = tpu.memref_slice %arg8[%dma_start3A_1232, %dma_start3A_1236] : memref<48x128xi32, #tpu.memory_space<vmem>> -> memref<1x128xi32, #tpu.memory_space<vmem>>
    %dma_start3A_1238 = tpu.memref_squeeze %dma_start3A_1237 : memref<1x128xi32, #tpu.memory_space<vmem>> -> memref<128xi32, #tpu.memory_space<vmem>>
    %dma_start3A_1239 = arith.constant 0 : i32
    %dma_start3A_1240 = tpu.memref_slice %arg5[%dma_start3A_1239] : memref<1048576xi32, #tpu.memory_space<hbm>> -> memref<1048576xi32, #tpu.memory_space<hbm>>
    tpu.enqueue_indirect_dma source(%dma_start3A_1235 : memref<128xi32, #tpu.memory_space<vmem>>) target(%dma_start3A_1240 : memref<1048576xi32, #tpu.memory_space<hbm>>) offsets(%dma_start3A_1238 : memref<128xi32, #tpu.memory_space<vmem>>) semaphore(%arg11 : memref<!tpu.dma_semaphore, #tpu.memory_space<semaphore_mem>>)
    %dma_start3A_1241 = arith.constant 28 : i32
    %dma_start3A_1242 = arith.constant 28 : i32
    %dma_start3A_1243 = arith.constant 0 : i32
    %dma_start3A_1244 = tpu.memref_slice %arg9[%dma_start3A_1241, %dma_start3A_1243] : memref<48x128xi32, #tpu.memory_space<vmem>> -> memref<1x128xi32, #tpu.memory_space<vmem>>
    %dma_start3A_1245 = tpu.memref_squeeze %dma_start3A_1244 : memref<1x128xi32, #tpu.memory_space<vmem>> -> memref<128xi32, #tpu.memory_space<vmem>>
    %dma_start3A_1246 = arith.constant 0 : i32
    %dma_start3A_1247 = tpu.memref_slice %arg8[%dma_start3A_1242, %dma_start3A_1246] : memref<48x128xi32, #tpu.memory_space<vmem>> -> memref<1x128xi32, #tpu.memory_space<vmem>>
    %dma_start3A_1248 = tpu.memref_squeeze %dma_start3A_1247 : memref<1x128xi32, #tpu.memory_space<vmem>> -> memref<128xi32, #tpu.memory_space<vmem>>
    %dma_start3A_1249 = arith.constant 0 : i32
    %dma_start3A_1250 = tpu.memref_slice %arg5[%dma_start3A_1249] : memref<1048576xi32, #tpu.memory_space<hbm>> -> memref<1048576xi32, #tpu.memory_space<hbm>>
    tpu.enqueue_indirect_dma source(%dma_start3A_1245 : memref<128xi32, #tpu.memory_space<vmem>>) target(%dma_start3A_1250 : memref<1048576xi32, #tpu.memory_space<hbm>>) offsets(%dma_start3A_1248 : memref<128xi32, #tpu.memory_space<vmem>>) semaphore(%arg11 : memref<!tpu.dma_semaphore, #tpu.memory_space<semaphore_mem>>)
    %dma_start3A_1251 = arith.constant 29 : i32
    %dma_start3A_1252 = arith.constant 29 : i32
    %dma_start3A_1253 = arith.constant 0 : i32
    %dma_start3A_1254 = tpu.memref_slice %arg9[%dma_start3A_1251, %dma_start3A_1253] : memref<48x128xi32, #tpu.memory_space<vmem>> -> memref<1x128xi32, #tpu.memory_space<vmem>>
    %dma_start3A_1255 = tpu.memref_squeeze %dma_start3A_1254 : memref<1x128xi32, #tpu.memory_space<vmem>> -> memref<128xi32, #tpu.memory_space<vmem>>
    %dma_start3A_1256 = arith.constant 0 : i32
    %dma_start3A_1257 = tpu.memref_slice %arg8[%dma_start3A_1252, %dma_start3A_1256] : memref<48x128xi32, #tpu.memory_space<vmem>> -> memref<1x128xi32, #tpu.memory_space<vmem>>
    %dma_start3A_1258 = tpu.memref_squeeze %dma_start3A_1257 : memref<1x128xi32, #tpu.memory_space<vmem>> -> memref<128xi32, #tpu.memory_space<vmem>>
    %dma_start3A_1259 = arith.constant 0 : i32
    %dma_start3A_1260 = tpu.memref_slice %arg5[%dma_start3A_1259] : memref<1048576xi32, #tpu.memory_space<hbm>> -> memref<1048576xi32, #tpu.memory_space<hbm>>
    tpu.enqueue_indirect_dma source(%dma_start3A_1255 : memref<128xi32, #tpu.memory_space<vmem>>) target(%dma_start3A_1260 : memref<1048576xi32, #tpu.memory_space<hbm>>) offsets(%dma_start3A_1258 : memref<128xi32, #tpu.memory_space<vmem>>) semaphore(%arg11 : memref<!tpu.dma_semaphore, #tpu.memory_space<semaphore_mem>>)
    %dma_start3A_1261 = arith.constant 30 : i32
    %dma_start3A_1262 = arith.constant 30 : i32
    %dma_start3A_1263 = arith.constant 0 : i32
    %dma_start3A_1264 = tpu.memref_slice %arg9[%dma_start3A_1261, %dma_start3A_1263] : memref<48x128xi32, #tpu.memory_space<vmem>> -> memref<1x128xi32, #tpu.memory_space<vmem>>
    %dma_start3A_1265 = tpu.memref_squeeze %dma_start3A_1264 : memref<1x128xi32, #tpu.memory_space<vmem>> -> memref<128xi32, #tpu.memory_space<vmem>>
    %dma_start3A_1266 = arith.constant 0 : i32
    %dma_start3A_1267 = tpu.memref_slice %arg8[%dma_start3A_1262, %dma_start3A_1266] : memref<48x128xi32, #tpu.memory_space<vmem>> -> memref<1x128xi32, #tpu.memory_space<vmem>>
    %dma_start3A_1268 = tpu.memref_squeeze %dma_start3A_1267 : memref<1x128xi32, #tpu.memory_space<vmem>> -> memref<128xi32, #tpu.memory_space<vmem>>
    %dma_start3A_1269 = arith.constant 0 : i32
    %dma_start3A_1270 = tpu.memref_slice %arg5[%dma_start3A_1269] : memref<1048576xi32, #tpu.memory_space<hbm>> -> memref<1048576xi32, #tpu.memory_space<hbm>>
    tpu.enqueue_indirect_dma source(%dma_start3A_1265 : memref<128xi32, #tpu.memory_space<vmem>>) target(%dma_start3A_1270 : memref<1048576xi32, #tpu.memory_space<hbm>>) offsets(%dma_start3A_1268 : memref<128xi32, #tpu.memory_space<vmem>>) semaphore(%arg11 : memref<!tpu.dma_semaphore, #tpu.memory_space<semaphore_mem>>)
    %dma_start3A_1271 = arith.constant 31 : i32
    %dma_start3A_1272 = arith.constant 31 : i32
    %dma_start3A_1273 = arith.constant 0 : i32
    %dma_start3A_1274 = tpu.memref_slice %arg9[%dma_start3A_1271, %dma_start3A_1273] : memref<48x128xi32, #tpu.memory_space<vmem>> -> memref<1x128xi32, #tpu.memory_space<vmem>>
    %dma_start3A_1275 = tpu.memref_squeeze %dma_start3A_1274 : memref<1x128xi32, #tpu.memory_space<vmem>> -> memref<128xi32, #tpu.memory_space<vmem>>
    %dma_start3A_1276 = arith.constant 0 : i32
    %dma_start3A_1277 = tpu.memref_slice %arg8[%dma_start3A_1272, %dma_start3A_1276] : memref<48x128xi32, #tpu.memory_space<vmem>> -> memref<1x128xi32, #tpu.memory_space<vmem>>
    %dma_start3A_1278 = tpu.memref_squeeze %dma_start3A_1277 : memref<1x128xi32, #tpu.memory_space<vmem>> -> memref<128xi32, #tpu.memory_space<vmem>>
    %dma_start3A_1279 = arith.constant 0 : i32
    %dma_start3A_1280 = tpu.memref_slice %arg5[%dma_start3A_1279] : memref<1048576xi32, #tpu.memory_space<hbm>> -> memref<1048576xi32, #tpu.memory_space<hbm>>
    tpu.enqueue_indirect_dma source(%dma_start3A_1275 : memref<128xi32, #tpu.memory_space<vmem>>) target(%dma_start3A_1280 : memref<1048576xi32, #tpu.memory_space<hbm>>) offsets(%dma_start3A_1278 : memref<128xi32, #tpu.memory_space<vmem>>) semaphore(%arg11 : memref<!tpu.dma_semaphore, #tpu.memory_space<semaphore_mem>>)
    %dma_start3A_1281 = arith.constant 32 : i32
    %dma_start3A_1282 = arith.constant 32 : i32
    %dma_start3A_1283 = arith.constant 0 : i32
    %dma_start3A_1284 = tpu.memref_slice %arg9[%dma_start3A_1281, %dma_start3A_1283] : memref<48x128xi32, #tpu.memory_space<vmem>> -> memref<1x128xi32, #tpu.memory_space<vmem>>
    %dma_start3A_1285 = tpu.memref_squeeze %dma_start3A_1284 : memref<1x128xi32, #tpu.memory_space<vmem>> -> memref<128xi32, #tpu.memory_space<vmem>>
    %dma_start3A_1286 = arith.constant 0 : i32
    %dma_start3A_1287 = tpu.memref_slice %arg8[%dma_start3A_1282, %dma_start3A_1286] : memref<48x128xi32, #tpu.memory_space<vmem>> -> memref<1x128xi32, #tpu.memory_space<vmem>>
    %dma_start3A_1288 = tpu.memref_squeeze %dma_start3A_1287 : memref<1x128xi32, #tpu.memory_space<vmem>> -> memref<128xi32, #tpu.memory_space<vmem>>
    %dma_start3A_1289 = arith.constant 0 : i32
    %dma_start3A_1290 = tpu.memref_slice %arg5[%dma_start3A_1289] : memref<1048576xi32, #tpu.memory_space<hbm>> -> memref<1048576xi32, #tpu.memory_space<hbm>>
    tpu.enqueue_indirect_dma source(%dma_start3A_1285 : memref<128xi32, #tpu.memory_space<vmem>>) target(%dma_start3A_1290 : memref<1048576xi32, #tpu.memory_space<hbm>>) offsets(%dma_start3A_1288 : memref<128xi32, #tpu.memory_space<vmem>>) semaphore(%arg11 : memref<!tpu.dma_semaphore, #tpu.memory_space<semaphore_mem>>)
    %dma_start3A_1291 = arith.constant 33 : i32
    %dma_start3A_1292 = arith.constant 33 : i32
    %dma_start3A_1293 = arith.constant 0 : i32
    %dma_start3A_1294 = tpu.memref_slice %arg9[%dma_start3A_1291, %dma_start3A_1293] : memref<48x128xi32, #tpu.memory_space<vmem>> -> memref<1x128xi32, #tpu.memory_space<vmem>>
    %dma_start3A_1295 = tpu.memref_squeeze %dma_start3A_1294 : memref<1x128xi32, #tpu.memory_space<vmem>> -> memref<128xi32, #tpu.memory_space<vmem>>
    %dma_start3A_1296 = arith.constant 0 : i32
    %dma_start3A_1297 = tpu.memref_slice %arg8[%dma_start3A_1292, %dma_start3A_1296] : memref<48x128xi32, #tpu.memory_space<vmem>> -> memref<1x128xi32, #tpu.memory_space<vmem>>
    %dma_start3A_1298 = tpu.memref_squeeze %dma_start3A_1297 : memref<1x128xi32, #tpu.memory_space<vmem>> -> memref<128xi32, #tpu.memory_space<vmem>>
    %dma_start3A_1299 = arith.constant 0 : i32
    %dma_start3A_1300 = tpu.memref_slice %arg5[%dma_start3A_1299] : memref<1048576xi32, #tpu.memory_space<hbm>> -> memref<1048576xi32, #tpu.memory_space<hbm>>
    tpu.enqueue_indirect_dma source(%dma_start3A_1295 : memref<128xi32, #tpu.memory_space<vmem>>) target(%dma_start3A_1300 : memref<1048576xi32, #tpu.memory_space<hbm>>) offsets(%dma_start3A_1298 : memref<128xi32, #tpu.memory_space<vmem>>) semaphore(%arg11 : memref<!tpu.dma_semaphore, #tpu.memory_space<semaphore_mem>>)
    %dma_start3A_1301 = arith.constant 34 : i32
    %dma_start3A_1302 = arith.constant 34 : i32
    %dma_start3A_1303 = arith.constant 0 : i32
    %dma_start3A_1304 = tpu.memref_slice %arg9[%dma_start3A_1301, %dma_start3A_1303] : memref<48x128xi32, #tpu.memory_space<vmem>> -> memref<1x128xi32, #tpu.memory_space<vmem>>
    %dma_start3A_1305 = tpu.memref_squeeze %dma_start3A_1304 : memref<1x128xi32, #tpu.memory_space<vmem>> -> memref<128xi32, #tpu.memory_space<vmem>>
    %dma_start3A_1306 = arith.constant 0 : i32
    %dma_start3A_1307 = tpu.memref_slice %arg8[%dma_start3A_1302, %dma_start3A_1306] : memref<48x128xi32, #tpu.memory_space<vmem>> -> memref<1x128xi32, #tpu.memory_space<vmem>>
    %dma_start3A_1308 = tpu.memref_squeeze %dma_start3A_1307 : memref<1x128xi32, #tpu.memory_space<vmem>> -> memref<128xi32, #tpu.memory_space<vmem>>
    %dma_start3A_1309 = arith.constant 0 : i32
    %dma_start3A_1310 = tpu.memref_slice %arg5[%dma_start3A_1309] : memref<1048576xi32, #tpu.memory_space<hbm>> -> memref<1048576xi32, #tpu.memory_space<hbm>>
    tpu.enqueue_indirect_dma source(%dma_start3A_1305 : memref<128xi32, #tpu.memory_space<vmem>>) target(%dma_start3A_1310 : memref<1048576xi32, #tpu.memory_space<hbm>>) offsets(%dma_start3A_1308 : memref<128xi32, #tpu.memory_space<vmem>>) semaphore(%arg11 : memref<!tpu.dma_semaphore, #tpu.memory_space<semaphore_mem>>)
    %dma_start3A_1311 = arith.constant 35 : i32
    %dma_start3A_1312 = arith.constant 35 : i32
    %dma_start3A_1313 = arith.constant 0 : i32
    %dma_start3A_1314 = tpu.memref_slice %arg9[%dma_start3A_1311, %dma_start3A_1313] : memref<48x128xi32, #tpu.memory_space<vmem>> -> memref<1x128xi32, #tpu.memory_space<vmem>>
    %dma_start3A_1315 = tpu.memref_squeeze %dma_start3A_1314 : memref<1x128xi32, #tpu.memory_space<vmem>> -> memref<128xi32, #tpu.memory_space<vmem>>
    %dma_start3A_1316 = arith.constant 0 : i32
    %dma_start3A_1317 = tpu.memref_slice %arg8[%dma_start3A_1312, %dma_start3A_1316] : memref<48x128xi32, #tpu.memory_space<vmem>> -> memref<1x128xi32, #tpu.memory_space<vmem>>
    %dma_start3A_1318 = tpu.memref_squeeze %dma_start3A_1317 : memref<1x128xi32, #tpu.memory_space<vmem>> -> memref<128xi32, #tpu.memory_space<vmem>>
    %dma_start3A_1319 = arith.constant 0 : i32
    %dma_start3A_1320 = tpu.memref_slice %arg5[%dma_start3A_1319] : memref<1048576xi32, #tpu.memory_space<hbm>> -> memref<1048576xi32, #tpu.memory_space<hbm>>
    tpu.enqueue_indirect_dma source(%dma_start3A_1315 : memref<128xi32, #tpu.memory_space<vmem>>) target(%dma_start3A_1320 : memref<1048576xi32, #tpu.memory_space<hbm>>) offsets(%dma_start3A_1318 : memref<128xi32, #tpu.memory_space<vmem>>) semaphore(%arg11 : memref<!tpu.dma_semaphore, #tpu.memory_space<semaphore_mem>>)
    %dma_start3A_1321 = arith.constant 36 : i32
    %dma_start3A_1322 = arith.constant 36 : i32
    %dma_start3A_1323 = arith.constant 0 : i32
    %dma_start3A_1324 = tpu.memref_slice %arg9[%dma_start3A_1321, %dma_start3A_1323] : memref<48x128xi32, #tpu.memory_space<vmem>> -> memref<1x128xi32, #tpu.memory_space<vmem>>
    %dma_start3A_1325 = tpu.memref_squeeze %dma_start3A_1324 : memref<1x128xi32, #tpu.memory_space<vmem>> -> memref<128xi32, #tpu.memory_space<vmem>>
    %dma_start3A_1326 = arith.constant 0 : i32
    %dma_start3A_1327 = tpu.memref_slice %arg8[%dma_start3A_1322, %dma_start3A_1326] : memref<48x128xi32, #tpu.memory_space<vmem>> -> memref<1x128xi32, #tpu.memory_space<vmem>>
    %dma_start3A_1328 = tpu.memref_squeeze %dma_start3A_1327 : memref<1x128xi32, #tpu.memory_space<vmem>> -> memref<128xi32, #tpu.memory_space<vmem>>
    %dma_start3A_1329 = arith.constant 0 : i32
    %dma_start3A_1330 = tpu.memref_slice %arg5[%dma_start3A_1329] : memref<1048576xi32, #tpu.memory_space<hbm>> -> memref<1048576xi32, #tpu.memory_space<hbm>>
    tpu.enqueue_indirect_dma source(%dma_start3A_1325 : memref<128xi32, #tpu.memory_space<vmem>>) target(%dma_start3A_1330 : memref<1048576xi32, #tpu.memory_space<hbm>>) offsets(%dma_start3A_1328 : memref<128xi32, #tpu.memory_space<vmem>>) semaphore(%arg11 : memref<!tpu.dma_semaphore, #tpu.memory_space<semaphore_mem>>)
    %dma_start3A_1331 = arith.constant 37 : i32
    %dma_start3A_1332 = arith.constant 37 : i32
    %dma_start3A_1333 = arith.constant 0 : i32
    %dma_start3A_1334 = tpu.memref_slice %arg9[%dma_start3A_1331, %dma_start3A_1333] : memref<48x128xi32, #tpu.memory_space<vmem>> -> memref<1x128xi32, #tpu.memory_space<vmem>>
    %dma_start3A_1335 = tpu.memref_squeeze %dma_start3A_1334 : memref<1x128xi32, #tpu.memory_space<vmem>> -> memref<128xi32, #tpu.memory_space<vmem>>
    %dma_start3A_1336 = arith.constant 0 : i32
    %dma_start3A_1337 = tpu.memref_slice %arg8[%dma_start3A_1332, %dma_start3A_1336] : memref<48x128xi32, #tpu.memory_space<vmem>> -> memref<1x128xi32, #tpu.memory_space<vmem>>
    %dma_start3A_1338 = tpu.memref_squeeze %dma_start3A_1337 : memref<1x128xi32, #tpu.memory_space<vmem>> -> memref<128xi32, #tpu.memory_space<vmem>>
    %dma_start3A_1339 = arith.constant 0 : i32
    %dma_start3A_1340 = tpu.memref_slice %arg5[%dma_start3A_1339] : memref<1048576xi32, #tpu.memory_space<hbm>> -> memref<1048576xi32, #tpu.memory_space<hbm>>
    tpu.enqueue_indirect_dma source(%dma_start3A_1335 : memref<128xi32, #tpu.memory_space<vmem>>) target(%dma_start3A_1340 : memref<1048576xi32, #tpu.memory_space<hbm>>) offsets(%dma_start3A_1338 : memref<128xi32, #tpu.memory_space<vmem>>) semaphore(%arg11 : memref<!tpu.dma_semaphore, #tpu.memory_space<semaphore_mem>>)
    %dma_start3A_1341 = arith.constant 38 : i32
    %dma_start3A_1342 = arith.constant 38 : i32
    %dma_start3A_1343 = arith.constant 0 : i32
    %dma_start3A_1344 = tpu.memref_slice %arg9[%dma_start3A_1341, %dma_start3A_1343] : memref<48x128xi32, #tpu.memory_space<vmem>> -> memref<1x128xi32, #tpu.memory_space<vmem>>
    %dma_start3A_1345 = tpu.memref_squeeze %dma_start3A_1344 : memref<1x128xi32, #tpu.memory_space<vmem>> -> memref<128xi32, #tpu.memory_space<vmem>>
    %dma_start3A_1346 = arith.constant 0 : i32
    %dma_start3A_1347 = tpu.memref_slice %arg8[%dma_start3A_1342, %dma_start3A_1346] : memref<48x128xi32, #tpu.memory_space<vmem>> -> memref<1x128xi32, #tpu.memory_space<vmem>>
    %dma_start3A_1348 = tpu.memref_squeeze %dma_start3A_1347 : memref<1x128xi32, #tpu.memory_space<vmem>> -> memref<128xi32, #tpu.memory_space<vmem>>
    %dma_start3A_1349 = arith.constant 0 : i32
    %dma_start3A_1350 = tpu.memref_slice %arg5[%dma_start3A_1349] : memref<1048576xi32, #tpu.memory_space<hbm>> -> memref<1048576xi32, #tpu.memory_space<hbm>>
    tpu.enqueue_indirect_dma source(%dma_start3A_1345 : memref<128xi32, #tpu.memory_space<vmem>>) target(%dma_start3A_1350 : memref<1048576xi32, #tpu.memory_space<hbm>>) offsets(%dma_start3A_1348 : memref<128xi32, #tpu.memory_space<vmem>>) semaphore(%arg11 : memref<!tpu.dma_semaphore, #tpu.memory_space<semaphore_mem>>)
    %dma_start3A_1351 = arith.constant 39 : i32
    %dma_start3A_1352 = arith.constant 39 : i32
    %dma_start3A_1353 = arith.constant 0 : i32
    %dma_start3A_1354 = tpu.memref_slice %arg9[%dma_start3A_1351, %dma_start3A_1353] : memref<48x128xi32, #tpu.memory_space<vmem>> -> memref<1x128xi32, #tpu.memory_space<vmem>>
    %dma_start3A_1355 = tpu.memref_squeeze %dma_start3A_1354 : memref<1x128xi32, #tpu.memory_space<vmem>> -> memref<128xi32, #tpu.memory_space<vmem>>
    %dma_start3A_1356 = arith.constant 0 : i32
    %dma_start3A_1357 = tpu.memref_slice %arg8[%dma_start3A_1352, %dma_start3A_1356] : memref<48x128xi32, #tpu.memory_space<vmem>> -> memref<1x128xi32, #tpu.memory_space<vmem>>
    %dma_start3A_1358 = tpu.memref_squeeze %dma_start3A_1357 : memref<1x128xi32, #tpu.memory_space<vmem>> -> memref<128xi32, #tpu.memory_space<vmem>>
    %dma_start3A_1359 = arith.constant 0 : i32
    %dma_start3A_1360 = tpu.memref_slice %arg5[%dma_start3A_1359] : memref<1048576xi32, #tpu.memory_space<hbm>> -> memref<1048576xi32, #tpu.memory_space<hbm>>
    tpu.enqueue_indirect_dma source(%dma_start3A_1355 : memref<128xi32, #tpu.memory_space<vmem>>) target(%dma_start3A_1360 : memref<1048576xi32, #tpu.memory_space<hbm>>) offsets(%dma_start3A_1358 : memref<128xi32, #tpu.memory_space<vmem>>) semaphore(%arg11 : memref<!tpu.dma_semaphore, #tpu.memory_space<semaphore_mem>>)
    %dma_start3A_1361 = arith.constant 40 : i32
    %dma_start3A_1362 = arith.constant 40 : i32
    %dma_start3A_1363 = arith.constant 0 : i32
    %dma_start3A_1364 = tpu.memref_slice %arg9[%dma_start3A_1361, %dma_start3A_1363] : memref<48x128xi32, #tpu.memory_space<vmem>> -> memref<1x128xi32, #tpu.memory_space<vmem>>
    %dma_start3A_1365 = tpu.memref_squeeze %dma_start3A_1364 : memref<1x128xi32, #tpu.memory_space<vmem>> -> memref<128xi32, #tpu.memory_space<vmem>>
    %dma_start3A_1366 = arith.constant 0 : i32
    %dma_start3A_1367 = tpu.memref_slice %arg8[%dma_start3A_1362, %dma_start3A_1366] : memref<48x128xi32, #tpu.memory_space<vmem>> -> memref<1x128xi32, #tpu.memory_space<vmem>>
    %dma_start3A_1368 = tpu.memref_squeeze %dma_start3A_1367 : memref<1x128xi32, #tpu.memory_space<vmem>> -> memref<128xi32, #tpu.memory_space<vmem>>
    %dma_start3A_1369 = arith.constant 0 : i32
    %dma_start3A_1370 = tpu.memref_slice %arg5[%dma_start3A_1369] : memref<1048576xi32, #tpu.memory_space<hbm>> -> memref<1048576xi32, #tpu.memory_space<hbm>>
    tpu.enqueue_indirect_dma source(%dma_start3A_1365 : memref<128xi32, #tpu.memory_space<vmem>>) target(%dma_start3A_1370 : memref<1048576xi32, #tpu.memory_space<hbm>>) offsets(%dma_start3A_1368 : memref<128xi32, #tpu.memory_space<vmem>>) semaphore(%arg11 : memref<!tpu.dma_semaphore, #tpu.memory_space<semaphore_mem>>)
    %dma_start3A_1371 = arith.constant 41 : i32
    %dma_start3A_1372 = arith.constant 41 : i32
    %dma_start3A_1373 = arith.constant 0 : i32
    %dma_start3A_1374 = tpu.memref_slice %arg9[%dma_start3A_1371, %dma_start3A_1373] : memref<48x128xi32, #tpu.memory_space<vmem>> -> memref<1x128xi32, #tpu.memory_space<vmem>>
    %dma_start3A_1375 = tpu.memref_squeeze %dma_start3A_1374 : memref<1x128xi32, #tpu.memory_space<vmem>> -> memref<128xi32, #tpu.memory_space<vmem>>
    %dma_start3A_1376 = arith.constant 0 : i32
    %dma_start3A_1377 = tpu.memref_slice %arg8[%dma_start3A_1372, %dma_start3A_1376] : memref<48x128xi32, #tpu.memory_space<vmem>> -> memref<1x128xi32, #tpu.memory_space<vmem>>
    %dma_start3A_1378 = tpu.memref_squeeze %dma_start3A_1377 : memref<1x128xi32, #tpu.memory_space<vmem>> -> memref<128xi32, #tpu.memory_space<vmem>>
    %dma_start3A_1379 = arith.constant 0 : i32
    %dma_start3A_1380 = tpu.memref_slice %arg5[%dma_start3A_1379] : memref<1048576xi32, #tpu.memory_space<hbm>> -> memref<1048576xi32, #tpu.memory_space<hbm>>
    tpu.enqueue_indirect_dma source(%dma_start3A_1375 : memref<128xi32, #tpu.memory_space<vmem>>) target(%dma_start3A_1380 : memref<1048576xi32, #tpu.memory_space<hbm>>) offsets(%dma_start3A_1378 : memref<128xi32, #tpu.memory_space<vmem>>) semaphore(%arg11 : memref<!tpu.dma_semaphore, #tpu.memory_space<semaphore_mem>>)
    %dma_start3A_1381 = arith.constant 42 : i32
    %dma_start3A_1382 = arith.constant 42 : i32
    %dma_start3A_1383 = arith.constant 0 : i32
    %dma_start3A_1384 = tpu.memref_slice %arg9[%dma_start3A_1381, %dma_start3A_1383] : memref<48x128xi32, #tpu.memory_space<vmem>> -> memref<1x128xi32, #tpu.memory_space<vmem>>
    %dma_start3A_1385 = tpu.memref_squeeze %dma_start3A_1384 : memref<1x128xi32, #tpu.memory_space<vmem>> -> memref<128xi32, #tpu.memory_space<vmem>>
    %dma_start3A_1386 = arith.constant 0 : i32
    %dma_start3A_1387 = tpu.memref_slice %arg8[%dma_start3A_1382, %dma_start3A_1386] : memref<48x128xi32, #tpu.memory_space<vmem>> -> memref<1x128xi32, #tpu.memory_space<vmem>>
    %dma_start3A_1388 = tpu.memref_squeeze %dma_start3A_1387 : memref<1x128xi32, #tpu.memory_space<vmem>> -> memref<128xi32, #tpu.memory_space<vmem>>
    %dma_start3A_1389 = arith.constant 0 : i32
    %dma_start3A_1390 = tpu.memref_slice %arg5[%dma_start3A_1389] : memref<1048576xi32, #tpu.memory_space<hbm>> -> memref<1048576xi32, #tpu.memory_space<hbm>>
    tpu.enqueue_indirect_dma source(%dma_start3A_1385 : memref<128xi32, #tpu.memory_space<vmem>>) target(%dma_start3A_1390 : memref<1048576xi32, #tpu.memory_space<hbm>>) offsets(%dma_start3A_1388 : memref<128xi32, #tpu.memory_space<vmem>>) semaphore(%arg11 : memref<!tpu.dma_semaphore, #tpu.memory_space<semaphore_mem>>)
    %dma_start3A_1391 = arith.constant 43 : i32
    %dma_start3A_1392 = arith.constant 43 : i32
    %dma_start3A_1393 = arith.constant 0 : i32
    %dma_start3A_1394 = tpu.memref_slice %arg9[%dma_start3A_1391, %dma_start3A_1393] : memref<48x128xi32, #tpu.memory_space<vmem>> -> memref<1x128xi32, #tpu.memory_space<vmem>>
    %dma_start3A_1395 = tpu.memref_squeeze %dma_start3A_1394 : memref<1x128xi32, #tpu.memory_space<vmem>> -> memref<128xi32, #tpu.memory_space<vmem>>
    %dma_start3A_1396 = arith.constant 0 : i32
    %dma_start3A_1397 = tpu.memref_slice %arg8[%dma_start3A_1392, %dma_start3A_1396] : memref<48x128xi32, #tpu.memory_space<vmem>> -> memref<1x128xi32, #tpu.memory_space<vmem>>
    %dma_start3A_1398 = tpu.memref_squeeze %dma_start3A_1397 : memref<1x128xi32, #tpu.memory_space<vmem>> -> memref<128xi32, #tpu.memory_space<vmem>>
    %dma_start3A_1399 = arith.constant 0 : i32
    %dma_start3A_1400 = tpu.memref_slice %arg5[%dma_start3A_1399] : memref<1048576xi32, #tpu.memory_space<hbm>> -> memref<1048576xi32, #tpu.memory_space<hbm>>
    tpu.enqueue_indirect_dma source(%dma_start3A_1395 : memref<128xi32, #tpu.memory_space<vmem>>) target(%dma_start3A_1400 : memref<1048576xi32, #tpu.memory_space<hbm>>) offsets(%dma_start3A_1398 : memref<128xi32, #tpu.memory_space<vmem>>) semaphore(%arg11 : memref<!tpu.dma_semaphore, #tpu.memory_space<semaphore_mem>>)
    %dma_start3A_1401 = arith.constant 44 : i32
    %dma_start3A_1402 = arith.constant 44 : i32
    %dma_start3A_1403 = arith.constant 0 : i32
    %dma_start3A_1404 = tpu.memref_slice %arg9[%dma_start3A_1401, %dma_start3A_1403] : memref<48x128xi32, #tpu.memory_space<vmem>> -> memref<1x128xi32, #tpu.memory_space<vmem>>
    %dma_start3A_1405 = tpu.memref_squeeze %dma_start3A_1404 : memref<1x128xi32, #tpu.memory_space<vmem>> -> memref<128xi32, #tpu.memory_space<vmem>>
    %dma_start3A_1406 = arith.constant 0 : i32
    %dma_start3A_1407 = tpu.memref_slice %arg8[%dma_start3A_1402, %dma_start3A_1406] : memref<48x128xi32, #tpu.memory_space<vmem>> -> memref<1x128xi32, #tpu.memory_space<vmem>>
    %dma_start3A_1408 = tpu.memref_squeeze %dma_start3A_1407 : memref<1x128xi32, #tpu.memory_space<vmem>> -> memref<128xi32, #tpu.memory_space<vmem>>
    %dma_start3A_1409 = arith.constant 0 : i32
    %dma_start3A_1410 = tpu.memref_slice %arg5[%dma_start3A_1409] : memref<1048576xi32, #tpu.memory_space<hbm>> -> memref<1048576xi32, #tpu.memory_space<hbm>>
    tpu.enqueue_indirect_dma source(%dma_start3A_1405 : memref<128xi32, #tpu.memory_space<vmem>>) target(%dma_start3A_1410 : memref<1048576xi32, #tpu.memory_space<hbm>>) offsets(%dma_start3A_1408 : memref<128xi32, #tpu.memory_space<vmem>>) semaphore(%arg11 : memref<!tpu.dma_semaphore, #tpu.memory_space<semaphore_mem>>)
    %dma_start3A_1411 = arith.constant 45 : i32
    %dma_start3A_1412 = arith.constant 45 : i32
    %dma_start3A_1413 = arith.constant 0 : i32
    %dma_start3A_1414 = tpu.memref_slice %arg9[%dma_start3A_1411, %dma_start3A_1413] : memref<48x128xi32, #tpu.memory_space<vmem>> -> memref<1x128xi32, #tpu.memory_space<vmem>>
    %dma_start3A_1415 = tpu.memref_squeeze %dma_start3A_1414 : memref<1x128xi32, #tpu.memory_space<vmem>> -> memref<128xi32, #tpu.memory_space<vmem>>
    %dma_start3A_1416 = arith.constant 0 : i32
    %dma_start3A_1417 = tpu.memref_slice %arg8[%dma_start3A_1412, %dma_start3A_1416] : memref<48x128xi32, #tpu.memory_space<vmem>> -> memref<1x128xi32, #tpu.memory_space<vmem>>
    %dma_start3A_1418 = tpu.memref_squeeze %dma_start3A_1417 : memref<1x128xi32, #tpu.memory_space<vmem>> -> memref<128xi32, #tpu.memory_space<vmem>>
    %dma_start3A_1419 = arith.constant 0 : i32
    %dma_start3A_1420 = tpu.memref_slice %arg5[%dma_start3A_1419] : memref<1048576xi32, #tpu.memory_space<hbm>> -> memref<1048576xi32, #tpu.memory_space<hbm>>
    tpu.enqueue_indirect_dma source(%dma_start3A_1415 : memref<128xi32, #tpu.memory_space<vmem>>) target(%dma_start3A_1420 : memref<1048576xi32, #tpu.memory_space<hbm>>) offsets(%dma_start3A_1418 : memref<128xi32, #tpu.memory_space<vmem>>) semaphore(%arg11 : memref<!tpu.dma_semaphore, #tpu.memory_space<semaphore_mem>>)
    %dma_start3A_1421 = arith.constant 46 : i32
    %dma_start3A_1422 = arith.constant 46 : i32
    %dma_start3A_1423 = arith.constant 0 : i32
    %dma_start3A_1424 = tpu.memref_slice %arg9[%dma_start3A_1421, %dma_start3A_1423] : memref<48x128xi32, #tpu.memory_space<vmem>> -> memref<1x128xi32, #tpu.memory_space<vmem>>
    %dma_start3A_1425 = tpu.memref_squeeze %dma_start3A_1424 : memref<1x128xi32, #tpu.memory_space<vmem>> -> memref<128xi32, #tpu.memory_space<vmem>>
    %dma_start3A_1426 = arith.constant 0 : i32
    %dma_start3A_1427 = tpu.memref_slice %arg8[%dma_start3A_1422, %dma_start3A_1426] : memref<48x128xi32, #tpu.memory_space<vmem>> -> memref<1x128xi32, #tpu.memory_space<vmem>>
    %dma_start3A_1428 = tpu.memref_squeeze %dma_start3A_1427 : memref<1x128xi32, #tpu.memory_space<vmem>> -> memref<128xi32, #tpu.memory_space<vmem>>
    %dma_start3A_1429 = arith.constant 0 : i32
    %dma_start3A_1430 = tpu.memref_slice %arg5[%dma_start3A_1429] : memref<1048576xi32, #tpu.memory_space<hbm>> -> memref<1048576xi32, #tpu.memory_space<hbm>>
    tpu.enqueue_indirect_dma source(%dma_start3A_1425 : memref<128xi32, #tpu.memory_space<vmem>>) target(%dma_start3A_1430 : memref<1048576xi32, #tpu.memory_space<hbm>>) offsets(%dma_start3A_1428 : memref<128xi32, #tpu.memory_space<vmem>>) semaphore(%arg11 : memref<!tpu.dma_semaphore, #tpu.memory_space<semaphore_mem>>)
    %dma_start3A_1431 = arith.constant 47 : i32
    %dma_start3A_1432 = arith.constant 47 : i32
    %dma_start3A_1433 = arith.constant 0 : i32
    %dma_start3A_1434 = tpu.memref_slice %arg9[%dma_start3A_1431, %dma_start3A_1433] : memref<48x128xi32, #tpu.memory_space<vmem>> -> memref<1x128xi32, #tpu.memory_space<vmem>>
    %dma_start3A_1435 = tpu.memref_squeeze %dma_start3A_1434 : memref<1x128xi32, #tpu.memory_space<vmem>> -> memref<128xi32, #tpu.memory_space<vmem>>
    %dma_start3A_1436 = arith.constant 0 : i32
    %dma_start3A_1437 = tpu.memref_slice %arg8[%dma_start3A_1432, %dma_start3A_1436] : memref<48x128xi32, #tpu.memory_space<vmem>> -> memref<1x128xi32, #tpu.memory_space<vmem>>
    %dma_start3A_1438 = tpu.memref_squeeze %dma_start3A_1437 : memref<1x128xi32, #tpu.memory_space<vmem>> -> memref<128xi32, #tpu.memory_space<vmem>>
    %dma_start3A_1439 = arith.constant 0 : i32
    %dma_start3A_1440 = tpu.memref_slice %arg5[%dma_start3A_1439] : memref<1048576xi32, #tpu.memory_space<hbm>> -> memref<1048576xi32, #tpu.memory_space<hbm>>
    tpu.enqueue_indirect_dma source(%dma_start3A_1435 : memref<128xi32, #tpu.memory_space<vmem>>) target(%dma_start3A_1440 : memref<1048576xi32, #tpu.memory_space<hbm>>) offsets(%dma_start3A_1438 : memref<128xi32, #tpu.memory_space<vmem>>) semaphore(%arg11 : memref<!tpu.dma_semaphore, #tpu.memory_space<semaphore_mem>>)
    %dma_wait3A_1441 = arith.constant 0 : i32
    %dma_wait3A_1442 = arith.constant 0 : i32
    %dma_wait3A_1443 = arith.constant 0 : i32
    %dma_wait3A_1444 = tpu.memref_slice %arg9[%dma_wait3A_1441, %dma_wait3A_1443] : memref<48x128xi32, #tpu.memory_space<vmem>> -> memref<1x128xi32, #tpu.memory_space<vmem>>
    %dma_wait3A_1445 = tpu.memref_squeeze %dma_wait3A_1444 : memref<1x128xi32, #tpu.memory_space<vmem>> -> memref<128xi32, #tpu.memory_space<vmem>>
    %dma_wait3A_1446 = arith.constant 0 : i32
    %dma_wait3A_1447 = tpu.memref_slice %arg8[%dma_wait3A_1442, %dma_wait3A_1446] : memref<48x128xi32, #tpu.memory_space<vmem>> -> memref<1x128xi32, #tpu.memory_space<vmem>>
    %dma_wait3A_1448 = tpu.memref_squeeze %dma_wait3A_1447 : memref<1x128xi32, #tpu.memory_space<vmem>> -> memref<128xi32, #tpu.memory_space<vmem>>
    %dma_wait3A_1449 = arith.constant 0 : i32
    %dma_wait3A_1450 = tpu.memref_slice %arg5[%dma_wait3A_1449] : memref<1048576xi32, #tpu.memory_space<hbm>> -> memref<1048576xi32, #tpu.memory_space<hbm>>
    tpu.wait_indirect_dma semaphore(%arg11 : memref<!tpu.dma_semaphore, #tpu.memory_space<semaphore_mem>>) src(%dma_wait3A_1445 : memref<128xi32, #tpu.memory_space<vmem>>) dst(%dma_wait3A_1450 : memref<1048576xi32, #tpu.memory_space<hbm>>)
    %dma_wait3A_1451 = arith.constant 1 : i32
    %dma_wait3A_1452 = arith.constant 1 : i32
    %dma_wait3A_1453 = arith.constant 0 : i32
    %dma_wait3A_1454 = tpu.memref_slice %arg9[%dma_wait3A_1451, %dma_wait3A_1453] : memref<48x128xi32, #tpu.memory_space<vmem>> -> memref<1x128xi32, #tpu.memory_space<vmem>>
    %dma_wait3A_1455 = tpu.memref_squeeze %dma_wait3A_1454 : memref<1x128xi32, #tpu.memory_space<vmem>> -> memref<128xi32, #tpu.memory_space<vmem>>
    %dma_wait3A_1456 = arith.constant 0 : i32
    %dma_wait3A_1457 = tpu.memref_slice %arg8[%dma_wait3A_1452, %dma_wait3A_1456] : memref<48x128xi32, #tpu.memory_space<vmem>> -> memref<1x128xi32, #tpu.memory_space<vmem>>
    %dma_wait3A_1458 = tpu.memref_squeeze %dma_wait3A_1457 : memref<1x128xi32, #tpu.memory_space<vmem>> -> memref<128xi32, #tpu.memory_space<vmem>>
    %dma_wait3A_1459 = arith.constant 0 : i32
    %dma_wait3A_1460 = tpu.memref_slice %arg5[%dma_wait3A_1459] : memref<1048576xi32, #tpu.memory_space<hbm>> -> memref<1048576xi32, #tpu.memory_space<hbm>>
    tpu.wait_indirect_dma semaphore(%arg11 : memref<!tpu.dma_semaphore, #tpu.memory_space<semaphore_mem>>) src(%dma_wait3A_1455 : memref<128xi32, #tpu.memory_space<vmem>>) dst(%dma_wait3A_1460 : memref<1048576xi32, #tpu.memory_space<hbm>>)
    %dma_wait3A_1461 = arith.constant 2 : i32
    %dma_wait3A_1462 = arith.constant 2 : i32
    %dma_wait3A_1463 = arith.constant 0 : i32
    %dma_wait3A_1464 = tpu.memref_slice %arg9[%dma_wait3A_1461, %dma_wait3A_1463] : memref<48x128xi32, #tpu.memory_space<vmem>> -> memref<1x128xi32, #tpu.memory_space<vmem>>
    %dma_wait3A_1465 = tpu.memref_squeeze %dma_wait3A_1464 : memref<1x128xi32, #tpu.memory_space<vmem>> -> memref<128xi32, #tpu.memory_space<vmem>>
    %dma_wait3A_1466 = arith.constant 0 : i32
    %dma_wait3A_1467 = tpu.memref_slice %arg8[%dma_wait3A_1462, %dma_wait3A_1466] : memref<48x128xi32, #tpu.memory_space<vmem>> -> memref<1x128xi32, #tpu.memory_space<vmem>>
    %dma_wait3A_1468 = tpu.memref_squeeze %dma_wait3A_1467 : memref<1x128xi32, #tpu.memory_space<vmem>> -> memref<128xi32, #tpu.memory_space<vmem>>
    %dma_wait3A_1469 = arith.constant 0 : i32
    %dma_wait3A_1470 = tpu.memref_slice %arg5[%dma_wait3A_1469] : memref<1048576xi32, #tpu.memory_space<hbm>> -> memref<1048576xi32, #tpu.memory_space<hbm>>
    tpu.wait_indirect_dma semaphore(%arg11 : memref<!tpu.dma_semaphore, #tpu.memory_space<semaphore_mem>>) src(%dma_wait3A_1465 : memref<128xi32, #tpu.memory_space<vmem>>) dst(%dma_wait3A_1470 : memref<1048576xi32, #tpu.memory_space<hbm>>)
    %dma_wait3A_1471 = arith.constant 3 : i32
    %dma_wait3A_1472 = arith.constant 3 : i32
    %dma_wait3A_1473 = arith.constant 0 : i32
    %dma_wait3A_1474 = tpu.memref_slice %arg9[%dma_wait3A_1471, %dma_wait3A_1473] : memref<48x128xi32, #tpu.memory_space<vmem>> -> memref<1x128xi32, #tpu.memory_space<vmem>>
    %dma_wait3A_1475 = tpu.memref_squeeze %dma_wait3A_1474 : memref<1x128xi32, #tpu.memory_space<vmem>> -> memref<128xi32, #tpu.memory_space<vmem>>
    %dma_wait3A_1476 = arith.constant 0 : i32
    %dma_wait3A_1477 = tpu.memref_slice %arg8[%dma_wait3A_1472, %dma_wait3A_1476] : memref<48x128xi32, #tpu.memory_space<vmem>> -> memref<1x128xi32, #tpu.memory_space<vmem>>
    %dma_wait3A_1478 = tpu.memref_squeeze %dma_wait3A_1477 : memref<1x128xi32, #tpu.memory_space<vmem>> -> memref<128xi32, #tpu.memory_space<vmem>>
    %dma_wait3A_1479 = arith.constant 0 : i32
    %dma_wait3A_1480 = tpu.memref_slice %arg5[%dma_wait3A_1479] : memref<1048576xi32, #tpu.memory_space<hbm>> -> memref<1048576xi32, #tpu.memory_space<hbm>>
    tpu.wait_indirect_dma semaphore(%arg11 : memref<!tpu.dma_semaphore, #tpu.memory_space<semaphore_mem>>) src(%dma_wait3A_1475 : memref<128xi32, #tpu.memory_space<vmem>>) dst(%dma_wait3A_1480 : memref<1048576xi32, #tpu.memory_space<hbm>>)
    %dma_wait3A_1481 = arith.constant 4 : i32
    %dma_wait3A_1482 = arith.constant 4 : i32
    %dma_wait3A_1483 = arith.constant 0 : i32
    %dma_wait3A_1484 = tpu.memref_slice %arg9[%dma_wait3A_1481, %dma_wait3A_1483] : memref<48x128xi32, #tpu.memory_space<vmem>> -> memref<1x128xi32, #tpu.memory_space<vmem>>
    %dma_wait3A_1485 = tpu.memref_squeeze %dma_wait3A_1484 : memref<1x128xi32, #tpu.memory_space<vmem>> -> memref<128xi32, #tpu.memory_space<vmem>>
    %dma_wait3A_1486 = arith.constant 0 : i32
    %dma_wait3A_1487 = tpu.memref_slice %arg8[%dma_wait3A_1482, %dma_wait3A_1486] : memref<48x128xi32, #tpu.memory_space<vmem>> -> memref<1x128xi32, #tpu.memory_space<vmem>>
    %dma_wait3A_1488 = tpu.memref_squeeze %dma_wait3A_1487 : memref<1x128xi32, #tpu.memory_space<vmem>> -> memref<128xi32, #tpu.memory_space<vmem>>
    %dma_wait3A_1489 = arith.constant 0 : i32
    %dma_wait3A_1490 = tpu.memref_slice %arg5[%dma_wait3A_1489] : memref<1048576xi32, #tpu.memory_space<hbm>> -> memref<1048576xi32, #tpu.memory_space<hbm>>
    tpu.wait_indirect_dma semaphore(%arg11 : memref<!tpu.dma_semaphore, #tpu.memory_space<semaphore_mem>>) src(%dma_wait3A_1485 : memref<128xi32, #tpu.memory_space<vmem>>) dst(%dma_wait3A_1490 : memref<1048576xi32, #tpu.memory_space<hbm>>)
    %dma_wait3A_1491 = arith.constant 5 : i32
    %dma_wait3A_1492 = arith.constant 5 : i32
    %dma_wait3A_1493 = arith.constant 0 : i32
    %dma_wait3A_1494 = tpu.memref_slice %arg9[%dma_wait3A_1491, %dma_wait3A_1493] : memref<48x128xi32, #tpu.memory_space<vmem>> -> memref<1x128xi32, #tpu.memory_space<vmem>>
    %dma_wait3A_1495 = tpu.memref_squeeze %dma_wait3A_1494 : memref<1x128xi32, #tpu.memory_space<vmem>> -> memref<128xi32, #tpu.memory_space<vmem>>
    %dma_wait3A_1496 = arith.constant 0 : i32
    %dma_wait3A_1497 = tpu.memref_slice %arg8[%dma_wait3A_1492, %dma_wait3A_1496] : memref<48x128xi32, #tpu.memory_space<vmem>> -> memref<1x128xi32, #tpu.memory_space<vmem>>
    %dma_wait3A_1498 = tpu.memref_squeeze %dma_wait3A_1497 : memref<1x128xi32, #tpu.memory_space<vmem>> -> memref<128xi32, #tpu.memory_space<vmem>>
    %dma_wait3A_1499 = arith.constant 0 : i32
    %dma_wait3A_1500 = tpu.memref_slice %arg5[%dma_wait3A_1499] : memref<1048576xi32, #tpu.memory_space<hbm>> -> memref<1048576xi32, #tpu.memory_space<hbm>>
    tpu.wait_indirect_dma semaphore(%arg11 : memref<!tpu.dma_semaphore, #tpu.memory_space<semaphore_mem>>) src(%dma_wait3A_1495 : memref<128xi32, #tpu.memory_space<vmem>>) dst(%dma_wait3A_1500 : memref<1048576xi32, #tpu.memory_space<hbm>>)
    %dma_wait3A_1501 = arith.constant 6 : i32
    %dma_wait3A_1502 = arith.constant 6 : i32
    %dma_wait3A_1503 = arith.constant 0 : i32
    %dma_wait3A_1504 = tpu.memref_slice %arg9[%dma_wait3A_1501, %dma_wait3A_1503] : memref<48x128xi32, #tpu.memory_space<vmem>> -> memref<1x128xi32, #tpu.memory_space<vmem>>
    %dma_wait3A_1505 = tpu.memref_squeeze %dma_wait3A_1504 : memref<1x128xi32, #tpu.memory_space<vmem>> -> memref<128xi32, #tpu.memory_space<vmem>>
    %dma_wait3A_1506 = arith.constant 0 : i32
    %dma_wait3A_1507 = tpu.memref_slice %arg8[%dma_wait3A_1502, %dma_wait3A_1506] : memref<48x128xi32, #tpu.memory_space<vmem>> -> memref<1x128xi32, #tpu.memory_space<vmem>>
    %dma_wait3A_1508 = tpu.memref_squeeze %dma_wait3A_1507 : memref<1x128xi32, #tpu.memory_space<vmem>> -> memref<128xi32, #tpu.memory_space<vmem>>
    %dma_wait3A_1509 = arith.constant 0 : i32
    %dma_wait3A_1510 = tpu.memref_slice %arg5[%dma_wait3A_1509] : memref<1048576xi32, #tpu.memory_space<hbm>> -> memref<1048576xi32, #tpu.memory_space<hbm>>
    tpu.wait_indirect_dma semaphore(%arg11 : memref<!tpu.dma_semaphore, #tpu.memory_space<semaphore_mem>>) src(%dma_wait3A_1505 : memref<128xi32, #tpu.memory_space<vmem>>) dst(%dma_wait3A_1510 : memref<1048576xi32, #tpu.memory_space<hbm>>)
    %dma_wait3A_1511 = arith.constant 7 : i32
    %dma_wait3A_1512 = arith.constant 7 : i32
    %dma_wait3A_1513 = arith.constant 0 : i32
    %dma_wait3A_1514 = tpu.memref_slice %arg9[%dma_wait3A_1511, %dma_wait3A_1513] : memref<48x128xi32, #tpu.memory_space<vmem>> -> memref<1x128xi32, #tpu.memory_space<vmem>>
    %dma_wait3A_1515 = tpu.memref_squeeze %dma_wait3A_1514 : memref<1x128xi32, #tpu.memory_space<vmem>> -> memref<128xi32, #tpu.memory_space<vmem>>
    %dma_wait3A_1516 = arith.constant 0 : i32
    %dma_wait3A_1517 = tpu.memref_slice %arg8[%dma_wait3A_1512, %dma_wait3A_1516] : memref<48x128xi32, #tpu.memory_space<vmem>> -> memref<1x128xi32, #tpu.memory_space<vmem>>
    %dma_wait3A_1518 = tpu.memref_squeeze %dma_wait3A_1517 : memref<1x128xi32, #tpu.memory_space<vmem>> -> memref<128xi32, #tpu.memory_space<vmem>>
    %dma_wait3A_1519 = arith.constant 0 : i32
    %dma_wait3A_1520 = tpu.memref_slice %arg5[%dma_wait3A_1519] : memref<1048576xi32, #tpu.memory_space<hbm>> -> memref<1048576xi32, #tpu.memory_space<hbm>>
    tpu.wait_indirect_dma semaphore(%arg11 : memref<!tpu.dma_semaphore, #tpu.memory_space<semaphore_mem>>) src(%dma_wait3A_1515 : memref<128xi32, #tpu.memory_space<vmem>>) dst(%dma_wait3A_1520 : memref<1048576xi32, #tpu.memory_space<hbm>>)
    %dma_wait3A_1521 = arith.constant 8 : i32
    %dma_wait3A_1522 = arith.constant 8 : i32
    %dma_wait3A_1523 = arith.constant 0 : i32
    %dma_wait3A_1524 = tpu.memref_slice %arg9[%dma_wait3A_1521, %dma_wait3A_1523] : memref<48x128xi32, #tpu.memory_space<vmem>> -> memref<1x128xi32, #tpu.memory_space<vmem>>
    %dma_wait3A_1525 = tpu.memref_squeeze %dma_wait3A_1524 : memref<1x128xi32, #tpu.memory_space<vmem>> -> memref<128xi32, #tpu.memory_space<vmem>>
    %dma_wait3A_1526 = arith.constant 0 : i32
    %dma_wait3A_1527 = tpu.memref_slice %arg8[%dma_wait3A_1522, %dma_wait3A_1526] : memref<48x128xi32, #tpu.memory_space<vmem>> -> memref<1x128xi32, #tpu.memory_space<vmem>>
    %dma_wait3A_1528 = tpu.memref_squeeze %dma_wait3A_1527 : memref<1x128xi32, #tpu.memory_space<vmem>> -> memref<128xi32, #tpu.memory_space<vmem>>
    %dma_wait3A_1529 = arith.constant 0 : i32
    %dma_wait3A_1530 = tpu.memref_slice %arg5[%dma_wait3A_1529] : memref<1048576xi32, #tpu.memory_space<hbm>> -> memref<1048576xi32, #tpu.memory_space<hbm>>
    tpu.wait_indirect_dma semaphore(%arg11 : memref<!tpu.dma_semaphore, #tpu.memory_space<semaphore_mem>>) src(%dma_wait3A_1525 : memref<128xi32, #tpu.memory_space<vmem>>) dst(%dma_wait3A_1530 : memref<1048576xi32, #tpu.memory_space<hbm>>)
    %dma_wait3A_1531 = arith.constant 9 : i32
    %dma_wait3A_1532 = arith.constant 9 : i32
    %dma_wait3A_1533 = arith.constant 0 : i32
    %dma_wait3A_1534 = tpu.memref_slice %arg9[%dma_wait3A_1531, %dma_wait3A_1533] : memref<48x128xi32, #tpu.memory_space<vmem>> -> memref<1x128xi32, #tpu.memory_space<vmem>>
    %dma_wait3A_1535 = tpu.memref_squeeze %dma_wait3A_1534 : memref<1x128xi32, #tpu.memory_space<vmem>> -> memref<128xi32, #tpu.memory_space<vmem>>
    %dma_wait3A_1536 = arith.constant 0 : i32
    %dma_wait3A_1537 = tpu.memref_slice %arg8[%dma_wait3A_1532, %dma_wait3A_1536] : memref<48x128xi32, #tpu.memory_space<vmem>> -> memref<1x128xi32, #tpu.memory_space<vmem>>
    %dma_wait3A_1538 = tpu.memref_squeeze %dma_wait3A_1537 : memref<1x128xi32, #tpu.memory_space<vmem>> -> memref<128xi32, #tpu.memory_space<vmem>>
    %dma_wait3A_1539 = arith.constant 0 : i32
    %dma_wait3A_1540 = tpu.memref_slice %arg5[%dma_wait3A_1539] : memref<1048576xi32, #tpu.memory_space<hbm>> -> memref<1048576xi32, #tpu.memory_space<hbm>>
    tpu.wait_indirect_dma semaphore(%arg11 : memref<!tpu.dma_semaphore, #tpu.memory_space<semaphore_mem>>) src(%dma_wait3A_1535 : memref<128xi32, #tpu.memory_space<vmem>>) dst(%dma_wait3A_1540 : memref<1048576xi32, #tpu.memory_space<hbm>>)
    %dma_wait3A_1541 = arith.constant 10 : i32
    %dma_wait3A_1542 = arith.constant 10 : i32
    %dma_wait3A_1543 = arith.constant 0 : i32
    %dma_wait3A_1544 = tpu.memref_slice %arg9[%dma_wait3A_1541, %dma_wait3A_1543] : memref<48x128xi32, #tpu.memory_space<vmem>> -> memref<1x128xi32, #tpu.memory_space<vmem>>
    %dma_wait3A_1545 = tpu.memref_squeeze %dma_wait3A_1544 : memref<1x128xi32, #tpu.memory_space<vmem>> -> memref<128xi32, #tpu.memory_space<vmem>>
    %dma_wait3A_1546 = arith.constant 0 : i32
    %dma_wait3A_1547 = tpu.memref_slice %arg8[%dma_wait3A_1542, %dma_wait3A_1546] : memref<48x128xi32, #tpu.memory_space<vmem>> -> memref<1x128xi32, #tpu.memory_space<vmem>>
    %dma_wait3A_1548 = tpu.memref_squeeze %dma_wait3A_1547 : memref<1x128xi32, #tpu.memory_space<vmem>> -> memref<128xi32, #tpu.memory_space<vmem>>
    %dma_wait3A_1549 = arith.constant 0 : i32
    %dma_wait3A_1550 = tpu.memref_slice %arg5[%dma_wait3A_1549] : memref<1048576xi32, #tpu.memory_space<hbm>> -> memref<1048576xi32, #tpu.memory_space<hbm>>
    tpu.wait_indirect_dma semaphore(%arg11 : memref<!tpu.dma_semaphore, #tpu.memory_space<semaphore_mem>>) src(%dma_wait3A_1545 : memref<128xi32, #tpu.memory_space<vmem>>) dst(%dma_wait3A_1550 : memref<1048576xi32, #tpu.memory_space<hbm>>)
    %dma_wait3A_1551 = arith.constant 11 : i32
    %dma_wait3A_1552 = arith.constant 11 : i32
    %dma_wait3A_1553 = arith.constant 0 : i32
    %dma_wait3A_1554 = tpu.memref_slice %arg9[%dma_wait3A_1551, %dma_wait3A_1553] : memref<48x128xi32, #tpu.memory_space<vmem>> -> memref<1x128xi32, #tpu.memory_space<vmem>>
    %dma_wait3A_1555 = tpu.memref_squeeze %dma_wait3A_1554 : memref<1x128xi32, #tpu.memory_space<vmem>> -> memref<128xi32, #tpu.memory_space<vmem>>
    %dma_wait3A_1556 = arith.constant 0 : i32
    %dma_wait3A_1557 = tpu.memref_slice %arg8[%dma_wait3A_1552, %dma_wait3A_1556] : memref<48x128xi32, #tpu.memory_space<vmem>> -> memref<1x128xi32, #tpu.memory_space<vmem>>
    %dma_wait3A_1558 = tpu.memref_squeeze %dma_wait3A_1557 : memref<1x128xi32, #tpu.memory_space<vmem>> -> memref<128xi32, #tpu.memory_space<vmem>>
    %dma_wait3A_1559 = arith.constant 0 : i32
    %dma_wait3A_1560 = tpu.memref_slice %arg5[%dma_wait3A_1559] : memref<1048576xi32, #tpu.memory_space<hbm>> -> memref<1048576xi32, #tpu.memory_space<hbm>>
    tpu.wait_indirect_dma semaphore(%arg11 : memref<!tpu.dma_semaphore, #tpu.memory_space<semaphore_mem>>) src(%dma_wait3A_1555 : memref<128xi32, #tpu.memory_space<vmem>>) dst(%dma_wait3A_1560 : memref<1048576xi32, #tpu.memory_space<hbm>>)
    %dma_wait3A_1561 = arith.constant 12 : i32
    %dma_wait3A_1562 = arith.constant 12 : i32
    %dma_wait3A_1563 = arith.constant 0 : i32
    %dma_wait3A_1564 = tpu.memref_slice %arg9[%dma_wait3A_1561, %dma_wait3A_1563] : memref<48x128xi32, #tpu.memory_space<vmem>> -> memref<1x128xi32, #tpu.memory_space<vmem>>
    %dma_wait3A_1565 = tpu.memref_squeeze %dma_wait3A_1564 : memref<1x128xi32, #tpu.memory_space<vmem>> -> memref<128xi32, #tpu.memory_space<vmem>>
    %dma_wait3A_1566 = arith.constant 0 : i32
    %dma_wait3A_1567 = tpu.memref_slice %arg8[%dma_wait3A_1562, %dma_wait3A_1566] : memref<48x128xi32, #tpu.memory_space<vmem>> -> memref<1x128xi32, #tpu.memory_space<vmem>>
    %dma_wait3A_1568 = tpu.memref_squeeze %dma_wait3A_1567 : memref<1x128xi32, #tpu.memory_space<vmem>> -> memref<128xi32, #tpu.memory_space<vmem>>
    %dma_wait3A_1569 = arith.constant 0 : i32
    %dma_wait3A_1570 = tpu.memref_slice %arg5[%dma_wait3A_1569] : memref<1048576xi32, #tpu.memory_space<hbm>> -> memref<1048576xi32, #tpu.memory_space<hbm>>
    tpu.wait_indirect_dma semaphore(%arg11 : memref<!tpu.dma_semaphore, #tpu.memory_space<semaphore_mem>>) src(%dma_wait3A_1565 : memref<128xi32, #tpu.memory_space<vmem>>) dst(%dma_wait3A_1570 : memref<1048576xi32, #tpu.memory_space<hbm>>)
    %dma_wait3A_1571 = arith.constant 13 : i32
    %dma_wait3A_1572 = arith.constant 13 : i32
    %dma_wait3A_1573 = arith.constant 0 : i32
    %dma_wait3A_1574 = tpu.memref_slice %arg9[%dma_wait3A_1571, %dma_wait3A_1573] : memref<48x128xi32, #tpu.memory_space<vmem>> -> memref<1x128xi32, #tpu.memory_space<vmem>>
    %dma_wait3A_1575 = tpu.memref_squeeze %dma_wait3A_1574 : memref<1x128xi32, #tpu.memory_space<vmem>> -> memref<128xi32, #tpu.memory_space<vmem>>
    %dma_wait3A_1576 = arith.constant 0 : i32
    %dma_wait3A_1577 = tpu.memref_slice %arg8[%dma_wait3A_1572, %dma_wait3A_1576] : memref<48x128xi32, #tpu.memory_space<vmem>> -> memref<1x128xi32, #tpu.memory_space<vmem>>
    %dma_wait3A_1578 = tpu.memref_squeeze %dma_wait3A_1577 : memref<1x128xi32, #tpu.memory_space<vmem>> -> memref<128xi32, #tpu.memory_space<vmem>>
    %dma_wait3A_1579 = arith.constant 0 : i32
    %dma_wait3A_1580 = tpu.memref_slice %arg5[%dma_wait3A_1579] : memref<1048576xi32, #tpu.memory_space<hbm>> -> memref<1048576xi32, #tpu.memory_space<hbm>>
    tpu.wait_indirect_dma semaphore(%arg11 : memref<!tpu.dma_semaphore, #tpu.memory_space<semaphore_mem>>) src(%dma_wait3A_1575 : memref<128xi32, #tpu.memory_space<vmem>>) dst(%dma_wait3A_1580 : memref<1048576xi32, #tpu.memory_space<hbm>>)
    %dma_wait3A_1581 = arith.constant 14 : i32
    %dma_wait3A_1582 = arith.constant 14 : i32
    %dma_wait3A_1583 = arith.constant 0 : i32
    %dma_wait3A_1584 = tpu.memref_slice %arg9[%dma_wait3A_1581, %dma_wait3A_1583] : memref<48x128xi32, #tpu.memory_space<vmem>> -> memref<1x128xi32, #tpu.memory_space<vmem>>
    %dma_wait3A_1585 = tpu.memref_squeeze %dma_wait3A_1584 : memref<1x128xi32, #tpu.memory_space<vmem>> -> memref<128xi32, #tpu.memory_space<vmem>>
    %dma_wait3A_1586 = arith.constant 0 : i32
    %dma_wait3A_1587 = tpu.memref_slice %arg8[%dma_wait3A_1582, %dma_wait3A_1586] : memref<48x128xi32, #tpu.memory_space<vmem>> -> memref<1x128xi32, #tpu.memory_space<vmem>>
    %dma_wait3A_1588 = tpu.memref_squeeze %dma_wait3A_1587 : memref<1x128xi32, #tpu.memory_space<vmem>> -> memref<128xi32, #tpu.memory_space<vmem>>
    %dma_wait3A_1589 = arith.constant 0 : i32
    %dma_wait3A_1590 = tpu.memref_slice %arg5[%dma_wait3A_1589] : memref<1048576xi32, #tpu.memory_space<hbm>> -> memref<1048576xi32, #tpu.memory_space<hbm>>
    tpu.wait_indirect_dma semaphore(%arg11 : memref<!tpu.dma_semaphore, #tpu.memory_space<semaphore_mem>>) src(%dma_wait3A_1585 : memref<128xi32, #tpu.memory_space<vmem>>) dst(%dma_wait3A_1590 : memref<1048576xi32, #tpu.memory_space<hbm>>)
    %dma_wait3A_1591 = arith.constant 15 : i32
    %dma_wait3A_1592 = arith.constant 15 : i32
    %dma_wait3A_1593 = arith.constant 0 : i32
    %dma_wait3A_1594 = tpu.memref_slice %arg9[%dma_wait3A_1591, %dma_wait3A_1593] : memref<48x128xi32, #tpu.memory_space<vmem>> -> memref<1x128xi32, #tpu.memory_space<vmem>>
    %dma_wait3A_1595 = tpu.memref_squeeze %dma_wait3A_1594 : memref<1x128xi32, #tpu.memory_space<vmem>> -> memref<128xi32, #tpu.memory_space<vmem>>
    %dma_wait3A_1596 = arith.constant 0 : i32
    %dma_wait3A_1597 = tpu.memref_slice %arg8[%dma_wait3A_1592, %dma_wait3A_1596] : memref<48x128xi32, #tpu.memory_space<vmem>> -> memref<1x128xi32, #tpu.memory_space<vmem>>
    %dma_wait3A_1598 = tpu.memref_squeeze %dma_wait3A_1597 : memref<1x128xi32, #tpu.memory_space<vmem>> -> memref<128xi32, #tpu.memory_space<vmem>>
    %dma_wait3A_1599 = arith.constant 0 : i32
    %dma_wait3A_1600 = tpu.memref_slice %arg5[%dma_wait3A_1599] : memref<1048576xi32, #tpu.memory_space<hbm>> -> memref<1048576xi32, #tpu.memory_space<hbm>>
    tpu.wait_indirect_dma semaphore(%arg11 : memref<!tpu.dma_semaphore, #tpu.memory_space<semaphore_mem>>) src(%dma_wait3A_1595 : memref<128xi32, #tpu.memory_space<vmem>>) dst(%dma_wait3A_1600 : memref<1048576xi32, #tpu.memory_space<hbm>>)
    %dma_wait3A_1601 = arith.constant 16 : i32
    %dma_wait3A_1602 = arith.constant 16 : i32
    %dma_wait3A_1603 = arith.constant 0 : i32
    %dma_wait3A_1604 = tpu.memref_slice %arg9[%dma_wait3A_1601, %dma_wait3A_1603] : memref<48x128xi32, #tpu.memory_space<vmem>> -> memref<1x128xi32, #tpu.memory_space<vmem>>
    %dma_wait3A_1605 = tpu.memref_squeeze %dma_wait3A_1604 : memref<1x128xi32, #tpu.memory_space<vmem>> -> memref<128xi32, #tpu.memory_space<vmem>>
    %dma_wait3A_1606 = arith.constant 0 : i32
    %dma_wait3A_1607 = tpu.memref_slice %arg8[%dma_wait3A_1602, %dma_wait3A_1606] : memref<48x128xi32, #tpu.memory_space<vmem>> -> memref<1x128xi32, #tpu.memory_space<vmem>>
    %dma_wait3A_1608 = tpu.memref_squeeze %dma_wait3A_1607 : memref<1x128xi32, #tpu.memory_space<vmem>> -> memref<128xi32, #tpu.memory_space<vmem>>
    %dma_wait3A_1609 = arith.constant 0 : i32
    %dma_wait3A_1610 = tpu.memref_slice %arg5[%dma_wait3A_1609] : memref<1048576xi32, #tpu.memory_space<hbm>> -> memref<1048576xi32, #tpu.memory_space<hbm>>
    tpu.wait_indirect_dma semaphore(%arg11 : memref<!tpu.dma_semaphore, #tpu.memory_space<semaphore_mem>>) src(%dma_wait3A_1605 : memref<128xi32, #tpu.memory_space<vmem>>) dst(%dma_wait3A_1610 : memref<1048576xi32, #tpu.memory_space<hbm>>)
    %dma_wait3A_1611 = arith.constant 17 : i32
    %dma_wait3A_1612 = arith.constant 17 : i32
    %dma_wait3A_1613 = arith.constant 0 : i32
    %dma_wait3A_1614 = tpu.memref_slice %arg9[%dma_wait3A_1611, %dma_wait3A_1613] : memref<48x128xi32, #tpu.memory_space<vmem>> -> memref<1x128xi32, #tpu.memory_space<vmem>>
    %dma_wait3A_1615 = tpu.memref_squeeze %dma_wait3A_1614 : memref<1x128xi32, #tpu.memory_space<vmem>> -> memref<128xi32, #tpu.memory_space<vmem>>
    %dma_wait3A_1616 = arith.constant 0 : i32
    %dma_wait3A_1617 = tpu.memref_slice %arg8[%dma_wait3A_1612, %dma_wait3A_1616] : memref<48x128xi32, #tpu.memory_space<vmem>> -> memref<1x128xi32, #tpu.memory_space<vmem>>
    %dma_wait3A_1618 = tpu.memref_squeeze %dma_wait3A_1617 : memref<1x128xi32, #tpu.memory_space<vmem>> -> memref<128xi32, #tpu.memory_space<vmem>>
    %dma_wait3A_1619 = arith.constant 0 : i32
    %dma_wait3A_1620 = tpu.memref_slice %arg5[%dma_wait3A_1619] : memref<1048576xi32, #tpu.memory_space<hbm>> -> memref<1048576xi32, #tpu.memory_space<hbm>>
    tpu.wait_indirect_dma semaphore(%arg11 : memref<!tpu.dma_semaphore, #tpu.memory_space<semaphore_mem>>) src(%dma_wait3A_1615 : memref<128xi32, #tpu.memory_space<vmem>>) dst(%dma_wait3A_1620 : memref<1048576xi32, #tpu.memory_space<hbm>>)
    %dma_wait3A_1621 = arith.constant 18 : i32
    %dma_wait3A_1622 = arith.constant 18 : i32
    %dma_wait3A_1623 = arith.constant 0 : i32
    %dma_wait3A_1624 = tpu.memref_slice %arg9[%dma_wait3A_1621, %dma_wait3A_1623] : memref<48x128xi32, #tpu.memory_space<vmem>> -> memref<1x128xi32, #tpu.memory_space<vmem>>
    %dma_wait3A_1625 = tpu.memref_squeeze %dma_wait3A_1624 : memref<1x128xi32, #tpu.memory_space<vmem>> -> memref<128xi32, #tpu.memory_space<vmem>>
    %dma_wait3A_1626 = arith.constant 0 : i32
    %dma_wait3A_1627 = tpu.memref_slice %arg8[%dma_wait3A_1622, %dma_wait3A_1626] : memref<48x128xi32, #tpu.memory_space<vmem>> -> memref<1x128xi32, #tpu.memory_space<vmem>>
    %dma_wait3A_1628 = tpu.memref_squeeze %dma_wait3A_1627 : memref<1x128xi32, #tpu.memory_space<vmem>> -> memref<128xi32, #tpu.memory_space<vmem>>
    %dma_wait3A_1629 = arith.constant 0 : i32
    %dma_wait3A_1630 = tpu.memref_slice %arg5[%dma_wait3A_1629] : memref<1048576xi32, #tpu.memory_space<hbm>> -> memref<1048576xi32, #tpu.memory_space<hbm>>
    tpu.wait_indirect_dma semaphore(%arg11 : memref<!tpu.dma_semaphore, #tpu.memory_space<semaphore_mem>>) src(%dma_wait3A_1625 : memref<128xi32, #tpu.memory_space<vmem>>) dst(%dma_wait3A_1630 : memref<1048576xi32, #tpu.memory_space<hbm>>)
    %dma_wait3A_1631 = arith.constant 19 : i32
    %dma_wait3A_1632 = arith.constant 19 : i32
    %dma_wait3A_1633 = arith.constant 0 : i32
    %dma_wait3A_1634 = tpu.memref_slice %arg9[%dma_wait3A_1631, %dma_wait3A_1633] : memref<48x128xi32, #tpu.memory_space<vmem>> -> memref<1x128xi32, #tpu.memory_space<vmem>>
    %dma_wait3A_1635 = tpu.memref_squeeze %dma_wait3A_1634 : memref<1x128xi32, #tpu.memory_space<vmem>> -> memref<128xi32, #tpu.memory_space<vmem>>
    %dma_wait3A_1636 = arith.constant 0 : i32
    %dma_wait3A_1637 = tpu.memref_slice %arg8[%dma_wait3A_1632, %dma_wait3A_1636] : memref<48x128xi32, #tpu.memory_space<vmem>> -> memref<1x128xi32, #tpu.memory_space<vmem>>
    %dma_wait3A_1638 = tpu.memref_squeeze %dma_wait3A_1637 : memref<1x128xi32, #tpu.memory_space<vmem>> -> memref<128xi32, #tpu.memory_space<vmem>>
    %dma_wait3A_1639 = arith.constant 0 : i32
    %dma_wait3A_1640 = tpu.memref_slice %arg5[%dma_wait3A_1639] : memref<1048576xi32, #tpu.memory_space<hbm>> -> memref<1048576xi32, #tpu.memory_space<hbm>>
    tpu.wait_indirect_dma semaphore(%arg11 : memref<!tpu.dma_semaphore, #tpu.memory_space<semaphore_mem>>) src(%dma_wait3A_1635 : memref<128xi32, #tpu.memory_space<vmem>>) dst(%dma_wait3A_1640 : memref<1048576xi32, #tpu.memory_space<hbm>>)
    %dma_wait3A_1641 = arith.constant 20 : i32
    %dma_wait3A_1642 = arith.constant 20 : i32
    %dma_wait3A_1643 = arith.constant 0 : i32
    %dma_wait3A_1644 = tpu.memref_slice %arg9[%dma_wait3A_1641, %dma_wait3A_1643] : memref<48x128xi32, #tpu.memory_space<vmem>> -> memref<1x128xi32, #tpu.memory_space<vmem>>
    %dma_wait3A_1645 = tpu.memref_squeeze %dma_wait3A_1644 : memref<1x128xi32, #tpu.memory_space<vmem>> -> memref<128xi32, #tpu.memory_space<vmem>>
    %dma_wait3A_1646 = arith.constant 0 : i32
    %dma_wait3A_1647 = tpu.memref_slice %arg8[%dma_wait3A_1642, %dma_wait3A_1646] : memref<48x128xi32, #tpu.memory_space<vmem>> -> memref<1x128xi32, #tpu.memory_space<vmem>>
    %dma_wait3A_1648 = tpu.memref_squeeze %dma_wait3A_1647 : memref<1x128xi32, #tpu.memory_space<vmem>> -> memref<128xi32, #tpu.memory_space<vmem>>
    %dma_wait3A_1649 = arith.constant 0 : i32
    %dma_wait3A_1650 = tpu.memref_slice %arg5[%dma_wait3A_1649] : memref<1048576xi32, #tpu.memory_space<hbm>> -> memref<1048576xi32, #tpu.memory_space<hbm>>
    tpu.wait_indirect_dma semaphore(%arg11 : memref<!tpu.dma_semaphore, #tpu.memory_space<semaphore_mem>>) src(%dma_wait3A_1645 : memref<128xi32, #tpu.memory_space<vmem>>) dst(%dma_wait3A_1650 : memref<1048576xi32, #tpu.memory_space<hbm>>)
    %dma_wait3A_1651 = arith.constant 21 : i32
    %dma_wait3A_1652 = arith.constant 21 : i32
    %dma_wait3A_1653 = arith.constant 0 : i32
    %dma_wait3A_1654 = tpu.memref_slice %arg9[%dma_wait3A_1651, %dma_wait3A_1653] : memref<48x128xi32, #tpu.memory_space<vmem>> -> memref<1x128xi32, #tpu.memory_space<vmem>>
    %dma_wait3A_1655 = tpu.memref_squeeze %dma_wait3A_1654 : memref<1x128xi32, #tpu.memory_space<vmem>> -> memref<128xi32, #tpu.memory_space<vmem>>
    %dma_wait3A_1656 = arith.constant 0 : i32
    %dma_wait3A_1657 = tpu.memref_slice %arg8[%dma_wait3A_1652, %dma_wait3A_1656] : memref<48x128xi32, #tpu.memory_space<vmem>> -> memref<1x128xi32, #tpu.memory_space<vmem>>
    %dma_wait3A_1658 = tpu.memref_squeeze %dma_wait3A_1657 : memref<1x128xi32, #tpu.memory_space<vmem>> -> memref<128xi32, #tpu.memory_space<vmem>>
    %dma_wait3A_1659 = arith.constant 0 : i32
    %dma_wait3A_1660 = tpu.memref_slice %arg5[%dma_wait3A_1659] : memref<1048576xi32, #tpu.memory_space<hbm>> -> memref<1048576xi32, #tpu.memory_space<hbm>>
    tpu.wait_indirect_dma semaphore(%arg11 : memref<!tpu.dma_semaphore, #tpu.memory_space<semaphore_mem>>) src(%dma_wait3A_1655 : memref<128xi32, #tpu.memory_space<vmem>>) dst(%dma_wait3A_1660 : memref<1048576xi32, #tpu.memory_space<hbm>>)
    %dma_wait3A_1661 = arith.constant 22 : i32
    %dma_wait3A_1662 = arith.constant 22 : i32
    %dma_wait3A_1663 = arith.constant 0 : i32
    %dma_wait3A_1664 = tpu.memref_slice %arg9[%dma_wait3A_1661, %dma_wait3A_1663] : memref<48x128xi32, #tpu.memory_space<vmem>> -> memref<1x128xi32, #tpu.memory_space<vmem>>
    %dma_wait3A_1665 = tpu.memref_squeeze %dma_wait3A_1664 : memref<1x128xi32, #tpu.memory_space<vmem>> -> memref<128xi32, #tpu.memory_space<vmem>>
    %dma_wait3A_1666 = arith.constant 0 : i32
    %dma_wait3A_1667 = tpu.memref_slice %arg8[%dma_wait3A_1662, %dma_wait3A_1666] : memref<48x128xi32, #tpu.memory_space<vmem>> -> memref<1x128xi32, #tpu.memory_space<vmem>>
    %dma_wait3A_1668 = tpu.memref_squeeze %dma_wait3A_1667 : memref<1x128xi32, #tpu.memory_space<vmem>> -> memref<128xi32, #tpu.memory_space<vmem>>
    %dma_wait3A_1669 = arith.constant 0 : i32
    %dma_wait3A_1670 = tpu.memref_slice %arg5[%dma_wait3A_1669] : memref<1048576xi32, #tpu.memory_space<hbm>> -> memref<1048576xi32, #tpu.memory_space<hbm>>
    tpu.wait_indirect_dma semaphore(%arg11 : memref<!tpu.dma_semaphore, #tpu.memory_space<semaphore_mem>>) src(%dma_wait3A_1665 : memref<128xi32, #tpu.memory_space<vmem>>) dst(%dma_wait3A_1670 : memref<1048576xi32, #tpu.memory_space<hbm>>)
    %dma_wait3A_1671 = arith.constant 23 : i32
    %dma_wait3A_1672 = arith.constant 23 : i32
    %dma_wait3A_1673 = arith.constant 0 : i32
    %dma_wait3A_1674 = tpu.memref_slice %arg9[%dma_wait3A_1671, %dma_wait3A_1673] : memref<48x128xi32, #tpu.memory_space<vmem>> -> memref<1x128xi32, #tpu.memory_space<vmem>>
    %dma_wait3A_1675 = tpu.memref_squeeze %dma_wait3A_1674 : memref<1x128xi32, #tpu.memory_space<vmem>> -> memref<128xi32, #tpu.memory_space<vmem>>
    %dma_wait3A_1676 = arith.constant 0 : i32
    %dma_wait3A_1677 = tpu.memref_slice %arg8[%dma_wait3A_1672, %dma_wait3A_1676] : memref<48x128xi32, #tpu.memory_space<vmem>> -> memref<1x128xi32, #tpu.memory_space<vmem>>
    %dma_wait3A_1678 = tpu.memref_squeeze %dma_wait3A_1677 : memref<1x128xi32, #tpu.memory_space<vmem>> -> memref<128xi32, #tpu.memory_space<vmem>>
    %dma_wait3A_1679 = arith.constant 0 : i32
    %dma_wait3A_1680 = tpu.memref_slice %arg5[%dma_wait3A_1679] : memref<1048576xi32, #tpu.memory_space<hbm>> -> memref<1048576xi32, #tpu.memory_space<hbm>>
    tpu.wait_indirect_dma semaphore(%arg11 : memref<!tpu.dma_semaphore, #tpu.memory_space<semaphore_mem>>) src(%dma_wait3A_1675 : memref<128xi32, #tpu.memory_space<vmem>>) dst(%dma_wait3A_1680 : memref<1048576xi32, #tpu.memory_space<hbm>>)
    %dma_wait3A_1681 = arith.constant 24 : i32
    %dma_wait3A_1682 = arith.constant 24 : i32
    %dma_wait3A_1683 = arith.constant 0 : i32
    %dma_wait3A_1684 = tpu.memref_slice %arg9[%dma_wait3A_1681, %dma_wait3A_1683] : memref<48x128xi32, #tpu.memory_space<vmem>> -> memref<1x128xi32, #tpu.memory_space<vmem>>
    %dma_wait3A_1685 = tpu.memref_squeeze %dma_wait3A_1684 : memref<1x128xi32, #tpu.memory_space<vmem>> -> memref<128xi32, #tpu.memory_space<vmem>>
    %dma_wait3A_1686 = arith.constant 0 : i32
    %dma_wait3A_1687 = tpu.memref_slice %arg8[%dma_wait3A_1682, %dma_wait3A_1686] : memref<48x128xi32, #tpu.memory_space<vmem>> -> memref<1x128xi32, #tpu.memory_space<vmem>>
    %dma_wait3A_1688 = tpu.memref_squeeze %dma_wait3A_1687 : memref<1x128xi32, #tpu.memory_space<vmem>> -> memref<128xi32, #tpu.memory_space<vmem>>
    %dma_wait3A_1689 = arith.constant 0 : i32
    %dma_wait3A_1690 = tpu.memref_slice %arg5[%dma_wait3A_1689] : memref<1048576xi32, #tpu.memory_space<hbm>> -> memref<1048576xi32, #tpu.memory_space<hbm>>
    tpu.wait_indirect_dma semaphore(%arg11 : memref<!tpu.dma_semaphore, #tpu.memory_space<semaphore_mem>>) src(%dma_wait3A_1685 : memref<128xi32, #tpu.memory_space<vmem>>) dst(%dma_wait3A_1690 : memref<1048576xi32, #tpu.memory_space<hbm>>)
    %dma_wait3A_1691 = arith.constant 25 : i32
    %dma_wait3A_1692 = arith.constant 25 : i32
    %dma_wait3A_1693 = arith.constant 0 : i32
    %dma_wait3A_1694 = tpu.memref_slice %arg9[%dma_wait3A_1691, %dma_wait3A_1693] : memref<48x128xi32, #tpu.memory_space<vmem>> -> memref<1x128xi32, #tpu.memory_space<vmem>>
    %dma_wait3A_1695 = tpu.memref_squeeze %dma_wait3A_1694 : memref<1x128xi32, #tpu.memory_space<vmem>> -> memref<128xi32, #tpu.memory_space<vmem>>
    %dma_wait3A_1696 = arith.constant 0 : i32
    %dma_wait3A_1697 = tpu.memref_slice %arg8[%dma_wait3A_1692, %dma_wait3A_1696] : memref<48x128xi32, #tpu.memory_space<vmem>> -> memref<1x128xi32, #tpu.memory_space<vmem>>
    %dma_wait3A_1698 = tpu.memref_squeeze %dma_wait3A_1697 : memref<1x128xi32, #tpu.memory_space<vmem>> -> memref<128xi32, #tpu.memory_space<vmem>>
    %dma_wait3A_1699 = arith.constant 0 : i32
    %dma_wait3A_1700 = tpu.memref_slice %arg5[%dma_wait3A_1699] : memref<1048576xi32, #tpu.memory_space<hbm>> -> memref<1048576xi32, #tpu.memory_space<hbm>>
    tpu.wait_indirect_dma semaphore(%arg11 : memref<!tpu.dma_semaphore, #tpu.memory_space<semaphore_mem>>) src(%dma_wait3A_1695 : memref<128xi32, #tpu.memory_space<vmem>>) dst(%dma_wait3A_1700 : memref<1048576xi32, #tpu.memory_space<hbm>>)
    %dma_wait3A_1701 = arith.constant 26 : i32
    %dma_wait3A_1702 = arith.constant 26 : i32
    %dma_wait3A_1703 = arith.constant 0 : i32
    %dma_wait3A_1704 = tpu.memref_slice %arg9[%dma_wait3A_1701, %dma_wait3A_1703] : memref<48x128xi32, #tpu.memory_space<vmem>> -> memref<1x128xi32, #tpu.memory_space<vmem>>
    %dma_wait3A_1705 = tpu.memref_squeeze %dma_wait3A_1704 : memref<1x128xi32, #tpu.memory_space<vmem>> -> memref<128xi32, #tpu.memory_space<vmem>>
    %dma_wait3A_1706 = arith.constant 0 : i32
    %dma_wait3A_1707 = tpu.memref_slice %arg8[%dma_wait3A_1702, %dma_wait3A_1706] : memref<48x128xi32, #tpu.memory_space<vmem>> -> memref<1x128xi32, #tpu.memory_space<vmem>>
    %dma_wait3A_1708 = tpu.memref_squeeze %dma_wait3A_1707 : memref<1x128xi32, #tpu.memory_space<vmem>> -> memref<128xi32, #tpu.memory_space<vmem>>
    %dma_wait3A_1709 = arith.constant 0 : i32
    %dma_wait3A_1710 = tpu.memref_slice %arg5[%dma_wait3A_1709] : memref<1048576xi32, #tpu.memory_space<hbm>> -> memref<1048576xi32, #tpu.memory_space<hbm>>
    tpu.wait_indirect_dma semaphore(%arg11 : memref<!tpu.dma_semaphore, #tpu.memory_space<semaphore_mem>>) src(%dma_wait3A_1705 : memref<128xi32, #tpu.memory_space<vmem>>) dst(%dma_wait3A_1710 : memref<1048576xi32, #tpu.memory_space<hbm>>)
    %dma_wait3A_1711 = arith.constant 27 : i32
    %dma_wait3A_1712 = arith.constant 27 : i32
    %dma_wait3A_1713 = arith.constant 0 : i32
    %dma_wait3A_1714 = tpu.memref_slice %arg9[%dma_wait3A_1711, %dma_wait3A_1713] : memref<48x128xi32, #tpu.memory_space<vmem>> -> memref<1x128xi32, #tpu.memory_space<vmem>>
    %dma_wait3A_1715 = tpu.memref_squeeze %dma_wait3A_1714 : memref<1x128xi32, #tpu.memory_space<vmem>> -> memref<128xi32, #tpu.memory_space<vmem>>
    %dma_wait3A_1716 = arith.constant 0 : i32
    %dma_wait3A_1717 = tpu.memref_slice %arg8[%dma_wait3A_1712, %dma_wait3A_1716] : memref<48x128xi32, #tpu.memory_space<vmem>> -> memref<1x128xi32, #tpu.memory_space<vmem>>
    %dma_wait3A_1718 = tpu.memref_squeeze %dma_wait3A_1717 : memref<1x128xi32, #tpu.memory_space<vmem>> -> memref<128xi32, #tpu.memory_space<vmem>>
    %dma_wait3A_1719 = arith.constant 0 : i32
    %dma_wait3A_1720 = tpu.memref_slice %arg5[%dma_wait3A_1719] : memref<1048576xi32, #tpu.memory_space<hbm>> -> memref<1048576xi32, #tpu.memory_space<hbm>>
    tpu.wait_indirect_dma semaphore(%arg11 : memref<!tpu.dma_semaphore, #tpu.memory_space<semaphore_mem>>) src(%dma_wait3A_1715 : memref<128xi32, #tpu.memory_space<vmem>>) dst(%dma_wait3A_1720 : memref<1048576xi32, #tpu.memory_space<hbm>>)
    %dma_wait3A_1721 = arith.constant 28 : i32
    %dma_wait3A_1722 = arith.constant 28 : i32
    %dma_wait3A_1723 = arith.constant 0 : i32
    %dma_wait3A_1724 = tpu.memref_slice %arg9[%dma_wait3A_1721, %dma_wait3A_1723] : memref<48x128xi32, #tpu.memory_space<vmem>> -> memref<1x128xi32, #tpu.memory_space<vmem>>
    %dma_wait3A_1725 = tpu.memref_squeeze %dma_wait3A_1724 : memref<1x128xi32, #tpu.memory_space<vmem>> -> memref<128xi32, #tpu.memory_space<vmem>>
    %dma_wait3A_1726 = arith.constant 0 : i32
    %dma_wait3A_1727 = tpu.memref_slice %arg8[%dma_wait3A_1722, %dma_wait3A_1726] : memref<48x128xi32, #tpu.memory_space<vmem>> -> memref<1x128xi32, #tpu.memory_space<vmem>>
    %dma_wait3A_1728 = tpu.memref_squeeze %dma_wait3A_1727 : memref<1x128xi32, #tpu.memory_space<vmem>> -> memref<128xi32, #tpu.memory_space<vmem>>
    %dma_wait3A_1729 = arith.constant 0 : i32
    %dma_wait3A_1730 = tpu.memref_slice %arg5[%dma_wait3A_1729] : memref<1048576xi32, #tpu.memory_space<hbm>> -> memref<1048576xi32, #tpu.memory_space<hbm>>
    tpu.wait_indirect_dma semaphore(%arg11 : memref<!tpu.dma_semaphore, #tpu.memory_space<semaphore_mem>>) src(%dma_wait3A_1725 : memref<128xi32, #tpu.memory_space<vmem>>) dst(%dma_wait3A_1730 : memref<1048576xi32, #tpu.memory_space<hbm>>)
    %dma_wait3A_1731 = arith.constant 29 : i32
    %dma_wait3A_1732 = arith.constant 29 : i32
    %dma_wait3A_1733 = arith.constant 0 : i32
    %dma_wait3A_1734 = tpu.memref_slice %arg9[%dma_wait3A_1731, %dma_wait3A_1733] : memref<48x128xi32, #tpu.memory_space<vmem>> -> memref<1x128xi32, #tpu.memory_space<vmem>>
    %dma_wait3A_1735 = tpu.memref_squeeze %dma_wait3A_1734 : memref<1x128xi32, #tpu.memory_space<vmem>> -> memref<128xi32, #tpu.memory_space<vmem>>
    %dma_wait3A_1736 = arith.constant 0 : i32
    %dma_wait3A_1737 = tpu.memref_slice %arg8[%dma_wait3A_1732, %dma_wait3A_1736] : memref<48x128xi32, #tpu.memory_space<vmem>> -> memref<1x128xi32, #tpu.memory_space<vmem>>
    %dma_wait3A_1738 = tpu.memref_squeeze %dma_wait3A_1737 : memref<1x128xi32, #tpu.memory_space<vmem>> -> memref<128xi32, #tpu.memory_space<vmem>>
    %dma_wait3A_1739 = arith.constant 0 : i32
    %dma_wait3A_1740 = tpu.memref_slice %arg5[%dma_wait3A_1739] : memref<1048576xi32, #tpu.memory_space<hbm>> -> memref<1048576xi32, #tpu.memory_space<hbm>>
    tpu.wait_indirect_dma semaphore(%arg11 : memref<!tpu.dma_semaphore, #tpu.memory_space<semaphore_mem>>) src(%dma_wait3A_1735 : memref<128xi32, #tpu.memory_space<vmem>>) dst(%dma_wait3A_1740 : memref<1048576xi32, #tpu.memory_space<hbm>>)
    %dma_wait3A_1741 = arith.constant 30 : i32
    %dma_wait3A_1742 = arith.constant 30 : i32
    %dma_wait3A_1743 = arith.constant 0 : i32
    %dma_wait3A_1744 = tpu.memref_slice %arg9[%dma_wait3A_1741, %dma_wait3A_1743] : memref<48x128xi32, #tpu.memory_space<vmem>> -> memref<1x128xi32, #tpu.memory_space<vmem>>
    %dma_wait3A_1745 = tpu.memref_squeeze %dma_wait3A_1744 : memref<1x128xi32, #tpu.memory_space<vmem>> -> memref<128xi32, #tpu.memory_space<vmem>>
    %dma_wait3A_1746 = arith.constant 0 : i32
    %dma_wait3A_1747 = tpu.memref_slice %arg8[%dma_wait3A_1742, %dma_wait3A_1746] : memref<48x128xi32, #tpu.memory_space<vmem>> -> memref<1x128xi32, #tpu.memory_space<vmem>>
    %dma_wait3A_1748 = tpu.memref_squeeze %dma_wait3A_1747 : memref<1x128xi32, #tpu.memory_space<vmem>> -> memref<128xi32, #tpu.memory_space<vmem>>
    %dma_wait3A_1749 = arith.constant 0 : i32
    %dma_wait3A_1750 = tpu.memref_slice %arg5[%dma_wait3A_1749] : memref<1048576xi32, #tpu.memory_space<hbm>> -> memref<1048576xi32, #tpu.memory_space<hbm>>
    tpu.wait_indirect_dma semaphore(%arg11 : memref<!tpu.dma_semaphore, #tpu.memory_space<semaphore_mem>>) src(%dma_wait3A_1745 : memref<128xi32, #tpu.memory_space<vmem>>) dst(%dma_wait3A_1750 : memref<1048576xi32, #tpu.memory_space<hbm>>)
    %dma_wait3A_1751 = arith.constant 31 : i32
    %dma_wait3A_1752 = arith.constant 31 : i32
    %dma_wait3A_1753 = arith.constant 0 : i32
    %dma_wait3A_1754 = tpu.memref_slice %arg9[%dma_wait3A_1751, %dma_wait3A_1753] : memref<48x128xi32, #tpu.memory_space<vmem>> -> memref<1x128xi32, #tpu.memory_space<vmem>>
    %dma_wait3A_1755 = tpu.memref_squeeze %dma_wait3A_1754 : memref<1x128xi32, #tpu.memory_space<vmem>> -> memref<128xi32, #tpu.memory_space<vmem>>
    %dma_wait3A_1756 = arith.constant 0 : i32
    %dma_wait3A_1757 = tpu.memref_slice %arg8[%dma_wait3A_1752, %dma_wait3A_1756] : memref<48x128xi32, #tpu.memory_space<vmem>> -> memref<1x128xi32, #tpu.memory_space<vmem>>
    %dma_wait3A_1758 = tpu.memref_squeeze %dma_wait3A_1757 : memref<1x128xi32, #tpu.memory_space<vmem>> -> memref<128xi32, #tpu.memory_space<vmem>>
    %dma_wait3A_1759 = arith.constant 0 : i32
    %dma_wait3A_1760 = tpu.memref_slice %arg5[%dma_wait3A_1759] : memref<1048576xi32, #tpu.memory_space<hbm>> -> memref<1048576xi32, #tpu.memory_space<hbm>>
    tpu.wait_indirect_dma semaphore(%arg11 : memref<!tpu.dma_semaphore, #tpu.memory_space<semaphore_mem>>) src(%dma_wait3A_1755 : memref<128xi32, #tpu.memory_space<vmem>>) dst(%dma_wait3A_1760 : memref<1048576xi32, #tpu.memory_space<hbm>>)
    %dma_wait3A_1761 = arith.constant 32 : i32
    %dma_wait3A_1762 = arith.constant 32 : i32
    %dma_wait3A_1763 = arith.constant 0 : i32
    %dma_wait3A_1764 = tpu.memref_slice %arg9[%dma_wait3A_1761, %dma_wait3A_1763] : memref<48x128xi32, #tpu.memory_space<vmem>> -> memref<1x128xi32, #tpu.memory_space<vmem>>
    %dma_wait3A_1765 = tpu.memref_squeeze %dma_wait3A_1764 : memref<1x128xi32, #tpu.memory_space<vmem>> -> memref<128xi32, #tpu.memory_space<vmem>>
    %dma_wait3A_1766 = arith.constant 0 : i32
    %dma_wait3A_1767 = tpu.memref_slice %arg8[%dma_wait3A_1762, %dma_wait3A_1766] : memref<48x128xi32, #tpu.memory_space<vmem>> -> memref<1x128xi32, #tpu.memory_space<vmem>>
    %dma_wait3A_1768 = tpu.memref_squeeze %dma_wait3A_1767 : memref<1x128xi32, #tpu.memory_space<vmem>> -> memref<128xi32, #tpu.memory_space<vmem>>
    %dma_wait3A_1769 = arith.constant 0 : i32
    %dma_wait3A_1770 = tpu.memref_slice %arg5[%dma_wait3A_1769] : memref<1048576xi32, #tpu.memory_space<hbm>> -> memref<1048576xi32, #tpu.memory_space<hbm>>
    tpu.wait_indirect_dma semaphore(%arg11 : memref<!tpu.dma_semaphore, #tpu.memory_space<semaphore_mem>>) src(%dma_wait3A_1765 : memref<128xi32, #tpu.memory_space<vmem>>) dst(%dma_wait3A_1770 : memref<1048576xi32, #tpu.memory_space<hbm>>)
    %dma_wait3A_1771 = arith.constant 33 : i32
    %dma_wait3A_1772 = arith.constant 33 : i32
    %dma_wait3A_1773 = arith.constant 0 : i32
    %dma_wait3A_1774 = tpu.memref_slice %arg9[%dma_wait3A_1771, %dma_wait3A_1773] : memref<48x128xi32, #tpu.memory_space<vmem>> -> memref<1x128xi32, #tpu.memory_space<vmem>>
    %dma_wait3A_1775 = tpu.memref_squeeze %dma_wait3A_1774 : memref<1x128xi32, #tpu.memory_space<vmem>> -> memref<128xi32, #tpu.memory_space<vmem>>
    %dma_wait3A_1776 = arith.constant 0 : i32
    %dma_wait3A_1777 = tpu.memref_slice %arg8[%dma_wait3A_1772, %dma_wait3A_1776] : memref<48x128xi32, #tpu.memory_space<vmem>> -> memref<1x128xi32, #tpu.memory_space<vmem>>
    %dma_wait3A_1778 = tpu.memref_squeeze %dma_wait3A_1777 : memref<1x128xi32, #tpu.memory_space<vmem>> -> memref<128xi32, #tpu.memory_space<vmem>>
    %dma_wait3A_1779 = arith.constant 0 : i32
    %dma_wait3A_1780 = tpu.memref_slice %arg5[%dma_wait3A_1779] : memref<1048576xi32, #tpu.memory_space<hbm>> -> memref<1048576xi32, #tpu.memory_space<hbm>>
    tpu.wait_indirect_dma semaphore(%arg11 : memref<!tpu.dma_semaphore, #tpu.memory_space<semaphore_mem>>) src(%dma_wait3A_1775 : memref<128xi32, #tpu.memory_space<vmem>>) dst(%dma_wait3A_1780 : memref<1048576xi32, #tpu.memory_space<hbm>>)
    %dma_wait3A_1781 = arith.constant 34 : i32
    %dma_wait3A_1782 = arith.constant 34 : i32
    %dma_wait3A_1783 = arith.constant 0 : i32
    %dma_wait3A_1784 = tpu.memref_slice %arg9[%dma_wait3A_1781, %dma_wait3A_1783] : memref<48x128xi32, #tpu.memory_space<vmem>> -> memref<1x128xi32, #tpu.memory_space<vmem>>
    %dma_wait3A_1785 = tpu.memref_squeeze %dma_wait3A_1784 : memref<1x128xi32, #tpu.memory_space<vmem>> -> memref<128xi32, #tpu.memory_space<vmem>>
    %dma_wait3A_1786 = arith.constant 0 : i32
    %dma_wait3A_1787 = tpu.memref_slice %arg8[%dma_wait3A_1782, %dma_wait3A_1786] : memref<48x128xi32, #tpu.memory_space<vmem>> -> memref<1x128xi32, #tpu.memory_space<vmem>>
    %dma_wait3A_1788 = tpu.memref_squeeze %dma_wait3A_1787 : memref<1x128xi32, #tpu.memory_space<vmem>> -> memref<128xi32, #tpu.memory_space<vmem>>
    %dma_wait3A_1789 = arith.constant 0 : i32
    %dma_wait3A_1790 = tpu.memref_slice %arg5[%dma_wait3A_1789] : memref<1048576xi32, #tpu.memory_space<hbm>> -> memref<1048576xi32, #tpu.memory_space<hbm>>
    tpu.wait_indirect_dma semaphore(%arg11 : memref<!tpu.dma_semaphore, #tpu.memory_space<semaphore_mem>>) src(%dma_wait3A_1785 : memref<128xi32, #tpu.memory_space<vmem>>) dst(%dma_wait3A_1790 : memref<1048576xi32, #tpu.memory_space<hbm>>)
    %dma_wait3A_1791 = arith.constant 35 : i32
    %dma_wait3A_1792 = arith.constant 35 : i32
    %dma_wait3A_1793 = arith.constant 0 : i32
    %dma_wait3A_1794 = tpu.memref_slice %arg9[%dma_wait3A_1791, %dma_wait3A_1793] : memref<48x128xi32, #tpu.memory_space<vmem>> -> memref<1x128xi32, #tpu.memory_space<vmem>>
    %dma_wait3A_1795 = tpu.memref_squeeze %dma_wait3A_1794 : memref<1x128xi32, #tpu.memory_space<vmem>> -> memref<128xi32, #tpu.memory_space<vmem>>
    %dma_wait3A_1796 = arith.constant 0 : i32
    %dma_wait3A_1797 = tpu.memref_slice %arg8[%dma_wait3A_1792, %dma_wait3A_1796] : memref<48x128xi32, #tpu.memory_space<vmem>> -> memref<1x128xi32, #tpu.memory_space<vmem>>
    %dma_wait3A_1798 = tpu.memref_squeeze %dma_wait3A_1797 : memref<1x128xi32, #tpu.memory_space<vmem>> -> memref<128xi32, #tpu.memory_space<vmem>>
    %dma_wait3A_1799 = arith.constant 0 : i32
    %dma_wait3A_1800 = tpu.memref_slice %arg5[%dma_wait3A_1799] : memref<1048576xi32, #tpu.memory_space<hbm>> -> memref<1048576xi32, #tpu.memory_space<hbm>>
    tpu.wait_indirect_dma semaphore(%arg11 : memref<!tpu.dma_semaphore, #tpu.memory_space<semaphore_mem>>) src(%dma_wait3A_1795 : memref<128xi32, #tpu.memory_space<vmem>>) dst(%dma_wait3A_1800 : memref<1048576xi32, #tpu.memory_space<hbm>>)
    %dma_wait3A_1801 = arith.constant 36 : i32
    %dma_wait3A_1802 = arith.constant 36 : i32
    %dma_wait3A_1803 = arith.constant 0 : i32
    %dma_wait3A_1804 = tpu.memref_slice %arg9[%dma_wait3A_1801, %dma_wait3A_1803] : memref<48x128xi32, #tpu.memory_space<vmem>> -> memref<1x128xi32, #tpu.memory_space<vmem>>
    %dma_wait3A_1805 = tpu.memref_squeeze %dma_wait3A_1804 : memref<1x128xi32, #tpu.memory_space<vmem>> -> memref<128xi32, #tpu.memory_space<vmem>>
    %dma_wait3A_1806 = arith.constant 0 : i32
    %dma_wait3A_1807 = tpu.memref_slice %arg8[%dma_wait3A_1802, %dma_wait3A_1806] : memref<48x128xi32, #tpu.memory_space<vmem>> -> memref<1x128xi32, #tpu.memory_space<vmem>>
    %dma_wait3A_1808 = tpu.memref_squeeze %dma_wait3A_1807 : memref<1x128xi32, #tpu.memory_space<vmem>> -> memref<128xi32, #tpu.memory_space<vmem>>
    %dma_wait3A_1809 = arith.constant 0 : i32
    %dma_wait3A_1810 = tpu.memref_slice %arg5[%dma_wait3A_1809] : memref<1048576xi32, #tpu.memory_space<hbm>> -> memref<1048576xi32, #tpu.memory_space<hbm>>
    tpu.wait_indirect_dma semaphore(%arg11 : memref<!tpu.dma_semaphore, #tpu.memory_space<semaphore_mem>>) src(%dma_wait3A_1805 : memref<128xi32, #tpu.memory_space<vmem>>) dst(%dma_wait3A_1810 : memref<1048576xi32, #tpu.memory_space<hbm>>)
    %dma_wait3A_1811 = arith.constant 37 : i32
    %dma_wait3A_1812 = arith.constant 37 : i32
    %dma_wait3A_1813 = arith.constant 0 : i32
    %dma_wait3A_1814 = tpu.memref_slice %arg9[%dma_wait3A_1811, %dma_wait3A_1813] : memref<48x128xi32, #tpu.memory_space<vmem>> -> memref<1x128xi32, #tpu.memory_space<vmem>>
    %dma_wait3A_1815 = tpu.memref_squeeze %dma_wait3A_1814 : memref<1x128xi32, #tpu.memory_space<vmem>> -> memref<128xi32, #tpu.memory_space<vmem>>
    %dma_wait3A_1816 = arith.constant 0 : i32
    %dma_wait3A_1817 = tpu.memref_slice %arg8[%dma_wait3A_1812, %dma_wait3A_1816] : memref<48x128xi32, #tpu.memory_space<vmem>> -> memref<1x128xi32, #tpu.memory_space<vmem>>
    %dma_wait3A_1818 = tpu.memref_squeeze %dma_wait3A_1817 : memref<1x128xi32, #tpu.memory_space<vmem>> -> memref<128xi32, #tpu.memory_space<vmem>>
    %dma_wait3A_1819 = arith.constant 0 : i32
    %dma_wait3A_1820 = tpu.memref_slice %arg5[%dma_wait3A_1819] : memref<1048576xi32, #tpu.memory_space<hbm>> -> memref<1048576xi32, #tpu.memory_space<hbm>>
    tpu.wait_indirect_dma semaphore(%arg11 : memref<!tpu.dma_semaphore, #tpu.memory_space<semaphore_mem>>) src(%dma_wait3A_1815 : memref<128xi32, #tpu.memory_space<vmem>>) dst(%dma_wait3A_1820 : memref<1048576xi32, #tpu.memory_space<hbm>>)
    %dma_wait3A_1821 = arith.constant 38 : i32
    %dma_wait3A_1822 = arith.constant 38 : i32
    %dma_wait3A_1823 = arith.constant 0 : i32
    %dma_wait3A_1824 = tpu.memref_slice %arg9[%dma_wait3A_1821, %dma_wait3A_1823] : memref<48x128xi32, #tpu.memory_space<vmem>> -> memref<1x128xi32, #tpu.memory_space<vmem>>
    %dma_wait3A_1825 = tpu.memref_squeeze %dma_wait3A_1824 : memref<1x128xi32, #tpu.memory_space<vmem>> -> memref<128xi32, #tpu.memory_space<vmem>>
    %dma_wait3A_1826 = arith.constant 0 : i32
    %dma_wait3A_1827 = tpu.memref_slice %arg8[%dma_wait3A_1822, %dma_wait3A_1826] : memref<48x128xi32, #tpu.memory_space<vmem>> -> memref<1x128xi32, #tpu.memory_space<vmem>>
    %dma_wait3A_1828 = tpu.memref_squeeze %dma_wait3A_1827 : memref<1x128xi32, #tpu.memory_space<vmem>> -> memref<128xi32, #tpu.memory_space<vmem>>
    %dma_wait3A_1829 = arith.constant 0 : i32
    %dma_wait3A_1830 = tpu.memref_slice %arg5[%dma_wait3A_1829] : memref<1048576xi32, #tpu.memory_space<hbm>> -> memref<1048576xi32, #tpu.memory_space<hbm>>
    tpu.wait_indirect_dma semaphore(%arg11 : memref<!tpu.dma_semaphore, #tpu.memory_space<semaphore_mem>>) src(%dma_wait3A_1825 : memref<128xi32, #tpu.memory_space<vmem>>) dst(%dma_wait3A_1830 : memref<1048576xi32, #tpu.memory_space<hbm>>)
    %dma_wait3A_1831 = arith.constant 39 : i32
    %dma_wait3A_1832 = arith.constant 39 : i32
    %dma_wait3A_1833 = arith.constant 0 : i32
    %dma_wait3A_1834 = tpu.memref_slice %arg9[%dma_wait3A_1831, %dma_wait3A_1833] : memref<48x128xi32, #tpu.memory_space<vmem>> -> memref<1x128xi32, #tpu.memory_space<vmem>>
    %dma_wait3A_1835 = tpu.memref_squeeze %dma_wait3A_1834 : memref<1x128xi32, #tpu.memory_space<vmem>> -> memref<128xi32, #tpu.memory_space<vmem>>
    %dma_wait3A_1836 = arith.constant 0 : i32
    %dma_wait3A_1837 = tpu.memref_slice %arg8[%dma_wait3A_1832, %dma_wait3A_1836] : memref<48x128xi32, #tpu.memory_space<vmem>> -> memref<1x128xi32, #tpu.memory_space<vmem>>
    %dma_wait3A_1838 = tpu.memref_squeeze %dma_wait3A_1837 : memref<1x128xi32, #tpu.memory_space<vmem>> -> memref<128xi32, #tpu.memory_space<vmem>>
    %dma_wait3A_1839 = arith.constant 0 : i32
    %dma_wait3A_1840 = tpu.memref_slice %arg5[%dma_wait3A_1839] : memref<1048576xi32, #tpu.memory_space<hbm>> -> memref<1048576xi32, #tpu.memory_space<hbm>>
    tpu.wait_indirect_dma semaphore(%arg11 : memref<!tpu.dma_semaphore, #tpu.memory_space<semaphore_mem>>) src(%dma_wait3A_1835 : memref<128xi32, #tpu.memory_space<vmem>>) dst(%dma_wait3A_1840 : memref<1048576xi32, #tpu.memory_space<hbm>>)
    %dma_wait3A_1841 = arith.constant 40 : i32
    %dma_wait3A_1842 = arith.constant 40 : i32
    %dma_wait3A_1843 = arith.constant 0 : i32
    %dma_wait3A_1844 = tpu.memref_slice %arg9[%dma_wait3A_1841, %dma_wait3A_1843] : memref<48x128xi32, #tpu.memory_space<vmem>> -> memref<1x128xi32, #tpu.memory_space<vmem>>
    %dma_wait3A_1845 = tpu.memref_squeeze %dma_wait3A_1844 : memref<1x128xi32, #tpu.memory_space<vmem>> -> memref<128xi32, #tpu.memory_space<vmem>>
    %dma_wait3A_1846 = arith.constant 0 : i32
    %dma_wait3A_1847 = tpu.memref_slice %arg8[%dma_wait3A_1842, %dma_wait3A_1846] : memref<48x128xi32, #tpu.memory_space<vmem>> -> memref<1x128xi32, #tpu.memory_space<vmem>>
    %dma_wait3A_1848 = tpu.memref_squeeze %dma_wait3A_1847 : memref<1x128xi32, #tpu.memory_space<vmem>> -> memref<128xi32, #tpu.memory_space<vmem>>
    %dma_wait3A_1849 = arith.constant 0 : i32
    %dma_wait3A_1850 = tpu.memref_slice %arg5[%dma_wait3A_1849] : memref<1048576xi32, #tpu.memory_space<hbm>> -> memref<1048576xi32, #tpu.memory_space<hbm>>
    tpu.wait_indirect_dma semaphore(%arg11 : memref<!tpu.dma_semaphore, #tpu.memory_space<semaphore_mem>>) src(%dma_wait3A_1845 : memref<128xi32, #tpu.memory_space<vmem>>) dst(%dma_wait3A_1850 : memref<1048576xi32, #tpu.memory_space<hbm>>)
    %dma_wait3A_1851 = arith.constant 41 : i32
    %dma_wait3A_1852 = arith.constant 41 : i32
    %dma_wait3A_1853 = arith.constant 0 : i32
    %dma_wait3A_1854 = tpu.memref_slice %arg9[%dma_wait3A_1851, %dma_wait3A_1853] : memref<48x128xi32, #tpu.memory_space<vmem>> -> memref<1x128xi32, #tpu.memory_space<vmem>>
    %dma_wait3A_1855 = tpu.memref_squeeze %dma_wait3A_1854 : memref<1x128xi32, #tpu.memory_space<vmem>> -> memref<128xi32, #tpu.memory_space<vmem>>
    %dma_wait3A_1856 = arith.constant 0 : i32
    %dma_wait3A_1857 = tpu.memref_slice %arg8[%dma_wait3A_1852, %dma_wait3A_1856] : memref<48x128xi32, #tpu.memory_space<vmem>> -> memref<1x128xi32, #tpu.memory_space<vmem>>
    %dma_wait3A_1858 = tpu.memref_squeeze %dma_wait3A_1857 : memref<1x128xi32, #tpu.memory_space<vmem>> -> memref<128xi32, #tpu.memory_space<vmem>>
    %dma_wait3A_1859 = arith.constant 0 : i32
    %dma_wait3A_1860 = tpu.memref_slice %arg5[%dma_wait3A_1859] : memref<1048576xi32, #tpu.memory_space<hbm>> -> memref<1048576xi32, #tpu.memory_space<hbm>>
    tpu.wait_indirect_dma semaphore(%arg11 : memref<!tpu.dma_semaphore, #tpu.memory_space<semaphore_mem>>) src(%dma_wait3A_1855 : memref<128xi32, #tpu.memory_space<vmem>>) dst(%dma_wait3A_1860 : memref<1048576xi32, #tpu.memory_space<hbm>>)
    %dma_wait3A_1861 = arith.constant 42 : i32
    %dma_wait3A_1862 = arith.constant 42 : i32
    %dma_wait3A_1863 = arith.constant 0 : i32
    %dma_wait3A_1864 = tpu.memref_slice %arg9[%dma_wait3A_1861, %dma_wait3A_1863] : memref<48x128xi32, #tpu.memory_space<vmem>> -> memref<1x128xi32, #tpu.memory_space<vmem>>
    %dma_wait3A_1865 = tpu.memref_squeeze %dma_wait3A_1864 : memref<1x128xi32, #tpu.memory_space<vmem>> -> memref<128xi32, #tpu.memory_space<vmem>>
    %dma_wait3A_1866 = arith.constant 0 : i32
    %dma_wait3A_1867 = tpu.memref_slice %arg8[%dma_wait3A_1862, %dma_wait3A_1866] : memref<48x128xi32, #tpu.memory_space<vmem>> -> memref<1x128xi32, #tpu.memory_space<vmem>>
    %dma_wait3A_1868 = tpu.memref_squeeze %dma_wait3A_1867 : memref<1x128xi32, #tpu.memory_space<vmem>> -> memref<128xi32, #tpu.memory_space<vmem>>
    %dma_wait3A_1869 = arith.constant 0 : i32
    %dma_wait3A_1870 = tpu.memref_slice %arg5[%dma_wait3A_1869] : memref<1048576xi32, #tpu.memory_space<hbm>> -> memref<1048576xi32, #tpu.memory_space<hbm>>
    tpu.wait_indirect_dma semaphore(%arg11 : memref<!tpu.dma_semaphore, #tpu.memory_space<semaphore_mem>>) src(%dma_wait3A_1865 : memref<128xi32, #tpu.memory_space<vmem>>) dst(%dma_wait3A_1870 : memref<1048576xi32, #tpu.memory_space<hbm>>)
    %dma_wait3A_1871 = arith.constant 43 : i32
    %dma_wait3A_1872 = arith.constant 43 : i32
    %dma_wait3A_1873 = arith.constant 0 : i32
    %dma_wait3A_1874 = tpu.memref_slice %arg9[%dma_wait3A_1871, %dma_wait3A_1873] : memref<48x128xi32, #tpu.memory_space<vmem>> -> memref<1x128xi32, #tpu.memory_space<vmem>>
    %dma_wait3A_1875 = tpu.memref_squeeze %dma_wait3A_1874 : memref<1x128xi32, #tpu.memory_space<vmem>> -> memref<128xi32, #tpu.memory_space<vmem>>
    %dma_wait3A_1876 = arith.constant 0 : i32
    %dma_wait3A_1877 = tpu.memref_slice %arg8[%dma_wait3A_1872, %dma_wait3A_1876] : memref<48x128xi32, #tpu.memory_space<vmem>> -> memref<1x128xi32, #tpu.memory_space<vmem>>
    %dma_wait3A_1878 = tpu.memref_squeeze %dma_wait3A_1877 : memref<1x128xi32, #tpu.memory_space<vmem>> -> memref<128xi32, #tpu.memory_space<vmem>>
    %dma_wait3A_1879 = arith.constant 0 : i32
    %dma_wait3A_1880 = tpu.memref_slice %arg5[%dma_wait3A_1879] : memref<1048576xi32, #tpu.memory_space<hbm>> -> memref<1048576xi32, #tpu.memory_space<hbm>>
    tpu.wait_indirect_dma semaphore(%arg11 : memref<!tpu.dma_semaphore, #tpu.memory_space<semaphore_mem>>) src(%dma_wait3A_1875 : memref<128xi32, #tpu.memory_space<vmem>>) dst(%dma_wait3A_1880 : memref<1048576xi32, #tpu.memory_space<hbm>>)
    %dma_wait3A_1881 = arith.constant 44 : i32
    %dma_wait3A_1882 = arith.constant 44 : i32
    %dma_wait3A_1883 = arith.constant 0 : i32
    %dma_wait3A_1884 = tpu.memref_slice %arg9[%dma_wait3A_1881, %dma_wait3A_1883] : memref<48x128xi32, #tpu.memory_space<vmem>> -> memref<1x128xi32, #tpu.memory_space<vmem>>
    %dma_wait3A_1885 = tpu.memref_squeeze %dma_wait3A_1884 : memref<1x128xi32, #tpu.memory_space<vmem>> -> memref<128xi32, #tpu.memory_space<vmem>>
    %dma_wait3A_1886 = arith.constant 0 : i32
    %dma_wait3A_1887 = tpu.memref_slice %arg8[%dma_wait3A_1882, %dma_wait3A_1886] : memref<48x128xi32, #tpu.memory_space<vmem>> -> memref<1x128xi32, #tpu.memory_space<vmem>>
    %dma_wait3A_1888 = tpu.memref_squeeze %dma_wait3A_1887 : memref<1x128xi32, #tpu.memory_space<vmem>> -> memref<128xi32, #tpu.memory_space<vmem>>
    %dma_wait3A_1889 = arith.constant 0 : i32
    %dma_wait3A_1890 = tpu.memref_slice %arg5[%dma_wait3A_1889] : memref<1048576xi32, #tpu.memory_space<hbm>> -> memref<1048576xi32, #tpu.memory_space<hbm>>
    tpu.wait_indirect_dma semaphore(%arg11 : memref<!tpu.dma_semaphore, #tpu.memory_space<semaphore_mem>>) src(%dma_wait3A_1885 : memref<128xi32, #tpu.memory_space<vmem>>) dst(%dma_wait3A_1890 : memref<1048576xi32, #tpu.memory_space<hbm>>)
    %dma_wait3A_1891 = arith.constant 45 : i32
    %dma_wait3A_1892 = arith.constant 45 : i32
    %dma_wait3A_1893 = arith.constant 0 : i32
    %dma_wait3A_1894 = tpu.memref_slice %arg9[%dma_wait3A_1891, %dma_wait3A_1893] : memref<48x128xi32, #tpu.memory_space<vmem>> -> memref<1x128xi32, #tpu.memory_space<vmem>>
    %dma_wait3A_1895 = tpu.memref_squeeze %dma_wait3A_1894 : memref<1x128xi32, #tpu.memory_space<vmem>> -> memref<128xi32, #tpu.memory_space<vmem>>
    %dma_wait3A_1896 = arith.constant 0 : i32
    %dma_wait3A_1897 = tpu.memref_slice %arg8[%dma_wait3A_1892, %dma_wait3A_1896] : memref<48x128xi32, #tpu.memory_space<vmem>> -> memref<1x128xi32, #tpu.memory_space<vmem>>
    %dma_wait3A_1898 = tpu.memref_squeeze %dma_wait3A_1897 : memref<1x128xi32, #tpu.memory_space<vmem>> -> memref<128xi32, #tpu.memory_space<vmem>>
    %dma_wait3A_1899 = arith.constant 0 : i32
    %dma_wait3A_1900 = tpu.memref_slice %arg5[%dma_wait3A_1899] : memref<1048576xi32, #tpu.memory_space<hbm>> -> memref<1048576xi32, #tpu.memory_space<hbm>>
    tpu.wait_indirect_dma semaphore(%arg11 : memref<!tpu.dma_semaphore, #tpu.memory_space<semaphore_mem>>) src(%dma_wait3A_1895 : memref<128xi32, #tpu.memory_space<vmem>>) dst(%dma_wait3A_1900 : memref<1048576xi32, #tpu.memory_space<hbm>>)
    %dma_wait3A_1901 = arith.constant 46 : i32
    %dma_wait3A_1902 = arith.constant 46 : i32
    %dma_wait3A_1903 = arith.constant 0 : i32
    %dma_wait3A_1904 = tpu.memref_slice %arg9[%dma_wait3A_1901, %dma_wait3A_1903] : memref<48x128xi32, #tpu.memory_space<vmem>> -> memref<1x128xi32, #tpu.memory_space<vmem>>
    %dma_wait3A_1905 = tpu.memref_squeeze %dma_wait3A_1904 : memref<1x128xi32, #tpu.memory_space<vmem>> -> memref<128xi32, #tpu.memory_space<vmem>>
    %dma_wait3A_1906 = arith.constant 0 : i32
    %dma_wait3A_1907 = tpu.memref_slice %arg8[%dma_wait3A_1902, %dma_wait3A_1906] : memref<48x128xi32, #tpu.memory_space<vmem>> -> memref<1x128xi32, #tpu.memory_space<vmem>>
    %dma_wait3A_1908 = tpu.memref_squeeze %dma_wait3A_1907 : memref<1x128xi32, #tpu.memory_space<vmem>> -> memref<128xi32, #tpu.memory_space<vmem>>
    %dma_wait3A_1909 = arith.constant 0 : i32
    %dma_wait3A_1910 = tpu.memref_slice %arg5[%dma_wait3A_1909] : memref<1048576xi32, #tpu.memory_space<hbm>> -> memref<1048576xi32, #tpu.memory_space<hbm>>
    tpu.wait_indirect_dma semaphore(%arg11 : memref<!tpu.dma_semaphore, #tpu.memory_space<semaphore_mem>>) src(%dma_wait3A_1905 : memref<128xi32, #tpu.memory_space<vmem>>) dst(%dma_wait3A_1910 : memref<1048576xi32, #tpu.memory_space<hbm>>)
    %dma_wait3A_1911 = arith.constant 47 : i32
    %dma_wait3A_1912 = arith.constant 47 : i32
    %dma_wait3A_1913 = arith.constant 0 : i32
    %dma_wait3A_1914 = tpu.memref_slice %arg9[%dma_wait3A_1911, %dma_wait3A_1913] : memref<48x128xi32, #tpu.memory_space<vmem>> -> memref<1x128xi32, #tpu.memory_space<vmem>>
    %dma_wait3A_1915 = tpu.memref_squeeze %dma_wait3A_1914 : memref<1x128xi32, #tpu.memory_space<vmem>> -> memref<128xi32, #tpu.memory_space<vmem>>
    %dma_wait3A_1916 = arith.constant 0 : i32
    %dma_wait3A_1917 = tpu.memref_slice %arg8[%dma_wait3A_1912, %dma_wait3A_1916] : memref<48x128xi32, #tpu.memory_space<vmem>> -> memref<1x128xi32, #tpu.memory_space<vmem>>
    %dma_wait3A_1918 = tpu.memref_squeeze %dma_wait3A_1917 : memref<1x128xi32, #tpu.memory_space<vmem>> -> memref<128xi32, #tpu.memory_space<vmem>>
    %dma_wait3A_1919 = arith.constant 0 : i32
    %dma_wait3A_1920 = tpu.memref_slice %arg5[%dma_wait3A_1919] : memref<1048576xi32, #tpu.memory_space<hbm>> -> memref<1048576xi32, #tpu.memory_space<hbm>>
    tpu.wait_indirect_dma semaphore(%arg11 : memref<!tpu.dma_semaphore, #tpu.memory_space<semaphore_mem>>) src(%dma_wait3A_1915 : memref<128xi32, #tpu.memory_space<vmem>>) dst(%dma_wait3A_1920 : memref<1048576xi32, #tpu.memory_space<hbm>>)
    return
  }
}

</mosaic_0001>

<sc_bundles>
// kernel: kernel.3.cloned.1.call-start
scs
__scs_entry_jumppad:
0x0: {  	(pc) =	sbr.rel $0x88, $3  }
0x1: {  	(tag) =	ssettag $0x0;
	lr =	simm.s32 $0x1  }
0x2: {  	[smem:$0x3FA0] =	sst lr;
	_ =	strace $0xD0000000  }
0x3: {  	_ = 	snop  }
0x4: {  	_ = 	snop  }
0x5: {  	_ = 	snop  }
0x6: {  	_ = 	snop  }
0x7: {  	_ = 	snop  }
__scs_overlays_trampoline_lowered:
0x8: {  	[smem:$0x3FAF] =	sst s0  }
0x9: {  	[smem:$0x3FB0] =	sst s1  }
0xa: {  	[smem:$0x3FB1] =	sst s2  }
0xb: {  	[smem:$0x3FB2] =	sst s3  }
0xc: {  	[smem:$0x3FB3] =	sst s4  }
0xd: {  	[smem:$0x3FB4] =	sst s5  }
0xe: {  	[smem:$0x3FB5] =	sst s6  }
0xf: {  	[smem:$0x3FB6] =	sst s7  }
0x10: {  	[smem:$0x3FB7] =	sst s8  }
0x11: {  	[smem:$0x3FB8] =	sst s9;
	s0 =	simm.s32 @!p0 $0x0  }
0x12: {  	s1 =	sld [smem:$0x3F9E];
	s0 =	simm.s32 @p0 $0x1  }
0x13: {  	[smem:$0x3FB9] =	sst s0;
	s0 =	simm.s32 @!p1 $0x0  }
0x14: {  	s2 =	sld [smem:$0x3F9D];
	s0 =	simm.s32 @p1 $0x1  }
0x15: {  	[smem:$0x3FBA] =	sst s0;
	s0 =	simm.s32 @!p2 $0x0  }
0x16: {  	s3 =	sld [smem:$0x3FDB];
	s0 =	simm.s32 @p2 $0x1  }
0x17: {  	s4 =	simm.s32 $0x1BF5;
	[smem:$0x3FBC] =	sst s0  }
0x18: {  	s0 =	sld [smem:$0x3F9F];
	_ =	swait.ge [sflag:s4], $0x0  }
0x19: {  	s7 =	sld [smem:$0x3FA0]  }
0x1a: {  	s8 =	sadd.s32 $0xFFFFE003, lr  }
0x1b: {  	s9 =	sadd.s32 $0xFFFFFEF7, lr;
	s5 =	simm.s32 $0xFFFFFFFF;
	p2 =	slt.u32 s8, $0xFFFFF086  }
0x1c: {  	p1 =	slt.u32 s9, $0xF7A;
	s5 =	simm.s32 @!p2 $0x0  }
0x1d: {  	s5 =	simm.s32 @p1 $0x1;
	p0 =	seq.s32 s7, s2  }
0x1e: {  	s7 =	smul.u32 @!p0 $0xF7A, s2;
	p2 =	seq.s32 @!p0 s5, $0x0  }
0x1f: {  	s9 =	smul.u32 $0xF7A, s1;
	s8 =	simm.s32 @!p0 $0x1BF5;
	p2 =	por !p2, p0  }
0x20: {  	[sflag:s8] =	ssyncset.s32 @!p0 $0xFFFFF086;
	s6 =	sadd.s32 @!p0 s3, s7;
	s7 =	simm.s32 @!p0 $0x108  }
0x21: {  	s3 =	sadd.s32 s3, s9;
	s6 =	sadd.s32 @!p0 $0x88, s6;
	s7 =	simm.s32 @p2 $0x1082  }
0x22: {  	[simem:s7], [sflag:s8] =	dma.local @!p0 [hbm:s6], $0xF7A  }
0x23: {  	s9 =	sor.u32 $0xD0000000, s2;
	s6 =	simm.s32 $0x108;
	_ =	swait.ge @!p0 [sflag:s8], $0x0  }
0x24: {  	s3 =	sadd.s32 $0x88, s3;
	s6 =	simm.s32 @!p1 $0x1082;
	[sflag:s4] =	ssyncset.s32 $0xFFFFF086  }
0x25: {  	[simem:s6], [sflag:s4] =	dma.local [hbm:s3], $0xF7A  }
0x26: {  	[smem:$0x3FA0] =	sst s1;
	(tag) =	ssettag s2;
	_ =	strace s9  }
0x27: {  	s1 =	sld [smem:$0x3FB0]  }
0x28: {  	s2 =	sld [smem:$0x3FB1]  }
0x29: {  	s4 =	sld [smem:$0x3FB3]  }
0x2a: {  	p0 =	seq.s32 s5, $0x0;
	s5 =	sld [smem:$0x3FB4]  }
0x2b: {  	s6 =	sld [smem:$0x3FB5]  }
0x2c: {  	s7 =	sld [smem:$0x3FB6]  }
0x2d: {  	s3 =	simm.s32 $0x108;
	s8 =	sld [smem:$0x3FB7]  }
0x2e: {  	s3 =	simm.s32 @!p0 $0x1082;
	s9 =	sld [smem:$0x3FB8]  }
0x2f: {  	lr =	sadd.s32 s0, s3;
	s0 =	sld [smem:$0x3FAF]  }
0x30: {  	s3 =	sld [smem:$0x3FB2]  }
0x31: {  	[smem:$0x3FBB] =	sst s10  }
0x32: {  	s10 =	sld [smem:$0x3FB9];
	_ =	sdelay $0x3  }
0x33: {  	p0 =	seq.s32 s10, $0x1;
	s10 =	sld [smem:$0x3FBB];
	_ =	sdelay $0x3  }
0x34: {  	[smem:$0x3FBB] =	sst s10  }
0x35: {  	s10 =	sld [smem:$0x3FBA];
	_ =	sdelay $0x3  }
0x36: {  	p1 =	seq.s32 s10, $0x1;
	s10 =	sld [smem:$0x3FBB];
	_ =	sdelay $0x3  }
0x37: {  	[smem:$0x3FBB] =	sst s10  }
0x38: {  	s10 =	sld [smem:$0x3FBC]  }
0x39: {  	_ = 	snop;
	(pc) =	sbr.ind lr, $3  }
0x3a: {  	_ = 	snop  }
0x3b: {  	_ = 	snop  }
0x3c: {  	p2 =	seq.s32 s10, $0x1;
	s10 =	sld [smem:$0x3FBB]  }
0x3d: {  	_ =	shalt  }
0x3e: {  	_ =	shalt  }
0x3f: {  	_ =	shalt  }
0x40: {  	_ =	shalt  }
0x41: {  	_ =	shalt  }
0x42: {  	_ =	shalt  }
0x43: {  	_ =	shalt  }
0x44: {  	_ =	shalt  }
0x45: {  	_ =	shalt  }
0x46: {  	_ =	shalt  }
0x47: {  	_ =	shalt  }
0x48: {  	_ =	shalt  }
0x49: {  	_ =	shalt  }
0x4a: {  	_ =	shalt  }
0x4b: {  	_ =	shalt  }
0x4c: {  	_ =	shalt  }
0x4d: {  	_ =	shalt  }
0x4e: {  	_ =	shalt  }
0x4f: {  	_ =	shalt  }
0x50: {  	_ =	shalt  }
0x51: {  	_ =	shalt  }
0x52: {  	_ =	shalt  }
0x53: {  	_ =	shalt  }
0x54: {  	_ =	shalt  }
0x55: {  	_ =	shalt  }
0x56: {  	_ =	shalt  }
0x57: {  	_ =	shalt  }
0x58: {  	_ =	shalt  }
0x59: {  	_ =	shalt  }
0x5a: {  	_ =	shalt  }
0x5b: {  	_ =	shalt  }
0x5c: {  	_ =	shalt  }
0x5d: {  	_ =	shalt  }
0x5e: {  	_ =	shalt  }
0x5f: {  	_ =	shalt  }
0x60: {  	_ =	shalt  }
0x61: {  	_ =	shalt  }
0x62: {  	_ =	shalt  }
0x63: {  	_ =	shalt  }
0x64: {  	_ =	shalt  }
0x65: {  	_ =	shalt  }
0x66: {  	_ =	shalt  }
0x67: {  	_ =	shalt  }
0x68: {  	_ =	shalt  }
0x69: {  	_ =	shalt  }
0x6a: {  	_ =	shalt  }
0x6b: {  	_ =	shalt  }
0x6c: {  	_ =	shalt  }
0x6d: {  	_ =	shalt  }
0x6e: {  	_ =	shalt  }
0x6f: {  	_ =	shalt  }
0x70: {  	_ =	shalt  }
0x71: {  	_ =	shalt  }
0x72: {  	_ =	shalt  }
0x73: {  	_ =	shalt  }
0x74: {  	_ =	shalt  }
0x75: {  	_ =	shalt  }
0x76: {  	_ =	shalt  }
0x77: {  	_ =	shalt  }
0x78: {  	_ =	shalt  }
0x79: {  	_ =	shalt  }
0x7a: {  	_ =	shalt  }
0x7b: {  	_ =	shalt  }
0x7c: {  	_ =	shalt  }
0x7d: {  	_ =	shalt  }
0x7e: {  	_ =	shalt  }
0x7f: {  	_ =	shalt  }
0x80: {  	_ =	shalt  }
0x81: {  	_ =	shalt  }
0x82: {  	_ =	shalt  }
0x83: {  	_ =	shalt  }
0x84: {  	_ =	shalt  }
0x85: {  	_ =	shalt  }
0x86: {  	_ =	shalt  }
0x87: {  	_ =	shalt  }
.Lfunc_end0:
.L_simem_size_0:
called_computation_lowered:
.L_overlay_start_0:
0x88: {  	s2 =	sld [smem:$0x3FD9]  }
0x89: {  	s3 =	sld [smem:$0x3FFE];
	_ =	sdelay $0x1  }
0x8a: {  	s1 =	srdreg.scid  }
0x8b: {  	s0 =	sand.u32 $0x1, s1  }
0x8c: {  	s17 =	sshll.u32 s0, $0xA;
	s2 =	sadd.s32 s3, s2  }
0x8d: {  	s2 =	sadd.s32 s2, s17  }
0x8e: {  	[smem:$0x3FC7] =	sst s2  }
0x8f: {  	_ = 	snop  }
0x90: {  	s2 =	sld [smem:$0x3FD0];
	(tm) =	ssettm $0x1  }
0x91: {  	s18 =	sld [smem:$0x3FFB];
	_ =	sdelay $0x3  }
0x92: {  	_ =	strace s18  }
0x93: {  	s3 =	sld [smem:$0x3FFC];
	_ =	sdelay $0x3  }
0x94: {  	_ =	strace s3  }
0x95: {  	s3 =	sld [smem:$0x3FFD];
	_ =	sdelay $0x3  }
0x96: {  	_ =	strace s3  }
0x97: {  	_ =	strace $0x8FFFFFFF  }
0x98: {  	s19 =	sld [smem:$0x3FDB];
	_ =	sdelay $0x1  }
0x99: {  	s4 =	simm.s32 $_scs_section_size  }
0x9a: {  	s5 =	simm.s32 $_size__tile_overlayer_lowered;
	s6 =	simm.s32 $_tile_overlayer_lowered  }
0x9b: {  	s22 =	simm.s32 $0x1BFF;
	s21 =	sshll.u32 s6, $0x1;
	s3 =	sadd.s32 s4, s19  }
0x9c: {  	s7 =	simm.s32 $0x0;
	s20 =	sshll.u32 s5, $0x1;
	s5 =	sadd.s32 s21, s3  }
0x9d: {  	[timem:s7], [sflag:s22] =	dma.local [hbm:s5], s20  }
0x9e: {  	_ =	swait.ge [sflag:s22], s20  }
0x9f: {  	s4 =	ssub.s32 $0x0, s20;
	[sflag:s22] =	ssyncset.done $0x0  }
0xa0: {  	[sflag:s22] =	ssyncadd.s32 s4;
	_ =	sdelay $0x1  }
0xa1: {  	s23 =	simm.s32 $0x1B8B  }
0xa2: {  	_ =	swait.ge [sflag:s23], $0x1  }
0xa3: {  	[sflag:s23] =	ssyncset.done $0x0  }
0xa4: {  	s25 =	simm.s32 $0x1B8E;
	s24 =	sld [smem:$0x3FFE];
	[sflag:s23] =	ssyncadd.s32 $0xFFFFFFFF  }
0xa5: {  	s26 =	simm.s32 $execute0_lowered;
	[smem:$0x3FD2] =	sst s25  }
0xa6: {  	s5 =	sshll.u32 s26, $0x1;
	_ =	strace $0x80000046;
	[dreg:$0x1] =	wrdreg $0xFFFFFFFF  }
0xa7: {  	s28 =	simm.s32 $_size_execute0_lowered;
	s3 =	sadd.s32 s3, s5;
	[dreg:$0x0] =	wrdreg $0x0  }
0xa8: {  	s5 =	sshll.u32 s28, $0x1;
	[dreg:$0x2] =	wrdreg s3  }
0xa9: {  	[dreg:$0x3] =	wrdreg s5  }
0xaa: {  	[dreg:$0x4] =	wrdreg $0xC0  }
0xab: {  	_ =	task [dreg:s7], $0x5FFFF  }
0xac: {  	[dreg:$0x1] =	wrdreg $0xFFFFFFFF  }
0xad: {  	[dreg:$0x0] =	wrdreg $0x60  }
0xae: {  	[dreg:$0x2] =	wrdreg s2  }
0xaf: {  	[dreg:$0x3] =	wrdreg s24  }
0xb0: {  	[dreg:$0x4] =	wrdreg $0x9  }
0xb1: {  	_ =	task.clear_ibuf [dreg:s7], $0x5FFFF;
	_ =	strace $0x90000046  }
0xb2: {  	s29 =	simm.s32 $0x9;
	_ =	strace $0x80000048  }
0xb3: {  	_ =	swait.ge [sflag:s29], $0x1  }
0xb4: {  	[sflag:s29] =	ssyncadd.s32 $0xFFFFFFFF  }
0xb5: {  	_ =	strace $0x90000048  }
0xb6: {  	_ =	sfence  }
0xb7: {  	s30 =	sld [smem:$0x0];
	_ =	sdelay $0x2  }
0xb8: {  	s31 =	sshll.u32 s1, $0xD;
	s1 =	sshrl.u32 s1, $0x2  }
0xb9: {  	s3 =	sand.u32 $0x4000, s31;
	s1 =	sadd.s32 s1, s30  }
0xba: {  	s0 =	sor.u32 s3, s0;
	s1 =	sshll.u32 s1, $0x11  }
0xbb: {  	s0 =	sor.u32 s1, s0  }
0xbc: {  	s0 =	sadd.s32 $0x8F2B, s0  }
0xbd: {  	[sflag:s0] =	ssyncadd.remote.s32 $0x1  }
0xbe: {  	_ =	sfence.sel $0xFFFF  }
0xbf: {  	[dreg:$0x0] =	wrdreg $0xFFFFFFFF;
	(pc) =	sbr.abs _section_cstart, $3  }
0xc0: {  	[dreg:$0x1] =	wrdreg $0xFFFFFFFF  }
0xc1: {  	_ =	task.clear_ibuf [dreg:s7], $0x2FFFF;
	_ =	strace $0x9FFFFFFF  }
0xc2: {  	(tm) =	ssettm $0x7FFFFFFF  }
0xc3: {  	_ =	shalt  }
tec
execute0_lowered:
.L_overlay_start_1:
0x0: {  	(tag) =	ssettag $0x1  }
0x1: {  	s5 =	rddreg [dreg:$0x0]  }
0x2: {  	s2 =	rddreg [dreg:$0x1];
	s6 =	simm.s32 $0x0  }
0x3: {  	s30 =	simm.s32 $0x8080;
	[smem:$0x7FF] =	sst s6  }
0x4: {  	s7 =	simm.s32 $0x8200;
	_ =	strace $0x80000047;
	[dreg:$0x7] =	wrdreg s30  }
0x5: {  	s8 =	simm.s32 $0x8280;
	[dreg:$0xa] =	wrdreg s7  }
0x6: {  	s9 =	simm.s32 $0x8300;
	[dreg:$0xb] =	wrdreg s8  }
0x7: {  	s10 =	simm.s32 $0x8380;
	[dreg:$0xc] =	wrdreg s9  }
0x8: {  	s11 =	simm.s32 $0x8400;
	[dreg:$0xd] =	wrdreg s10  }
0x9: {  	s12 =	simm.s32 $0x8480;
	[dreg:$0xe] =	wrdreg s11  }
0xa: {  	s13 =	simm.s32 $0x8500;
	[dreg:$0xf] =	wrdreg s12  }
0xb: {  	s14 =	simm.s32 $0x8580;
	[dreg:$0x10] =	wrdreg s13  }
0xc: {  	s15 =	simm.s32 $0x8600;
	[dreg:$0x11] =	wrdreg s14  }
0xd: {  	s16 =	simm.s32 $0x8680;
	[dreg:$0x12] =	wrdreg s15  }
0xe: {  	s17 =	simm.s32 $0x8700;
	[dreg:$0x13] =	wrdreg s16  }
0xf: {  	s18 =	simm.s32 $0x8780;
	[dreg:$0x14] =	wrdreg s17  }
0x10: {  	s19 =	simm.s32 $0x8800;
	[dreg:$0x15] =	wrdreg s18  }
0x11: {  	s20 =	simm.s32 $0x8880;
	[dreg:$0x16] =	wrdreg s19  }
0x12: {  	s21 =	simm.s32 $0x8900;
	[dreg:$0x17] =	wrdreg s20  }
0x13: {  	s22 =	simm.s32 $0x8980;
	[dreg:$0x18] =	wrdreg s21  }
0x14: {  	s23 =	simm.s32 $0x8A00;
	[dreg:$0x19] =	wrdreg s22  }
0x15: {  	s24 =	simm.s32 $0x8A80;
	[dreg:$0x1a] =	wrdreg s23  }
0x16: {  	s25 =	simm.s32 $0x8B00;
	[dreg:$0x1b] =	wrdreg s24  }
0x17: {  	s26 =	simm.s32 $0x8B80;
	[dreg:$0x1c] =	wrdreg s25  }
0x18: {  	[dreg:$0x1d] =	wrdreg s26;
	s30 =	simm.s32 $0x8C80  }
0x19: {  	s7 =	simm.s32 $0x8E00;
	[dreg:$0x1f] =	wrdreg s30  }
0x1a: {  	s8 =	simm.s32 $0x8E80;
	[smem:$0x7BB] =	sst s7  }
0x1b: {  	s9 =	simm.s32 $0x8F00;
	[smem:$0x7BC] =	sst s8  }
0x1c: {  	s10 =	simm.s32 $0x8F80;
	[smem:$0x7BD] =	sst s9  }
0x1d: {  	s11 =	simm.s32 $0x9000;
	[smem:$0x7BE] =	sst s10  }
0x1e: {  	s12 =	simm.s32 $0x9080;
	[smem:$0x7BF] =	sst s11  }
0x1f: {  	s13 =	simm.s32 $0x9100;
	[smem:$0x7C0] =	sst s12  }
0x20: {  	s14 =	simm.s32 $0x9180;
	[smem:$0x7C1] =	sst s13  }
0x21: {  	s15 =	simm.s32 $0x9200;
	[smem:$0x7C2] =	sst s14  }
0x22: {  	s16 =	simm.s32 $0x9280;
	[smem:$0x7C3] =	sst s15  }
0x23: {  	s17 =	simm.s32 $0x9300;
	[smem:$0x7C4] =	sst s16  }
0x24: {  	s18 =	simm.s32 $0x9380;
	[smem:$0x7C5] =	sst s17  }
0x25: {  	s19 =	simm.s32 $0x9400;
	[smem:$0x7C6] =	sst s18  }
0x26: {  	s20 =	simm.s32 $0x9480;
	[smem:$0x7C7] =	sst s19  }
0x27: {  	s21 =	simm.s32 $0x9500;
	[smem:$0x7C8] =	sst s20  }
0x28: {  	s22 =	simm.s32 $0x9580;
	[smem:$0x7C9] =	sst s21  }
0x29: {  	s23 =	simm.s32 $0x9600;
	[smem:$0x7CA] =	sst s22  }
0x2a: {  	s24 =	simm.s32 $0x9680;
	[smem:$0x7CB] =	sst s23  }
0x2b: {  	s25 =	simm.s32 $0x9700;
	[smem:$0x7CC] =	sst s24  }
0x2c: {  	s26 =	simm.s32 $0x9780;
	[smem:$0x7CD] =	sst s25  }
0x2d: {  	[smem:$0x7CE] =	sst s26;
	s30 =	simm.s32 $0x9900  }
0x2e: {  	s7 =	simm.s32 $0x9A80;
	[smem:$0x7D0] =	sst s30  }
0x2f: {  	s8 =	simm.s32 $0x9B00;
	[smem:$0x7D3] =	sst s7  }
0x30: {  	s9 =	simm.s32 $0x9B80;
	[smem:$0x7D4] =	sst s8  }
0x31: {  	s10 =	simm.s32 $0x9C00;
	[smem:$0x7D5] =	sst s9  }
0x32: {  	s11 =	simm.s32 $0x9C80;
	[smem:$0x7D6] =	sst s10  }
0x33: {  	s12 =	simm.s32 $0x9D00;
	[smem:$0x7D7] =	sst s11  }
0x34: {  	s13 =	simm.s32 $0x9D80;
	[smem:$0x7D8] =	sst s12  }
0x35: {  	s14 =	simm.s32 $0x9E00;
	[smem:$0x7D9] =	sst s13  }
0x36: {  	s15 =	simm.s32 $0x9E80;
	[smem:$0x7DA] =	sst s14  }
0x37: {  	s16 =	simm.s32 $0x9F00;
	[smem:$0x7DB] =	sst s15  }
0x38: {  	s17 =	simm.s32 $0x9F80;
	[smem:$0x7DC] =	sst s16  }
0x39: {  	s18 =	simm.s32 $0xA000;
	[smem:$0x7DD] =	sst s17  }
0x3a: {  	s19 =	simm.s32 $0xA080;
	[smem:$0x7DE] =	sst s18  }
0x3b: {  	s0 =	srdreg.scid;
	s20 =	simm.s32 $0xA100;
	[smem:$0x7DF] =	sst s19  }
0x3c: {  	s1 =	stileid.u32;
	s21 =	simm.s32 $0xA180;
	[smem:$0x7E0] =	sst s20  }
0x3d: {  	s0 =	sand.u32 $0x1, s0;
	s22 =	simm.s32 $0xA200;
	[smem:$0x7E1] =	sst s21  }
0x3e: {  	s1 =	sshll.u32 s1, $0x1;
	s23 =	simm.s32 $0xA280;
	[smem:$0x7E2] =	sst s22  }
0x3f: {  	s1 =	sor.u32 s0, s1;
	s24 =	simm.s32 $0xA300;
	[smem:$0x7E3] =	sst s23  }
0x40: {  	s3 =	smul.u32 $0x300, s1;
	s25 =	simm.s32 $0xA380;
	[smem:$0x7E4] =	sst s24  }
0x41: {  	s1 =	sshll.u32 s1, $0xC;
	s26 =	simm.s32 $0xA400;
	[smem:$0x7E5] =	sst s25  }
0x42: {  	s28 =	sadd.s32 s5, s1;
	[smem:$0x7E6] =	sst s26  }
0x43: {  	s30 =	simm.s32 $0xA500;
	[dreg:$0x4] =	wrdreg s28  }
0x44: {  	s7 =	simm.s32 $0xA600;
	[smem:$0x7E8] =	sst s30  }
0x45: {  	s8 =	simm.s32 $0xA680;
	[smem:$0x7EA] =	sst s7  }
0x46: {  	s9 =	simm.s32 $0xA700;
	[smem:$0x7EB] =	sst s8  }
0x47: {  	s10 =	simm.s32 $0xA780;
	[smem:$0x7EC] =	sst s9  }
0x48: {  	s12 =	simm.s32 $0xA800;
	[smem:$0x7ED] =	sst s10  }
0x49: {  	s13 =	simm.s32 $0xA900;
	[smem:$0x7EE] =	sst s12  }
0x4a: {  	s14 =	simm.s32 $0xA980;
	[smem:$0x7F0] =	sst s13  }
0x4b: {  	s15 =	simm.s32 $0xAA00;
	[smem:$0x7F1] =	sst s14  }
0x4c: {  	s16 =	simm.s32 $0xAA80;
	[smem:$0x7F2] =	sst s15  }
0x4d: {  	p0 =	por $0x0, $0x0;
	s17 =	simm.s32 $0xAB00;
	[smem:$0x7F3] =	sst s16  }
0x4e: {  	s29 =	simm.s32 $0xBE00;
	s18 =	simm.s32 $0xAB80;
	[smem:$0x7F4] =	sst s17  }
0x4f: {  	s31 =	simm.s32 $0x1;
	s19 =	simm.s32 $0xAC00;
	[smem:$0x7F5] =	sst s18  }
0x50: {  	s0 =	ssub.s32 $0x2, s0;
	s20 =	simm.s32 $0xAC80;
	[smem:$0x7F6] =	sst s19  }
0x51: {  	s11 =	simm.s32 $0x3;
	s21 =	simm.s32 $0xAD00;
	[smem:$0x7F7] =	sst s20  }
0x52: {  	s22 =	simm.s32 $0xAD80;
	s23 =	simm.s32 $0xB480;
	[smem:$0x7F8] =	sst s21  }
0x53: {  	s24 =	simm.s32 $0xAE00;
	s25 =	simm.s32 $0xB500;
	[smem:$0x7F9] =	sst s22  }
0x54: {  	s26 =	simm.s32 $0xAE80;
	s3 =	sadd.s32 s3, s2;
	[smem:$0x7FA] =	sst s24  }
0x55: {  	s2 =	sadd.s32 $0xCA00, s2;
	s28 =	simm.s32 $0x8C00;
	[smem:$0x7FB] =	sst s26  }
0x56: {  	s7 =	simm.s32 $0xA880;
	s9 =	simm.s32 $0xB100;
	[dreg:$0x1e] =	wrdreg s28  }
0x57: {  	s12 =	simm.s32 $0xB200;
	s30 =	simm.s32 $0xAF80;
	[smem:$0x7EF] =	sst s7  }
0x58: {  	s14 =	simm.s32 $0xB280;
	s4 =	sadd.s32 $0x6A00, s3;
	[smem:$0x7FD] =	sst s30  }
0x59: {  	s16 =	simm.s32 $0xB300;
	s3 =	sadd.s32 $0xA00, s3;
	[dreg:$0x3] =	wrdreg s4  }
0x5a: {  	s18 =	simm.s32 $0xB380;
	[dreg:$0x5] =	wrdreg s3;
	s3 =	simm.s32 $0x8100  }
0x5b: {  	s20 =	simm.s32 $0xB400;
	s4 =	simm.s32 $0x8180;
	[dreg:$0x8] =	wrdreg s3  }
0x5c: {  	s26 =	simm.s32 $0xBA00;
	[dreg:$0x9] =	wrdreg s4;
	s3 =	simm.s32 $0x8D00  }
0x5d: {  	s24 =	simm.s32 $0xBA80;
	s4 =	simm.s32 $0x8D80;
	[smem:$0x7B9] =	sst s3  }
0x5e: {  	s22 =	simm.s32 $0xBB00;
	[smem:$0x7BA] =	sst s4;
	s4 =	simm.s32 $0x9A00  }
0x5f: {  	s3 =	simm.s32 $0x9980;
	[smem:$0x7D2] =	sst s4;
	s4 =	sshrl.u32 s0, $0x1  }
0x60: {  	[smem:$0x7D1] =	sst s3;
	s3 =	simm.s32 $0xA580;
	s0 =	ssub.s32 s0, s4  }
0x61: {  	s1 =	sadd.s32 s2, s1;
	[smem:$0x7E9] =	sst s3;
	s3 =	smax.u32 s0, $0x1  }
0x62: {  	s28 =	simm.s32 $0x9880;
	[dreg:$0x6] =	wrdreg s1;
	p1 =	sne.s32 s3, $0x1  }
.Ltmp0:
0x63: {  	[smem:$0x7CF] =	sst s28;
	s28 =	simm.s32 $0xA480;
	(pc) =	sbr.rel @!p1 .LBB2_5-.Ltmp0, $4  }
0x64: {  	s19 =	simm.s32 $0xBB80;
	s17 =	simm.s32 $0xBC00;
	[smem:$0x7E7] =	sst s28  }
0x65: {  	s15 =	simm.s32 $0xBC80;
	s28 =	simm.s32 $0xAF00;
	s8 =	rddreg [dreg:$0x3]  }
0x66: {  	s13 =	simm.s32 $0xBD00;
	s10 =	simm.s32 $0xBD80;
	[smem:$0x7FC] =	sst s28  }
0x67: {  	s4 =	simm.s32 $0x80;
	s1 =	sadd.s32 $0xFFFFFFFF, s3;
	s3 =	simm.s32 $0x2  }
0x68: {  	s7 =	simm.s32 $0x8000  }
0x69: {  	[tilespmem:s7], [sflag:$0x3] =	stream.linear.gather [hbm4b:s8+s6], $0x1800, $0x38;
	[tilespmem:$0xC800] =	vst v63  }
0x6a: {  	_ =	swait.ge [sflag:s11], $0x1800  }
0x6b: {  	[sflag:s11] =	ssyncset.done $0x0  }
0x6c: {  	s28 =	rddreg [dreg:$0x4];
	[sflag:s11] =	ssyncadd.s32 $0xFFFFE800  }
0x6d: {  	[tilespmem:s6], [sflag:$0x3] =	stream.linear.gather [hbm4b:s28+s6], $0x8000, $0x38;
	[tilespmem:$0xC800] =	vst v63  }
0x6e: {  	_ =	swait.ge [sflag:s11], $0x8000  }
0x6f: {  	[sflag:s11] =	ssyncset.done $0x0  }
0x70: {  	s30 =	simm.s32 $0x9800;
	s8 =	rddreg [dreg:$0x5];
	[sflag:s11] =	ssyncadd.s32 $0xFFFF8000  }
0x71: {  	[tilespmem:s30], [sflag:$0x3] =	stream.linear.gather [hbm4b:s8+s6], $0x1800, $0x38;
	[tilespmem:$0xC800] =	vst v63  }
0x72: {  	_ =	swait.ge [sflag:s11], $0x1800  }
0x73: {  	[sflag:s11] =	ssyncset.done $0x0  }
0x74: {  	s30 =	simm.s32 $0xB000;
	s8 =	rddreg [dreg:$0x7];
	[sflag:s11] =	ssyncadd.s32 $0xFFFFE800  }
0x75: {  	[tilespmem:s30], [sflag:$0x1] =	stream.indirect.gather [hbm4b:s5+s4], $0x1, s7, s4, $0xb8;
	[tilespmem:$0xC800] =	vst v63  }
0x76: {  	s6 =	rddreg [dreg:$0x9];
	s30 =	simm.s32 $0xB080  }
0x77: {  	[tilespmem:s30], [sflag:$0x1] =	stream.indirect.gather [hbm4b:s5+s4], $0x1, s8, s4, $0xb8;
	[tilespmem:$0xC800] =	vst v63  }
0x78: {  	s7 =	rddreg [dreg:$0x8]  }
0x79: {  	[tilespmem:s9], [sflag:$0x1] =	stream.indirect.gather [hbm4b:s5+s4], $0x1, s7, s4, $0xb8;
	[tilespmem:$0xC800] =	vst v63  }
0x7a: {  	s30 =	simm.s32 $0xB180;
	s8 =	rddreg [dreg:$0x13]  }
0x7b: {  	[tilespmem:s30], [sflag:$0x1] =	stream.indirect.gather [hbm4b:s5+s4], $0x1, s6, s4, $0xb8;
	[tilespmem:$0xC800] =	vst v63  }
0x7c: {  	s7 =	rddreg [dreg:$0xa]  }
0x7d: {  	[tilespmem:s12], [sflag:$0x1] =	stream.indirect.gather [hbm4b:s5+s4], $0x1, s7, s4, $0xb8;
	[tilespmem:$0xC800] =	vst v63  }
0x7e: {  	s6 =	rddreg [dreg:$0xb]  }
0x7f: {  	[tilespmem:s14], [sflag:$0x1] =	stream.indirect.gather [hbm4b:s5+s4], $0x1, s6, s4, $0xb8;
	[tilespmem:$0xC800] =	vst v63  }
0x80: {  	s30 =	rddreg [dreg:$0xc]  }
0x81: {  	[tilespmem:s16], [sflag:$0x1] =	stream.indirect.gather [hbm4b:s5+s4], $0x1, s30, s4, $0xb8;
	[tilespmem:$0xC800] =	vst v63  }
0x82: {  	s6 =	rddreg [dreg:$0xd]  }
0x83: {  	[tilespmem:s18], [sflag:$0x1] =	stream.indirect.gather [hbm4b:s5+s4], $0x1, s6, s4, $0xb8;
	[tilespmem:$0xC800] =	vst v63  }
0x84: {  	s30 =	rddreg [dreg:$0xe]  }
0x85: {  	[tilespmem:s20], [sflag:$0x1] =	stream.indirect.gather [hbm4b:s5+s4], $0x1, s30, s4, $0xb8;
	[tilespmem:$0xC800] =	vst v63  }
0x86: {  	s6 =	rddreg [dreg:$0xf]  }
0x87: {  	[tilespmem:s23], [sflag:$0x1] =	stream.indirect.gather [hbm4b:s5+s4], $0x1, s6, s4, $0xb8;
	[tilespmem:$0xC800] =	vst v63  }
0x88: {  	s30 =	rddreg [dreg:$0x10]  }
0x89: {  	[tilespmem:s25], [sflag:$0x1] =	stream.indirect.gather [hbm4b:s5+s4], $0x1, s30, s4, $0xb8;
	[tilespmem:$0xC800] =	vst v63  }
0x8a: {  	s6 =	rddreg [dreg:$0x11];
	s30 =	simm.s32 $0xB580  }
0x8b: {  	[tilespmem:s30], [sflag:$0x1] =	stream.indirect.gather [hbm4b:s5+s4], $0x1, s6, s4, $0xb8;
	[tilespmem:$0xC800] =	vst v63  }
0x8c: {  	s28 =	simm.s32 $0xB600;
	s7 =	rddreg [dreg:$0x12]  }
0x8d: {  	[tilespmem:s28], [sflag:$0x1] =	stream.indirect.gather [hbm4b:s5+s4], $0x1, s7, s4, $0xb8;
	[tilespmem:$0xC800] =	vst v63  }
0x8e: {  	s30 =	rddreg [dreg:$0x14];
	s6 =	simm.s32 $0xB680  }
0x8f: {  	[tilespmem:s6], [sflag:$0x1] =	stream.indirect.gather [hbm4b:s5+s4], $0x1, s8, s4, $0xb8;
	[tilespmem:$0xC800] =	vst v63  }
0x90: {  	s21 =	simm.s32 $0xB700;
	s28 =	rddreg [dreg:$0x15]  }
0x91: {  	[tilespmem:s21], [sflag:$0x1] =	stream.indirect.gather [hbm4b:s5+s4], $0x1, s30, s4, $0xb8;
	[tilespmem:$0xC800] =	vst v63  }
0x92: {  	s7 =	rddreg [dreg:$0x16];
	s21 =	simm.s32 $0xB780  }
0x93: {  	[tilespmem:s21], [sflag:$0x1] =	stream.indirect.gather [hbm4b:s5+s4], $0x1, s28, s4, $0xb8;
	[tilespmem:$0xC800] =	vst v63  }
0x94: {  	s8 =	rddreg [dreg:$0x17];
	s28 =	simm.s32 $0xB800  }
0x95: {  	[tilespmem:s28], [sflag:$0x1] =	stream.indirect.gather [hbm4b:s5+s4], $0x1, s7, s4, $0xb8;
	[tilespmem:$0xC800] =	vst v63  }
0x96: {  	s30 =	rddreg [dreg:$0x1c];
	s21 =	simm.s32 $0xB880  }
0x97: {  	[tilespmem:s21], [sflag:$0x1] =	stream.indirect.gather [hbm4b:s5+s4], $0x1, s8, s4, $0xb8;
	[tilespmem:$0xC800] =	vst v63  }
0x98: {  	s7 =	rddreg [dreg:$0x18];
	s28 =	simm.s32 $0xB900  }
0x99: {  	[tilespmem:s28], [sflag:$0x1] =	stream.indirect.gather [hbm4b:s5+s4], $0x1, s7, s4, $0xb8;
	[tilespmem:$0xC800] =	vst v63  }
0x9a: {  	s0 =	simm.s32 $0xB980;
	s8 =	rddreg [dreg:$0x19]  }
0x9b: {  	[tilespmem:s0], [sflag:$0x1] =	stream.indirect.gather [hbm4b:s5+s4], $0x1, s8, s4, $0xb8;
	[tilespmem:$0xC800] =	vst v63  }
0x9c: {  	s21 =	rddreg [dreg:$0x1a]  }
0x9d: {  	[tilespmem:s26], [sflag:$0x1] =	stream.indirect.gather [hbm4b:s5+s4], $0x1, s21, s4, $0xb8;
	[tilespmem:$0xC800] =	vst v63  }
0x9e: {  	s28 =	rddreg [dreg:$0x1b]  }
0x9f: {  	[tilespmem:s24], [sflag:$0x1] =	stream.indirect.gather [hbm4b:s5+s4], $0x1, s28, s4, $0xb8;
	[tilespmem:$0xC800] =	vst v63  }
0xa0: {  	s0 =	rddreg [dreg:$0x1d]  }
0xa1: {  	[tilespmem:s22], [sflag:$0x1] =	stream.indirect.gather [hbm4b:s5+s4], $0x1, s30, s4, $0xb8;
	[tilespmem:$0xC800] =	vst v63  }
0xa2: {  	s21 =	rddreg [dreg:$0x1e]  }
0xa3: {  	[tilespmem:s19], [sflag:$0x1] =	stream.indirect.gather [hbm4b:s5+s4], $0x1, s0, s4, $0xb8;
	[tilespmem:$0xC800] =	vst v63  }
0xa4: {  	s28 =	rddreg [dreg:$0x1f]  }
0xa5: {  	[tilespmem:s17], [sflag:$0x1] =	stream.indirect.gather [hbm4b:s5+s4], $0x1, s21, s4, $0xb8;
	[tilespmem:$0xC800] =	vst v63  }
0xa6: {  	s30 =	sld [smem:$0x7B9]  }
0xa7: {  	[tilespmem:s15], [sflag:$0x1] =	stream.indirect.gather [hbm4b:s5+s4], $0x1, s28, s4, $0xb8;
	[tilespmem:$0xC800] =	vst v63  }
0xa8: {  	s0 =	sld [smem:$0x7BA]  }
0xa9: {  	[tilespmem:s13], [sflag:$0x1] =	stream.indirect.gather [hbm4b:s5+s4], $0x1, s30, s4, $0xb8;
	[tilespmem:$0xC800] =	vst v63  }
0xaa: {  	s21 =	sld [smem:$0x7BB]  }
0xab: {  	[tilespmem:s10], [sflag:$0x1] =	stream.indirect.gather [hbm4b:s5+s4], $0x1, s0, s4, $0xb8;
	[tilespmem:$0xC800] =	vst v63  }
0xac: {  	s28 =	sld [smem:$0x7BC]  }
0xad: {  	[tilespmem:s29], [sflag:$0x1] =	stream.indirect.gather [hbm4b:s5+s4], $0x1, s21, s4, $0xb8;
	[tilespmem:$0xC800] =	vst v63  }
0xae: {  	s30 =	sld [smem:$0x7BD];
	s21 =	simm.s32 $0xBE80  }
0xaf: {  	[tilespmem:s21], [sflag:$0x1] =	stream.indirect.gather [hbm4b:s5+s4], $0x1, s28, s4, $0xb8;
	[tilespmem:$0xC800] =	vst v63  }
0xb0: {  	s8 =	sld [smem:$0x7BE];
	s28 =	simm.s32 $0xBF00  }
0xb1: {  	[tilespmem:s28], [sflag:$0x1] =	stream.indirect.gather [hbm4b:s5+s4], $0x1, s30, s4, $0xb8;
	[tilespmem:$0xC800] =	vst v63  }
0xb2: {  	s21 =	simm.s32 $0xBF80;
	s30 =	sld [smem:$0x7BF]  }
0xb3: {  	[tilespmem:s21], [sflag:$0x1] =	stream.indirect.gather [hbm4b:s5+s4], $0x1, s8, s4, $0xb8;
	[tilespmem:$0xC800] =	vst v63  }
0xb4: {  	s28 =	simm.s32 $0xC000;
	s8 =	sld [smem:$0x7C0]  }
0xb5: {  	[tilespmem:s28], [sflag:$0x1] =	stream.indirect.gather [hbm4b:s5+s4], $0x1, s30, s4, $0xb8;
	[tilespmem:$0xC800] =	vst v63  }
0xb6: {  	s21 =	simm.s32 $0xC080;
	s30 =	sld [smem:$0x7C1]  }
0xb7: {  	[tilespmem:s21], [sflag:$0x1] =	stream.indirect.gather [hbm4b:s5+s4], $0x1, s8, s4, $0xb8;
	[tilespmem:$0xC800] =	vst v63  }
0xb8: {  	s28 =	simm.s32 $0xC100;
	s8 =	sld [smem:$0x7C2]  }
0xb9: {  	[tilespmem:s28], [sflag:$0x1] =	stream.indirect.gather [hbm4b:s5+s4], $0x1, s30, s4, $0xb8;
	[tilespmem:$0xC800] =	vst v63  }
0xba: {  	s21 =	simm.s32 $0xC180;
	s30 =	sld [smem:$0x7C3]  }
0xbb: {  	[tilespmem:s21], [sflag:$0x1] =	stream.indirect.gather [hbm4b:s5+s4], $0x1, s8, s4, $0xb8;
	[tilespmem:$0xC800] =	vst v63  }
0xbc: {  	s28 =	simm.s32 $0xC200;
	s8 =	sld [smem:$0x7C4]  }
0xbd: {  	[tilespmem:s28], [sflag:$0x1] =	stream.indirect.gather [hbm4b:s5+s4], $0x1, s30, s4, $0xb8;
	[tilespmem:$0xC800] =	vst v63  }
0xbe: {  	s21 =	simm.s32 $0xC280;
	s30 =	sld [smem:$0x7C5]  }
0xbf: {  	[tilespmem:s21], [sflag:$0x1] =	stream.indirect.gather [hbm4b:s5+s4], $0x1, s8, s4, $0xb8;
	[tilespmem:$0xC800] =	vst v63  }
0xc0: {  	s28 =	simm.s32 $0xC300;
	s8 =	sld [smem:$0x7C6]  }
0xc1: {  	[tilespmem:s28], [sflag:$0x1] =	stream.indirect.gather [hbm4b:s5+s4], $0x1, s30, s4, $0xb8;
	[tilespmem:$0xC800] =	vst v63  }
0xc2: {  	s21 =	simm.s32 $0xC380;
	s30 =	sld [smem:$0x7C7]  }
0xc3: {  	[tilespmem:s21], [sflag:$0x1] =	stream.indirect.gather [hbm4b:s5+s4], $0x1, s8, s4, $0xb8;
	[tilespmem:$0xC800] =	vst v63  }
0xc4: {  	s28 =	simm.s32 $0xC400;
	s8 =	sld [smem:$0x7C8]  }
0xc5: {  	[tilespmem:s28], [sflag:$0x1] =	stream.indirect.gather [hbm4b:s5+s4], $0x1, s30, s4, $0xb8;
	[tilespmem:$0xC800] =	vst v63  }
0xc6: {  	s21 =	simm.s32 $0xC480;
	s30 =	sld [smem:$0x7C9]  }
0xc7: {  	[tilespmem:s21], [sflag:$0x1] =	stream.indirect.gather [hbm4b:s5+s4], $0x1, s8, s4, $0xb8;
	[tilespmem:$0xC800] =	vst v63  }
0xc8: {  	s28 =	simm.s32 $0xC500;
	s8 =	sld [smem:$0x7CA]  }
0xc9: {  	[tilespmem:s28], [sflag:$0x1] =	stream.indirect.gather [hbm4b:s5+s4], $0x1, s30, s4, $0xb8;
	[tilespmem:$0xC800] =	vst v63  }
0xca: {  	s7 =	sld [smem:$0x7CB];
	s30 =	simm.s32 $0xC580  }
0xcb: {  	[tilespmem:s30], [sflag:$0x1] =	stream.indirect.gather [hbm4b:s5+s4], $0x1, s8, s4, $0xb8;
	[tilespmem:$0xC800] =	vst v63  }
0xcc: {  	s8 =	sld [smem:$0x7CC];
	s30 =	simm.s32 $0xC600  }
0xcd: {  	[tilespmem:s30], [sflag:$0x1] =	stream.indirect.gather [hbm4b:s5+s4], $0x1, s7, s4, $0xb8;
	[tilespmem:$0xC800] =	vst v63  }
0xce: {  	s7 =	sld [smem:$0x7CD];
	s30 =	simm.s32 $0xC680  }
0xcf: {  	[tilespmem:s30], [sflag:$0x1] =	stream.indirect.gather [hbm4b:s5+s4], $0x1, s8, s4, $0xb8;
	[tilespmem:$0xC800] =	vst v63  }
0xd0: {  	s8 =	sld [smem:$0x7CE];
	s30 =	simm.s32 $0xC700  }
0xd1: {  	[tilespmem:s30], [sflag:$0x1] =	stream.indirect.gather [hbm4b:s5+s4], $0x1, s7, s4, $0xb8;
	[tilespmem:$0xC800] =	vst v63  }
0xd2: {  	s30 =	simm.s32 $0xC780  }
0xd3: {  	[tilespmem:s30], [sflag:$0x1] =	stream.indirect.gather [hbm4b:s5+s4], $0x1, s8, s4, $0xb8;
	[tilespmem:$0xC800] =	vst v63  }
0xd4: {  	s0 =	simm.s32 $0x0;
	s7 =	rddreg [dreg:$0x6]  }
0xd5: {  	[hbm4b:s7+s0] =	stream.linear.scatter [tilespmem:s0], [sflag:$0x3], $0x8000, $0x38;
	[tilespmem:$0xC800] =	vst v63  }
0xd6: {  	_ =	swait.ge [sflag:s11], $0x8000  }
0xd7: {  	[sflag:s11] =	ssyncset.done $0x0  }
0xd8: {  	[sflag:s11] =	ssyncadd.s32 $0xFFFF8000  }
0xd9: {  	_ =	swait.ge [sflag:s31], $0x80  }
0xda: {  	[sflag:s31] =	ssyncset.done $0x0  }
0xdb: {  	[sflag:s31] =	ssyncadd.s32 $0xFFFFFF80  }
0xdc: {  	_ =	swait.ge [sflag:s31], $0x80  }
0xdd: {  	[sflag:s31] =	ssyncset.done $0x0  }
0xde: {  	[sflag:s31] =	ssyncadd.s32 $0xFFFFFF80  }
0xdf: {  	_ =	swait.ge [sflag:s31], $0x80  }
0xe0: {  	[sflag:s31] =	ssyncset.done $0x0  }
0xe1: {  	[sflag:s31] =	ssyncadd.s32 $0xFFFFFF80  }
0xe2: {  	_ =	swait.ge [sflag:s31], $0x80  }
0xe3: {  	[sflag:s31] =	ssyncset.done $0x0  }
0xe4: {  	[sflag:s31] =	ssyncadd.s32 $0xFFFFFF80  }
0xe5: {  	_ =	swait.ge [sflag:s31], $0x80  }
0xe6: {  	[sflag:s31] =	ssyncset.done $0x0  }
0xe7: {  	[sflag:s31] =	ssyncadd.s32 $0xFFFFFF80  }
0xe8: {  	_ =	swait.ge [sflag:s31], $0x80  }
0xe9: {  	[sflag:s31] =	ssyncset.done $0x0  }
0xea: {  	[sflag:s31] =	ssyncadd.s32 $0xFFFFFF80  }
0xeb: {  	_ =	swait.ge [sflag:s31], $0x80  }
0xec: {  	[sflag:s31] =	ssyncset.done $0x0  }
0xed: {  	[sflag:s31] =	ssyncadd.s32 $0xFFFFFF80  }
0xee: {  	_ =	swait.ge [sflag:s31], $0x80  }
0xef: {  	[sflag:s31] =	ssyncset.done $0x0  }
0xf0: {  	[sflag:s31] =	ssyncadd.s32 $0xFFFFFF80  }
0xf1: {  	_ =	swait.ge [sflag:s31], $0x80  }
0xf2: {  	[sflag:s31] =	ssyncset.done $0x0  }
0xf3: {  	[sflag:s31] =	ssyncadd.s32 $0xFFFFFF80  }
0xf4: {  	_ =	swait.ge [sflag:s31], $0x80  }
0xf5: {  	[sflag:s31] =	ssyncset.done $0x0  }
0xf6: {  	[sflag:s31] =	ssyncadd.s32 $0xFFFFFF80  }
0xf7: {  	_ =	swait.ge [sflag:s31], $0x80  }
0xf8: {  	[sflag:s31] =	ssyncset.done $0x0  }
0xf9: {  	[sflag:s31] =	ssyncadd.s32 $0xFFFFFF80  }
0xfa: {  	_ =	swait.ge [sflag:s31], $0x80  }
0xfb: {  	[sflag:s31] =	ssyncset.done $0x0  }
0xfc: {  	[sflag:s31] =	ssyncadd.s32 $0xFFFFFF80  }
0xfd: {  	_ =	swait.ge [sflag:s31], $0x80  }
0xfe: {  	[sflag:s31] =	ssyncset.done $0x0  }
0xff: {  	[sflag:s31] =	ssyncadd.s32 $0xFFFFFF80  }
0x100: {  	_ =	swait.ge [sflag:s31], $0x80  }
0x101: {  	[sflag:s31] =	ssyncset.done $0x0  }
0x102: {  	[sflag:s31] =	ssyncadd.s32 $0xFFFFFF80  }
0x103: {  	_ =	swait.ge [sflag:s31], $0x80  }
0x104: {  	[sflag:s31] =	ssyncset.done $0x0  }
0x105: {  	[sflag:s31] =	ssyncadd.s32 $0xFFFFFF80  }
0x106: {  	_ =	swait.ge [sflag:s31], $0x80  }
0x107: {  	[sflag:s31] =	ssyncset.done $0x0  }
0x108: {  	[sflag:s31] =	ssyncadd.s32 $0xFFFFFF80  }
0x109: {  	_ =	swait.ge [sflag:s31], $0x80  }
0x10a: {  	[sflag:s31] =	ssyncset.done $0x0  }
0x10b: {  	[sflag:s31] =	ssyncadd.s32 $0xFFFFFF80  }
0x10c: {  	_ =	swait.ge [sflag:s31], $0x80  }
0x10d: {  	[sflag:s31] =	ssyncset.done $0x0  }
0x10e: {  	[sflag:s31] =	ssyncadd.s32 $0xFFFFFF80  }
0x10f: {  	_ =	swait.ge [sflag:s31], $0x80  }
0x110: {  	[sflag:s31] =	ssyncset.done $0x0  }
0x111: {  	[sflag:s31] =	ssyncadd.s32 $0xFFFFFF80  }
0x112: {  	_ =	swait.ge [sflag:s31], $0x80  }
0x113: {  	[sflag:s31] =	ssyncset.done $0x0  }
0x114: {  	[sflag:s31] =	ssyncadd.s32 $0xFFFFFF80  }
0x115: {  	_ =	swait.ge [sflag:s31], $0x80  }
0x116: {  	[sflag:s31] =	ssyncset.done $0x0  }
0x117: {  	[sflag:s31] =	ssyncadd.s32 $0xFFFFFF80  }
0x118: {  	_ =	swait.ge [sflag:s31], $0x80  }
0x119: {  	[sflag:s31] =	ssyncset.done $0x0  }
0x11a: {  	[sflag:s31] =	ssyncadd.s32 $0xFFFFFF80  }
0x11b: {  	_ =	swait.ge [sflag:s31], $0x80  }
0x11c: {  	[sflag:s31] =	ssyncset.done $0x0  }
0x11d: {  	[sflag:s31] =	ssyncadd.s32 $0xFFFFFF80  }
0x11e: {  	_ =	swait.ge [sflag:s31], $0x80  }
0x11f: {  	[sflag:s31] =	ssyncset.done $0x0  }
0x120: {  	[sflag:s31] =	ssyncadd.s32 $0xFFFFFF80  }
0x121: {  	_ =	swait.ge [sflag:s31], $0x80  }
0x122: {  	[sflag:s31] =	ssyncset.done $0x0  }
0x123: {  	[sflag:s31] =	ssyncadd.s32 $0xFFFFFF80  }
0x124: {  	_ =	swait.ge [sflag:s31], $0x80  }
0x125: {  	[sflag:s31] =	ssyncset.done $0x0  }
0x126: {  	[sflag:s31] =	ssyncadd.s32 $0xFFFFFF80  }
0x127: {  	_ =	swait.ge [sflag:s31], $0x80  }
0x128: {  	[sflag:s31] =	ssyncset.done $0x0  }
0x129: {  	[sflag:s31] =	ssyncadd.s32 $0xFFFFFF80  }
0x12a: {  	_ =	swait.ge [sflag:s31], $0x80  }
0x12b: {  	[sflag:s31] =	ssyncset.done $0x0  }
0x12c: {  	[sflag:s31] =	ssyncadd.s32 $0xFFFFFF80  }
0x12d: {  	_ =	swait.ge [sflag:s31], $0x80  }
0x12e: {  	[sflag:s31] =	ssyncset.done $0x0  }
0x12f: {  	[sflag:s31] =	ssyncadd.s32 $0xFFFFFF80  }
0x130: {  	_ =	swait.ge [sflag:s31], $0x80  }
0x131: {  	[sflag:s31] =	ssyncset.done $0x0  }
0x132: {  	[sflag:s31] =	ssyncadd.s32 $0xFFFFFF80  }
0x133: {  	_ =	swait.ge [sflag:s31], $0x80  }
0x134: {  	[sflag:s31] =	ssyncset.done $0x0  }
0x135: {  	[sflag:s31] =	ssyncadd.s32 $0xFFFFFF80  }
0x136: {  	_ =	swait.ge [sflag:s31], $0x80  }
0x137: {  	[sflag:s31] =	ssyncset.done $0x0  }
0x138: {  	[sflag:s31] =	ssyncadd.s32 $0xFFFFFF80  }
0x139: {  	_ =	swait.ge [sflag:s31], $0x80  }
0x13a: {  	[sflag:s31] =	ssyncset.done $0x0  }
0x13b: {  	[sflag:s31] =	ssyncadd.s32 $0xFFFFFF80  }
0x13c: {  	_ =	swait.ge [sflag:s31], $0x80  }
0x13d: {  	[sflag:s31] =	ssyncset.done $0x0  }
0x13e: {  	[sflag:s31] =	ssyncadd.s32 $0xFFFFFF80  }
0x13f: {  	_ =	swait.ge [sflag:s31], $0x80  }
0x140: {  	[sflag:s31] =	ssyncset.done $0x0  }
0x141: {  	[sflag:s31] =	ssyncadd.s32 $0xFFFFFF80  }
0x142: {  	_ =	swait.ge [sflag:s31], $0x80  }
0x143: {  	[sflag:s31] =	ssyncset.done $0x0  }
0x144: {  	[sflag:s31] =	ssyncadd.s32 $0xFFFFFF80  }
0x145: {  	_ =	swait.ge [sflag:s31], $0x80  }
0x146: {  	[sflag:s31] =	ssyncset.done $0x0  }
0x147: {  	[sflag:s31] =	ssyncadd.s32 $0xFFFFFF80  }
0x148: {  	_ =	swait.ge [sflag:s31], $0x80  }
0x149: {  	[sflag:s31] =	ssyncset.done $0x0  }
0x14a: {  	[sflag:s31] =	ssyncadd.s32 $0xFFFFFF80  }
0x14b: {  	_ =	swait.ge [sflag:s31], $0x80  }
0x14c: {  	[sflag:s31] =	ssyncset.done $0x0  }
0x14d: {  	[sflag:s31] =	ssyncadd.s32 $0xFFFFFF80  }
0x14e: {  	_ =	swait.ge [sflag:s31], $0x80  }
0x14f: {  	[sflag:s31] =	ssyncset.done $0x0  }
0x150: {  	[sflag:s31] =	ssyncadd.s32 $0xFFFFFF80  }
0x151: {  	_ =	swait.ge [sflag:s31], $0x80  }
0x152: {  	[sflag:s31] =	ssyncset.done $0x0  }
0x153: {  	[sflag:s31] =	ssyncadd.s32 $0xFFFFFF80  }
0x154: {  	_ =	swait.ge [sflag:s31], $0x80  }
0x155: {  	[sflag:s31] =	ssyncset.done $0x0  }
0x156: {  	[sflag:s31] =	ssyncadd.s32 $0xFFFFFF80  }
0x157: {  	_ =	swait.ge [sflag:s31], $0x80  }
0x158: {  	[sflag:s31] =	ssyncset.done $0x0  }
0x159: {  	[sflag:s31] =	ssyncadd.s32 $0xFFFFFF80  }
0x15a: {  	_ =	swait.ge [sflag:s31], $0x80  }
0x15b: {  	[sflag:s31] =	ssyncset.done $0x0  }
0x15c: {  	[sflag:s31] =	ssyncadd.s32 $0xFFFFFF80  }
0x15d: {  	_ =	swait.ge [sflag:s31], $0x80  }
0x15e: {  	[sflag:s31] =	ssyncset.done $0x0  }
0x15f: {  	[sflag:s31] =	ssyncadd.s32 $0xFFFFFF80  }
0x160: {  	_ =	swait.ge [sflag:s31], $0x80  }
0x161: {  	[sflag:s31] =	ssyncset.done $0x0  }
0x162: {  	[sflag:s31] =	ssyncadd.s32 $0xFFFFFF80  }
0x163: {  	_ =	swait.ge [sflag:s31], $0x80  }
0x164: {  	[sflag:s31] =	ssyncset.done $0x0  }
0x165: {  	[sflag:s31] =	ssyncadd.s32 $0xFFFFFF80  }
0x166: {  	_ =	swait.ge [sflag:s31], $0x80  }
0x167: {  	s8 =	simm.s32 $0xB000;
	[sflag:s31] =	ssyncset.done $0x0  }
0x168: {  	s0 =	simm.s32 $0x9800;
	s7 =	sld [smem:$0x7CF];
	[sflag:s31] =	ssyncadd.s32 $0xFFFFFF80  }
0x169: {  	[hbm4b:s2+s4] =	stream.indirect.scatter [tilespmem:s8], [sflag:$0x2], $0x1, s0, s4, $0xb8;
	[tilespmem:$0xC800] =	vst v63  }
0x16a: {  	s8 =	sld [smem:$0x7D0];
	s0 =	simm.s32 $0xB080  }
0x16b: {  	[hbm4b:s2+s4] =	stream.indirect.scatter [tilespmem:s0], [sflag:$0x2], $0x1, s7, s4, $0xb8;
	[tilespmem:$0xC800] =	vst v63  }
0x16c: {  	s0 =	sld [smem:$0x7D1]  }
0x16d: {  	[hbm4b:s2+s4] =	stream.indirect.scatter [tilespmem:s9], [sflag:$0x2], $0x1, s8, s4, $0xb8;
	[tilespmem:$0xC800] =	vst v63  }
0x16e: {  	s8 =	sld [smem:$0x7D2];
	s9 =	simm.s32 $0xB180  }
0x16f: {  	[hbm4b:s2+s4] =	stream.indirect.scatter [tilespmem:s9], [sflag:$0x2], $0x1, s0, s4, $0xb8;
	[tilespmem:$0xC800] =	vst v63  }
0x170: {  	s9 =	sld [smem:$0x7D3]  }
0x171: {  	[hbm4b:s2+s4] =	stream.indirect.scatter [tilespmem:s12], [sflag:$0x2], $0x1, s8, s4, $0xb8;
	[tilespmem:$0xC800] =	vst v63  }
0x172: {  	s0 =	sld [smem:$0x7D4]  }
0x173: {  	[hbm4b:s2+s4] =	stream.indirect.scatter [tilespmem:s14], [sflag:$0x2], $0x1, s9, s4, $0xb8;
	[tilespmem:$0xC800] =	vst v63  }
0x174: {  	s9 =	sld [smem:$0x7D5]  }
0x175: {  	[hbm4b:s2+s4] =	stream.indirect.scatter [tilespmem:s16], [sflag:$0x2], $0x1, s0, s4, $0xb8;
	[tilespmem:$0xC800] =	vst v63  }
0x176: {  	s12 =	sld [smem:$0x7D6]  }
0x177: {  	[hbm4b:s2+s4] =	stream.indirect.scatter [tilespmem:s18], [sflag:$0x2], $0x1, s9, s4, $0xb8;
	[tilespmem:$0xC800] =	vst v63  }
0x178: {  	s14 =	sld [smem:$0x7D7]  }
0x179: {  	[hbm4b:s2+s4] =	stream.indirect.scatter [tilespmem:s20], [sflag:$0x2], $0x1, s12, s4, $0xb8;
	[tilespmem:$0xC800] =	vst v63  }
0x17a: {  	s16 =	sld [smem:$0x7D8]  }
0x17b: {  	[hbm4b:s2+s4] =	stream.indirect.scatter [tilespmem:s23], [sflag:$0x2], $0x1, s14, s4, $0xb8;
	[tilespmem:$0xC800] =	vst v63  }
0x17c: {  	s18 =	sld [smem:$0x7D9]  }
0x17d: {  	[hbm4b:s2+s4] =	stream.indirect.scatter [tilespmem:s25], [sflag:$0x2], $0x1, s16, s4, $0xb8;
	[tilespmem:$0xC800] =	vst v63  }
0x17e: {  	s20 =	sld [smem:$0x7DA];
	s23 =	simm.s32 $0xB580  }
0x17f: {  	[hbm4b:s2+s4] =	stream.indirect.scatter [tilespmem:s23], [sflag:$0x2], $0x1, s18, s4, $0xb8;
	[tilespmem:$0xC800] =	vst v63  }
0x180: {  	s9 =	simm.s32 $0xB600;
	s25 =	sld [smem:$0x7DB]  }
0x181: {  	[hbm4b:s2+s4] =	stream.indirect.scatter [tilespmem:s9], [sflag:$0x2], $0x1, s20, s4, $0xb8;
	[tilespmem:$0xC800] =	vst v63  }
0x182: {  	s12 =	sld [smem:$0x7DC]  }
0x183: {  	[hbm4b:s2+s4] =	stream.indirect.scatter [tilespmem:s6], [sflag:$0x2], $0x1, s25, s4, $0xb8;
	[tilespmem:$0xC800] =	vst v63  }
0x184: {  	s14 =	sld [smem:$0x7DD];
	s16 =	simm.s32 $0xB700  }
0x185: {  	[hbm4b:s2+s4] =	stream.indirect.scatter [tilespmem:s16], [sflag:$0x2], $0x1, s12, s4, $0xb8;
	[tilespmem:$0xC800] =	vst v63  }
0x186: {  	s18 =	sld [smem:$0x7DE];
	s20 =	simm.s32 $0xB780  }
0x187: {  	[hbm4b:s2+s4] =	stream.indirect.scatter [tilespmem:s20], [sflag:$0x2], $0x1, s14, s4, $0xb8;
	[tilespmem:$0xC800] =	vst v63  }
0x188: {  	s23 =	sld [smem:$0x7DF];
	s25 =	simm.s32 $0xB800  }
0x189: {  	[hbm4b:s2+s4] =	stream.indirect.scatter [tilespmem:s25], [sflag:$0x2], $0x1, s18, s4, $0xb8;
	[tilespmem:$0xC800] =	vst v63  }
0x18a: {  	s9 =	simm.s32 $0xB880;
	s6 =	sld [smem:$0x7E0]  }
0x18b: {  	[hbm4b:s2+s4] =	stream.indirect.scatter [tilespmem:s9], [sflag:$0x2], $0x1, s23, s4, $0xb8;
	[tilespmem:$0xC800] =	vst v63  }
0x18c: {  	s12 =	sld [smem:$0x7E1];
	s14 =	simm.s32 $0xB900  }
0x18d: {  	[hbm4b:s2+s4] =	stream.indirect.scatter [tilespmem:s14], [sflag:$0x2], $0x1, s6, s4, $0xb8;
	[tilespmem:$0xC800] =	vst v63  }
0x18e: {  	s16 =	sld [smem:$0x7E2];
	s18 =	simm.s32 $0xB980  }
0x18f: {  	[hbm4b:s2+s4] =	stream.indirect.scatter [tilespmem:s18], [sflag:$0x2], $0x1, s12, s4, $0xb8;
	[tilespmem:$0xC800] =	vst v63  }
0x190: {  	s20 =	sld [smem:$0x7E3]  }
0x191: {  	[hbm4b:s2+s4] =	stream.indirect.scatter [tilespmem:s26], [sflag:$0x2], $0x1, s16, s4, $0xb8;
	[tilespmem:$0xC800] =	vst v63  }
0x192: {  	s23 =	sld [smem:$0x7E4]  }
0x193: {  	[hbm4b:s2+s4] =	stream.indirect.scatter [tilespmem:s24], [sflag:$0x2], $0x1, s20, s4, $0xb8;
	[tilespmem:$0xC800] =	vst v63  }
0x194: {  	s24 =	sld [smem:$0x7E5]  }
0x195: {  	[hbm4b:s2+s4] =	stream.indirect.scatter [tilespmem:s22], [sflag:$0x2], $0x1, s23, s4, $0xb8;
	[tilespmem:$0xC800] =	vst v63  }
0x196: {  	s25 =	sld [smem:$0x7E6]  }
0x197: {  	[hbm4b:s2+s4] =	stream.indirect.scatter [tilespmem:s19], [sflag:$0x2], $0x1, s24, s4, $0xb8;
	[tilespmem:$0xC800] =	vst v63  }
0x198: {  	s26 =	sld [smem:$0x7E7]  }
0x199: {  	[hbm4b:s2+s4] =	stream.indirect.scatter [tilespmem:s17], [sflag:$0x2], $0x1, s25, s4, $0xb8;
	[tilespmem:$0xC800] =	vst v63  }
0x19a: {  	s0 =	sld [smem:$0x7E8]  }
0x19b: {  	[hbm4b:s2+s4] =	stream.indirect.scatter [tilespmem:s15], [sflag:$0x2], $0x1, s26, s4, $0xb8;
	[tilespmem:$0xC800] =	vst v63  }
0x19c: {  	s6 =	sld [smem:$0x7E9]  }
0x19d: {  	[hbm4b:s2+s4] =	stream.indirect.scatter [tilespmem:s13], [sflag:$0x2], $0x1, s0, s4, $0xb8;
	[tilespmem:$0xC800] =	vst v63  }
0x19e: {  	s9 =	sld [smem:$0x7EA]  }
0x19f: {  	[hbm4b:s2+s4] =	stream.indirect.scatter [tilespmem:s10], [sflag:$0x2], $0x1, s6, s4, $0xb8;
	[tilespmem:$0xC800] =	vst v63  }
0x1a0: {  	s10 =	sld [smem:$0x7EB]  }
0x1a1: {  	[hbm4b:s2+s4] =	stream.indirect.scatter [tilespmem:s29], [sflag:$0x2], $0x1, s9, s4, $0xb8;
	[tilespmem:$0xC800] =	vst v63  }
0x1a2: {  	s12 =	sld [smem:$0x7EC];
	s13 =	simm.s32 $0xBE80  }
0x1a3: {  	[hbm4b:s2+s4] =	stream.indirect.scatter [tilespmem:s13], [sflag:$0x2], $0x1, s10, s4, $0xb8;
	[tilespmem:$0xC800] =	vst v63  }
0x1a4: {  	s14 =	sld [smem:$0x7ED];
	s15 =	simm.s32 $0xBF00  }
0x1a5: {  	[hbm4b:s2+s4] =	stream.indirect.scatter [tilespmem:s15], [sflag:$0x2], $0x1, s12, s4, $0xb8;
	[tilespmem:$0xC800] =	vst v63  }
0x1a6: {  	s16 =	sld [smem:$0x7EE];
	s17 =	simm.s32 $0xBF80  }
0x1a7: {  	[hbm4b:s2+s4] =	stream.indirect.scatter [tilespmem:s17], [sflag:$0x2], $0x1, s14, s4, $0xb8;
	[tilespmem:$0xC800] =	vst v63  }
0x1a8: {  	s18 =	sld [smem:$0x7EF];
	s19 =	simm.s32 $0xC000  }
0x1a9: {  	[hbm4b:s2+s4] =	stream.indirect.scatter [tilespmem:s19], [sflag:$0x2], $0x1, s16, s4, $0xb8;
	[tilespmem:$0xC800] =	vst v63  }
0x1aa: {  	s20 =	sld [smem:$0x7F0];
	s22 =	simm.s32 $0xC080  }
0x1ab: {  	[hbm4b:s2+s4] =	stream.indirect.scatter [tilespmem:s22], [sflag:$0x2], $0x1, s18, s4, $0xb8;
	[tilespmem:$0xC800] =	vst v63  }
0x1ac: {  	s23 =	sld [smem:$0x7F1];
	s24 =	simm.s32 $0xC100  }
0x1ad: {  	[hbm4b:s2+s4] =	stream.indirect.scatter [tilespmem:s24], [sflag:$0x2], $0x1, s20, s4, $0xb8;
	[tilespmem:$0xC800] =	vst v63  }
0x1ae: {  	s25 =	sld [smem:$0x7F2];
	s26 =	simm.s32 $0xC180  }
0x1af: {  	[hbm4b:s2+s4] =	stream.indirect.scatter [tilespmem:s26], [sflag:$0x2], $0x1, s23, s4, $0xb8;
	[tilespmem:$0xC800] =	vst v63  }
0x1b0: {  	s6 =	simm.s32 $0xC200;
	s29 =	sld [smem:$0x7F3]  }
0x1b1: {  	[hbm4b:s2+s4] =	stream.indirect.scatter [tilespmem:s6], [sflag:$0x2], $0x1, s25, s4, $0xb8;
	[tilespmem:$0xC800] =	vst v63  }
0x1b2: {  	s9 =	sld [smem:$0x7F4];
	s10 =	simm.s32 $0xC280  }
0x1b3: {  	[hbm4b:s2+s4] =	stream.indirect.scatter [tilespmem:s10], [sflag:$0x2], $0x1, s29, s4, $0xb8;
	[tilespmem:$0xC800] =	vst v63  }
0x1b4: {  	s13 =	simm.s32 $0xC300;
	s12 =	sld [smem:$0x7F5]  }
0x1b5: {  	[hbm4b:s2+s4] =	stream.indirect.scatter [tilespmem:s13], [sflag:$0x2], $0x1, s9, s4, $0xb8;
	[tilespmem:$0xC800] =	vst v63  }
0x1b6: {  	s15 =	simm.s32 $0xC380;
	s14 =	sld [smem:$0x7F6]  }
0x1b7: {  	[hbm4b:s2+s4] =	stream.indirect.scatter [tilespmem:s15], [sflag:$0x2], $0x1, s12, s4, $0xb8;
	[tilespmem:$0xC800] =	vst v63  }
0x1b8: {  	s17 =	simm.s32 $0xC400;
	s16 =	sld [smem:$0x7F7]  }
0x1b9: {  	[hbm4b:s2+s4] =	stream.indirect.scatter [tilespmem:s17], [sflag:$0x2], $0x1, s14, s4, $0xb8;
	[tilespmem:$0xC800] =	vst v63  }
0x1ba: {  	s19 =	simm.s32 $0xC480;
	s18 =	sld [smem:$0x7F8]  }
0x1bb: {  	[hbm4b:s2+s4] =	stream.indirect.scatter [tilespmem:s19], [sflag:$0x2], $0x1, s16, s4, $0xb8;
	[tilespmem:$0xC800] =	vst v63  }
0x1bc: {  	s21 =	simm.s32 $0xC500;
	s20 =	sld [smem:$0x7F9]  }
0x1bd: {  	[hbm4b:s2+s4] =	stream.indirect.scatter [tilespmem:s21], [sflag:$0x2], $0x1, s18, s4, $0xb8;
	[tilespmem:$0xC800] =	vst v63  }
0x1be: {  	s28 =	simm.s32 $0xC580;
	s22 =	sld [smem:$0x7FA]  }
0x1bf: {  	[hbm4b:s2+s4] =	stream.indirect.scatter [tilespmem:s28], [sflag:$0x2], $0x1, s20, s4, $0xb8;
	[tilespmem:$0xC800] =	vst v63  }
0x1c0: {  	s24 =	simm.s32 $0xC600;
	s23 =	sld [smem:$0x7FB]  }
0x1c1: {  	[hbm4b:s2+s4] =	stream.indirect.scatter [tilespmem:s24], [sflag:$0x2], $0x1, s22, s4, $0xb8;
	[tilespmem:$0xC800] =	vst v63  }
0x1c2: {  	s26 =	simm.s32 $0xC680;
	s25 =	sld [smem:$0x7FC]  }
0x1c3: {  	[hbm4b:s2+s4] =	stream.indirect.scatter [tilespmem:s26], [sflag:$0x2], $0x1, s23, s4, $0xb8;
	[tilespmem:$0xC800] =	vst v63  }
0x1c4: {  	s29 =	simm.s32 $0xC700;
	s28 =	sld [smem:$0x7FD]  }
0x1c5: {  	[hbm4b:s2+s4] =	stream.indirect.scatter [tilespmem:s29], [sflag:$0x2], $0x1, s25, s4, $0xb8;
	[tilespmem:$0xC800] =	vst v63  }
0x1c6: {  	_ = 	snop  }
0x1c7: {  	[hbm4b:s2+s4] =	stream.indirect.scatter [tilespmem:s30], [sflag:$0x2], $0x1, s28, s4, $0xb8;
	[tilespmem:$0xC800] =	vst v63  }
0x1c8: {  	_ =	swait.ge [sflag:s3], $0x80  }
0x1c9: {  	[sflag:s3] =	ssyncset.done $0x0  }
0x1ca: {  	[sflag:s3] =	ssyncadd.s32 $0xFFFFFF80  }
0x1cb: {  	_ =	swait.ge [sflag:s3], $0x80  }
0x1cc: {  	[sflag:s3] =	ssyncset.done $0x0  }
0x1cd: {  	[sflag:s3] =	ssyncadd.s32 $0xFFFFFF80  }
0x1ce: {  	_ =	swait.ge [sflag:s3], $0x80  }
0x1cf: {  	[sflag:s3] =	ssyncset.done $0x0  }
0x1d0: {  	[sflag:s3] =	ssyncadd.s32 $0xFFFFFF80  }
0x1d1: {  	_ =	swait.ge [sflag:s3], $0x80  }
0x1d2: {  	[sflag:s3] =	ssyncset.done $0x0  }
0x1d3: {  	[sflag:s3] =	ssyncadd.s32 $0xFFFFFF80  }
0x1d4: {  	_ =	swait.ge [sflag:s3], $0x80  }
0x1d5: {  	[sflag:s3] =	ssyncset.done $0x0  }
0x1d6: {  	[sflag:s3] =	ssyncadd.s32 $0xFFFFFF80  }
0x1d7: {  	_ =	swait.ge [sflag:s3], $0x80  }
0x1d8: {  	[sflag:s3] =	ssyncset.done $0x0  }
0x1d9: {  	[sflag:s3] =	ssyncadd.s32 $0xFFFFFF80  }
0x1da: {  	_ =	swait.ge [sflag:s3], $0x80  }
0x1db: {  	[sflag:s3] =	ssyncset.done $0x0  }
0x1dc: {  	[sflag:s3] =	ssyncadd.s32 $0xFFFFFF80  }
0x1dd: {  	_ =	swait.ge [sflag:s3], $0x80  }
0x1de: {  	[sflag:s3] =	ssyncset.done $0x0  }
0x1df: {  	[sflag:s3] =	ssyncadd.s32 $0xFFFFFF80  }
0x1e0: {  	_ =	swait.ge [sflag:s3], $0x80  }
0x1e1: {  	[sflag:s3] =	ssyncset.done $0x0  }
0x1e2: {  	[sflag:s3] =	ssyncadd.s32 $0xFFFFFF80  }
0x1e3: {  	_ =	swait.ge [sflag:s3], $0x80  }
0x1e4: {  	[sflag:s3] =	ssyncset.done $0x0  }
0x1e5: {  	[sflag:s3] =	ssyncadd.s32 $0xFFFFFF80  }
0x1e6: {  	_ =	swait.ge [sflag:s3], $0x80  }
0x1e7: {  	[sflag:s3] =	ssyncset.done $0x0  }
0x1e8: {  	[sflag:s3] =	ssyncadd.s32 $0xFFFFFF80  }
0x1e9: {  	_ =	swait.ge [sflag:s3], $0x80  }
0x1ea: {  	[sflag:s3] =	ssyncset.done $0x0  }
0x1eb: {  	[sflag:s3] =	ssyncadd.s32 $0xFFFFFF80  }
0x1ec: {  	_ =	swait.ge [sflag:s3], $0x80  }
0x1ed: {  	[sflag:s3] =	ssyncset.done $0x0  }
0x1ee: {  	[sflag:s3] =	ssyncadd.s32 $0xFFFFFF80  }
0x1ef: {  	_ =	swait.ge [sflag:s3], $0x80  }
0x1f0: {  	[sflag:s3] =	ssyncset.done $0x0  }
0x1f1: {  	[sflag:s3] =	ssyncadd.s32 $0xFFFFFF80  }
0x1f2: {  	_ =	swait.ge [sflag:s3], $0x80  }
0x1f3: {  	[sflag:s3] =	ssyncset.done $0x0  }
0x1f4: {  	[sflag:s3] =	ssyncadd.s32 $0xFFFFFF80  }
0x1f5: {  	_ =	swait.ge [sflag:s3], $0x80  }
0x1f6: {  	[sflag:s3] =	ssyncset.done $0x0  }
0x1f7: {  	[sflag:s3] =	ssyncadd.s32 $0xFFFFFF80  }
0x1f8: {  	_ =	swait.ge [sflag:s3], $0x80  }
0x1f9: {  	[sflag:s3] =	ssyncset.done $0x0  }
0x1fa: {  	[sflag:s3] =	ssyncadd.s32 $0xFFFFFF80  }
0x1fb: {  	_ =	swait.ge [sflag:s3], $0x80  }
0x1fc: {  	[sflag:s3] =	ssyncset.done $0x0  }
0x1fd: {  	[sflag:s3] =	ssyncadd.s32 $0xFFFFFF80  }
0x1fe: {  	_ =	swait.ge [sflag:s3], $0x80  }
0x1ff: {  	[sflag:s3] =	ssyncset.done $0x0  }
0x200: {  	[sflag:s3] =	ssyncadd.s32 $0xFFFFFF80  }
0x201: {  	_ =	swait.ge [sflag:s3], $0x80  }
0x202: {  	[sflag:s3] =	ssyncset.done $0x0  }
0x203: {  	[sflag:s3] =	ssyncadd.s32 $0xFFFFFF80  }
0x204: {  	_ =	swait.ge [sflag:s3], $0x80  }
0x205: {  	[sflag:s3] =	ssyncset.done $0x0  }
0x206: {  	[sflag:s3] =	ssyncadd.s32 $0xFFFFFF80  }
0x207: {  	_ =	swait.ge [sflag:s3], $0x80  }
0x208: {  	[sflag:s3] =	ssyncset.done $0x0  }
0x209: {  	[sflag:s3] =	ssyncadd.s32 $0xFFFFFF80  }
0x20a: {  	_ =	swait.ge [sflag:s3], $0x80  }
0x20b: {  	[sflag:s3] =	ssyncset.done $0x0  }
0x20c: {  	[sflag:s3] =	ssyncadd.s32 $0xFFFFFF80  }
0x20d: {  	_ =	swait.ge [sflag:s3], $0x80  }
0x20e: {  	[sflag:s3] =	ssyncset.done $0x0  }
0x20f: {  	[sflag:s3] =	ssyncadd.s32 $0xFFFFFF80  }
0x210: {  	_ =	swait.ge [sflag:s3], $0x80  }
0x211: {  	[sflag:s3] =	ssyncset.done $0x0  }
0x212: {  	[sflag:s3] =	ssyncadd.s32 $0xFFFFFF80  }
0x213: {  	_ =	swait.ge [sflag:s3], $0x80  }
0x214: {  	[sflag:s3] =	ssyncset.done $0x0  }
0x215: {  	[sflag:s3] =	ssyncadd.s32 $0xFFFFFF80  }
0x216: {  	_ =	swait.ge [sflag:s3], $0x80  }
0x217: {  	[sflag:s3] =	ssyncset.done $0x0  }
0x218: {  	[sflag:s3] =	ssyncadd.s32 $0xFFFFFF80  }
0x219: {  	_ =	swait.ge [sflag:s3], $0x80  }
0x21a: {  	[sflag:s3] =	ssyncset.done $0x0  }
0x21b: {  	[sflag:s3] =	ssyncadd.s32 $0xFFFFFF80  }
0x21c: {  	_ =	swait.ge [sflag:s3], $0x80  }
0x21d: {  	[sflag:s3] =	ssyncset.done $0x0  }
0x21e: {  	[sflag:s3] =	ssyncadd.s32 $0xFFFFFF80  }
0x21f: {  	_ =	swait.ge [sflag:s3], $0x80  }
0x220: {  	[sflag:s3] =	ssyncset.done $0x0  }
0x221: {  	[sflag:s3] =	ssyncadd.s32 $0xFFFFFF80  }
0x222: {  	_ =	swait.ge [sflag:s3], $0x80  }
0x223: {  	[sflag:s3] =	ssyncset.done $0x0  }
0x224: {  	[sflag:s3] =	ssyncadd.s32 $0xFFFFFF80  }
0x225: {  	_ =	swait.ge [sflag:s3], $0x80  }
0x226: {  	[sflag:s3] =	ssyncset.done $0x0  }
0x227: {  	[sflag:s3] =	ssyncadd.s32 $0xFFFFFF80  }
0x228: {  	_ =	swait.ge [sflag:s3], $0x80  }
0x229: {  	[sflag:s3] =	ssyncset.done $0x0  }
0x22a: {  	[sflag:s3] =	ssyncadd.s32 $0xFFFFFF80  }
0x22b: {  	_ =	swait.ge [sflag:s3], $0x80  }
0x22c: {  	[sflag:s3] =	ssyncset.done $0x0  }
0x22d: {  	[sflag:s3] =	ssyncadd.s32 $0xFFFFFF80  }
0x22e: {  	_ =	swait.ge [sflag:s3], $0x80  }
0x22f: {  	[sflag:s3] =	ssyncset.done $0x0  }
0x230: {  	[sflag:s3] =	ssyncadd.s32 $0xFFFFFF80  }
0x231: {  	_ =	swait.ge [sflag:s3], $0x80  }
0x232: {  	[sflag:s3] =	ssyncset.done $0x0  }
0x233: {  	[sflag:s3] =	ssyncadd.s32 $0xFFFFFF80  }
0x234: {  	_ =	swait.ge [sflag:s3], $0x80  }
0x235: {  	[sflag:s3] =	ssyncset.done $0x0  }
0x236: {  	[sflag:s3] =	ssyncadd.s32 $0xFFFFFF80  }
0x237: {  	_ =	swait.ge [sflag:s3], $0x80  }
0x238: {  	[sflag:s3] =	ssyncset.done $0x0  }
0x239: {  	[sflag:s3] =	ssyncadd.s32 $0xFFFFFF80  }
0x23a: {  	_ =	swait.ge [sflag:s3], $0x80  }
0x23b: {  	[sflag:s3] =	ssyncset.done $0x0  }
0x23c: {  	[sflag:s3] =	ssyncadd.s32 $0xFFFFFF80  }
0x23d: {  	_ =	swait.ge [sflag:s3], $0x80  }
0x23e: {  	[sflag:s3] =	ssyncset.done $0x0  }
0x23f: {  	[sflag:s3] =	ssyncadd.s32 $0xFFFFFF80  }
0x240: {  	_ =	swait.ge [sflag:s3], $0x80  }
0x241: {  	[sflag:s3] =	ssyncset.done $0x0  }
0x242: {  	[sflag:s3] =	ssyncadd.s32 $0xFFFFFF80  }
0x243: {  	_ =	swait.ge [sflag:s3], $0x80  }
0x244: {  	[sflag:s3] =	ssyncset.done $0x0  }
0x245: {  	[sflag:s3] =	ssyncadd.s32 $0xFFFFFF80  }
0x246: {  	_ =	swait.ge [sflag:s3], $0x80  }
0x247: {  	[sflag:s3] =	ssyncset.done $0x0  }
0x248: {  	[sflag:s3] =	ssyncadd.s32 $0xFFFFFF80  }
0x249: {  	_ =	swait.ge [sflag:s3], $0x80  }
0x24a: {  	[sflag:s3] =	ssyncset.done $0x0  }
0x24b: {  	[sflag:s3] =	ssyncadd.s32 $0xFFFFFF80  }
0x24c: {  	_ =	swait.ge [sflag:s3], $0x80  }
0x24d: {  	[sflag:s3] =	ssyncset.done $0x0  }
0x24e: {  	[sflag:s3] =	ssyncadd.s32 $0xFFFFFF80  }
0x24f: {  	_ =	swait.ge [sflag:s3], $0x80  }
0x250: {  	[sflag:s3] =	ssyncset.done $0x0  }
0x251: {  	p1 =	sne.s32 s1, $0x1;
	[sflag:s3] =	ssyncadd.s32 $0xFFFFFF80  }
.Ltmp1:
0x252: {  	_ =	swait.ge [sflag:s3], $0x80;
	(pc) =	sbr.rel @!p1 .LBB2_6-.Ltmp1, $4  }
0x253: {  	[sflag:s3] =	ssyncset.done $0x0  }
0x254: {  	[sflag:s3] =	ssyncadd.s32 $0xFFFFFF80  }
0x255: {  	p0 =	por $0x1, $0x1;
	_ =	swait.ge [sflag:s3], $0x80  }
0x256: {  	s7 =	sadd.s32 $0xFFFFFFFF, s1;
	s8 =	rddreg [dreg:$0x3];
	[sflag:s3] =	ssyncset.done $0x0  }
0x257: {  	s13 =	simm.s32 $0x9800;
	s12 =	simm.s32 $0xB000  }
0x258: {  	s10 =	simm.s32 $0xB080;
	s1 =	simm.s32 $0xB100;
	s6 =	simm.s32 $0xB180  }
0x259: {  	s14 =	simm.s32 $0xB200;
	s15 =	simm.s32 $0xB280;
	s16 =	simm.s32 $0xB300  }
0x25a: {  	s17 =	simm.s32 $0xB380;
	s18 =	simm.s32 $0xB400;
	s19 =	simm.s32 $0xB480  }
0x25b: {  	s24 =	simm.s32 $0xBF00;
	s22 =	simm.s32 $0xC080;
	s23 =	simm.s32 $0xC100  }
0x25c: {  	s25 =	simm.s32 $0xC180;
	s26 =	simm.s32 $0xC200;
	s28 =	simm.s32 $0xC280  }
0x25d: {  	s30 =	simm.s32 $0xC380;
	s21 =	simm.s32 $0xC400;
	s29 =	simm.s32 $0xC480  }
.LBB2_3:
0x25e: {  	[sflag:s3] =	ssyncadd.s32 $0xFFFFFF80;
	s9 =	simm.s32 $0x8000;
	s0 =	simm.s32 $0x0  }
0x25f: {  	[tilespmem:s9], [sflag:$0x3] =	stream.linear.gather [hbm4b:s8+s0], $0x1800, $0x38;
	[tilespmem:$0xC800] =	vst v63  }
0x260: {  	_ =	swait.ge [sflag:s11], $0x1800  }
0x261: {  	[sflag:s11] =	ssyncset.done $0x0  }
0x262: {  	s20 =	rddreg [dreg:$0x4];
	[sflag:s11] =	ssyncadd.s32 $0xFFFFE800  }
0x263: {  	[tilespmem:s0], [sflag:$0x3] =	stream.linear.gather [hbm4b:s20+s0], $0x8000, $0x38;
	[tilespmem:$0xC800] =	vst v63  }
0x264: {  	_ =	swait.ge [sflag:s11], $0x8000  }
0x265: {  	[sflag:s11] =	ssyncset.done $0x0  }
0x266: {  	s20 =	rddreg [dreg:$0x5];
	[sflag:s11] =	ssyncadd.s32 $0xFFFF8000  }
0x267: {  	[tilespmem:s13], [sflag:$0x3] =	stream.linear.gather [hbm4b:s20+s0], $0x1800, $0x38;
	[tilespmem:$0xC800] =	vst v63  }
0x268: {  	_ =	swait.ge [sflag:s11], $0x1800  }
0x269: {  	[sflag:s11] =	ssyncset.done $0x0  }
0x26a: {  	s20 =	rddreg [dreg:$0x7];
	[sflag:s11] =	ssyncadd.s32 $0xFFFFE800  }
0x26b: {  	[tilespmem:s12], [sflag:$0x1] =	stream.indirect.gather [hbm4b:s5+s4], $0x1, s9, s4, $0xb8;
	[tilespmem:$0xC800] =	vst v63  }
0x26c: {  	s8 =	rddreg [dreg:$0x11]  }
0x26d: {  	[tilespmem:s10], [sflag:$0x1] =	stream.indirect.gather [hbm4b:s5+s4], $0x1, s20, s4, $0xb8;
	[tilespmem:$0xC800] =	vst v63  }
0x26e: {  	s9 =	rddreg [dreg:$0x8]  }
0x26f: {  	[tilespmem:s1], [sflag:$0x1] =	stream.indirect.gather [hbm4b:s5+s4], $0x1, s9, s4, $0xb8;
	[tilespmem:$0xC800] =	vst v63  }
0x270: {  	s20 =	rddreg [dreg:$0x9]  }
0x271: {  	[tilespmem:s6], [sflag:$0x1] =	stream.indirect.gather [hbm4b:s5+s4], $0x1, s20, s4, $0xb8;
	[tilespmem:$0xC800] =	vst v63  }
0x272: {  	s9 =	rddreg [dreg:$0xa]  }
0x273: {  	[tilespmem:s14], [sflag:$0x1] =	stream.indirect.gather [hbm4b:s5+s4], $0x1, s9, s4, $0xb8;
	[tilespmem:$0xC800] =	vst v63  }
0x274: {  	s20 =	rddreg [dreg:$0xb]  }
0x275: {  	[tilespmem:s15], [sflag:$0x1] =	stream.indirect.gather [hbm4b:s5+s4], $0x1, s20, s4, $0xb8;
	[tilespmem:$0xC800] =	vst v63  }
0x276: {  	s9 =	rddreg [dreg:$0xc]  }
0x277: {  	[tilespmem:s16], [sflag:$0x1] =	stream.indirect.gather [hbm4b:s5+s4], $0x1, s9, s4, $0xb8;
	[tilespmem:$0xC800] =	vst v63  }
0x278: {  	s20 =	rddreg [dreg:$0xd]  }
0x279: {  	[tilespmem:s17], [sflag:$0x1] =	stream.indirect.gather [hbm4b:s5+s4], $0x1, s20, s4, $0xb8;
	[tilespmem:$0xC800] =	vst v63  }
0x27a: {  	s9 =	rddreg [dreg:$0xe]  }
0x27b: {  	[tilespmem:s18], [sflag:$0x1] =	stream.indirect.gather [hbm4b:s5+s4], $0x1, s9, s4, $0xb8;
	[tilespmem:$0xC800] =	vst v63  }
0x27c: {  	s20 =	rddreg [dreg:$0xf]  }
0x27d: {  	[tilespmem:s19], [sflag:$0x1] =	stream.indirect.gather [hbm4b:s5+s4], $0x1, s20, s4, $0xb8;
	[tilespmem:$0xC800] =	vst v63  }
0x27e: {  	s9 =	rddreg [dreg:$0x10];
	s20 =	simm.s32 $0xB500  }
0x27f: {  	[tilespmem:s20], [sflag:$0x1] =	stream.indirect.gather [hbm4b:s5+s4], $0x1, s9, s4, $0xb8;
	[tilespmem:$0xC800] =	vst v63  }
0x280: {  	s9 =	rddreg [dreg:$0x12];
	s20 =	simm.s32 $0xB580  }
0x281: {  	[tilespmem:s20], [sflag:$0x1] =	stream.indirect.gather [hbm4b:s5+s4], $0x1, s8, s4, $0xb8;
	[tilespmem:$0xC800] =	vst v63  }
0x282: {  	s8 =	rddreg [dreg:$0x13];
	s20 =	simm.s32 $0xB600  }
0x283: {  	[tilespmem:s20], [sflag:$0x1] =	stream.indirect.gather [hbm4b:s5+s4], $0x1, s9, s4, $0xb8;
	[tilespmem:$0xC800] =	vst v63  }
0x284: {  	s9 =	rddreg [dreg:$0x14];
	s20 =	simm.s32 $0xB680  }
0x285: {  	[tilespmem:s20], [sflag:$0x1] =	stream.indirect.gather [hbm4b:s5+s4], $0x1, s8, s4, $0xb8;
	[tilespmem:$0xC800] =	vst v63  }
0x286: {  	s8 =	rddreg [dreg:$0x15];
	s20 =	simm.s32 $0xB700  }
0x287: {  	[tilespmem:s20], [sflag:$0x1] =	stream.indirect.gather [hbm4b:s5+s4], $0x1, s9, s4, $0xb8;
	[tilespmem:$0xC800] =	vst v63  }
0x288: {  	s9 =	rddreg [dreg:$0x16];
	s20 =	simm.s32 $0xB780  }
0x289: {  	[tilespmem:s20], [sflag:$0x1] =	stream.indirect.gather [hbm4b:s5+s4], $0x1, s8, s4, $0xb8;
	[tilespmem:$0xC800] =	vst v63  }
0x28a: {  	s8 =	rddreg [dreg:$0x17];
	s20 =	simm.s32 $0xB800  }
0x28b: {  	[tilespmem:s20], [sflag:$0x1] =	stream.indirect.gather [hbm4b:s5+s4], $0x1, s9, s4, $0xb8;
	[tilespmem:$0xC800] =	vst v63  }
0x28c: {  	s9 =	rddreg [dreg:$0x18];
	s20 =	simm.s32 $0xB880  }
0x28d: {  	[tilespmem:s20], [sflag:$0x1] =	stream.indirect.gather [hbm4b:s5+s4], $0x1, s8, s4, $0xb8;
	[tilespmem:$0xC800] =	vst v63  }
0x28e: {  	s8 =	rddreg [dreg:$0x19];
	s20 =	simm.s32 $0xB900  }
0x28f: {  	[tilespmem:s20], [sflag:$0x1] =	stream.indirect.gather [hbm4b:s5+s4], $0x1, s9, s4, $0xb8;
	[tilespmem:$0xC800] =	vst v63  }
0x290: {  	s9 =	rddreg [dreg:$0x1a];
	s20 =	simm.s32 $0xB980  }
0x291: {  	[tilespmem:s20], [sflag:$0x1] =	stream.indirect.gather [hbm4b:s5+s4], $0x1, s8, s4, $0xb8;
	[tilespmem:$0xC800] =	vst v63  }
0x292: {  	s8 =	rddreg [dreg:$0x1b];
	s20 =	simm.s32 $0xBA00  }
0x293: {  	[tilespmem:s20], [sflag:$0x1] =	stream.indirect.gather [hbm4b:s5+s4], $0x1, s9, s4, $0xb8;
	[tilespmem:$0xC800] =	vst v63  }
0x294: {  	s9 =	rddreg [dreg:$0x1c];
	s20 =	simm.s32 $0xBA80  }
0x295: {  	[tilespmem:s20], [sflag:$0x1] =	stream.indirect.gather [hbm4b:s5+s4], $0x1, s8, s4, $0xb8;
	[tilespmem:$0xC800] =	vst v63  }
0x296: {  	s8 =	rddreg [dreg:$0x1d];
	s20 =	simm.s32 $0xBB00  }
0x297: {  	[tilespmem:s20], [sflag:$0x1] =	stream.indirect.gather [hbm4b:s5+s4], $0x1, s9, s4, $0xb8;
	[tilespmem:$0xC800] =	vst v63  }
0x298: {  	s9 =	rddreg [dreg:$0x1e];
	s20 =	simm.s32 $0xBB80  }
0x299: {  	[tilespmem:s20], [sflag:$0x1] =	stream.indirect.gather [hbm4b:s5+s4], $0x1, s8, s4, $0xb8;
	[tilespmem:$0xC800] =	vst v63  }
0x29a: {  	s8 =	rddreg [dreg:$0x1f];
	s20 =	simm.s32 $0xBC00  }
0x29b: {  	[tilespmem:s20], [sflag:$0x1] =	stream.indirect.gather [hbm4b:s5+s4], $0x1, s9, s4, $0xb8;
	[tilespmem:$0xC800] =	vst v63  }
0x29c: {  	s9 =	sld [smem:$0x7B9];
	s20 =	simm.s32 $0xBC80  }
0x29d: {  	[tilespmem:s20], [sflag:$0x1] =	stream.indirect.gather [hbm4b:s5+s4], $0x1, s8, s4, $0xb8;
	[tilespmem:$0xC800] =	vst v63  }
0x29e: {  	s8 =	sld [smem:$0x7BA];
	s20 =	simm.s32 $0xBD00  }
0x29f: {  	[tilespmem:s20], [sflag:$0x1] =	stream.indirect.gather [hbm4b:s5+s4], $0x1, s9, s4, $0xb8;
	[tilespmem:$0xC800] =	vst v63  }
0x2a0: {  	s9 =	sld [smem:$0x7BB];
	s20 =	simm.s32 $0xBD80  }
0x2a1: {  	[tilespmem:s20], [sflag:$0x1] =	stream.indirect.gather [hbm4b:s5+s4], $0x1, s8, s4, $0xb8;
	[tilespmem:$0xC800] =	vst v63  }
0x2a2: {  	s8 =	sld [smem:$0x7BC];
	s20 =	simm.s32 $0xBE00  }
0x2a3: {  	[tilespmem:s20], [sflag:$0x1] =	stream.indirect.gather [hbm4b:s5+s4], $0x1, s9, s4, $0xb8;
	[tilespmem:$0xC800] =	vst v63  }
0x2a4: {  	s9 =	sld [smem:$0x7BD];
	s20 =	simm.s32 $0xBE80  }
0x2a5: {  	[tilespmem:s20], [sflag:$0x1] =	stream.indirect.gather [hbm4b:s5+s4], $0x1, s8, s4, $0xb8;
	[tilespmem:$0xC800] =	vst v63  }
0x2a6: {  	s8 =	sld [smem:$0x7BE]  }
0x2a7: {  	[tilespmem:s24], [sflag:$0x1] =	stream.indirect.gather [hbm4b:s5+s4], $0x1, s9, s4, $0xb8;
	[tilespmem:$0xC800] =	vst v63  }
0x2a8: {  	s20 =	simm.s32 $0xBF80;
	s9 =	sld [smem:$0x7BF]  }
0x2a9: {  	[tilespmem:s20], [sflag:$0x1] =	stream.indirect.gather [hbm4b:s5+s4], $0x1, s8, s4, $0xb8;
	[tilespmem:$0xC800] =	vst v63  }
0x2aa: {  	s8 =	sld [smem:$0x7C0];
	s20 =	simm.s32 $0xC000  }
0x2ab: {  	[tilespmem:s20], [sflag:$0x1] =	stream.indirect.gather [hbm4b:s5+s4], $0x1, s9, s4, $0xb8;
	[tilespmem:$0xC800] =	vst v63  }
0x2ac: {  	s9 =	sld [smem:$0x7C1]  }
0x2ad: {  	[tilespmem:s22], [sflag:$0x1] =	stream.indirect.gather [hbm4b:s5+s4], $0x1, s8, s4, $0xb8;
	[tilespmem:$0xC800] =	vst v63  }
0x2ae: {  	s20 =	sld [smem:$0x7C2]  }
0x2af: {  	[tilespmem:s23], [sflag:$0x1] =	stream.indirect.gather [hbm4b:s5+s4], $0x1, s9, s4, $0xb8;
	[tilespmem:$0xC800] =	vst v63  }
0x2b0: {  	s9 =	sld [smem:$0x7C3]  }
0x2b1: {  	[tilespmem:s25], [sflag:$0x1] =	stream.indirect.gather [hbm4b:s5+s4], $0x1, s20, s4, $0xb8;
	[tilespmem:$0xC800] =	vst v63  }
0x2b2: {  	s20 =	sld [smem:$0x7C4]  }
0x2b3: {  	[tilespmem:s26], [sflag:$0x1] =	stream.indirect.gather [hbm4b:s5+s4], $0x1, s9, s4, $0xb8;
	[tilespmem:$0xC800] =	vst v63  }
0x2b4: {  	s9 =	sld [smem:$0x7C5]  }
0x2b5: {  	[tilespmem:s28], [sflag:$0x1] =	stream.indirect.gather [hbm4b:s5+s4], $0x1, s20, s4, $0xb8;
	[tilespmem:$0xC800] =	vst v63  }
0x2b6: {  	s8 =	sld [smem:$0x7C6];
	s20 =	simm.s32 $0xC300  }
0x2b7: {  	[tilespmem:s20], [sflag:$0x1] =	stream.indirect.gather [hbm4b:s5+s4], $0x1, s9, s4, $0xb8;
	[tilespmem:$0xC800] =	vst v63  }
0x2b8: {  	s9 =	sld [smem:$0x7C7]  }
0x2b9: {  	[tilespmem:s30], [sflag:$0x1] =	stream.indirect.gather [hbm4b:s5+s4], $0x1, s8, s4, $0xb8;
	[tilespmem:$0xC800] =	vst v63  }
0x2ba: {  	s20 =	sld [smem:$0x7C8]  }
0x2bb: {  	[tilespmem:s21], [sflag:$0x1] =	stream.indirect.gather [hbm4b:s5+s4], $0x1, s9, s4, $0xb8;
	[tilespmem:$0xC800] =	vst v63  }
0x2bc: {  	s9 =	sld [smem:$0x7C9]  }
0x2bd: {  	[tilespmem:s29], [sflag:$0x1] =	stream.indirect.gather [hbm4b:s5+s4], $0x1, s20, s4, $0xb8;
	[tilespmem:$0xC800] =	vst v63  }
0x2be: {  	s8 =	sld [smem:$0x7CA];
	s20 =	simm.s32 $0xC500  }
0x2bf: {  	[tilespmem:s20], [sflag:$0x1] =	stream.indirect.gather [hbm4b:s5+s4], $0x1, s9, s4, $0xb8;
	[tilespmem:$0xC800] =	vst v63  }
0x2c0: {  	s9 =	sld [smem:$0x7CB];
	s20 =	simm.s32 $0xC580  }
0x2c1: {  	[tilespmem:s20], [sflag:$0x1] =	stream.indirect.gather [hbm4b:s5+s4], $0x1, s8, s4, $0xb8;
	[tilespmem:$0xC800] =	vst v63  }
0x2c2: {  	s8 =	sld [smem:$0x7CC];
	s20 =	simm.s32 $0xC600  }
0x2c3: {  	[tilespmem:s20], [sflag:$0x1] =	stream.indirect.gather [hbm4b:s5+s4], $0x1, s9, s4, $0xb8;
	[tilespmem:$0xC800] =	vst v63  }
0x2c4: {  	s9 =	sld [smem:$0x7CD];
	s20 =	simm.s32 $0xC680  }
0x2c5: {  	[tilespmem:s20], [sflag:$0x1] =	stream.indirect.gather [hbm4b:s5+s4], $0x1, s8, s4, $0xb8;
	[tilespmem:$0xC800] =	vst v63  }
0x2c6: {  	s8 =	sld [smem:$0x7CE];
	s20 =	simm.s32 $0xC700  }
0x2c7: {  	[tilespmem:s20], [sflag:$0x1] =	stream.indirect.gather [hbm4b:s5+s4], $0x1, s9, s4, $0xb8;
	[tilespmem:$0xC800] =	vst v63  }
0x2c8: {  	s20 =	simm.s32 $0xC780  }
0x2c9: {  	[tilespmem:s20], [sflag:$0x1] =	stream.indirect.gather [hbm4b:s5+s4], $0x1, s8, s4, $0xb8;
	[tilespmem:$0xC800] =	vst v63  }
0x2ca: {  	s9 =	rddreg [dreg:$0x6]  }
0x2cb: {  	[hbm4b:s9+s0] =	stream.linear.scatter [tilespmem:s0], [sflag:$0x3], $0x8000, $0x38;
	[tilespmem:$0xC800] =	vst v63  }
0x2cc: {  	_ =	swait.ge [sflag:s11], $0x8000  }
0x2cd: {  	[sflag:s11] =	ssyncset.done $0x0  }
0x2ce: {  	[sflag:s11] =	ssyncadd.s32 $0xFFFF8000  }
0x2cf: {  	_ =	swait.ge [sflag:s31], $0x80  }
0x2d0: {  	[sflag:s31] =	ssyncset.done $0x0  }
0x2d1: {  	[sflag:s31] =	ssyncadd.s32 $0xFFFFFF80  }
0x2d2: {  	_ =	swait.ge [sflag:s31], $0x80  }
0x2d3: {  	[sflag:s31] =	ssyncset.done $0x0  }
0x2d4: {  	[sflag:s31] =	ssyncadd.s32 $0xFFFFFF80  }
0x2d5: {  	_ =	swait.ge [sflag:s31], $0x80  }
0x2d6: {  	[sflag:s31] =	ssyncset.done $0x0  }
0x2d7: {  	[sflag:s31] =	ssyncadd.s32 $0xFFFFFF80  }
0x2d8: {  	_ =	swait.ge [sflag:s31], $0x80  }
0x2d9: {  	[sflag:s31] =	ssyncset.done $0x0  }
0x2da: {  	[sflag:s31] =	ssyncadd.s32 $0xFFFFFF80  }
0x2db: {  	_ =	swait.ge [sflag:s31], $0x80  }
0x2dc: {  	[sflag:s31] =	ssyncset.done $0x0  }
0x2dd: {  	[sflag:s31] =	ssyncadd.s32 $0xFFFFFF80  }
0x2de: {  	_ =	swait.ge [sflag:s31], $0x80  }
0x2df: {  	[sflag:s31] =	ssyncset.done $0x0  }
0x2e0: {  	[sflag:s31] =	ssyncadd.s32 $0xFFFFFF80  }
0x2e1: {  	_ =	swait.ge [sflag:s31], $0x80  }
0x2e2: {  	[sflag:s31] =	ssyncset.done $0x0  }
0x2e3: {  	[sflag:s31] =	ssyncadd.s32 $0xFFFFFF80  }
0x2e4: {  	_ =	swait.ge [sflag:s31], $0x80  }
0x2e5: {  	[sflag:s31] =	ssyncset.done $0x0  }
0x2e6: {  	[sflag:s31] =	ssyncadd.s32 $0xFFFFFF80  }
0x2e7: {  	_ =	swait.ge [sflag:s31], $0x80  }
0x2e8: {  	[sflag:s31] =	ssyncset.done $0x0  }
0x2e9: {  	[sflag:s31] =	ssyncadd.s32 $0xFFFFFF80  }
0x2ea: {  	_ =	swait.ge [sflag:s31], $0x80  }
0x2eb: {  	[sflag:s31] =	ssyncset.done $0x0  }
0x2ec: {  	[sflag:s31] =	ssyncadd.s32 $0xFFFFFF80  }
0x2ed: {  	_ =	swait.ge [sflag:s31], $0x80  }
0x2ee: {  	[sflag:s31] =	ssyncset.done $0x0  }
0x2ef: {  	[sflag:s31] =	ssyncadd.s32 $0xFFFFFF80  }
0x2f0: {  	_ =	swait.ge [sflag:s31], $0x80  }
0x2f1: {  	[sflag:s31] =	ssyncset.done $0x0  }
0x2f2: {  	[sflag:s31] =	ssyncadd.s32 $0xFFFFFF80  }
0x2f3: {  	_ =	swait.ge [sflag:s31], $0x80  }
0x2f4: {  	[sflag:s31] =	ssyncset.done $0x0  }
0x2f5: {  	[sflag:s31] =	ssyncadd.s32 $0xFFFFFF80  }
0x2f6: {  	_ =	swait.ge [sflag:s31], $0x80  }
0x2f7: {  	[sflag:s31] =	ssyncset.done $0x0  }
0x2f8: {  	[sflag:s31] =	ssyncadd.s32 $0xFFFFFF80  }
0x2f9: {  	_ =	swait.ge [sflag:s31], $0x80  }
0x2fa: {  	[sflag:s31] =	ssyncset.done $0x0  }
0x2fb: {  	[sflag:s31] =	ssyncadd.s32 $0xFFFFFF80  }
0x2fc: {  	_ =	swait.ge [sflag:s31], $0x80  }
0x2fd: {  	[sflag:s31] =	ssyncset.done $0x0  }
0x2fe: {  	[sflag:s31] =	ssyncadd.s32 $0xFFFFFF80  }
0x2ff: {  	_ =	swait.ge [sflag:s31], $0x80  }
0x300: {  	[sflag:s31] =	ssyncset.done $0x0  }
0x301: {  	[sflag:s31] =	ssyncadd.s32 $0xFFFFFF80  }
0x302: {  	_ =	swait.ge [sflag:s31], $0x80  }
0x303: {  	[sflag:s31] =	ssyncset.done $0x0  }
0x304: {  	[sflag:s31] =	ssyncadd.s32 $0xFFFFFF80  }
0x305: {  	_ =	swait.ge [sflag:s31], $0x80  }
0x306: {  	[sflag:s31] =	ssyncset.done $0x0  }
0x307: {  	[sflag:s31] =	ssyncadd.s32 $0xFFFFFF80  }
0x308: {  	_ =	swait.ge [sflag:s31], $0x80  }
0x309: {  	[sflag:s31] =	ssyncset.done $0x0  }
0x30a: {  	[sflag:s31] =	ssyncadd.s32 $0xFFFFFF80  }
0x30b: {  	_ =	swait.ge [sflag:s31], $0x80  }
0x30c: {  	[sflag:s31] =	ssyncset.done $0x0  }
0x30d: {  	[sflag:s31] =	ssyncadd.s32 $0xFFFFFF80  }
0x30e: {  	_ =	swait.ge [sflag:s31], $0x80  }
0x30f: {  	[sflag:s31] =	ssyncset.done $0x0  }
0x310: {  	[sflag:s31] =	ssyncadd.s32 $0xFFFFFF80  }
0x311: {  	_ =	swait.ge [sflag:s31], $0x80  }
0x312: {  	[sflag:s31] =	ssyncset.done $0x0  }
0x313: {  	[sflag:s31] =	ssyncadd.s32 $0xFFFFFF80  }
0x314: {  	_ =	swait.ge [sflag:s31], $0x80  }
0x315: {  	[sflag:s31] =	ssyncset.done $0x0  }
0x316: {  	[sflag:s31] =	ssyncadd.s32 $0xFFFFFF80  }
0x317: {  	_ =	swait.ge [sflag:s31], $0x80  }
0x318: {  	[sflag:s31] =	ssyncset.done $0x0  }
0x319: {  	[sflag:s31] =	ssyncadd.s32 $0xFFFFFF80  }
0x31a: {  	_ =	swait.ge [sflag:s31], $0x80  }
0x31b: {  	[sflag:s31] =	ssyncset.done $0x0  }
0x31c: {  	[sflag:s31] =	ssyncadd.s32 $0xFFFFFF80  }
0x31d: {  	_ =	swait.ge [sflag:s31], $0x80  }
0x31e: {  	[sflag:s31] =	ssyncset.done $0x0  }
0x31f: {  	[sflag:s31] =	ssyncadd.s32 $0xFFFFFF80  }
0x320: {  	_ =	swait.ge [sflag:s31], $0x80  }
0x321: {  	[sflag:s31] =	ssyncset.done $0x0  }
0x322: {  	[sflag:s31] =	ssyncadd.s32 $0xFFFFFF80  }
0x323: {  	_ =	swait.ge [sflag:s31], $0x80  }
0x324: {  	[sflag:s31] =	ssyncset.done $0x0  }
0x325: {  	[sflag:s31] =	ssyncadd.s32 $0xFFFFFF80  }
0x326: {  	_ =	swait.ge [sflag:s31], $0x80  }
0x327: {  	[sflag:s31] =	ssyncset.done $0x0  }
0x328: {  	[sflag:s31] =	ssyncadd.s32 $0xFFFFFF80  }
0x329: {  	_ =	swait.ge [sflag:s31], $0x80  }
0x32a: {  	[sflag:s31] =	ssyncset.done $0x0  }
0x32b: {  	[sflag:s31] =	ssyncadd.s32 $0xFFFFFF80  }
0x32c: {  	_ =	swait.ge [sflag:s31], $0x80  }
0x32d: {  	[sflag:s31] =	ssyncset.done $0x0  }
0x32e: {  	[sflag:s31] =	ssyncadd.s32 $0xFFFFFF80  }
0x32f: {  	_ =	swait.ge [sflag:s31], $0x80  }
0x330: {  	[sflag:s31] =	ssyncset.done $0x0  }
0x331: {  	[sflag:s31] =	ssyncadd.s32 $0xFFFFFF80  }
0x332: {  	_ =	swait.ge [sflag:s31], $0x80  }
0x333: {  	[sflag:s31] =	ssyncset.done $0x0  }
0x334: {  	[sflag:s31] =	ssyncadd.s32 $0xFFFFFF80  }
0x335: {  	_ =	swait.ge [sflag:s31], $0x80  }
0x336: {  	[sflag:s31] =	ssyncset.done $0x0  }
0x337: {  	[sflag:s31] =	ssyncadd.s32 $0xFFFFFF80  }
0x338: {  	_ =	swait.ge [sflag:s31], $0x80  }
0x339: {  	[sflag:s31] =	ssyncset.done $0x0  }
0x33a: {  	[sflag:s31] =	ssyncadd.s32 $0xFFFFFF80  }
0x33b: {  	_ =	swait.ge [sflag:s31], $0x80  }
0x33c: {  	[sflag:s31] =	ssyncset.done $0x0  }
0x33d: {  	[sflag:s31] =	ssyncadd.s32 $0xFFFFFF80  }
0x33e: {  	_ =	swait.ge [sflag:s31], $0x80  }
0x33f: {  	[sflag:s31] =	ssyncset.done $0x0  }
0x340: {  	[sflag:s31] =	ssyncadd.s32 $0xFFFFFF80  }
0x341: {  	_ =	swait.ge [sflag:s31], $0x80  }
0x342: {  	[sflag:s31] =	ssyncset.done $0x0  }
0x343: {  	[sflag:s31] =	ssyncadd.s32 $0xFFFFFF80  }
0x344: {  	_ =	swait.ge [sflag:s31], $0x80  }
0x345: {  	[sflag:s31] =	ssyncset.done $0x0  }
0x346: {  	[sflag:s31] =	ssyncadd.s32 $0xFFFFFF80  }
0x347: {  	_ =	swait.ge [sflag:s31], $0x80  }
0x348: {  	[sflag:s31] =	ssyncset.done $0x0  }
0x349: {  	[sflag:s31] =	ssyncadd.s32 $0xFFFFFF80  }
0x34a: {  	_ =	swait.ge [sflag:s31], $0x80  }
0x34b: {  	[sflag:s31] =	ssyncset.done $0x0  }
0x34c: {  	[sflag:s31] =	ssyncadd.s32 $0xFFFFFF80  }
0x34d: {  	_ =	swait.ge [sflag:s31], $0x80  }
0x34e: {  	[sflag:s31] =	ssyncset.done $0x0  }
0x34f: {  	[sflag:s31] =	ssyncadd.s32 $0xFFFFFF80  }
0x350: {  	_ =	swait.ge [sflag:s31], $0x80  }
0x351: {  	[sflag:s31] =	ssyncset.done $0x0  }
0x352: {  	[sflag:s31] =	ssyncadd.s32 $0xFFFFFF80  }
0x353: {  	_ =	swait.ge [sflag:s31], $0x80  }
0x354: {  	[sflag:s31] =	ssyncset.done $0x0  }
0x355: {  	[sflag:s31] =	ssyncadd.s32 $0xFFFFFF80  }
0x356: {  	_ =	swait.ge [sflag:s31], $0x80  }
0x357: {  	[sflag:s31] =	ssyncset.done $0x0  }
0x358: {  	[sflag:s31] =	ssyncadd.s32 $0xFFFFFF80  }
0x359: {  	_ =	swait.ge [sflag:s31], $0x80  }
0x35a: {  	[sflag:s31] =	ssyncset.done $0x0  }
0x35b: {  	[sflag:s31] =	ssyncadd.s32 $0xFFFFFF80  }
0x35c: {  	_ =	swait.ge [sflag:s31], $0x80  }
0x35d: {  	[sflag:s31] =	ssyncset.done $0x0  }
0x35e: {  	s0 =	sld [smem:$0x7CF];
	[sflag:s31] =	ssyncadd.s32 $0xFFFFFF80  }
0x35f: {  	[hbm4b:s2+s4] =	stream.indirect.scatter [tilespmem:s12], [sflag:$0x2], $0x1, s13, s4, $0xb8;
	[tilespmem:$0xC800] =	vst v63  }
0x360: {  	s9 =	sld [smem:$0x7D0]  }
0x361: {  	[hbm4b:s2+s4] =	stream.indirect.scatter [tilespmem:s10], [sflag:$0x2], $0x1, s0, s4, $0xb8;
	[tilespmem:$0xC800] =	vst v63  }
0x362: {  	s0 =	sld [smem:$0x7D1]  }
0x363: {  	[hbm4b:s2+s4] =	stream.indirect.scatter [tilespmem:s1], [sflag:$0x2], $0x1, s9, s4, $0xb8;
	[tilespmem:$0xC800] =	vst v63  }
0x364: {  	s9 =	sld [smem:$0x7D2]  }
0x365: {  	[hbm4b:s2+s4] =	stream.indirect.scatter [tilespmem:s6], [sflag:$0x2], $0x1, s0, s4, $0xb8;
	[tilespmem:$0xC800] =	vst v63  }
0x366: {  	s0 =	sld [smem:$0x7D3]  }
0x367: {  	[hbm4b:s2+s4] =	stream.indirect.scatter [tilespmem:s14], [sflag:$0x2], $0x1, s9, s4, $0xb8;
	[tilespmem:$0xC800] =	vst v63  }
0x368: {  	s9 =	sld [smem:$0x7D4]  }
0x369: {  	[hbm4b:s2+s4] =	stream.indirect.scatter [tilespmem:s15], [sflag:$0x2], $0x1, s0, s4, $0xb8;
	[tilespmem:$0xC800] =	vst v63  }
0x36a: {  	s0 =	sld [smem:$0x7D5]  }
0x36b: {  	[hbm4b:s2+s4] =	stream.indirect.scatter [tilespmem:s16], [sflag:$0x2], $0x1, s9, s4, $0xb8;
	[tilespmem:$0xC800] =	vst v63  }
0x36c: {  	s9 =	sld [smem:$0x7D6]  }
0x36d: {  	[hbm4b:s2+s4] =	stream.indirect.scatter [tilespmem:s17], [sflag:$0x2], $0x1, s0, s4, $0xb8;
	[tilespmem:$0xC800] =	vst v63  }
0x36e: {  	s0 =	sld [smem:$0x7D7]  }
0x36f: {  	[hbm4b:s2+s4] =	stream.indirect.scatter [tilespmem:s18], [sflag:$0x2], $0x1, s9, s4, $0xb8;
	[tilespmem:$0xC800] =	vst v63  }
0x370: {  	s9 =	sld [smem:$0x7D8]  }
0x371: {  	[hbm4b:s2+s4] =	stream.indirect.scatter [tilespmem:s19], [sflag:$0x2], $0x1, s0, s4, $0xb8;
	[tilespmem:$0xC800] =	vst v63  }
0x372: {  	s8 =	sld [smem:$0x7D9];
	s0 =	simm.s32 $0xB500  }
0x373: {  	[hbm4b:s2+s4] =	stream.indirect.scatter [tilespmem:s0], [sflag:$0x2], $0x1, s9, s4, $0xb8;
	[tilespmem:$0xC800] =	vst v63  }
0x374: {  	s9 =	sld [smem:$0x7DA];
	s0 =	simm.s32 $0xB580  }
0x375: {  	[hbm4b:s2+s4] =	stream.indirect.scatter [tilespmem:s0], [sflag:$0x2], $0x1, s8, s4, $0xb8;
	[tilespmem:$0xC800] =	vst v63  }
0x376: {  	s8 =	sld [smem:$0x7DB];
	s0 =	simm.s32 $0xB600  }
0x377: {  	[hbm4b:s2+s4] =	stream.indirect.scatter [tilespmem:s0], [sflag:$0x2], $0x1, s9, s4, $0xb8;
	[tilespmem:$0xC800] =	vst v63  }
0x378: {  	s9 =	sld [smem:$0x7DC];
	s0 =	simm.s32 $0xB680  }
0x379: {  	[hbm4b:s2+s4] =	stream.indirect.scatter [tilespmem:s0], [sflag:$0x2], $0x1, s8, s4, $0xb8;
	[tilespmem:$0xC800] =	vst v63  }
0x37a: {  	s8 =	sld [smem:$0x7DD];
	s0 =	simm.s32 $0xB700  }
0x37b: {  	[hbm4b:s2+s4] =	stream.indirect.scatter [tilespmem:s0], [sflag:$0x2], $0x1, s9, s4, $0xb8;
	[tilespmem:$0xC800] =	vst v63  }
0x37c: {  	s9 =	sld [smem:$0x7DE];
	s0 =	simm.s32 $0xB780  }
0x37d: {  	[hbm4b:s2+s4] =	stream.indirect.scatter [tilespmem:s0], [sflag:$0x2], $0x1, s8, s4, $0xb8;
	[tilespmem:$0xC800] =	vst v63  }
0x37e: {  	s8 =	sld [smem:$0x7DF];
	s0 =	simm.s32 $0xB800  }
0x37f: {  	[hbm4b:s2+s4] =	stream.indirect.scatter [tilespmem:s0], [sflag:$0x2], $0x1, s9, s4, $0xb8;
	[tilespmem:$0xC800] =	vst v63  }
0x380: {  	s9 =	sld [smem:$0x7E0];
	s0 =	simm.s32 $0xB880  }
0x381: {  	[hbm4b:s2+s4] =	stream.indirect.scatter [tilespmem:s0], [sflag:$0x2], $0x1, s8, s4, $0xb8;
	[tilespmem:$0xC800] =	vst v63  }
0x382: {  	s8 =	sld [smem:$0x7E1];
	s0 =	simm.s32 $0xB900  }
0x383: {  	[hbm4b:s2+s4] =	stream.indirect.scatter [tilespmem:s0], [sflag:$0x2], $0x1, s9, s4, $0xb8;
	[tilespmem:$0xC800] =	vst v63  }
0x384: {  	s9 =	sld [smem:$0x7E2];
	s0 =	simm.s32 $0xB980  }
0x385: {  	[hbm4b:s2+s4] =	stream.indirect.scatter [tilespmem:s0], [sflag:$0x2], $0x1, s8, s4, $0xb8;
	[tilespmem:$0xC800] =	vst v63  }
0x386: {  	s8 =	sld [smem:$0x7E3];
	s0 =	simm.s32 $0xBA00  }
0x387: {  	[hbm4b:s2+s4] =	stream.indirect.scatter [tilespmem:s0], [sflag:$0x2], $0x1, s9, s4, $0xb8;
	[tilespmem:$0xC800] =	vst v63  }
0x388: {  	s9 =	sld [smem:$0x7E4];
	s0 =	simm.s32 $0xBA80  }
0x389: {  	[hbm4b:s2+s4] =	stream.indirect.scatter [tilespmem:s0], [sflag:$0x2], $0x1, s8, s4, $0xb8;
	[tilespmem:$0xC800] =	vst v63  }
0x38a: {  	s8 =	sld [smem:$0x7E5];
	s0 =	simm.s32 $0xBB00  }
0x38b: {  	[hbm4b:s2+s4] =	stream.indirect.scatter [tilespmem:s0], [sflag:$0x2], $0x1, s9, s4, $0xb8;
	[tilespmem:$0xC800] =	vst v63  }
0x38c: {  	s9 =	sld [smem:$0x7E6];
	s0 =	simm.s32 $0xBB80  }
0x38d: {  	[hbm4b:s2+s4] =	stream.indirect.scatter [tilespmem:s0], [sflag:$0x2], $0x1, s8, s4, $0xb8;
	[tilespmem:$0xC800] =	vst v63  }
0x38e: {  	s8 =	sld [smem:$0x7E7];
	s0 =	simm.s32 $0xBC00  }
0x38f: {  	[hbm4b:s2+s4] =	stream.indirect.scatter [tilespmem:s0], [sflag:$0x2], $0x1, s9, s4, $0xb8;
	[tilespmem:$0xC800] =	vst v63  }
0x390: {  	s9 =	sld [smem:$0x7E8];
	s0 =	simm.s32 $0xBC80  }
0x391: {  	[hbm4b:s2+s4] =	stream.indirect.scatter [tilespmem:s0], [sflag:$0x2], $0x1, s8, s4, $0xb8;
	[tilespmem:$0xC800] =	vst v63  }
0x392: {  	s8 =	sld [smem:$0x7E9];
	s0 =	simm.s32 $0xBD00  }
0x393: {  	[hbm4b:s2+s4] =	stream.indirect.scatter [tilespmem:s0], [sflag:$0x2], $0x1, s9, s4, $0xb8;
	[tilespmem:$0xC800] =	vst v63  }
0x394: {  	s9 =	sld [smem:$0x7EA];
	s0 =	simm.s32 $0xBD80  }
0x395: {  	[hbm4b:s2+s4] =	stream.indirect.scatter [tilespmem:s0], [sflag:$0x2], $0x1, s8, s4, $0xb8;
	[tilespmem:$0xC800] =	vst v63  }
0x396: {  	s8 =	sld [smem:$0x7EB];
	s0 =	simm.s32 $0xBE00  }
0x397: {  	[hbm4b:s2+s4] =	stream.indirect.scatter [tilespmem:s0], [sflag:$0x2], $0x1, s9, s4, $0xb8;
	[tilespmem:$0xC800] =	vst v63  }
0x398: {  	s9 =	sld [smem:$0x7EC];
	s0 =	simm.s32 $0xBE80  }
0x399: {  	[hbm4b:s2+s4] =	stream.indirect.scatter [tilespmem:s0], [sflag:$0x2], $0x1, s8, s4, $0xb8;
	[tilespmem:$0xC800] =	vst v63  }
0x39a: {  	s8 =	sld [smem:$0x7ED]  }
0x39b: {  	[hbm4b:s2+s4] =	stream.indirect.scatter [tilespmem:s24], [sflag:$0x2], $0x1, s9, s4, $0xb8;
	[tilespmem:$0xC800] =	vst v63  }
0x39c: {  	s0 =	simm.s32 $0xBF80;
	s9 =	sld [smem:$0x7EE]  }
0x39d: {  	[hbm4b:s2+s4] =	stream.indirect.scatter [tilespmem:s0], [sflag:$0x2], $0x1, s8, s4, $0xb8;
	[tilespmem:$0xC800] =	vst v63  }
0x39e: {  	s8 =	sld [smem:$0x7EF];
	s0 =	simm.s32 $0xC000  }
0x39f: {  	[hbm4b:s2+s4] =	stream.indirect.scatter [tilespmem:s0], [sflag:$0x2], $0x1, s9, s4, $0xb8;
	[tilespmem:$0xC800] =	vst v63  }
0x3a0: {  	s9 =	sld [smem:$0x7F0]  }
0x3a1: {  	[hbm4b:s2+s4] =	stream.indirect.scatter [tilespmem:s22], [sflag:$0x2], $0x1, s8, s4, $0xb8;
	[tilespmem:$0xC800] =	vst v63  }
0x3a2: {  	s0 =	sld [smem:$0x7F1]  }
0x3a3: {  	[hbm4b:s2+s4] =	stream.indirect.scatter [tilespmem:s23], [sflag:$0x2], $0x1, s9, s4, $0xb8;
	[tilespmem:$0xC800] =	vst v63  }
0x3a4: {  	s9 =	sld [smem:$0x7F2]  }
0x3a5: {  	[hbm4b:s2+s4] =	stream.indirect.scatter [tilespmem:s25], [sflag:$0x2], $0x1, s0, s4, $0xb8;
	[tilespmem:$0xC800] =	vst v63  }
0x3a6: {  	s0 =	sld [smem:$0x7F3]  }
0x3a7: {  	[hbm4b:s2+s4] =	stream.indirect.scatter [tilespmem:s26], [sflag:$0x2], $0x1, s9, s4, $0xb8;
	[tilespmem:$0xC800] =	vst v63  }
0x3a8: {  	s9 =	sld [smem:$0x7F4]  }
0x3a9: {  	[hbm4b:s2+s4] =	stream.indirect.scatter [tilespmem:s28], [sflag:$0x2], $0x1, s0, s4, $0xb8;
	[tilespmem:$0xC800] =	vst v63  }
0x3aa: {  	s8 =	sld [smem:$0x7F5];
	s0 =	simm.s32 $0xC300  }
0x3ab: {  	[hbm4b:s2+s4] =	stream.indirect.scatter [tilespmem:s0], [sflag:$0x2], $0x1, s9, s4, $0xb8;
	[tilespmem:$0xC800] =	vst v63  }
0x3ac: {  	s9 =	sld [smem:$0x7F6]  }
0x3ad: {  	[hbm4b:s2+s4] =	stream.indirect.scatter [tilespmem:s30], [sflag:$0x2], $0x1, s8, s4, $0xb8;
	[tilespmem:$0xC800] =	vst v63  }
0x3ae: {  	s0 =	sld [smem:$0x7F7]  }
0x3af: {  	[hbm4b:s2+s4] =	stream.indirect.scatter [tilespmem:s21], [sflag:$0x2], $0x1, s9, s4, $0xb8;
	[tilespmem:$0xC800] =	vst v63  }
0x3b0: {  	s9 =	sld [smem:$0x7F8]  }
0x3b1: {  	[hbm4b:s2+s4] =	stream.indirect.scatter [tilespmem:s29], [sflag:$0x2], $0x1, s0, s4, $0xb8;
	[tilespmem:$0xC800] =	vst v63  }
0x3b2: {  	s8 =	sld [smem:$0x7F9];
	s0 =	simm.s32 $0xC500  }
0x3b3: {  	[hbm4b:s2+s4] =	stream.indirect.scatter [tilespmem:s0], [sflag:$0x2], $0x1, s9, s4, $0xb8;
	[tilespmem:$0xC800] =	vst v63  }
0x3b4: {  	s9 =	sld [smem:$0x7FA];
	s0 =	simm.s32 $0xC580  }
0x3b5: {  	[hbm4b:s2+s4] =	stream.indirect.scatter [tilespmem:s0], [sflag:$0x2], $0x1, s8, s4, $0xb8;
	[tilespmem:$0xC800] =	vst v63  }
0x3b6: {  	s8 =	sld [smem:$0x7FB];
	s0 =	simm.s32 $0xC600  }
0x3b7: {  	[hbm4b:s2+s4] =	stream.indirect.scatter [tilespmem:s0], [sflag:$0x2], $0x1, s9, s4, $0xb8;
	[tilespmem:$0xC800] =	vst v63  }
0x3b8: {  	s9 =	sld [smem:$0x7FC];
	s0 =	simm.s32 $0xC680  }
0x3b9: {  	[hbm4b:s2+s4] =	stream.indirect.scatter [tilespmem:s0], [sflag:$0x2], $0x1, s8, s4, $0xb8;
	[tilespmem:$0xC800] =	vst v63  }
0x3ba: {  	s8 =	sld [smem:$0x7FD];
	s0 =	simm.s32 $0xC700  }
0x3bb: {  	[hbm4b:s2+s4] =	stream.indirect.scatter [tilespmem:s0], [sflag:$0x2], $0x1, s9, s4, $0xb8;
	[tilespmem:$0xC800] =	vst v63  }
0x3bc: {  	_ = 	snop  }
0x3bd: {  	[hbm4b:s2+s4] =	stream.indirect.scatter [tilespmem:s20], [sflag:$0x2], $0x1, s8, s4, $0xb8;
	[tilespmem:$0xC800] =	vst v63  }
0x3be: {  	_ =	swait.ge [sflag:s3], $0x80  }
0x3bf: {  	[sflag:s3] =	ssyncset.done $0x0  }
0x3c0: {  	[sflag:s3] =	ssyncadd.s32 $0xFFFFFF80  }
0x3c1: {  	_ =	swait.ge [sflag:s3], $0x80  }
0x3c2: {  	[sflag:s3] =	ssyncset.done $0x0  }
0x3c3: {  	[sflag:s3] =	ssyncadd.s32 $0xFFFFFF80  }
0x3c4: {  	_ =	swait.ge [sflag:s3], $0x80  }
0x3c5: {  	[sflag:s3] =	ssyncset.done $0x0  }
0x3c6: {  	[sflag:s3] =	ssyncadd.s32 $0xFFFFFF80  }
0x3c7: {  	_ =	swait.ge [sflag:s3], $0x80  }
0x3c8: {  	[sflag:s3] =	ssyncset.done $0x0  }
0x3c9: {  	[sflag:s3] =	ssyncadd.s32 $0xFFFFFF80  }
0x3ca: {  	_ =	swait.ge [sflag:s3], $0x80  }
0x3cb: {  	[sflag:s3] =	ssyncset.done $0x0  }
0x3cc: {  	[sflag:s3] =	ssyncadd.s32 $0xFFFFFF80  }
0x3cd: {  	_ =	swait.ge [sflag:s3], $0x80  }
0x3ce: {  	[sflag:s3] =	ssyncset.done $0x0  }
0x3cf: {  	[sflag:s3] =	ssyncadd.s32 $0xFFFFFF80  }
0x3d0: {  	_ =	swait.ge [sflag:s3], $0x80  }
0x3d1: {  	[sflag:s3] =	ssyncset.done $0x0  }
0x3d2: {  	[sflag:s3] =	ssyncadd.s32 $0xFFFFFF80  }
0x3d3: {  	_ =	swait.ge [sflag:s3], $0x80  }
0x3d4: {  	[sflag:s3] =	ssyncset.done $0x0  }
0x3d5: {  	[sflag:s3] =	ssyncadd.s32 $0xFFFFFF80  }
0x3d6: {  	_ =	swait.ge [sflag:s3], $0x80  }
0x3d7: {  	[sflag:s3] =	ssyncset.done $0x0  }
0x3d8: {  	[sflag:s3] =	ssyncadd.s32 $0xFFFFFF80  }
0x3d9: {  	_ =	swait.ge [sflag:s3], $0x80  }
0x3da: {  	[sflag:s3] =	ssyncset.done $0x0  }
0x3db: {  	[sflag:s3] =	ssyncadd.s32 $0xFFFFFF80  }
0x3dc: {  	_ =	swait.ge [sflag:s3], $0x80  }
0x3dd: {  	[sflag:s3] =	ssyncset.done $0x0  }
0x3de: {  	[sflag:s3] =	ssyncadd.s32 $0xFFFFFF80  }
0x3df: {  	_ =	swait.ge [sflag:s3], $0x80  }
0x3e0: {  	[sflag:s3] =	ssyncset.done $0x0  }
0x3e1: {  	[sflag:s3] =	ssyncadd.s32 $0xFFFFFF80  }
0x3e2: {  	_ =	swait.ge [sflag:s3], $0x80  }
0x3e3: {  	[sflag:s3] =	ssyncset.done $0x0  }
0x3e4: {  	[sflag:s3] =	ssyncadd.s32 $0xFFFFFF80  }
0x3e5: {  	_ =	swait.ge [sflag:s3], $0x80  }
0x3e6: {  	[sflag:s3] =	ssyncset.done $0x0  }
0x3e7: {  	[sflag:s3] =	ssyncadd.s32 $0xFFFFFF80  }
0x3e8: {  	_ =	swait.ge [sflag:s3], $0x80  }
0x3e9: {  	[sflag:s3] =	ssyncset.done $0x0  }
0x3ea: {  	[sflag:s3] =	ssyncadd.s32 $0xFFFFFF80  }
0x3eb: {  	_ =	swait.ge [sflag:s3], $0x80  }
0x3ec: {  	[sflag:s3] =	ssyncset.done $0x0  }
0x3ed: {  	[sflag:s3] =	ssyncadd.s32 $0xFFFFFF80  }
0x3ee: {  	_ =	swait.ge [sflag:s3], $0x80  }
0x3ef: {  	[sflag:s3] =	ssyncset.done $0x0  }
0x3f0: {  	[sflag:s3] =	ssyncadd.s32 $0xFFFFFF80  }
0x3f1: {  	_ =	swait.ge [sflag:s3], $0x80  }
0x3f2: {  	[sflag:s3] =	ssyncset.done $0x0  }
0x3f3: {  	[sflag:s3] =	ssyncadd.s32 $0xFFFFFF80  }
0x3f4: {  	_ =	swait.ge [sflag:s3], $0x80  }
0x3f5: {  	[sflag:s3] =	ssyncset.done $0x0  }
0x3f6: {  	[sflag:s3] =	ssyncadd.s32 $0xFFFFFF80  }
0x3f7: {  	_ =	swait.ge [sflag:s3], $0x80  }
0x3f8: {  	[sflag:s3] =	ssyncset.done $0x0  }
0x3f9: {  	[sflag:s3] =	ssyncadd.s32 $0xFFFFFF80  }
0x3fa: {  	_ =	swait.ge [sflag:s3], $0x80  }
0x3fb: {  	[sflag:s3] =	ssyncset.done $0x0  }
0x3fc: {  	[sflag:s3] =	ssyncadd.s32 $0xFFFFFF80  }
0x3fd: {  	_ =	swait.ge [sflag:s3], $0x80  }
0x3fe: {  	[sflag:s3] =	ssyncset.done $0x0  }
0x3ff: {  	[sflag:s3] =	ssyncadd.s32 $0xFFFFFF80  }
0x400: {  	_ =	swait.ge [sflag:s3], $0x80  }
0x401: {  	[sflag:s3] =	ssyncset.done $0x0  }
0x402: {  	[sflag:s3] =	ssyncadd.s32 $0xFFFFFF80  }
0x403: {  	_ =	swait.ge [sflag:s3], $0x80  }
0x404: {  	[sflag:s3] =	ssyncset.done $0x0  }
0x405: {  	[sflag:s3] =	ssyncadd.s32 $0xFFFFFF80  }
0x406: {  	_ =	swait.ge [sflag:s3], $0x80  }
0x407: {  	[sflag:s3] =	ssyncset.done $0x0  }
0x408: {  	[sflag:s3] =	ssyncadd.s32 $0xFFFFFF80  }
0x409: {  	_ =	swait.ge [sflag:s3], $0x80  }
0x40a: {  	[sflag:s3] =	ssyncset.done $0x0  }
0x40b: {  	[sflag:s3] =	ssyncadd.s32 $0xFFFFFF80  }
0x40c: {  	_ =	swait.ge [sflag:s3], $0x80  }
0x40d: {  	[sflag:s3] =	ssyncset.done $0x0  }
0x40e: {  	[sflag:s3] =	ssyncadd.s32 $0xFFFFFF80  }
0x40f: {  	_ =	swait.ge [sflag:s3], $0x80  }
0x410: {  	[sflag:s3] =	ssyncset.done $0x0  }
0x411: {  	[sflag:s3] =	ssyncadd.s32 $0xFFFFFF80  }
0x412: {  	_ =	swait.ge [sflag:s3], $0x80  }
0x413: {  	[sflag:s3] =	ssyncset.done $0x0  }
0x414: {  	[sflag:s3] =	ssyncadd.s32 $0xFFFFFF80  }
0x415: {  	_ =	swait.ge [sflag:s3], $0x80  }
0x416: {  	[sflag:s3] =	ssyncset.done $0x0  }
0x417: {  	[sflag:s3] =	ssyncadd.s32 $0xFFFFFF80  }
0x418: {  	_ =	swait.ge [sflag:s3], $0x80  }
0x419: {  	[sflag:s3] =	ssyncset.done $0x0  }
0x41a: {  	[sflag:s3] =	ssyncadd.s32 $0xFFFFFF80  }
0x41b: {  	_ =	swait.ge [sflag:s3], $0x80  }
0x41c: {  	[sflag:s3] =	ssyncset.done $0x0  }
0x41d: {  	[sflag:s3] =	ssyncadd.s32 $0xFFFFFF80  }
0x41e: {  	_ =	swait.ge [sflag:s3], $0x80  }
0x41f: {  	[sflag:s3] =	ssyncset.done $0x0  }
0x420: {  	[sflag:s3] =	ssyncadd.s32 $0xFFFFFF80  }
0x421: {  	_ =	swait.ge [sflag:s3], $0x80  }
0x422: {  	[sflag:s3] =	ssyncset.done $0x0  }
0x423: {  	[sflag:s3] =	ssyncadd.s32 $0xFFFFFF80  }
0x424: {  	_ =	swait.ge [sflag:s3], $0x80  }
0x425: {  	[sflag:s3] =	ssyncset.done $0x0  }
0x426: {  	[sflag:s3] =	ssyncadd.s32 $0xFFFFFF80  }
0x427: {  	_ =	swait.ge [sflag:s3], $0x80  }
0x428: {  	[sflag:s3] =	ssyncset.done $0x0  }
0x429: {  	[sflag:s3] =	ssyncadd.s32 $0xFFFFFF80  }
0x42a: {  	_ =	swait.ge [sflag:s3], $0x80  }
0x42b: {  	[sflag:s3] =	ssyncset.done $0x0  }
0x42c: {  	[sflag:s3] =	ssyncadd.s32 $0xFFFFFF80  }
0x42d: {  	_ =	swait.ge [sflag:s3], $0x80  }
0x42e: {  	[sflag:s3] =	ssyncset.done $0x0  }
0x42f: {  	[sflag:s3] =	ssyncadd.s32 $0xFFFFFF80  }
0x430: {  	_ =	swait.ge [sflag:s3], $0x80  }
0x431: {  	[sflag:s3] =	ssyncset.done $0x0  }
0x432: {  	[sflag:s3] =	ssyncadd.s32 $0xFFFFFF80  }
0x433: {  	_ =	swait.ge [sflag:s3], $0x80  }
0x434: {  	[sflag:s3] =	ssyncset.done $0x0  }
0x435: {  	[sflag:s3] =	ssyncadd.s32 $0xFFFFFF80  }
0x436: {  	_ =	swait.ge [sflag:s3], $0x80  }
0x437: {  	[sflag:s3] =	ssyncset.done $0x0  }
0x438: {  	[sflag:s3] =	ssyncadd.s32 $0xFFFFFF80  }
0x439: {  	_ =	swait.ge [sflag:s3], $0x80  }
0x43a: {  	[sflag:s3] =	ssyncset.done $0x0  }
0x43b: {  	[sflag:s3] =	ssyncadd.s32 $0xFFFFFF80  }
0x43c: {  	_ =	swait.ge [sflag:s3], $0x80  }
0x43d: {  	[sflag:s3] =	ssyncset.done $0x0  }
0x43e: {  	[sflag:s3] =	ssyncadd.s32 $0xFFFFFF80  }
0x43f: {  	_ =	swait.ge [sflag:s3], $0x80  }
0x440: {  	[sflag:s3] =	ssyncset.done $0x0  }
0x441: {  	[sflag:s3] =	ssyncadd.s32 $0xFFFFFF80  }
0x442: {  	_ =	swait.ge [sflag:s3], $0x80  }
0x443: {  	[sflag:s3] =	ssyncset.done $0x0  }
0x444: {  	[sflag:s3] =	ssyncadd.s32 $0xFFFFFF80  }
0x445: {  	_ =	swait.ge [sflag:s3], $0x80  }
0x446: {  	[sflag:s3] =	ssyncset.done $0x0  }
0x447: {  	p1 =	sne.s32 s7, $0x1;
	[sflag:s3] =	ssyncadd.s32 $0xFFFFFF80  }
.Ltmp2:
0x448: {  	_ =	swait.ge [sflag:s3], $0x80;
	(pc) =	sbr.rel @p1 .LBB2_3-.Ltmp2, $4  }
0x449: {  	[sflag:s3] =	ssyncset.done $0x0  }
0x44a: {  	[sflag:s3] =	ssyncadd.s32 $0xFFFFFF80  }
0x44b: {  	_ =	swait.ge [sflag:s3], $0x80  }
0x44c: {  	s7 =	sadd.s32 $0xFFFFFFFF, s7;
	s8 =	rddreg [dreg:$0x3];
	[sflag:s3] =	ssyncset.done $0x0  }
0x44d: {  	s9 =	simm.s32 $0xB100;
	s29 =	simm.s32 $0xBE00;
	s10 =	simm.s32 $0xBD80  }
0x44e: {  	s12 =	simm.s32 $0xB200;
	s13 =	simm.s32 $0xBD00;
	s14 =	simm.s32 $0xB280  }
0x44f: {  	s15 =	simm.s32 $0xBC80;
	s16 =	simm.s32 $0xB300;
	s17 =	simm.s32 $0xBC00  }
0x450: {  	s18 =	simm.s32 $0xB380;
	s19 =	simm.s32 $0xBB80;
	s20 =	simm.s32 $0xB400  }
0x451: {  	s22 =	simm.s32 $0xBB00;
	s23 =	simm.s32 $0xB480;
	s24 =	simm.s32 $0xBA80  }
0x452: {  	s25 =	simm.s32 $0xB500;
	s26 =	simm.s32 $0xBA00;
	s6 =	simm.s32 $0x0  }
.LBB2_5:
0x453: {  	[sflag:s3] =	ssyncadd.s32 @p0 $0xFFFFFF80;
	s1 =	simm.s32 $0x8000  }
0x454: {  	[tilespmem:s1], [sflag:$0x3] =	stream.linear.gather [hbm4b:s8+s6], $0x1800, $0x38;
	[tilespmem:$0xC800] =	vst v63  }
0x455: {  	_ =	swait.ge [sflag:s11], $0x1800  }
0x456: {  	[sflag:s11] =	ssyncset.done $0x0  }
0x457: {  	s7 =	rddreg [dreg:$0x4];
	[sflag:s11] =	ssyncadd.s32 $0xFFFFE800  }
0x458: {  	[tilespmem:s6], [sflag:$0x3] =	stream.linear.gather [hbm4b:s7+s6], $0x8000, $0x38;
	[tilespmem:$0xC800] =	vst v63  }
0x459: {  	_ =	swait.ge [sflag:s11], $0x8000  }
0x45a: {  	[sflag:s11] =	ssyncset.done $0x0  }
0x45b: {  	s0 =	simm.s32 $0x9800;
	s8 =	rddreg [dreg:$0x5];
	[sflag:s11] =	ssyncadd.s32 $0xFFFF8000  }
0x45c: {  	[tilespmem:s0], [sflag:$0x3] =	stream.linear.gather [hbm4b:s8+s6], $0x1800, $0x38;
	[tilespmem:$0xC800] =	vst v63  }
0x45d: {  	_ =	swait.ge [sflag:s11], $0x1800  }
0x45e: {  	[sflag:s11] =	ssyncset.done $0x0  }
0x45f: {  	s28 =	simm.s32 $0xB000;
	s21 =	rddreg [dreg:$0x7];
	[sflag:s11] =	ssyncadd.s32 $0xFFFFE800  }
0x460: {  	[tilespmem:s28], [sflag:$0x1] =	stream.indirect.gather [hbm4b:s5+s4], $0x1, s1, s4, $0xb8;
	[tilespmem:$0xC800] =	vst v63  }
0x461: {  	s30 =	simm.s32 $0xB080;
	s0 =	rddreg [dreg:$0x8]  }
0x462: {  	[tilespmem:s30], [sflag:$0x1] =	stream.indirect.gather [hbm4b:s5+s4], $0x1, s21, s4, $0xb8;
	[tilespmem:$0xC800] =	vst v63  }
0x463: {  	s8 =	rddreg [dreg:$0x9]  }
0x464: {  	[tilespmem:s9], [sflag:$0x1] =	stream.indirect.gather [hbm4b:s5+s4], $0x1, s0, s4, $0xb8;
	[tilespmem:$0xC800] =	vst v63  }
0x465: {  	s1 =	rddreg [dreg:$0x1a];
	s21 =	simm.s32 $0xB180  }
0x466: {  	[tilespmem:s21], [sflag:$0x1] =	stream.indirect.gather [hbm4b:s5+s4], $0x1, s8, s4, $0xb8;
	[tilespmem:$0xC800] =	vst v63  }
0x467: {  	s0 =	rddreg [dreg:$0xa]  }
0x468: {  	[tilespmem:s12], [sflag:$0x1] =	stream.indirect.gather [hbm4b:s5+s4], $0x1, s0, s4, $0xb8;
	[tilespmem:$0xC800] =	vst v63  }
0x469: {  	s8 =	rddreg [dreg:$0xb]  }
0x46a: {  	[tilespmem:s14], [sflag:$0x1] =	stream.indirect.gather [hbm4b:s5+s4], $0x1, s8, s4, $0xb8;
	[tilespmem:$0xC800] =	vst v63  }
0x46b: {  	s9 =	rddreg [dreg:$0xc]  }
0x46c: {  	[tilespmem:s16], [sflag:$0x1] =	stream.indirect.gather [hbm4b:s5+s4], $0x1, s9, s4, $0xb8;
	[tilespmem:$0xC800] =	vst v63  }
0x46d: {  	s12 =	rddreg [dreg:$0xd]  }
0x46e: {  	[tilespmem:s18], [sflag:$0x1] =	stream.indirect.gather [hbm4b:s5+s4], $0x1, s12, s4, $0xb8;
	[tilespmem:$0xC800] =	vst v63  }
0x46f: {  	s14 =	rddreg [dreg:$0xe]  }
0x470: {  	[tilespmem:s20], [sflag:$0x1] =	stream.indirect.gather [hbm4b:s5+s4], $0x1, s14, s4, $0xb8;
	[tilespmem:$0xC800] =	vst v63  }
0x471: {  	s16 =	rddreg [dreg:$0xf]  }
0x472: {  	[tilespmem:s23], [sflag:$0x1] =	stream.indirect.gather [hbm4b:s5+s4], $0x1, s16, s4, $0xb8;
	[tilespmem:$0xC800] =	vst v63  }
0x473: {  	s18 =	rddreg [dreg:$0x10]  }
0x474: {  	[tilespmem:s25], [sflag:$0x1] =	stream.indirect.gather [hbm4b:s5+s4], $0x1, s18, s4, $0xb8;
	[tilespmem:$0xC800] =	vst v63  }
0x475: {  	s20 =	rddreg [dreg:$0x11];
	s14 =	simm.s32 $0xB580  }
0x476: {  	[tilespmem:s14], [sflag:$0x1] =	stream.indirect.gather [hbm4b:s5+s4], $0x1, s20, s4, $0xb8;
	[tilespmem:$0xC800] =	vst v63  }
0x477: {  	s12 =	simm.s32 $0xB600;
	s23 =	rddreg [dreg:$0x12]  }
0x478: {  	[tilespmem:s12], [sflag:$0x1] =	stream.indirect.gather [hbm4b:s5+s4], $0x1, s23, s4, $0xb8;
	[tilespmem:$0xC800] =	vst v63  }
0x479: {  	s8 =	simm.s32 $0xB680;
	s25 =	rddreg [dreg:$0x13]  }
0x47a: {  	[tilespmem:s8], [sflag:$0x1] =	stream.indirect.gather [hbm4b:s5+s4], $0x1, s25, s4, $0xb8;
	[tilespmem:$0xC800] =	vst v63  }
0x47b: {  	s0 =	rddreg [dreg:$0x14];
	s20 =	simm.s32 $0xB700  }
0x47c: {  	[tilespmem:s20], [sflag:$0x1] =	stream.indirect.gather [hbm4b:s5+s4], $0x1, s0, s4, $0xb8;
	[tilespmem:$0xC800] =	vst v63  }
0x47d: {  	s9 =	rddreg [dreg:$0x15];
	s16 =	simm.s32 $0xB780  }
0x47e: {  	[tilespmem:s16], [sflag:$0x1] =	stream.indirect.gather [hbm4b:s5+s4], $0x1, s9, s4, $0xb8;
	[tilespmem:$0xC800] =	vst v63  }
0x47f: {  	s18 =	rddreg [dreg:$0x16];
	s9 =	simm.s32 $0xB800  }
0x480: {  	[tilespmem:s9], [sflag:$0x1] =	stream.indirect.gather [hbm4b:s5+s4], $0x1, s18, s4, $0xb8;
	[tilespmem:$0xC800] =	vst v63  }
0x481: {  	s23 =	rddreg [dreg:$0x17];
	s18 =	simm.s32 $0xB880  }
0x482: {  	[tilespmem:s18], [sflag:$0x1] =	stream.indirect.gather [hbm4b:s5+s4], $0x1, s23, s4, $0xb8;
	[tilespmem:$0xC800] =	vst v63  }
0x483: {  	s25 =	rddreg [dreg:$0x18];
	s23 =	simm.s32 $0xB900  }
0x484: {  	[tilespmem:s23], [sflag:$0x1] =	stream.indirect.gather [hbm4b:s5+s4], $0x1, s25, s4, $0xb8;
	[tilespmem:$0xC800] =	vst v63  }
0x485: {  	s0 =	rddreg [dreg:$0x19];
	s25 =	simm.s32 $0xB980  }
0x486: {  	[tilespmem:s25], [sflag:$0x1] =	stream.indirect.gather [hbm4b:s5+s4], $0x1, s0, s4, $0xb8;
	[tilespmem:$0xC800] =	vst v63  }
0x487: {  	s25 =	rddreg [dreg:$0x1b]  }
0x488: {  	[tilespmem:s26], [sflag:$0x1] =	stream.indirect.gather [hbm4b:s5+s4], $0x1, s1, s4, $0xb8;
	[tilespmem:$0xC800] =	vst v63  }
0x489: {  	s0 =	rddreg [dreg:$0x1d]  }
0x48a: {  	[tilespmem:s24], [sflag:$0x1] =	stream.indirect.gather [hbm4b:s5+s4], $0x1, s25, s4, $0xb8;
	[tilespmem:$0xC800] =	vst v63  }
0x48b: {  	s26 =	rddreg [dreg:$0x1c]  }
0x48c: {  	[tilespmem:s22], [sflag:$0x1] =	stream.indirect.gather [hbm4b:s5+s4], $0x1, s26, s4, $0xb8;
	[tilespmem:$0xC800] =	vst v63  }
0x48d: {  	s24 =	rddreg [dreg:$0x1f]  }
0x48e: {  	[tilespmem:s19], [sflag:$0x1] =	stream.indirect.gather [hbm4b:s5+s4], $0x1, s0, s4, $0xb8;
	[tilespmem:$0xC800] =	vst v63  }
0x48f: {  	s22 =	rddreg [dreg:$0x1e]  }
0x490: {  	[tilespmem:s17], [sflag:$0x1] =	stream.indirect.gather [hbm4b:s5+s4], $0x1, s22, s4, $0xb8;
	[tilespmem:$0xC800] =	vst v63  }
0x491: {  	s25 =	sld [smem:$0x7B9]  }
0x492: {  	[tilespmem:s15], [sflag:$0x1] =	stream.indirect.gather [hbm4b:s5+s4], $0x1, s24, s4, $0xb8;
	[tilespmem:$0xC800] =	vst v63  }
0x493: {  	s26 =	sld [smem:$0x7BA]  }
0x494: {  	[tilespmem:s13], [sflag:$0x1] =	stream.indirect.gather [hbm4b:s5+s4], $0x1, s25, s4, $0xb8;
	[tilespmem:$0xC800] =	vst v63  }
0x495: {  	s0 =	sld [smem:$0x7BB]  }
0x496: {  	[tilespmem:s10], [sflag:$0x1] =	stream.indirect.gather [hbm4b:s5+s4], $0x1, s26, s4, $0xb8;
	[tilespmem:$0xC800] =	vst v63  }
0x497: {  	s10 =	sld [smem:$0x7BC]  }
0x498: {  	[tilespmem:s29], [sflag:$0x1] =	stream.indirect.gather [hbm4b:s5+s4], $0x1, s0, s4, $0xb8;
	[tilespmem:$0xC800] =	vst v63  }
0x499: {  	s15 =	simm.s32 $0xBE80;
	s13 =	sld [smem:$0x7BD]  }
0x49a: {  	[tilespmem:s15], [sflag:$0x1] =	stream.indirect.gather [hbm4b:s5+s4], $0x1, s10, s4, $0xb8;
	[tilespmem:$0xC800] =	vst v63  }
0x49b: {  	s17 =	sld [smem:$0x7BE];
	s29 =	simm.s32 $0xBF00  }
0x49c: {  	[tilespmem:s29], [sflag:$0x1] =	stream.indirect.gather [hbm4b:s5+s4], $0x1, s13, s4, $0xb8;
	[tilespmem:$0xC800] =	vst v63  }
0x49d: {  	s19 =	sld [smem:$0x7BF];
	s26 =	simm.s32 $0xBF80  }
0x49e: {  	[tilespmem:s26], [sflag:$0x1] =	stream.indirect.gather [hbm4b:s5+s4], $0x1, s17, s4, $0xb8;
	[tilespmem:$0xC800] =	vst v63  }
0x49f: {  	s22 =	sld [smem:$0x7C0];
	s25 =	simm.s32 $0xC000  }
0x4a0: {  	[tilespmem:s25], [sflag:$0x1] =	stream.indirect.gather [hbm4b:s5+s4], $0x1, s19, s4, $0xb8;
	[tilespmem:$0xC800] =	vst v63  }
0x4a1: {  	s24 =	simm.s32 $0xC080;
	s0 =	sld [smem:$0x7C1]  }
0x4a2: {  	[tilespmem:s24], [sflag:$0x1] =	stream.indirect.gather [hbm4b:s5+s4], $0x1, s22, s4, $0xb8;
	[tilespmem:$0xC800] =	vst v63  }
0x4a3: {  	s10 =	sld [smem:$0x7C2];
	s13 =	simm.s32 $0xC100  }
0x4a4: {  	[tilespmem:s13], [sflag:$0x1] =	stream.indirect.gather [hbm4b:s5+s4], $0x1, s0, s4, $0xb8;
	[tilespmem:$0xC800] =	vst v63  }
0x4a5: {  	s15 =	sld [smem:$0x7C3];
	s22 =	simm.s32 $0xC180  }
0x4a6: {  	[tilespmem:s22], [sflag:$0x1] =	stream.indirect.gather [hbm4b:s5+s4], $0x1, s10, s4, $0xb8;
	[tilespmem:$0xC800] =	vst v63  }
0x4a7: {  	s17 =	sld [smem:$0x7C4];
	s10 =	simm.s32 $0xC200  }
0x4a8: {  	[tilespmem:s10], [sflag:$0x1] =	stream.indirect.gather [hbm4b:s5+s4], $0x1, s15, s4, $0xb8;
	[tilespmem:$0xC800] =	vst v63  }
0x4a9: {  	s19 =	simm.s32 $0xC280;
	s13 =	sld [smem:$0x7C5]  }
0x4aa: {  	[tilespmem:s19], [sflag:$0x1] =	stream.indirect.gather [hbm4b:s5+s4], $0x1, s17, s4, $0xb8;
	[tilespmem:$0xC800] =	vst v63  }
0x4ab: {  	s15 =	sld [smem:$0x7C6];
	s17 =	simm.s32 $0xC300  }
0x4ac: {  	[tilespmem:s17], [sflag:$0x1] =	stream.indirect.gather [hbm4b:s5+s4], $0x1, s13, s4, $0xb8;
	[tilespmem:$0xC800] =	vst v63  }
0x4ad: {  	s10 =	sld [smem:$0x7C7];
	s17 =	simm.s32 $0xC380  }
0x4ae: {  	[tilespmem:s17], [sflag:$0x1] =	stream.indirect.gather [hbm4b:s5+s4], $0x1, s15, s4, $0xb8;
	[tilespmem:$0xC800] =	vst v63  }
0x4af: {  	s13 =	sld [smem:$0x7C8];
	s15 =	simm.s32 $0xC400  }
0x4b0: {  	[tilespmem:s15], [sflag:$0x1] =	stream.indirect.gather [hbm4b:s5+s4], $0x1, s10, s4, $0xb8;
	[tilespmem:$0xC800] =	vst v63  }
0x4b1: {  	s0 =	sld [smem:$0x7C9];
	s15 =	simm.s32 $0xC480  }
0x4b2: {  	[tilespmem:s15], [sflag:$0x1] =	stream.indirect.gather [hbm4b:s5+s4], $0x1, s13, s4, $0xb8;
	[tilespmem:$0xC800] =	vst v63  }
0x4b3: {  	s10 =	sld [smem:$0x7CA];
	s13 =	simm.s32 $0xC500  }
0x4b4: {  	[tilespmem:s13], [sflag:$0x1] =	stream.indirect.gather [hbm4b:s5+s4], $0x1, s0, s4, $0xb8;
	[tilespmem:$0xC800] =	vst v63  }
0x4b5: {  	s0 =	sld [smem:$0x7CB];
	s13 =	simm.s32 $0xC580  }
0x4b6: {  	[tilespmem:s13], [sflag:$0x1] =	stream.indirect.gather [hbm4b:s5+s4], $0x1, s10, s4, $0xb8;
	[tilespmem:$0xC800] =	vst v63  }
0x4b7: {  	s7 =	sld [smem:$0x7CC];
	s10 =	simm.s32 $0xC600  }
0x4b8: {  	[tilespmem:s10], [sflag:$0x1] =	stream.indirect.gather [hbm4b:s5+s4], $0x1, s0, s4, $0xb8;
	[tilespmem:$0xC800] =	vst v63  }
0x4b9: {  	s1 =	sld [smem:$0x7CD];
	s10 =	simm.s32 $0xC680  }
0x4ba: {  	[tilespmem:s10], [sflag:$0x1] =	stream.indirect.gather [hbm4b:s5+s4], $0x1, s7, s4, $0xb8;
	[tilespmem:$0xC800] =	vst v63  }
0x4bb: {  	s7 =	sld [smem:$0x7CE];
	s10 =	simm.s32 $0xC700  }
0x4bc: {  	[tilespmem:s10], [sflag:$0x1] =	stream.indirect.gather [hbm4b:s5+s4], $0x1, s1, s4, $0xb8;
	[tilespmem:$0xC800] =	vst v63  }
0x4bd: {  	s10 =	simm.s32 $0xC780  }
0x4be: {  	[tilespmem:s10], [sflag:$0x1] =	stream.indirect.gather [hbm4b:s5+s4], $0x1, s7, s4, $0xb8;
	[tilespmem:$0xC800] =	vst v63  }
0x4bf: {  	s0 =	rddreg [dreg:$0x6]  }
0x4c0: {  	[hbm4b:s0+s6] =	stream.linear.scatter [tilespmem:s6], [sflag:$0x3], $0x8000, $0x38;
	[tilespmem:$0xC800] =	vst v63  }
0x4c1: {  	_ =	swait.ge [sflag:s11], $0x8000  }
0x4c2: {  	[sflag:s11] =	ssyncset.done $0x0  }
0x4c3: {  	[sflag:s11] =	ssyncadd.s32 $0xFFFF8000  }
0x4c4: {  	_ =	swait.ge [sflag:s31], $0x80  }
0x4c5: {  	[sflag:s31] =	ssyncset.done $0x0  }
0x4c6: {  	[sflag:s31] =	ssyncadd.s32 $0xFFFFFF80  }
0x4c7: {  	_ =	swait.ge [sflag:s31], $0x80  }
0x4c8: {  	[sflag:s31] =	ssyncset.done $0x0  }
0x4c9: {  	[sflag:s31] =	ssyncadd.s32 $0xFFFFFF80  }
0x4ca: {  	_ =	swait.ge [sflag:s31], $0x80  }
0x4cb: {  	[sflag:s31] =	ssyncset.done $0x0  }
0x4cc: {  	[sflag:s31] =	ssyncadd.s32 $0xFFFFFF80  }
0x4cd: {  	_ =	swait.ge [sflag:s31], $0x80  }
0x4ce: {  	[sflag:s31] =	ssyncset.done $0x0  }
0x4cf: {  	[sflag:s31] =	ssyncadd.s32 $0xFFFFFF80  }
0x4d0: {  	_ =	swait.ge [sflag:s31], $0x80  }
0x4d1: {  	[sflag:s31] =	ssyncset.done $0x0  }
0x4d2: {  	[sflag:s31] =	ssyncadd.s32 $0xFFFFFF80  }
0x4d3: {  	_ =	swait.ge [sflag:s31], $0x80  }
0x4d4: {  	[sflag:s31] =	ssyncset.done $0x0  }
0x4d5: {  	[sflag:s31] =	ssyncadd.s32 $0xFFFFFF80  }
0x4d6: {  	_ =	swait.ge [sflag:s31], $0x80  }
0x4d7: {  	[sflag:s31] =	ssyncset.done $0x0  }
0x4d8: {  	[sflag:s31] =	ssyncadd.s32 $0xFFFFFF80  }
0x4d9: {  	_ =	swait.ge [sflag:s31], $0x80  }
0x4da: {  	[sflag:s31] =	ssyncset.done $0x0  }
0x4db: {  	[sflag:s31] =	ssyncadd.s32 $0xFFFFFF80  }
0x4dc: {  	_ =	swait.ge [sflag:s31], $0x80  }
0x4dd: {  	[sflag:s31] =	ssyncset.done $0x0  }
0x4de: {  	[sflag:s31] =	ssyncadd.s32 $0xFFFFFF80  }
0x4df: {  	_ =	swait.ge [sflag:s31], $0x80  }
0x4e0: {  	[sflag:s31] =	ssyncset.done $0x0  }
0x4e1: {  	[sflag:s31] =	ssyncadd.s32 $0xFFFFFF80  }
0x4e2: {  	_ =	swait.ge [sflag:s31], $0x80  }
0x4e3: {  	[sflag:s31] =	ssyncset.done $0x0  }
0x4e4: {  	[sflag:s31] =	ssyncadd.s32 $0xFFFFFF80  }
0x4e5: {  	_ =	swait.ge [sflag:s31], $0x80  }
0x4e6: {  	[sflag:s31] =	ssyncset.done $0x0  }
0x4e7: {  	[sflag:s31] =	ssyncadd.s32 $0xFFFFFF80  }
0x4e8: {  	_ =	swait.ge [sflag:s31], $0x80  }
0x4e9: {  	[sflag:s31] =	ssyncset.done $0x0  }
0x4ea: {  	[sflag:s31] =	ssyncadd.s32 $0xFFFFFF80  }
0x4eb: {  	_ =	swait.ge [sflag:s31], $0x80  }
0x4ec: {  	[sflag:s31] =	ssyncset.done $0x0  }
0x4ed: {  	[sflag:s31] =	ssyncadd.s32 $0xFFFFFF80  }
0x4ee: {  	_ =	swait.ge [sflag:s31], $0x80  }
0x4ef: {  	[sflag:s31] =	ssyncset.done $0x0  }
0x4f0: {  	[sflag:s31] =	ssyncadd.s32 $0xFFFFFF80  }
0x4f1: {  	_ =	swait.ge [sflag:s31], $0x80  }
0x4f2: {  	[sflag:s31] =	ssyncset.done $0x0  }
0x4f3: {  	[sflag:s31] =	ssyncadd.s32 $0xFFFFFF80  }
0x4f4: {  	_ =	swait.ge [sflag:s31], $0x80  }
0x4f5: {  	[sflag:s31] =	ssyncset.done $0x0  }
0x4f6: {  	[sflag:s31] =	ssyncadd.s32 $0xFFFFFF80  }
0x4f7: {  	_ =	swait.ge [sflag:s31], $0x80  }
0x4f8: {  	[sflag:s31] =	ssyncset.done $0x0  }
0x4f9: {  	[sflag:s31] =	ssyncadd.s32 $0xFFFFFF80  }
0x4fa: {  	_ =	swait.ge [sflag:s31], $0x80  }
0x4fb: {  	[sflag:s31] =	ssyncset.done $0x0  }
0x4fc: {  	[sflag:s31] =	ssyncadd.s32 $0xFFFFFF80  }
0x4fd: {  	_ =	swait.ge [sflag:s31], $0x80  }
0x4fe: {  	[sflag:s31] =	ssyncset.done $0x0  }
0x4ff: {  	[sflag:s31] =	ssyncadd.s32 $0xFFFFFF80  }
0x500: {  	_ =	swait.ge [sflag:s31], $0x80  }
0x501: {  	[sflag:s31] =	ssyncset.done $0x0  }
0x502: {  	[sflag:s31] =	ssyncadd.s32 $0xFFFFFF80  }
0x503: {  	_ =	swait.ge [sflag:s31], $0x80  }
0x504: {  	[sflag:s31] =	ssyncset.done $0x0  }
0x505: {  	[sflag:s31] =	ssyncadd.s32 $0xFFFFFF80  }
0x506: {  	_ =	swait.ge [sflag:s31], $0x80  }
0x507: {  	[sflag:s31] =	ssyncset.done $0x0  }
0x508: {  	[sflag:s31] =	ssyncadd.s32 $0xFFFFFF80  }
0x509: {  	_ =	swait.ge [sflag:s31], $0x80  }
0x50a: {  	[sflag:s31] =	ssyncset.done $0x0  }
0x50b: {  	[sflag:s31] =	ssyncadd.s32 $0xFFFFFF80  }
0x50c: {  	_ =	swait.ge [sflag:s31], $0x80  }
0x50d: {  	[sflag:s31] =	ssyncset.done $0x0  }
0x50e: {  	[sflag:s31] =	ssyncadd.s32 $0xFFFFFF80  }
0x50f: {  	_ =	swait.ge [sflag:s31], $0x80  }
0x510: {  	[sflag:s31] =	ssyncset.done $0x0  }
0x511: {  	[sflag:s31] =	ssyncadd.s32 $0xFFFFFF80  }
0x512: {  	_ =	swait.ge [sflag:s31], $0x80  }
0x513: {  	[sflag:s31] =	ssyncset.done $0x0  }
0x514: {  	[sflag:s31] =	ssyncadd.s32 $0xFFFFFF80  }
0x515: {  	_ =	swait.ge [sflag:s31], $0x80  }
0x516: {  	[sflag:s31] =	ssyncset.done $0x0  }
0x517: {  	[sflag:s31] =	ssyncadd.s32 $0xFFFFFF80  }
0x518: {  	_ =	swait.ge [sflag:s31], $0x80  }
0x519: {  	[sflag:s31] =	ssyncset.done $0x0  }
0x51a: {  	[sflag:s31] =	ssyncadd.s32 $0xFFFFFF80  }
0x51b: {  	_ =	swait.ge [sflag:s31], $0x80  }
0x51c: {  	[sflag:s31] =	ssyncset.done $0x0  }
0x51d: {  	[sflag:s31] =	ssyncadd.s32 $0xFFFFFF80  }
0x51e: {  	_ =	swait.ge [sflag:s31], $0x80  }
0x51f: {  	[sflag:s31] =	ssyncset.done $0x0  }
0x520: {  	[sflag:s31] =	ssyncadd.s32 $0xFFFFFF80  }
0x521: {  	_ =	swait.ge [sflag:s31], $0x80  }
0x522: {  	[sflag:s31] =	ssyncset.done $0x0  }
0x523: {  	[sflag:s31] =	ssyncadd.s32 $0xFFFFFF80  }
0x524: {  	_ =	swait.ge [sflag:s31], $0x80  }
0x525: {  	[sflag:s31] =	ssyncset.done $0x0  }
0x526: {  	[sflag:s31] =	ssyncadd.s32 $0xFFFFFF80  }
0x527: {  	_ =	swait.ge [sflag:s31], $0x80  }
0x528: {  	[sflag:s31] =	ssyncset.done $0x0  }
0x529: {  	[sflag:s31] =	ssyncadd.s32 $0xFFFFFF80  }
0x52a: {  	_ =	swait.ge [sflag:s31], $0x80  }
0x52b: {  	[sflag:s31] =	ssyncset.done $0x0  }
0x52c: {  	[sflag:s31] =	ssyncadd.s32 $0xFFFFFF80  }
0x52d: {  	_ =	swait.ge [sflag:s31], $0x80  }
0x52e: {  	[sflag:s31] =	ssyncset.done $0x0  }
0x52f: {  	[sflag:s31] =	ssyncadd.s32 $0xFFFFFF80  }
0x530: {  	_ =	swait.ge [sflag:s31], $0x80  }
0x531: {  	[sflag:s31] =	ssyncset.done $0x0  }
0x532: {  	[sflag:s31] =	ssyncadd.s32 $0xFFFFFF80  }
0x533: {  	_ =	swait.ge [sflag:s31], $0x80  }
0x534: {  	[sflag:s31] =	ssyncset.done $0x0  }
0x535: {  	[sflag:s31] =	ssyncadd.s32 $0xFFFFFF80  }
0x536: {  	_ =	swait.ge [sflag:s31], $0x80  }
0x537: {  	[sflag:s31] =	ssyncset.done $0x0  }
0x538: {  	[sflag:s31] =	ssyncadd.s32 $0xFFFFFF80  }
0x539: {  	_ =	swait.ge [sflag:s31], $0x80  }
0x53a: {  	[sflag:s31] =	ssyncset.done $0x0  }
0x53b: {  	[sflag:s31] =	ssyncadd.s32 $0xFFFFFF80  }
0x53c: {  	_ =	swait.ge [sflag:s31], $0x80  }
0x53d: {  	[sflag:s31] =	ssyncset.done $0x0  }
0x53e: {  	[sflag:s31] =	ssyncadd.s32 $0xFFFFFF80  }
0x53f: {  	_ =	swait.ge [sflag:s31], $0x80  }
0x540: {  	[sflag:s31] =	ssyncset.done $0x0  }
0x541: {  	[sflag:s31] =	ssyncadd.s32 $0xFFFFFF80  }
0x542: {  	_ =	swait.ge [sflag:s31], $0x80  }
0x543: {  	[sflag:s31] =	ssyncset.done $0x0  }
0x544: {  	[sflag:s31] =	ssyncadd.s32 $0xFFFFFF80  }
0x545: {  	_ =	swait.ge [sflag:s31], $0x80  }
0x546: {  	[sflag:s31] =	ssyncset.done $0x0  }
0x547: {  	[sflag:s31] =	ssyncadd.s32 $0xFFFFFF80  }
0x548: {  	_ =	swait.ge [sflag:s31], $0x80  }
0x549: {  	[sflag:s31] =	ssyncset.done $0x0  }
0x54a: {  	[sflag:s31] =	ssyncadd.s32 $0xFFFFFF80  }
0x54b: {  	_ =	swait.ge [sflag:s31], $0x80  }
0x54c: {  	[sflag:s31] =	ssyncset.done $0x0  }
0x54d: {  	[sflag:s31] =	ssyncadd.s32 $0xFFFFFF80  }
0x54e: {  	_ =	swait.ge [sflag:s31], $0x80  }
0x54f: {  	[sflag:s31] =	ssyncset.done $0x0  }
0x550: {  	[sflag:s31] =	ssyncadd.s32 $0xFFFFFF80  }
0x551: {  	_ =	swait.ge [sflag:s31], $0x80  }
0x552: {  	[sflag:s31] =	ssyncset.done $0x0  }
0x553: {  	s11 =	sld [smem:$0x7CF];
	[sflag:s31] =	ssyncadd.s32 $0xFFFFFF80;
	s31 =	simm.s32 $0x9800  }
0x554: {  	[hbm4b:s2+s4] =	stream.indirect.scatter [tilespmem:s28], [sflag:$0x2], $0x1, s31, s4, $0xb8;
	[tilespmem:$0xC800] =	vst v63  }
0x555: {  	s5 =	sld [smem:$0x7D0]  }
0x556: {  	[hbm4b:s2+s4] =	stream.indirect.scatter [tilespmem:s30], [sflag:$0x2], $0x1, s11, s4, $0xb8;
	[tilespmem:$0xC800] =	vst v63  }
0x557: {  	s7 =	simm.s32 $0xB100;
	s6 =	sld [smem:$0x7D1]  }
0x558: {  	[hbm4b:s2+s4] =	stream.indirect.scatter [tilespmem:s7], [sflag:$0x2], $0x1, s5, s4, $0xb8;
	[tilespmem:$0xC800] =	vst v63  }
0x559: {  	s11 =	sld [smem:$0x7D2]  }
0x55a: {  	[hbm4b:s2+s4] =	stream.indirect.scatter [tilespmem:s21], [sflag:$0x2], $0x1, s6, s4, $0xb8;
	[tilespmem:$0xC800] =	vst v63  }
0x55b: {  	s28 =	sld [smem:$0x7D3];
	s30 =	simm.s32 $0xB200  }
0x55c: {  	[hbm4b:s2+s4] =	stream.indirect.scatter [tilespmem:s30], [sflag:$0x2], $0x1, s11, s4, $0xb8;
	[tilespmem:$0xC800] =	vst v63  }
0x55d: {  	s31 =	sld [smem:$0x7D4];
	s6 =	simm.s32 $0xB280  }
0x55e: {  	[hbm4b:s2+s4] =	stream.indirect.scatter [tilespmem:s6], [sflag:$0x2], $0x1, s28, s4, $0xb8;
	[tilespmem:$0xC800] =	vst v63  }
0x55f: {  	s7 =	sld [smem:$0x7D5];
	s11 =	simm.s32 $0xB300  }
0x560: {  	[hbm4b:s2+s4] =	stream.indirect.scatter [tilespmem:s11], [sflag:$0x2], $0x1, s31, s4, $0xb8;
	[tilespmem:$0xC800] =	vst v63  }
0x561: {  	s21 =	sld [smem:$0x7D6];
	s28 =	simm.s32 $0xB380  }
0x562: {  	[hbm4b:s2+s4] =	stream.indirect.scatter [tilespmem:s28], [sflag:$0x2], $0x1, s7, s4, $0xb8;
	[tilespmem:$0xC800] =	vst v63  }
0x563: {  	s30 =	sld [smem:$0x7D7];
	s31 =	simm.s32 $0xB400  }
0x564: {  	[hbm4b:s2+s4] =	stream.indirect.scatter [tilespmem:s31], [sflag:$0x2], $0x1, s21, s4, $0xb8;
	[tilespmem:$0xC800] =	vst v63  }
0x565: {  	s6 =	sld [smem:$0x7D8];
	s7 =	simm.s32 $0xB480  }
0x566: {  	[hbm4b:s2+s4] =	stream.indirect.scatter [tilespmem:s7], [sflag:$0x2], $0x1, s30, s4, $0xb8;
	[tilespmem:$0xC800] =	vst v63  }
0x567: {  	s11 =	sld [smem:$0x7D9];
	s21 =	simm.s32 $0xB500  }
0x568: {  	[hbm4b:s2+s4] =	stream.indirect.scatter [tilespmem:s21], [sflag:$0x2], $0x1, s6, s4, $0xb8;
	[tilespmem:$0xC800] =	vst v63  }
0x569: {  	s28 =	sld [smem:$0x7DA]  }
0x56a: {  	[hbm4b:s2+s4] =	stream.indirect.scatter [tilespmem:s14], [sflag:$0x2], $0x1, s11, s4, $0xb8;
	[tilespmem:$0xC800] =	vst v63  }
0x56b: {  	s30 =	sld [smem:$0x7DB]  }
0x56c: {  	[hbm4b:s2+s4] =	stream.indirect.scatter [tilespmem:s12], [sflag:$0x2], $0x1, s28, s4, $0xb8;
	[tilespmem:$0xC800] =	vst v63  }
0x56d: {  	s31 =	sld [smem:$0x7DC]  }
0x56e: {  	[hbm4b:s2+s4] =	stream.indirect.scatter [tilespmem:s8], [sflag:$0x2], $0x1, s30, s4, $0xb8;
	[tilespmem:$0xC800] =	vst v63  }
0x56f: {  	s5 =	sld [smem:$0x7DD]  }
0x570: {  	[hbm4b:s2+s4] =	stream.indirect.scatter [tilespmem:s20], [sflag:$0x2], $0x1, s31, s4, $0xb8;
	[tilespmem:$0xC800] =	vst v63  }
0x571: {  	s6 =	sld [smem:$0x7DE]  }
0x572: {  	[hbm4b:s2+s4] =	stream.indirect.scatter [tilespmem:s16], [sflag:$0x2], $0x1, s5, s4, $0xb8;
	[tilespmem:$0xC800] =	vst v63  }
0x573: {  	s7 =	sld [smem:$0x7DF]  }
0x574: {  	[hbm4b:s2+s4] =	stream.indirect.scatter [tilespmem:s9], [sflag:$0x2], $0x1, s6, s4, $0xb8;
	[tilespmem:$0xC800] =	vst v63  }
0x575: {  	s8 =	sld [smem:$0x7E0]  }
0x576: {  	[hbm4b:s2+s4] =	stream.indirect.scatter [tilespmem:s18], [sflag:$0x2], $0x1, s7, s4, $0xb8;
	[tilespmem:$0xC800] =	vst v63  }
0x577: {  	s9 =	sld [smem:$0x7E1]  }
0x578: {  	[hbm4b:s2+s4] =	stream.indirect.scatter [tilespmem:s23], [sflag:$0x2], $0x1, s8, s4, $0xb8;
	[tilespmem:$0xC800] =	vst v63  }
0x579: {  	s11 =	sld [smem:$0x7E2];
	s12 =	simm.s32 $0xB980  }
0x57a: {  	[hbm4b:s2+s4] =	stream.indirect.scatter [tilespmem:s12], [sflag:$0x2], $0x1, s9, s4, $0xb8;
	[tilespmem:$0xC800] =	vst v63  }
0x57b: {  	s14 =	sld [smem:$0x7E3];
	s16 =	simm.s32 $0xBA00  }
0x57c: {  	[hbm4b:s2+s4] =	stream.indirect.scatter [tilespmem:s16], [sflag:$0x2], $0x1, s11, s4, $0xb8;
	[tilespmem:$0xC800] =	vst v63  }
0x57d: {  	s20 =	simm.s32 $0xBA80;
	s18 =	sld [smem:$0x7E4]  }
0x57e: {  	[hbm4b:s2+s4] =	stream.indirect.scatter [tilespmem:s20], [sflag:$0x2], $0x1, s14, s4, $0xb8;
	[tilespmem:$0xC800] =	vst v63  }
0x57f: {  	s21 =	sld [smem:$0x7E5];
	s23 =	simm.s32 $0xBB00  }
0x580: {  	[hbm4b:s2+s4] =	stream.indirect.scatter [tilespmem:s23], [sflag:$0x2], $0x1, s18, s4, $0xb8;
	[tilespmem:$0xC800] =	vst v63  }
0x581: {  	s28 =	sld [smem:$0x7E6];
	s30 =	simm.s32 $0xBB80  }
0x582: {  	[hbm4b:s2+s4] =	stream.indirect.scatter [tilespmem:s30], [sflag:$0x2], $0x1, s21, s4, $0xb8;
	[tilespmem:$0xC800] =	vst v63  }
0x583: {  	s31 =	sld [smem:$0x7E7];
	s6 =	simm.s32 $0xBC00  }
0x584: {  	[hbm4b:s2+s4] =	stream.indirect.scatter [tilespmem:s6], [sflag:$0x2], $0x1, s28, s4, $0xb8;
	[tilespmem:$0xC800] =	vst v63  }
0x585: {  	s7 =	sld [smem:$0x7E8];
	s8 =	simm.s32 $0xBC80  }
0x586: {  	[hbm4b:s2+s4] =	stream.indirect.scatter [tilespmem:s8], [sflag:$0x2], $0x1, s31, s4, $0xb8;
	[tilespmem:$0xC800] =	vst v63  }
0x587: {  	s9 =	sld [smem:$0x7E9];
	s11 =	simm.s32 $0xBD00  }
0x588: {  	[hbm4b:s2+s4] =	stream.indirect.scatter [tilespmem:s11], [sflag:$0x2], $0x1, s7, s4, $0xb8;
	[tilespmem:$0xC800] =	vst v63  }
0x589: {  	s12 =	sld [smem:$0x7EA];
	s14 =	simm.s32 $0xBD80  }
0x58a: {  	[hbm4b:s2+s4] =	stream.indirect.scatter [tilespmem:s14], [sflag:$0x2], $0x1, s9, s4, $0xb8;
	[tilespmem:$0xC800] =	vst v63  }
0x58b: {  	s16 =	sld [smem:$0x7EB];
	s18 =	simm.s32 $0xBE00  }
0x58c: {  	[hbm4b:s2+s4] =	stream.indirect.scatter [tilespmem:s18], [sflag:$0x2], $0x1, s12, s4, $0xb8;
	[tilespmem:$0xC800] =	vst v63  }
0x58d: {  	s20 =	sld [smem:$0x7EC];
	s21 =	simm.s32 $0xBE80  }
0x58e: {  	[hbm4b:s2+s4] =	stream.indirect.scatter [tilespmem:s21], [sflag:$0x2], $0x1, s16, s4, $0xb8;
	[tilespmem:$0xC800] =	vst v63  }
0x58f: {  	s23 =	sld [smem:$0x7ED]  }
0x590: {  	[hbm4b:s2+s4] =	stream.indirect.scatter [tilespmem:s29], [sflag:$0x2], $0x1, s20, s4, $0xb8;
	[tilespmem:$0xC800] =	vst v63  }
0x591: {  	s28 =	sld [smem:$0x7EE]  }
0x592: {  	[hbm4b:s2+s4] =	stream.indirect.scatter [tilespmem:s26], [sflag:$0x2], $0x1, s23, s4, $0xb8;
	[tilespmem:$0xC800] =	vst v63  }
0x593: {  	s29 =	sld [smem:$0x7EF]  }
0x594: {  	[hbm4b:s2+s4] =	stream.indirect.scatter [tilespmem:s25], [sflag:$0x2], $0x1, s28, s4, $0xb8;
	[tilespmem:$0xC800] =	vst v63  }
0x595: {  	s30 =	sld [smem:$0x7F0]  }
0x596: {  	[hbm4b:s2+s4] =	stream.indirect.scatter [tilespmem:s24], [sflag:$0x2], $0x1, s29, s4, $0xb8;
	[tilespmem:$0xC800] =	vst v63  }
0x597: {  	s6 =	simm.s32 $0xC100;
	s31 =	sld [smem:$0x7F1]  }
0x598: {  	[hbm4b:s2+s4] =	stream.indirect.scatter [tilespmem:s6], [sflag:$0x2], $0x1, s30, s4, $0xb8;
	[tilespmem:$0xC800] =	vst v63  }
0x599: {  	s7 =	sld [smem:$0x7F2]  }
0x59a: {  	[hbm4b:s2+s4] =	stream.indirect.scatter [tilespmem:s22], [sflag:$0x2], $0x1, s31, s4, $0xb8;
	[tilespmem:$0xC800] =	vst v63  }
0x59b: {  	s8 =	sld [smem:$0x7F3];
	s9 =	simm.s32 $0xC200  }
0x59c: {  	[hbm4b:s2+s4] =	stream.indirect.scatter [tilespmem:s9], [sflag:$0x2], $0x1, s7, s4, $0xb8;
	[tilespmem:$0xC800] =	vst v63  }
0x59d: {  	s11 =	sld [smem:$0x7F4]  }
0x59e: {  	[hbm4b:s2+s4] =	stream.indirect.scatter [tilespmem:s19], [sflag:$0x2], $0x1, s8, s4, $0xb8;
	[tilespmem:$0xC800] =	vst v63  }
0x59f: {  	s14 =	simm.s32 $0xC300;
	s12 =	sld [smem:$0x7F5]  }
0x5a0: {  	[hbm4b:s2+s4] =	stream.indirect.scatter [tilespmem:s14], [sflag:$0x2], $0x1, s11, s4, $0xb8;
	[tilespmem:$0xC800] =	vst v63  }
0x5a1: {  	s16 =	sld [smem:$0x7F6]  }
0x5a2: {  	[hbm4b:s2+s4] =	stream.indirect.scatter [tilespmem:s17], [sflag:$0x2], $0x1, s12, s4, $0xb8;
	[tilespmem:$0xC800] =	vst v63  }
0x5a3: {  	s18 =	sld [smem:$0x7F7];
	s19 =	simm.s32 $0xC400  }
0x5a4: {  	[hbm4b:s2+s4] =	stream.indirect.scatter [tilespmem:s19], [sflag:$0x2], $0x1, s16, s4, $0xb8;
	[tilespmem:$0xC800] =	vst v63  }
0x5a5: {  	s20 =	sld [smem:$0x7F8]  }
0x5a6: {  	[hbm4b:s2+s4] =	stream.indirect.scatter [tilespmem:s15], [sflag:$0x2], $0x1, s18, s4, $0xb8;
	[tilespmem:$0xC800] =	vst v63  }
0x5a7: {  	s21 =	sld [smem:$0x7F9];
	s22 =	simm.s32 $0xC500  }
0x5a8: {  	[hbm4b:s2+s4] =	stream.indirect.scatter [tilespmem:s22], [sflag:$0x2], $0x1, s20, s4, $0xb8;
	[tilespmem:$0xC800] =	vst v63  }
0x5a9: {  	s23 =	sld [smem:$0x7FA]  }
0x5aa: {  	[hbm4b:s2+s4] =	stream.indirect.scatter [tilespmem:s13], [sflag:$0x2], $0x1, s21, s4, $0xb8;
	[tilespmem:$0xC800] =	vst v63  }
0x5ab: {  	s25 =	simm.s32 $0xC600;
	s24 =	sld [smem:$0x7FB]  }
0x5ac: {  	[hbm4b:s2+s4] =	stream.indirect.scatter [tilespmem:s25], [sflag:$0x2], $0x1, s23, s4, $0xb8;
	[tilespmem:$0xC800] =	vst v63  }
0x5ad: {  	s26 =	sld [smem:$0x7FC];
	s28 =	simm.s32 $0xC680  }
0x5ae: {  	[hbm4b:s2+s4] =	stream.indirect.scatter [tilespmem:s28], [sflag:$0x2], $0x1, s24, s4, $0xb8;
	[tilespmem:$0xC800] =	vst v63  }
0x5af: {  	s29 =	sld [smem:$0x7FD];
	s30 =	simm.s32 $0xC700  }
0x5b0: {  	[hbm4b:s2+s4] =	stream.indirect.scatter [tilespmem:s30], [sflag:$0x2], $0x1, s26, s4, $0xb8;
	[tilespmem:$0xC800] =	vst v63  }
0x5b1: {  	_ = 	snop  }
0x5b2: {  	[hbm4b:s2+s4] =	stream.indirect.scatter [tilespmem:s10], [sflag:$0x2], $0x1, s29, s4, $0xb8;
	[tilespmem:$0xC800] =	vst v63  }
0x5b3: {  	_ =	swait.ge [sflag:s3], $0x80  }
0x5b4: {  	[sflag:s3] =	ssyncset.done $0x0  }
0x5b5: {  	[sflag:s3] =	ssyncadd.s32 $0xFFFFFF80  }
0x5b6: {  	_ =	swait.ge [sflag:s3], $0x80  }
0x5b7: {  	[sflag:s3] =	ssyncset.done $0x0  }
0x5b8: {  	[sflag:s3] =	ssyncadd.s32 $0xFFFFFF80  }
0x5b9: {  	_ =	swait.ge [sflag:s3], $0x80  }
0x5ba: {  	[sflag:s3] =	ssyncset.done $0x0  }
0x5bb: {  	[sflag:s3] =	ssyncadd.s32 $0xFFFFFF80  }
0x5bc: {  	_ =	swait.ge [sflag:s3], $0x80  }
0x5bd: {  	[sflag:s3] =	ssyncset.done $0x0  }
0x5be: {  	[sflag:s3] =	ssyncadd.s32 $0xFFFFFF80  }
0x5bf: {  	_ =	swait.ge [sflag:s3], $0x80  }
0x5c0: {  	[sflag:s3] =	ssyncset.done $0x0  }
0x5c1: {  	[sflag:s3] =	ssyncadd.s32 $0xFFFFFF80  }
0x5c2: {  	_ =	swait.ge [sflag:s3], $0x80  }
0x5c3: {  	[sflag:s3] =	ssyncset.done $0x0  }
0x5c4: {  	[sflag:s3] =	ssyncadd.s32 $0xFFFFFF80  }
0x5c5: {  	_ =	swait.ge [sflag:s3], $0x80  }
0x5c6: {  	[sflag:s3] =	ssyncset.done $0x0  }
0x5c7: {  	[sflag:s3] =	ssyncadd.s32 $0xFFFFFF80  }
0x5c8: {  	_ =	swait.ge [sflag:s3], $0x80  }
0x5c9: {  	[sflag:s3] =	ssyncset.done $0x0  }
0x5ca: {  	[sflag:s3] =	ssyncadd.s32 $0xFFFFFF80  }
0x5cb: {  	_ =	swait.ge [sflag:s3], $0x80  }
0x5cc: {  	[sflag:s3] =	ssyncset.done $0x0  }
0x5cd: {  	[sflag:s3] =	ssyncadd.s32 $0xFFFFFF80  }
0x5ce: {  	_ =	swait.ge [sflag:s3], $0x80  }
0x5cf: {  	[sflag:s3] =	ssyncset.done $0x0  }
0x5d0: {  	[sflag:s3] =	ssyncadd.s32 $0xFFFFFF80  }
0x5d1: {  	_ =	swait.ge [sflag:s3], $0x80  }
0x5d2: {  	[sflag:s3] =	ssyncset.done $0x0  }
0x5d3: {  	[sflag:s3] =	ssyncadd.s32 $0xFFFFFF80  }
0x5d4: {  	_ =	swait.ge [sflag:s3], $0x80  }
0x5d5: {  	[sflag:s3] =	ssyncset.done $0x0  }
0x5d6: {  	[sflag:s3] =	ssyncadd.s32 $0xFFFFFF80  }
0x5d7: {  	_ =	swait.ge [sflag:s3], $0x80  }
0x5d8: {  	[sflag:s3] =	ssyncset.done $0x0  }
0x5d9: {  	[sflag:s3] =	ssyncadd.s32 $0xFFFFFF80  }
0x5da: {  	_ =	swait.ge [sflag:s3], $0x80  }
0x5db: {  	[sflag:s3] =	ssyncset.done $0x0  }
0x5dc: {  	[sflag:s3] =	ssyncadd.s32 $0xFFFFFF80  }
0x5dd: {  	_ =	swait.ge [sflag:s3], $0x80  }
0x5de: {  	[sflag:s3] =	ssyncset.done $0x0  }
0x5df: {  	[sflag:s3] =	ssyncadd.s32 $0xFFFFFF80  }
0x5e0: {  	_ =	swait.ge [sflag:s3], $0x80  }
0x5e1: {  	[sflag:s3] =	ssyncset.done $0x0  }
0x5e2: {  	[sflag:s3] =	ssyncadd.s32 $0xFFFFFF80  }
0x5e3: {  	_ =	swait.ge [sflag:s3], $0x80  }
0x5e4: {  	[sflag:s3] =	ssyncset.done $0x0  }
0x5e5: {  	[sflag:s3] =	ssyncadd.s32 $0xFFFFFF80  }
0x5e6: {  	_ =	swait.ge [sflag:s3], $0x80  }
0x5e7: {  	[sflag:s3] =	ssyncset.done $0x0  }
0x5e8: {  	[sflag:s3] =	ssyncadd.s32 $0xFFFFFF80  }
0x5e9: {  	_ =	swait.ge [sflag:s3], $0x80  }
0x5ea: {  	[sflag:s3] =	ssyncset.done $0x0  }
0x5eb: {  	[sflag:s3] =	ssyncadd.s32 $0xFFFFFF80  }
0x5ec: {  	_ =	swait.ge [sflag:s3], $0x80  }
0x5ed: {  	[sflag:s3] =	ssyncset.done $0x0  }
0x5ee: {  	[sflag:s3] =	ssyncadd.s32 $0xFFFFFF80  }
0x5ef: {  	_ =	swait.ge [sflag:s3], $0x80  }
0x5f0: {  	[sflag:s3] =	ssyncset.done $0x0  }
0x5f1: {  	[sflag:s3] =	ssyncadd.s32 $0xFFFFFF80  }
0x5f2: {  	_ =	swait.ge [sflag:s3], $0x80  }
0x5f3: {  	[sflag:s3] =	ssyncset.done $0x0  }
0x5f4: {  	[sflag:s3] =	ssyncadd.s32 $0xFFFFFF80  }
0x5f5: {  	_ =	swait.ge [sflag:s3], $0x80  }
0x5f6: {  	[sflag:s3] =	ssyncset.done $0x0  }
0x5f7: {  	[sflag:s3] =	ssyncadd.s32 $0xFFFFFF80  }
0x5f8: {  	_ =	swait.ge [sflag:s3], $0x80  }
0x5f9: {  	[sflag:s3] =	ssyncset.done $0x0  }
0x5fa: {  	[sflag:s3] =	ssyncadd.s32 $0xFFFFFF80  }
0x5fb: {  	_ =	swait.ge [sflag:s3], $0x80  }
0x5fc: {  	[sflag:s3] =	ssyncset.done $0x0  }
0x5fd: {  	[sflag:s3] =	ssyncadd.s32 $0xFFFFFF80  }
0x5fe: {  	_ =	swait.ge [sflag:s3], $0x80  }
0x5ff: {  	[sflag:s3] =	ssyncset.done $0x0  }
0x600: {  	[sflag:s3] =	ssyncadd.s32 $0xFFFFFF80  }
0x601: {  	_ =	swait.ge [sflag:s3], $0x80  }
0x602: {  	[sflag:s3] =	ssyncset.done $0x0  }
0x603: {  	[sflag:s3] =	ssyncadd.s32 $0xFFFFFF80  }
0x604: {  	_ =	swait.ge [sflag:s3], $0x80  }
0x605: {  	[sflag:s3] =	ssyncset.done $0x0  }
0x606: {  	[sflag:s3] =	ssyncadd.s32 $0xFFFFFF80  }
0x607: {  	_ =	swait.ge [sflag:s3], $0x80  }
0x608: {  	[sflag:s3] =	ssyncset.done $0x0  }
0x609: {  	[sflag:s3] =	ssyncadd.s32 $0xFFFFFF80  }
0x60a: {  	_ =	swait.ge [sflag:s3], $0x80  }
0x60b: {  	[sflag:s3] =	ssyncset.done $0x0  }
0x60c: {  	[sflag:s3] =	ssyncadd.s32 $0xFFFFFF80  }
0x60d: {  	_ =	swait.ge [sflag:s3], $0x80  }
0x60e: {  	[sflag:s3] =	ssyncset.done $0x0  }
0x60f: {  	[sflag:s3] =	ssyncadd.s32 $0xFFFFFF80  }
0x610: {  	_ =	swait.ge [sflag:s3], $0x80  }
0x611: {  	[sflag:s3] =	ssyncset.done $0x0  }
0x612: {  	[sflag:s3] =	ssyncadd.s32 $0xFFFFFF80  }
0x613: {  	_ =	swait.ge [sflag:s3], $0x80  }
0x614: {  	[sflag:s3] =	ssyncset.done $0x0  }
0x615: {  	[sflag:s3] =	ssyncadd.s32 $0xFFFFFF80  }
0x616: {  	_ =	swait.ge [sflag:s3], $0x80  }
0x617: {  	[sflag:s3] =	ssyncset.done $0x0  }
0x618: {  	[sflag:s3] =	ssyncadd.s32 $0xFFFFFF80  }
0x619: {  	_ =	swait.ge [sflag:s3], $0x80  }
0x61a: {  	[sflag:s3] =	ssyncset.done $0x0  }
0x61b: {  	[sflag:s3] =	ssyncadd.s32 $0xFFFFFF80  }
0x61c: {  	_ =	swait.ge [sflag:s3], $0x80  }
0x61d: {  	[sflag:s3] =	ssyncset.done $0x0  }
0x61e: {  	[sflag:s3] =	ssyncadd.s32 $0xFFFFFF80  }
0x61f: {  	_ =	swait.ge [sflag:s3], $0x80  }
0x620: {  	[sflag:s3] =	ssyncset.done $0x0  }
0x621: {  	[sflag:s3] =	ssyncadd.s32 $0xFFFFFF80  }
0x622: {  	_ =	swait.ge [sflag:s3], $0x80  }
0x623: {  	[sflag:s3] =	ssyncset.done $0x0  }
0x624: {  	[sflag:s3] =	ssyncadd.s32 $0xFFFFFF80  }
0x625: {  	_ =	swait.ge [sflag:s3], $0x80  }
0x626: {  	[sflag:s3] =	ssyncset.done $0x0  }
0x627: {  	[sflag:s3] =	ssyncadd.s32 $0xFFFFFF80  }
0x628: {  	_ =	swait.ge [sflag:s3], $0x80  }
0x629: {  	[sflag:s3] =	ssyncset.done $0x0  }
0x62a: {  	[sflag:s3] =	ssyncadd.s32 $0xFFFFFF80  }
0x62b: {  	_ =	swait.ge [sflag:s3], $0x80  }
0x62c: {  	[sflag:s3] =	ssyncset.done $0x0  }
0x62d: {  	[sflag:s3] =	ssyncadd.s32 $0xFFFFFF80  }
0x62e: {  	_ =	swait.ge [sflag:s3], $0x80  }
0x62f: {  	[sflag:s3] =	ssyncset.done $0x0  }
0x630: {  	[sflag:s3] =	ssyncadd.s32 $0xFFFFFF80  }
0x631: {  	_ =	swait.ge [sflag:s3], $0x80  }
0x632: {  	[sflag:s3] =	ssyncset.done $0x0  }
0x633: {  	[sflag:s3] =	ssyncadd.s32 $0xFFFFFF80  }
0x634: {  	_ =	swait.ge [sflag:s3], $0x80  }
0x635: {  	[sflag:s3] =	ssyncset.done $0x0  }
0x636: {  	[sflag:s3] =	ssyncadd.s32 $0xFFFFFF80  }
0x637: {  	_ =	swait.ge [sflag:s3], $0x80  }
0x638: {  	[sflag:s3] =	ssyncset.done $0x0  }
0x639: {  	[sflag:s3] =	ssyncadd.s32 $0xFFFFFF80  }
0x63a: {  	_ =	swait.ge [sflag:s3], $0x80  }
0x63b: {  	[sflag:s3] =	ssyncset.done $0x0  }
0x63c: {  	[sflag:s3] =	ssyncadd.s32 $0xFFFFFF80  }
0x63d: {  	_ =	swait.ge [sflag:s3], $0x80  }
0x63e: {  	[sflag:s3] =	ssyncset.done $0x0  }
0x63f: {  	[sflag:s3] =	ssyncadd.s32 $0xFFFFFF80  }
0x640: {  	_ =	swait.ge [sflag:s3], $0x80  }
0x641: {  	[sflag:s3] =	ssyncset.done $0x0  }
0x642: {  	[sflag:s3] =	ssyncadd.s32 $0xFFFFFF80  }
0x643: {  	_ =	sfence.sel $0x180000  }
0x644: {  	[bflag:$0x0] =	sbarrier.arrive $0xFFFF  }
0x645: {  	_ =	strace $0x90000047  }
0x646: {  	s31 =	stileid.u32;
	[bflag:$0x2] =	sbarrier.arrive $0xFFFF  }
0x647: {  	p0 =	sne.s32 s31, $0x0;
	s0 =	rddreg [dreg:$0x2]  }
0x648: {  	s0 =	sadd.s32 @!p0 $0x100000, s0  }
0x649: {  	[sflag:s0] =	ssyncadd.tile.s32 @!p0 $0x1;
	_ =	shalt  }
.LBB2_6:
0x64a: {  	s9 =	simm.s32 $0xB100  }
0x64b: {  	s29 =	simm.s32 $0xBE00;
	s10 =	simm.s32 $0xBD80;
	s12 =	simm.s32 $0xB200  }
.Ltmp3:
0x64c: {  	s13 =	simm.s32 $0xBD00;
	s14 =	simm.s32 $0xB280;
	(pc) =	sbr.rel .LBB2_5-.Ltmp3, $4  }
0x64d: {  	s15 =	simm.s32 $0xBC80;
	s16 =	simm.s32 $0xB300;
	s17 =	simm.s32 $0xBC00  }
0x64e: {  	s18 =	simm.s32 $0xB380;
	s19 =	simm.s32 $0xBB80;
	s20 =	simm.s32 $0xB400  }
0x64f: {  	s22 =	simm.s32 $0xBB00;
	s23 =	simm.s32 $0xB480;
	s24 =	simm.s32 $0xBA80  }
0x650: {  	s25 =	simm.s32 $0xB500;
	s26 =	simm.s32 $0xBA00;
	s6 =	simm.s32 $0x0  }
.Lfunc_end2:
_tile_overlayer_lowered:
.L_overlay_start_2:
0x651: {  	(tag) =	ssettag $0x2  }
0x652: {  	s0 =	rddreg [dreg:$0x0];
	s2 =	stileid.u32  }
0x653: {  	s1 =	rddreg [dreg:$0x1];
	p0 =	sne.s32 s2, $0x0  }
0x654: {  	s3 =	rddreg [dreg:$0x2];
	[bflag:$0x3] =	sbarrier.arrive $0xFFFF;
	s2 =	simm.s32 @!p0 $0x1C03  }
0x655: {  	[timem:s3], [sflag:s2] =	dma.local @!p0 [hbm:s0], s1  }
0x656: {  	s0 =	simm.s32 @!p0 $0x3  }
0x657: {  	_ =	swait.ge @!p0 [sflag:s0], s1  }
0x658: {  	s1 =	ssub.s32 @!p0 $0x0, s1;
	[sflag:s0] =	ssyncset.done @!p0 $0x0  }
0x659: {  	[sflag:s0] =	ssyncadd.s32 @!p0 s1  }
0x65a: {  	[bflag:$0x3] =	sbarrier.arrive $0xFFFF  }
0x65b: {  	_ =	shalt  }

</sc_bundles>
